<compile_context>
chip_gen: v7x
topology: tpu7x:2x2x1
jax: 0.10.2.dev20260603
libtpu: 0.0.44.dev20260713+nightly
codegen_flags: <defaults>
</compile_context>

<pallas_src>
import functools

import jax
import jax.numpy as jnp
from jax import lax
from jax.experimental import pallas as pl
from jax.experimental.pallas import tpu as pltpu
from jax.experimental.pallas import tpu_sc as plsc

N = 10000
E = 320000
NC, NS = 2, 16
EPC = E // NC
EPT = EPC // NS
K = 80
KL = 125
NCHUNK = EPT // K
NPAD = 10240
RPT = NPAD // NS
ZR = 128
DEGW = 16

_MESH = dict(core_axis_name="c", subcore_axis_name="s")


def _deg_partials(dst):

    @functools.partial(
        pl.kernel,
        out_type=jax.ShapeDtypeStruct((NC, NPAD, DEGW), jnp.float32),
        mesh=plsc.VectorSubcoreMesh(**_MESH),
        compiler_params=pltpu.CompilerParams(use_tc_tiling_on_sc=False),
        scratch_types=[
            pltpu.VMEM((NCHUNK, K), jnp.int32),
            pltpu.VMEM((K, DEGW), jnp.float32),
            pltpu.VMEM_SHARED((NPAD, DEGW), jnp.float32),
            pltpu.SemaphoreType.DMA,
        ],
    )
    def deg_k(dst2_hbm, out_hbm, didx_v, ones_v, acc_sh, sem):
        c = lax.axis_index("c")
        s = lax.axis_index("s")

        def fill_ones(i, carry):
            ones_v[i, :] = jnp.ones((DEGW,), jnp.float32)
            return carry

        lax.fori_loop(0, K, fill_ones, 0)

        cbase = c * (EPC // K) + s * NCHUNK
        pltpu.sync_copy(dst2_hbm.at[pl.ds(cbase, NCHUNK)], didx_v)

        row0 = s * RPT

        def fill_zero(i, carry):
            ones_v[i, :] = jnp.zeros((DEGW,), jnp.float32)
            return carry

        lax.fori_loop(0, K, fill_zero, 0)
        for z in range(RPT // K):
            pltpu.sync_copy(ones_v, acc_sh.at[pl.ds(row0 + z * K, K)])
        lax.fori_loop(0, K, fill_ones, 0)
        plsc.subcore_barrier()

        def body(i, carry):
            pltpu.async_copy(ones_v, acc_sh.at[didx_v.at[i]], sem, add=True)
            return carry

        lax.fori_loop(0, NCHUNK, body, 0)

        def drain(i, carry):
            pltpu.make_async_copy(ones_v, acc_sh.at[didx_v.at[i]], sem).wait()
            return carry

        lax.fori_loop(0, NCHUNK, drain, 0)
        plsc.subcore_barrier()
        pltpu.sync_copy(acc_sh.at[pl.ds(row0, RPT)],
                        out_hbm.at[c, pl.ds(row0, RPT)])

    return deg_k(dst)


@functools.lru_cache(maxsize=None)
def _make_segsum(D, KK):
    SRPT = 624
    NCH = EPT // KK

    pack = (2 * D == 128)
    out_sds = (jax.ShapeDtypeStruct((N, 128), jnp.float32) if pack
               else jax.ShapeDtypeStruct((NC, N, D), jnp.float32))

    @functools.partial(
        pl.kernel,
        out_type=out_sds,
        mesh=plsc.VectorSubcoreMesh(**_MESH),
        compiler_params=pltpu.CompilerParams(use_tc_tiling_on_sc=False),
        scratch_types=[
            pltpu.VMEM((NCH, KK), jnp.int32),
            pltpu.VMEM((NCH, KK), jnp.int32),
            pltpu.VMEM((KK, D), jnp.float32),
            pltpu.VMEM((KK, D), jnp.float32),
            pltpu.VMEM((KK, D), jnp.float32),
            pltpu.VMEM_SHARED((N, D), jnp.float32),
            pltpu.SemaphoreType.DMA,
            pltpu.SemaphoreType.DMA,
            pltpu.SemaphoreType.DMA,
            pltpu.SemaphoreType.DMA,
            pltpu.SemaphoreType.DMA,
            pltpu.SemaphoreType.DMA,
            pltpu.SemaphoreType.DMA,
        ],
    )
    def seg_k(g_hbm, src2_hbm, dst2_hbm, out_hbm,
              sidx_v, didx_v, b0, b1, b2, acc_sh,
              g0, g1, g2, s0, s1, s2, zsem):
        c = lax.axis_index("c")
        s = lax.axis_index("s")
        bufs = (b0, b1, b2)
        gsems = (g0, g1, g2)
        ssems = (s0, s1, s2)

        def fill_zero(i, carry):
            def inner(j, carry2):
                b0[i, pl.ds(j * 16, 16)] = jnp.zeros((16,), jnp.float32)
                return carry2
            return lax.fori_loop(0, D // 16, inner, carry)

        lax.fori_loop(0, KK, fill_zero, 0)

        cbase = c * (EPC // KK) + s * NCH
        pltpu.sync_copy(src2_hbm.at[pl.ds(cbase, NCH)], sidx_v)
        pltpu.sync_copy(dst2_hbm.at[pl.ds(cbase, NCH)], didx_v)
        row0 = s * SRPT
        for z in range(SRPT // KK):
            pltpu.sync_copy(b0, acc_sh.at[pl.ds(row0 + z * KK, KK)])
        rem = SRPT - (SRPT // KK) * KK
        pltpu.sync_copy(b0.at[pl.ds(0, rem)],
                        acc_sh.at[pl.ds(row0 + (SRPT // KK) * KK, rem)])
        pltpu.sync_copy(b0.at[pl.ds(0, N - NS * SRPT)],
                        acc_sh.at[pl.ds(NS * SRPT, N - NS * SRPT)])
        plsc.subcore_barrier()

        def gather(p, j):
            return pltpu.async_copy(g_hbm.at[sidx_v.at[p]], bufs[j], gsems[j])

        def scatter(p, j):
            return pltpu.async_copy(bufs[j], acc_sh.at[didx_v.at[p]],
                                    ssems[j], add=True)

        def wait_gather(p, j):
            pltpu.make_async_copy(g_hbm.at[sidx_v.at[p]], bufs[j],
                                  gsems[j]).wait()

        def wait_scatter(p, j):
            pltpu.make_async_copy(bufs[j], acc_sh.at[didx_v.at[p]],
                                  ssems[j]).wait()

        gather(0, 0)
        gather(1, 1)
        wait_gather(0, 0)
        scatter(0, 0)
        gather(2, 2)
        wait_gather(1, 1)
        scatter(1, 1)
        wait_scatter(0, 0)
        gather(3, 0)
        wait_gather(2, 2)
        scatter(2, 2)
        wait_scatter(1, 1)
        gather(4, 1)

        def body(q, carry):
            for dp in range(3):
                p = q * 3 + dp
                jn = (dp + 2) % 3
                wait_gather(p, dp)
                scatter(p, dp)
                wait_scatter(p - 1, jn)
                gather(p + 2, jn)
            return carry

        lax.fori_loop(1, (NCH - 2) // 3, body, 0)
        for p in range(3 * ((NCH - 2) // 3), NCH):
            j = p % 3
            wait_gather(p, j)
            scatter(p, j)
            wait_scatter(p - 1, (p - 1) % 3)
        wait_scatter(NCH - 1, (NCH - 1) % 3)

        plsc.subcore_barrier()
        if pack:
            pltpu.sync_copy(acc_sh.at[pl.ds(row0, SRPT)],
                            out_hbm.at[pl.ds(row0, SRPT), pl.ds(c * D, D)])
            pltpu.sync_copy(
                acc_sh.at[pl.ds(NS * SRPT, N - NS * SRPT)],
                out_hbm.at[pl.ds(NS * SRPT, N - NS * SRPT), pl.ds(c * D, D)])
        else:
            pltpu.sync_copy(acc_sh.at[pl.ds(row0, SRPT)],
                            out_hbm.at[c, pl.ds(row0, SRPT)])
            pltpu.sync_copy(acc_sh.at[pl.ds(NS * SRPT, N - NS * SRPT)],
                            out_hbm.at[c, pl.ds(NS * SRPT, N - NS * SRPT)])

    return seg_k


BR = 2000


def _dinv(degp_ref):
    deg = degp_ref[0] + degp_ref[1]
    return lax.rsqrt(deg[:, 0:1] + 1.0)


def _dot(a, w):
    return jnp.dot(a, w, preferred_element_type=jnp.float32,
                   precision=lax.Precision.HIGHEST)


def _degp_spec():
    return pl.BlockSpec((2, BR, DEGW), lambda i: (0, i, 0))


def _pp_spec(D):
    return pl.BlockSpec((2, BR, D), lambda i: (0, i, 0))


def _row_spec(D):
    return pl.BlockSpec((BR, D), lambda i: (i, 0))


def _full_spec(shape):
    return pl.BlockSpec(shape, lambda i: tuple(0 for _ in shape))


def _tc_pre(x, W1, degp):
    def body(x_ref, w_ref, degp_ref, out_ref):
        out_ref[...] = _dinv(degp_ref) * _dot(x_ref[...], w_ref[...])

    return pl.pallas_call(
        body,
        grid=(N // BR,),
        in_specs=[_row_spec(x.shape[1]), _full_spec(W1.shape), _degp_spec()],
        out_specs=_row_spec(W1.shape[1]),
        out_shape=jax.ShapeDtypeStruct((N, W1.shape[1]), jnp.float32),
    )(x, W1, degp)


def _psum(pp_ref, D):
    if len(pp_ref.shape) == 3:
        return pp_ref[0] + pp_ref[1]
    return pp_ref[:, :D] + pp_ref[:, D:2 * D]


def _pp_in_spec(pp, D):
    if pp.ndim == 3:
        return _pp_spec(D)
    return pl.BlockSpec((BR, 128), lambda i: (i, 0))


def _tc_mid(pp, g, degp, b, Wn):
    D = g.shape[1]

    def body(pp_ref, g_ref, degp_ref, b_ref, w_ref, out_ref):
        dinv = _dinv(degp_ref)
        h = dinv * (_psum(pp_ref, D) + g_ref[...]) + b_ref[...]
        h = jnp.maximum(h, 0.0)
        out_ref[...] = dinv * _dot(h, w_ref[...])

    return pl.pallas_call(
        body,
        grid=(N // BR,),
        in_specs=[_pp_in_spec(pp, D), _row_spec(D), _degp_spec(),
                  _full_spec(b.shape), _full_spec(Wn.shape)],
        out_specs=_row_spec(Wn.shape[1]),
        out_shape=jax.ShapeDtypeStruct((N, Wn.shape[1]), jnp.float32),
    )(pp, g, degp, b, Wn)


def _tc_fin(pp, g, degp, b):
    D = g.shape[1]

    def body(pp_ref, g_ref, degp_ref, b_ref, out_ref):
        dinv = _dinv(degp_ref)
        out_ref[...] = dinv * (_psum(pp_ref, D) + g_ref[...]) + b_ref[...]

    return pl.pallas_call(
        body,
        grid=(N // BR,),
        in_specs=[_pp_in_spec(pp, D), _row_spec(D), _degp_spec(),
                  _full_spec(b.shape)],
        out_specs=_row_spec(D),
        out_shape=jax.ShapeDtypeStruct((N, D), jnp.float32),
    )(pp, g, degp, b)


def kernel(x, edge_index, W1, b1, W2, b2, W3, b3):
    ei = edge_index.astype(jnp.int32)
    src, dst = ei[0], ei[1]

    src80 = src.reshape(E // K, K)
    dst80 = dst.reshape(E // K, K)
    src125 = src.reshape(E // KL, KL)
    dst125 = dst.reshape(E // KL, KL)
    degp = _deg_partials(dst80)

    g1 = _tc_pre(x, W1, degp)
    pp1 = _make_segsum(128, K)(g1, src80, dst80)
    g2 = _tc_mid(pp1, g1, degp, b1.reshape(1, -1), W2)
    pp2 = _make_segsum(64, KL)(g2, src125, dst125)
    g3 = _tc_mid(pp2, g2, degp, b2.reshape(1, -1), W3)
    pp3 = _make_segsum(64, KL)(g3, src125, dst125)
    return _tc_fin(pp3, g3, degp, b3.reshape(1, -1))

# --- scband reference (transcript-rebuilt; emitter-appended) ---
"""Pipeline reference for scband-gcn-2-hidden-model-70145405878899 (READ-ONLY COPY).

The authoritative reference and input builder live on the scoring server;
editing this copy changes nothing except your own understanding.
"""

import jax, jax.numpy as jnp
import numpy as np

N_NODES = 10000

def _gcn_conv(x, edge_index, W, b):
    n = x.shape[0]
    src = edge_index[0]
    dst = edge_index[1]
    # add self-loops (PyG GCNConv default)
    loop = jnp.arange(n, dtype=src.dtype)
    src = jnp.concatenate([src, loop])
    dst = jnp.concatenate([dst, loop])
    # symmetric normalization D^{-1/2} A_hat D^{-1/2}
    deg = jnp.zeros((n,), dtype=x.dtype).at[dst].add(1.0)
    dinv = jnp.where(deg > 0, deg ** -0.5, 0.0)
    norm = dinv[src] * dinv[dst]
    h = x @ W
    msg = h[src] * norm[:, None]
    out = jax.ops.segment_sum(msg, dst, num_segments=n)
    return out + b

def setup_inputs(seed: int = 0) -> dict:
    key = jax.random.key(seed)
    ks = jax.random.split(key, 8)
    x = jax.random.normal(ks[0], (N_NODES, 128), dtype=jnp.float32)
    edge_index = jax.random.randint(ks[1], (2, 320000), 0, N_NODES, dtype=jnp.int64 if jax.config.read('jax_enable_x64') else jnp.int32)
    # Glorot-ish init for weights per GCNConv
    W1 = jax.random.normal(ks[2], (128, 128), dtype=jnp.float32) * (1.0 / np.sqrt(128))
    b1 = jnp.zeros((128,), dtype=jnp.float32)
    W2 = jax.random.normal(ks[3], (128, 64), dtype=jnp.float32) * (1.0 / np.sqrt(128))
    b2 = jnp.zeros((64,), dtype=jnp.float32)
    W3 = jax.random.normal(ks[4], (64, 64), dtype=jnp.float32) * (1.0 / np.sqrt(64))
    b3 = jnp.zeros((64,), dtype=jnp.float32)
    return {"x": x, "edge_index": edge_index, "W1": W1, "b1": b1, "W2": W2, "b2": b2, "W3": W3, "b3": b3}

def reference(x, edge_index, W1, b1, W2, b2, W3, b3):
    # conv1 -> relu -> dropout(eval: identity) -> conv2 -> relu -> dropout -> conv3
    h = _gcn_conv(x, edge_index, W1, b1)
    h = jax.nn.relu(h)
    h = _gcn_conv(h, edge_index, W2, b2)
    h = jax.nn.relu(h)
    h = _gcn_conv(h, edge_index, W3, b3)
    return h

if __name__ == "__main__":
    import jax
    _d = setup_inputs()
    print(jax.jit(kernel)(*tuple(_d.values())))

</pallas_src>

<mosaic_0001>
#map = affine_map<(d0, d1) -> (0, 0)>
module attributes {stable_mosaic.version = 14 : i64} {
  func.func @seg_k(%arg0: i32, %arg1: i32, %arg2: memref<10000x64xf32, #tpu.memory_space<hbm>>, %arg3: memref<2560x125xi32, #tpu.memory_space<hbm>>, %arg4: memref<2560x125xi32, #tpu.memory_space<hbm>>, %arg5: memref<10000x128xf32, #tpu.memory_space<hbm>>, %arg6: memref<80x125xi32, #tpu.memory_space<vmem>>, %arg7: memref<80x125xi32, #tpu.memory_space<vmem>>, %arg8: memref<125x64xf32, #tpu.memory_space<vmem>>, %arg9: memref<125x64xf32, #tpu.memory_space<vmem>>, %arg10: memref<125x64xf32, #tpu.memory_space<vmem>>, %arg11: memref<10000x64xf32, #tpu.memory_space<vmem_shared>>, %arg12: memref<!tpu.dma_semaphore, #tpu.memory_space<semaphore_mem>>, %arg13: memref<!tpu.dma_semaphore, #tpu.memory_space<semaphore_mem>>, %arg14: memref<!tpu.dma_semaphore, #tpu.memory_space<semaphore_mem>>, %arg15: memref<!tpu.dma_semaphore, #tpu.memory_space<semaphore_mem>>, %arg16: memref<!tpu.dma_semaphore, #tpu.memory_space<semaphore_mem>>, %arg17: memref<!tpu.dma_semaphore, #tpu.memory_space<semaphore_mem>>, %arg18: memref<!tpu.dma_semaphore, #tpu.memory_space<semaphore_mem>>) attributes {dimension_semantics = [#tpu.dimension_semantics<core_parallel>, #tpu.dimension_semantics<subcore_parallel>], iteration_bounds = array<i64: 2, 16>, scalar_prefetch = 0 : i64, scratch_operands = 13 : i64, tpu.core_type = #tpu.core_type<sc_vector_subcore>, window_params = [{transform_indices = #map}, {transform_indices = #map}, {transform_indices = #map}, {transform_indices = #map}]} {
    %scan3A = arith.constant 0 : i32
    %scan3A_0 = arith.constant 0 : i32
    %scan3A_1 = arith.constant 125 : i32
    %scan3A_2 = arith.addi %scan3A_0, %scan3A_1 : i32
    %scan3A_3 = arith.constant 1 : i32
    scf.for %scan3A_169 = %scan3A_0 to %scan3A_2 step %scan3A_3  : i32 {
      %scan3A_170 = arith.constant 0 : i32
      %scan3A_171 = arith.constant 4 : i32
      %scan3A_172 = arith.addi %scan3A_170, %scan3A_171 : i32
      %scan3A_173 = arith.constant 1 : i32
      scf.for %scan3A_175 = %scan3A_170 to %scan3A_172 step %scan3A_173  : i32 {
        %broadcast_in_dim3A = arith.constant 0.000000e+00 : f32
        %broadcast_in_dim3A_176 = vector.broadcast %broadcast_in_dim3A : f32 to vector<16xf32>
        %mul3A_177 = arith.constant 16 : i32
        %mul3A_178 = arith.muli %scan3A_175, %mul3A_177 : i32
        %swap3A = arith.index_cast %scan3A_169 : i32 to index
        %swap3A_179 = arith.index_cast %mul3A_178 : i32 to index
        %swap3A_180 = tpu.vector_load %arg8[%swap3A, %swap3A_179] {strides = array<i32>} : memref<125x64xf32, #tpu.memory_space<vmem>>, vector<1x16xf32>,
        %swap3A_181 = vector.shape_cast %swap3A_180 : vector<1x16xf32> to vector<16xf32>
        %swap3A_182 = vector.shape_cast %broadcast_in_dim3A_176 : vector<16xf32> to vector<1x16xf32>
        tpu.vector_store %arg8[%swap3A, %swap3A_179], %swap3A_182 {strides = array<i32>} : memref<125x64xf32, #tpu.memory_space<vmem>>, vector<1x16xf32>,
      }
      %scan3A_174 = arith.constant 4 : i32
    }
    %scan3A_4 = arith.constant 125 : i32
    %mul3A = arith.constant 1280 : i32
    %mul3A_5 = arith.muli %arg0, %mul3A : i32
    %mul3A_6 = arith.constant 80 : i32
    %mul3A_7 = arith.muli %arg1, %mul3A_6 : i32
    %add3A = arith.addi %mul3A_5, %mul3A_7 : i32
    "tpu.region"() ({
      %run_scoped3A = tpu.sem_alloc : memref<!tpu.dma_semaphore, #tpu.memory_space<semaphore_mem>>
      %dma_start3A_169 = arith.constant 0 : i32
      %dma_start3A_170 = tpu.memref_slice %arg3[%add3A, %dma_start3A_169] : memref<2560x125xi32, #tpu.memory_space<hbm>> -> memref<80x125xi32, #tpu.memory_space<hbm>>
      %dma_start3A_171 = arith.constant 0 : i32
      %dma_start3A_172 = tpu.memref_slice %arg3[%add3A, %dma_start3A_171] : memref<2560x125xi32, #tpu.memory_space<hbm>> -> memref<80x125xi32, #tpu.memory_space<hbm>>
      tpu.enqueue_dma source(%dma_start3A_172 : memref<80x125xi32, #tpu.memory_space<hbm>>) target(%arg6 : memref<80x125xi32, #tpu.memory_space<vmem>>) target_semaphore(%run_scoped3A : memref<!tpu.dma_semaphore, #tpu.memory_space<semaphore_mem>>)
      %dma_wait3A_173 = arith.constant 0 : i32
      %dma_wait3A_174 = tpu.memref_slice %arg3[%add3A, %dma_wait3A_173] : memref<2560x125xi32, #tpu.memory_space<hbm>> -> memref<80x125xi32, #tpu.memory_space<hbm>>
      %dma_wait3A_175 = arith.constant 0 : i32
      %dma_wait3A_176 = tpu.memref_slice %arg3[%add3A, %dma_wait3A_175] : memref<2560x125xi32, #tpu.memory_space<hbm>> -> memref<80x125xi32, #tpu.memory_space<hbm>>
      tpu.wait_dma2 semaphore(%run_scoped3A : memref<!tpu.dma_semaphore, #tpu.memory_space<semaphore_mem>>) src(%dma_wait3A_176 : memref<80x125xi32, #tpu.memory_space<hbm>>) dst(%arg6 : memref<80x125xi32, #tpu.memory_space<vmem>>)
      tpu.yield
    }) : () -> ()
    "tpu.region"() ({
      %run_scoped3A = tpu.sem_alloc : memref<!tpu.dma_semaphore, #tpu.memory_space<semaphore_mem>>
      %dma_start3A_169 = arith.constant 0 : i32
      %dma_start3A_170 = tpu.memref_slice %arg4[%add3A, %dma_start3A_169] : memref<2560x125xi32, #tpu.memory_space<hbm>> -> memref<80x125xi32, #tpu.memory_space<hbm>>
      %dma_start3A_171 = arith.constant 0 : i32
      %dma_start3A_172 = tpu.memref_slice %arg4[%add3A, %dma_start3A_171] : memref<2560x125xi32, #tpu.memory_space<hbm>> -> memref<80x125xi32, #tpu.memory_space<hbm>>
      tpu.enqueue_dma source(%dma_start3A_172 : memref<80x125xi32, #tpu.memory_space<hbm>>) target(%arg7 : memref<80x125xi32, #tpu.memory_space<vmem>>) target_semaphore(%run_scoped3A : memref<!tpu.dma_semaphore, #tpu.memory_space<semaphore_mem>>)
      %dma_wait3A_173 = arith.constant 0 : i32
      %dma_wait3A_174 = tpu.memref_slice %arg4[%add3A, %dma_wait3A_173] : memref<2560x125xi32, #tpu.memory_space<hbm>> -> memref<80x125xi32, #tpu.memory_space<hbm>>
      %dma_wait3A_175 = arith.constant 0 : i32
      %dma_wait3A_176 = tpu.memref_slice %arg4[%add3A, %dma_wait3A_175] : memref<2560x125xi32, #tpu.memory_space<hbm>> -> memref<80x125xi32, #tpu.memory_space<hbm>>
      tpu.wait_dma2 semaphore(%run_scoped3A : memref<!tpu.dma_semaphore, #tpu.memory_space<semaphore_mem>>) src(%dma_wait3A_176 : memref<80x125xi32, #tpu.memory_space<hbm>>) dst(%arg7 : memref<80x125xi32, #tpu.memory_space<vmem>>)
      tpu.yield
    }) : () -> ()
    %mul3A_8 = arith.constant 624 : i32
    %mul3A_9 = arith.muli %arg1, %mul3A_8 : i32
    %add3A_10 = arith.constant 0 : i32
    %add3A_11 = arith.addi %mul3A_9, %add3A_10 : i32
    "tpu.region"() ({
      %run_scoped3A = tpu.sem_alloc : memref<!tpu.dma_semaphore, #tpu.memory_space<semaphore_mem>>
      %dma_start3A_169 = arith.constant 0 : i32
      %dma_start3A_170 = tpu.memref_slice %arg11[%add3A_11, %dma_start3A_169] : memref<10000x64xf32, #tpu.memory_space<vmem_shared>> -> memref<125x64xf32, #tpu.memory_space<vmem_shared>>
      %dma_start3A_171 = arith.constant 0 : i32
      %dma_start3A_172 = tpu.memref_slice %arg11[%add3A_11, %dma_start3A_171] : memref<10000x64xf32, #tpu.memory_space<vmem_shared>> -> memref<125x64xf32, #tpu.memory_space<vmem_shared>>
      tpu.enqueue_dma source(%arg8 : memref<125x64xf32, #tpu.memory_space<vmem>>) target(%dma_start3A_172 : memref<125x64xf32, #tpu.memory_space<vmem_shared>>) target_semaphore(%run_scoped3A : memref<!tpu.dma_semaphore, #tpu.memory_space<semaphore_mem>>)
      %dma_wait3A_173 = arith.constant 0 : i32
      %dma_wait3A_174 = tpu.memref_slice %arg11[%add3A_11, %dma_wait3A_173] : memref<10000x64xf32, #tpu.memory_space<vmem_shared>> -> memref<125x64xf32, #tpu.memory_space<vmem_shared>>
      %dma_wait3A_175 = arith.constant 0 : i32
      %dma_wait3A_176 = tpu.memref_slice %arg11[%add3A_11, %dma_wait3A_175] : memref<10000x64xf32, #tpu.memory_space<vmem_shared>> -> memref<125x64xf32, #tpu.memory_space<vmem_shared>>
      tpu.wait_dma2 semaphore(%run_scoped3A : memref<!tpu.dma_semaphore, #tpu.memory_space<semaphore_mem>>) src(%arg8 : memref<125x64xf32, #tpu.memory_space<vmem>>) dst(%dma_wait3A_176 : memref<125x64xf32, #tpu.memory_space<vmem_shared>>)
      tpu.yield
    }) : () -> ()
    %add3A_12 = arith.constant 125 : i32
    %add3A_13 = arith.addi %mul3A_9, %add3A_12 : i32
    "tpu.region"() ({
      %run_scoped3A = tpu.sem_alloc : memref<!tpu.dma_semaphore, #tpu.memory_space<semaphore_mem>>
      %dma_start3A_169 = arith.constant 0 : i32
      %dma_start3A_170 = tpu.memref_slice %arg11[%add3A_13, %dma_start3A_169] : memref<10000x64xf32, #tpu.memory_space<vmem_shared>> -> memref<125x64xf32, #tpu.memory_space<vmem_shared>>
      %dma_start3A_171 = arith.constant 0 : i32
      %dma_start3A_172 = tpu.memref_slice %arg11[%add3A_13, %dma_start3A_171] : memref<10000x64xf32, #tpu.memory_space<vmem_shared>> -> memref<125x64xf32, #tpu.memory_space<vmem_shared>>
      tpu.enqueue_dma source(%arg8 : memref<125x64xf32, #tpu.memory_space<vmem>>) target(%dma_start3A_172 : memref<125x64xf32, #tpu.memory_space<vmem_shared>>) target_semaphore(%run_scoped3A : memref<!tpu.dma_semaphore, #tpu.memory_space<semaphore_mem>>)
      %dma_wait3A_173 = arith.constant 0 : i32
      %dma_wait3A_174 = tpu.memref_slice %arg11[%add3A_13, %dma_wait3A_173] : memref<10000x64xf32, #tpu.memory_space<vmem_shared>> -> memref<125x64xf32, #tpu.memory_space<vmem_shared>>
      %dma_wait3A_175 = arith.constant 0 : i32
      %dma_wait3A_176 = tpu.memref_slice %arg11[%add3A_13, %dma_wait3A_175] : memref<10000x64xf32, #tpu.memory_space<vmem_shared>> -> memref<125x64xf32, #tpu.memory_space<vmem_shared>>
      tpu.wait_dma2 semaphore(%run_scoped3A : memref<!tpu.dma_semaphore, #tpu.memory_space<semaphore_mem>>) src(%arg8 : memref<125x64xf32, #tpu.memory_space<vmem>>) dst(%dma_wait3A_176 : memref<125x64xf32, #tpu.memory_space<vmem_shared>>)
      tpu.yield
    }) : () -> ()
    %add3A_14 = arith.constant 250 : i32
    %add3A_15 = arith.addi %mul3A_9, %add3A_14 : i32
    "tpu.region"() ({
      %run_scoped3A = tpu.sem_alloc : memref<!tpu.dma_semaphore, #tpu.memory_space<semaphore_mem>>
      %dma_start3A_169 = arith.constant 0 : i32
      %dma_start3A_170 = tpu.memref_slice %arg11[%add3A_15, %dma_start3A_169] : memref<10000x64xf32, #tpu.memory_space<vmem_shared>> -> memref<125x64xf32, #tpu.memory_space<vmem_shared>>
      %dma_start3A_171 = arith.constant 0 : i32
      %dma_start3A_172 = tpu.memref_slice %arg11[%add3A_15, %dma_start3A_171] : memref<10000x64xf32, #tpu.memory_space<vmem_shared>> -> memref<125x64xf32, #tpu.memory_space<vmem_shared>>
      tpu.enqueue_dma source(%arg8 : memref<125x64xf32, #tpu.memory_space<vmem>>) target(%dma_start3A_172 : memref<125x64xf32, #tpu.memory_space<vmem_shared>>) target_semaphore(%run_scoped3A : memref<!tpu.dma_semaphore, #tpu.memory_space<semaphore_mem>>)
      %dma_wait3A_173 = arith.constant 0 : i32
      %dma_wait3A_174 = tpu.memref_slice %arg11[%add3A_15, %dma_wait3A_173] : memref<10000x64xf32, #tpu.memory_space<vmem_shared>> -> memref<125x64xf32, #tpu.memory_space<vmem_shared>>
      %dma_wait3A_175 = arith.constant 0 : i32
      %dma_wait3A_176 = tpu.memref_slice %arg11[%add3A_15, %dma_wait3A_175] : memref<10000x64xf32, #tpu.memory_space<vmem_shared>> -> memref<125x64xf32, #tpu.memory_space<vmem_shared>>
      tpu.wait_dma2 semaphore(%run_scoped3A : memref<!tpu.dma_semaphore, #tpu.memory_space<semaphore_mem>>) src(%arg8 : memref<125x64xf32, #tpu.memory_space<vmem>>) dst(%dma_wait3A_176 : memref<125x64xf32, #tpu.memory_space<vmem_shared>>)
      tpu.yield
    }) : () -> ()
    %add3A_16 = arith.constant 375 : i32
    %add3A_17 = arith.addi %mul3A_9, %add3A_16 : i32
    "tpu.region"() ({
      %run_scoped3A = tpu.sem_alloc : memref<!tpu.dma_semaphore, #tpu.memory_space<semaphore_mem>>
      %dma_start3A_169 = arith.constant 0 : i32
      %dma_start3A_170 = tpu.memref_slice %arg11[%add3A_17, %dma_start3A_169] : memref<10000x64xf32, #tpu.memory_space<vmem_shared>> -> memref<125x64xf32, #tpu.memory_space<vmem_shared>>
      %dma_start3A_171 = arith.constant 0 : i32
      %dma_start3A_172 = tpu.memref_slice %arg11[%add3A_17, %dma_start3A_171] : memref<10000x64xf32, #tpu.memory_space<vmem_shared>> -> memref<125x64xf32, #tpu.memory_space<vmem_shared>>
      tpu.enqueue_dma source(%arg8 : memref<125x64xf32, #tpu.memory_space<vmem>>) target(%dma_start3A_172 : memref<125x64xf32, #tpu.memory_space<vmem_shared>>) target_semaphore(%run_scoped3A : memref<!tpu.dma_semaphore, #tpu.memory_space<semaphore_mem>>)
      %dma_wait3A_173 = arith.constant 0 : i32
      %dma_wait3A_174 = tpu.memref_slice %arg11[%add3A_17, %dma_wait3A_173] : memref<10000x64xf32, #tpu.memory_space<vmem_shared>> -> memref<125x64xf32, #tpu.memory_space<vmem_shared>>
      %dma_wait3A_175 = arith.constant 0 : i32
      %dma_wait3A_176 = tpu.memref_slice %arg11[%add3A_17, %dma_wait3A_175] : memref<10000x64xf32, #tpu.memory_space<vmem_shared>> -> memref<125x64xf32, #tpu.memory_space<vmem_shared>>
      tpu.wait_dma2 semaphore(%run_scoped3A : memref<!tpu.dma_semaphore, #tpu.memory_space<semaphore_mem>>) src(%arg8 : memref<125x64xf32, #tpu.memory_space<vmem>>) dst(%dma_wait3A_176 : memref<125x64xf32, #tpu.memory_space<vmem_shared>>)
      tpu.yield
    }) : () -> ()
    %add3A_18 = arith.constant 500 : i32
    %add3A_19 = arith.addi %mul3A_9, %add3A_18 : i32
    "tpu.region"() ({
      %run_scoped3A = tpu.sem_alloc : memref<!tpu.dma_semaphore, #tpu.memory_space<semaphore_mem>>
      %dma_start3A_169 = arith.constant 0 : i32
      %dma_start3A_170 = arith.constant 0 : i32
      %dma_start3A_171 = tpu.memref_slice %arg8[%dma_start3A_169, %dma_start3A_170] : memref<125x64xf32, #tpu.memory_space<vmem>> -> memref<124x64xf32, #tpu.memory_space<vmem>>
      %dma_start3A_172 = arith.constant 0 : i32
      %dma_start3A_173 = tpu.memref_slice %arg11[%add3A_19, %dma_start3A_172] : memref<10000x64xf32, #tpu.memory_space<vmem_shared>> -> memref<124x64xf32, #tpu.memory_space<vmem_shared>>
      %dma_start3A_174 = arith.constant 0 : i32
      %dma_start3A_175 = tpu.memref_slice %arg11[%add3A_19, %dma_start3A_174] : memref<10000x64xf32, #tpu.memory_space<vmem_shared>> -> memref<124x64xf32, #tpu.memory_space<vmem_shared>>
      %dma_start3A_176 = arith.constant 0 : i32
      %dma_start3A_177 = arith.constant 0 : i32
      %dma_start3A_178 = tpu.memref_slice %arg8[%dma_start3A_176, %dma_start3A_177] : memref<125x64xf32, #tpu.memory_space<vmem>> -> memref<124x64xf32, #tpu.memory_space<vmem>>
      tpu.enqueue_dma source(%dma_start3A_178 : memref<124x64xf32, #tpu.memory_space<vmem>>) target(%dma_start3A_175 : memref<124x64xf32, #tpu.memory_space<vmem_shared>>) target_semaphore(%run_scoped3A : memref<!tpu.dma_semaphore, #tpu.memory_space<semaphore_mem>>)
      %dma_wait3A_179 = arith.constant 0 : i32
      %dma_wait3A_180 = arith.constant 0 : i32
      %dma_wait3A_181 = tpu.memref_slice %arg8[%dma_wait3A_179, %dma_wait3A_180] : memref<125x64xf32, #tpu.memory_space<vmem>> -> memref<124x64xf32, #tpu.memory_space<vmem>>
      %dma_wait3A_182 = arith.constant 0 : i32
      %dma_wait3A_183 = tpu.memref_slice %arg11[%add3A_19, %dma_wait3A_182] : memref<10000x64xf32, #tpu.memory_space<vmem_shared>> -> memref<124x64xf32, #tpu.memory_space<vmem_shared>>
      %dma_wait3A_184 = arith.constant 0 : i32
      %dma_wait3A_185 = tpu.memref_slice %arg11[%add3A_19, %dma_wait3A_184] : memref<10000x64xf32, #tpu.memory_space<vmem_shared>> -> memref<124x64xf32, #tpu.memory_space<vmem_shared>>
      %dma_wait3A_186 = arith.constant 0 : i32
      %dma_wait3A_187 = arith.constant 0 : i32
      %dma_wait3A_188 = tpu.memref_slice %arg8[%dma_wait3A_186, %dma_wait3A_187] : memref<125x64xf32, #tpu.memory_space<vmem>> -> memref<124x64xf32, #tpu.memory_space<vmem>>
      tpu.wait_dma2 semaphore(%run_scoped3A : memref<!tpu.dma_semaphore, #tpu.memory_space<semaphore_mem>>) src(%dma_wait3A_188 : memref<124x64xf32, #tpu.memory_space<vmem>>) dst(%dma_wait3A_185 : memref<124x64xf32, #tpu.memory_space<vmem_shared>>)
      tpu.yield
    }) : () -> ()
    "tpu.region"() ({
      %run_scoped3A = tpu.sem_alloc : memref<!tpu.dma_semaphore, #tpu.memory_space<semaphore_mem>>
      %dma_start3A_169 = arith.constant 0 : i32
      %dma_start3A_170 = arith.constant 0 : i32
      %dma_start3A_171 = tpu.memref_slice %arg8[%dma_start3A_169, %dma_start3A_170] : memref<125x64xf32, #tpu.memory_space<vmem>> -> memref<16x64xf32, #tpu.memory_space<vmem>>
      %dma_start3A_172 = arith.constant 9984 : i32
      %dma_start3A_173 = arith.constant 0 : i32
      %dma_start3A_174 = tpu.memref_slice %arg11[%dma_start3A_172, %dma_start3A_173] : memref<10000x64xf32, #tpu.memory_space<vmem_shared>> -> memref<16x64xf32, #tpu.memory_space<vmem_shared>>
      %dma_start3A_175 = arith.constant 9984 : i32
      %dma_start3A_176 = arith.constant 0 : i32
      %dma_start3A_177 = tpu.memref_slice %arg11[%dma_start3A_175, %dma_start3A_176] : memref<10000x64xf32, #tpu.memory_space<vmem_shared>> -> memref<16x64xf32, #tpu.memory_space<vmem_shared>>
      %dma_start3A_178 = arith.constant 0 : i32
      %dma_start3A_179 = arith.constant 0 : i32
      %dma_start3A_180 = tpu.memref_slice %arg8[%dma_start3A_178, %dma_start3A_179] : memref<125x64xf32, #tpu.memory_space<vmem>> -> memref<16x64xf32, #tpu.memory_space<vmem>>
      tpu.enqueue_dma source(%dma_start3A_180 : memref<16x64xf32, #tpu.memory_space<vmem>>) target(%dma_start3A_177 : memref<16x64xf32, #tpu.memory_space<vmem_shared>>) target_semaphore(%run_scoped3A : memref<!tpu.dma_semaphore, #tpu.memory_space<semaphore_mem>>)
      %dma_wait3A_181 = arith.constant 0 : i32
      %dma_wait3A_182 = arith.constant 0 : i32
      %dma_wait3A_183 = tpu.memref_slice %arg8[%dma_wait3A_181, %dma_wait3A_182] : memref<125x64xf32, #tpu.memory_space<vmem>> -> memref<16x64xf32, #tpu.memory_space<vmem>>
      %dma_wait3A_184 = arith.constant 9984 : i32
      %dma_wait3A_185 = arith.constant 0 : i32
      %dma_wait3A_186 = tpu.memref_slice %arg11[%dma_wait3A_184, %dma_wait3A_185] : memref<10000x64xf32, #tpu.memory_space<vmem_shared>> -> memref<16x64xf32, #tpu.memory_space<vmem_shared>>
      %dma_wait3A_187 = arith.constant 9984 : i32
      %dma_wait3A_188 = arith.constant 0 : i32
      %dma_wait3A_189 = tpu.memref_slice %arg11[%dma_wait3A_187, %dma_wait3A_188] : memref<10000x64xf32, #tpu.memory_space<vmem_shared>> -> memref<16x64xf32, #tpu.memory_space<vmem_shared>>
      %dma_wait3A_190 = arith.constant 0 : i32
      %dma_wait3A_191 = arith.constant 0 : i32
      %dma_wait3A_192 = tpu.memref_slice %arg8[%dma_wait3A_190, %dma_wait3A_191] : memref<125x64xf32, #tpu.memory_space<vmem>> -> memref<16x64xf32, #tpu.memory_space<vmem>>
      tpu.wait_dma2 semaphore(%run_scoped3A : memref<!tpu.dma_semaphore, #tpu.memory_space<semaphore_mem>>) src(%dma_wait3A_192 : memref<16x64xf32, #tpu.memory_space<vmem>>) dst(%dma_wait3A_189 : memref<16x64xf32, #tpu.memory_space<vmem_shared>>)
      tpu.yield
    }) : () -> ()
    %barrier3A = arith.constant 0 : index
    tpu.barrier barrier_id(%barrier3A)
    %dma_start3A = arith.constant 0 : i32
    %dma_start3A_20 = arith.constant 0 : i32
    %dma_start3A_21 = tpu.memref_slice %arg6[%dma_start3A, %dma_start3A_20] : memref<80x125xi32, #tpu.memory_space<vmem>> -> memref<1x125xi32, #tpu.memory_space<vmem>>
    %dma_start3A_22 = tpu.memref_squeeze %dma_start3A_21 : memref<1x125xi32, #tpu.memory_space<vmem>> -> memref<125xi32, #tpu.memory_space<vmem>>
    %dma_start3A_23 = arith.constant 0 : i32
    %dma_start3A_24 = arith.constant 0 : i32
    %dma_start3A_25 = tpu.memref_slice %arg2[%dma_start3A_23, %dma_start3A_24] : memref<10000x64xf32, #tpu.memory_space<hbm>> -> memref<10000x64xf32, #tpu.memory_space<hbm>>
    tpu.enqueue_indirect_dma source(%dma_start3A_25 : memref<10000x64xf32, #tpu.memory_space<hbm>>) target(%arg8 : memref<125x64xf32, #tpu.memory_space<vmem>>) offsets(%dma_start3A_22 : memref<125xi32, #tpu.memory_space<vmem>>) semaphore(%arg12 : memref<!tpu.dma_semaphore, #tpu.memory_space<semaphore_mem>>)
    %dma_start3A_26 = arith.constant 1 : i32
    %dma_start3A_27 = arith.constant 0 : i32
    %dma_start3A_28 = tpu.memref_slice %arg6[%dma_start3A_26, %dma_start3A_27] : memref<80x125xi32, #tpu.memory_space<vmem>> -> memref<1x125xi32, #tpu.memory_space<vmem>>
    %dma_start3A_29 = tpu.memref_squeeze %dma_start3A_28 : memref<1x125xi32, #tpu.memory_space<vmem>> -> memref<125xi32, #tpu.memory_space<vmem>>
    %dma_start3A_30 = arith.constant 0 : i32
    %dma_start3A_31 = arith.constant 0 : i32
    %dma_start3A_32 = tpu.memref_slice %arg2[%dma_start3A_30, %dma_start3A_31] : memref<10000x64xf32, #tpu.memory_space<hbm>> -> memref<10000x64xf32, #tpu.memory_space<hbm>>
    tpu.enqueue_indirect_dma source(%dma_start3A_32 : memref<10000x64xf32, #tpu.memory_space<hbm>>) target(%arg9 : memref<125x64xf32, #tpu.memory_space<vmem>>) offsets(%dma_start3A_29 : memref<125xi32, #tpu.memory_space<vmem>>) semaphore(%arg13 : memref<!tpu.dma_semaphore, #tpu.memory_space<semaphore_mem>>)
    %dma_wait3A = arith.constant 0 : i32
    %dma_wait3A_33 = arith.constant 0 : i32
    %dma_wait3A_34 = tpu.memref_slice %arg6[%dma_wait3A, %dma_wait3A_33] : memref<80x125xi32, #tpu.memory_space<vmem>> -> memref<1x125xi32, #tpu.memory_space<vmem>>
    %dma_wait3A_35 = tpu.memref_squeeze %dma_wait3A_34 : memref<1x125xi32, #tpu.memory_space<vmem>> -> memref<125xi32, #tpu.memory_space<vmem>>
    %dma_wait3A_36 = arith.constant 0 : i32
    %dma_wait3A_37 = arith.constant 0 : i32
    %dma_wait3A_38 = tpu.memref_slice %arg2[%dma_wait3A_36, %dma_wait3A_37] : memref<10000x64xf32, #tpu.memory_space<hbm>> -> memref<10000x64xf32, #tpu.memory_space<hbm>>
    tpu.wait_indirect_dma semaphore(%arg12 : memref<!tpu.dma_semaphore, #tpu.memory_space<semaphore_mem>>) src(%dma_wait3A_38 : memref<10000x64xf32, #tpu.memory_space<hbm>>) dst(%arg8 : memref<125x64xf32, #tpu.memory_space<vmem>>)
    %dma_start3A_39 = arith.constant 0 : i32
    %dma_start3A_40 = arith.constant 0 : i32
    %dma_start3A_41 = tpu.memref_slice %arg7[%dma_start3A_39, %dma_start3A_40] : memref<80x125xi32, #tpu.memory_space<vmem>> -> memref<1x125xi32, #tpu.memory_space<vmem>>
    %dma_start3A_42 = tpu.memref_squeeze %dma_start3A_41 : memref<1x125xi32, #tpu.memory_space<vmem>> -> memref<125xi32, #tpu.memory_space<vmem>>
    %dma_start3A_43 = arith.constant 0 : i32
    %dma_start3A_44 = arith.constant 0 : i32
    %dma_start3A_45 = tpu.memref_slice %arg11[%dma_start3A_43, %dma_start3A_44] : memref<10000x64xf32, #tpu.memory_space<vmem_shared>> -> memref<10000x64xf32, #tpu.memory_space<vmem_shared>>
    tpu.enqueue_indirect_dma source(%arg8 : memref<125x64xf32, #tpu.memory_space<vmem>>) target(%dma_start3A_45 : memref<10000x64xf32, #tpu.memory_space<vmem_shared>>) offsets(%dma_start3A_42 : memref<125xi32, #tpu.memory_space<vmem>>) semaphore(%arg15 : memref<!tpu.dma_semaphore, #tpu.memory_space<semaphore_mem>>) {add = true}
    %dma_start3A_46 = arith.constant 2 : i32
    %dma_start3A_47 = arith.constant 0 : i32
    %dma_start3A_48 = tpu.memref_slice %arg6[%dma_start3A_46, %dma_start3A_47] : memref<80x125xi32, #tpu.memory_space<vmem>> -> memref<1x125xi32, #tpu.memory_space<vmem>>
    %dma_start3A_49 = tpu.memref_squeeze %dma_start3A_48 : memref<1x125xi32, #tpu.memory_space<vmem>> -> memref<125xi32, #tpu.memory_space<vmem>>
    %dma_start3A_50 = arith.constant 0 : i32
    %dma_start3A_51 = arith.constant 0 : i32
    %dma_start3A_52 = tpu.memref_slice %arg2[%dma_start3A_50, %dma_start3A_51] : memref<10000x64xf32, #tpu.memory_space<hbm>> -> memref<10000x64xf32, #tpu.memory_space<hbm>>
    tpu.enqueue_indirect_dma source(%dma_start3A_52 : memref<10000x64xf32, #tpu.memory_space<hbm>>) target(%arg10 : memref<125x64xf32, #tpu.memory_space<vmem>>) offsets(%dma_start3A_49 : memref<125xi32, #tpu.memory_space<vmem>>) semaphore(%arg14 : memref<!tpu.dma_semaphore, #tpu.memory_space<semaphore_mem>>)
    %dma_wait3A_53 = arith.constant 1 : i32
    %dma_wait3A_54 = arith.constant 0 : i32
    %dma_wait3A_55 = tpu.memref_slice %arg6[%dma_wait3A_53, %dma_wait3A_54] : memref<80x125xi32, #tpu.memory_space<vmem>> -> memref<1x125xi32, #tpu.memory_space<vmem>>
    %dma_wait3A_56 = tpu.memref_squeeze %dma_wait3A_55 : memref<1x125xi32, #tpu.memory_space<vmem>> -> memref<125xi32, #tpu.memory_space<vmem>>
    %dma_wait3A_57 = arith.constant 0 : i32
    %dma_wait3A_58 = arith.constant 0 : i32
    %dma_wait3A_59 = tpu.memref_slice %arg2[%dma_wait3A_57, %dma_wait3A_58] : memref<10000x64xf32, #tpu.memory_space<hbm>> -> memref<10000x64xf32, #tpu.memory_space<hbm>>
    tpu.wait_indirect_dma semaphore(%arg13 : memref<!tpu.dma_semaphore, #tpu.memory_space<semaphore_mem>>) src(%dma_wait3A_59 : memref<10000x64xf32, #tpu.memory_space<hbm>>) dst(%arg9 : memref<125x64xf32, #tpu.memory_space<vmem>>)
    %dma_start3A_60 = arith.constant 1 : i32
    %dma_start3A_61 = arith.constant 0 : i32
    %dma_start3A_62 = tpu.memref_slice %arg7[%dma_start3A_60, %dma_start3A_61] : memref<80x125xi32, #tpu.memory_space<vmem>> -> memref<1x125xi32, #tpu.memory_space<vmem>>
    %dma_start3A_63 = tpu.memref_squeeze %dma_start3A_62 : memref<1x125xi32, #tpu.memory_space<vmem>> -> memref<125xi32, #tpu.memory_space<vmem>>
    %dma_start3A_64 = arith.constant 0 : i32
    %dma_start3A_65 = arith.constant 0 : i32
    %dma_start3A_66 = tpu.memref_slice %arg11[%dma_start3A_64, %dma_start3A_65] : memref<10000x64xf32, #tpu.memory_space<vmem_shared>> -> memref<10000x64xf32, #tpu.memory_space<vmem_shared>>
    tpu.enqueue_indirect_dma source(%arg9 : memref<125x64xf32, #tpu.memory_space<vmem>>) target(%dma_start3A_66 : memref<10000x64xf32, #tpu.memory_space<vmem_shared>>) offsets(%dma_start3A_63 : memref<125xi32, #tpu.memory_space<vmem>>) semaphore(%arg16 : memref<!tpu.dma_semaphore, #tpu.memory_space<semaphore_mem>>) {add = true}
    %dma_wait3A_67 = arith.constant 0 : i32
    %dma_wait3A_68 = arith.constant 0 : i32
    %dma_wait3A_69 = tpu.memref_slice %arg7[%dma_wait3A_67, %dma_wait3A_68] : memref<80x125xi32, #tpu.memory_space<vmem>> -> memref<1x125xi32, #tpu.memory_space<vmem>>
    %dma_wait3A_70 = tpu.memref_squeeze %dma_wait3A_69 : memref<1x125xi32, #tpu.memory_space<vmem>> -> memref<125xi32, #tpu.memory_space<vmem>>
    %dma_wait3A_71 = arith.constant 0 : i32
    %dma_wait3A_72 = arith.constant 0 : i32
    %dma_wait3A_73 = tpu.memref_slice %arg11[%dma_wait3A_71, %dma_wait3A_72] : memref<10000x64xf32, #tpu.memory_space<vmem_shared>> -> memref<10000x64xf32, #tpu.memory_space<vmem_shared>>
    tpu.wait_indirect_dma semaphore(%arg15 : memref<!tpu.dma_semaphore, #tpu.memory_space<semaphore_mem>>) src(%arg8 : memref<125x64xf32, #tpu.memory_space<vmem>>) dst(%dma_wait3A_73 : memref<10000x64xf32, #tpu.memory_space<vmem_shared>>)
    %dma_start3A_74 = arith.constant 3 : i32
    %dma_start3A_75 = arith.constant 0 : i32
    %dma_start3A_76 = tpu.memref_slice %arg6[%dma_start3A_74, %dma_start3A_75] : memref<80x125xi32, #tpu.memory_space<vmem>> -> memref<1x125xi32, #tpu.memory_space<vmem>>
    %dma_start3A_77 = tpu.memref_squeeze %dma_start3A_76 : memref<1x125xi32, #tpu.memory_space<vmem>> -> memref<125xi32, #tpu.memory_space<vmem>>
    %dma_start3A_78 = arith.constant 0 : i32
    %dma_start3A_79 = arith.constant 0 : i32
    %dma_start3A_80 = tpu.memref_slice %arg2[%dma_start3A_78, %dma_start3A_79] : memref<10000x64xf32, #tpu.memory_space<hbm>> -> memref<10000x64xf32, #tpu.memory_space<hbm>>
    tpu.enqueue_indirect_dma source(%dma_start3A_80 : memref<10000x64xf32, #tpu.memory_space<hbm>>) target(%arg8 : memref<125x64xf32, #tpu.memory_space<vmem>>) offsets(%dma_start3A_77 : memref<125xi32, #tpu.memory_space<vmem>>) semaphore(%arg12 : memref<!tpu.dma_semaphore, #tpu.memory_space<semaphore_mem>>)
    %dma_wait3A_81 = arith.constant 2 : i32
    %dma_wait3A_82 = arith.constant 0 : i32
    %dma_wait3A_83 = tpu.memref_slice %arg6[%dma_wait3A_81, %dma_wait3A_82] : memref<80x125xi32, #tpu.memory_space<vmem>> -> memref<1x125xi32, #tpu.memory_space<vmem>>
    %dma_wait3A_84 = tpu.memref_squeeze %dma_wait3A_83 : memref<1x125xi32, #tpu.memory_space<vmem>> -> memref<125xi32, #tpu.memory_space<vmem>>
    %dma_wait3A_85 = arith.constant 0 : i32
    %dma_wait3A_86 = arith.constant 0 : i32
    %dma_wait3A_87 = tpu.memref_slice %arg2[%dma_wait3A_85, %dma_wait3A_86] : memref<10000x64xf32, #tpu.memory_space<hbm>> -> memref<10000x64xf32, #tpu.memory_space<hbm>>
    tpu.wait_indirect_dma semaphore(%arg14 : memref<!tpu.dma_semaphore, #tpu.memory_space<semaphore_mem>>) src(%dma_wait3A_87 : memref<10000x64xf32, #tpu.memory_space<hbm>>) dst(%arg10 : memref<125x64xf32, #tpu.memory_space<vmem>>)
    %dma_start3A_88 = arith.constant 2 : i32
    %dma_start3A_89 = arith.constant 0 : i32
    %dma_start3A_90 = tpu.memref_slice %arg7[%dma_start3A_88, %dma_start3A_89] : memref<80x125xi32, #tpu.memory_space<vmem>> -> memref<1x125xi32, #tpu.memory_space<vmem>>
    %dma_start3A_91 = tpu.memref_squeeze %dma_start3A_90 : memref<1x125xi32, #tpu.memory_space<vmem>> -> memref<125xi32, #tpu.memory_space<vmem>>
    %dma_start3A_92 = arith.constant 0 : i32
    %dma_start3A_93 = arith.constant 0 : i32
    %dma_start3A_94 = tpu.memref_slice %arg11[%dma_start3A_92, %dma_start3A_93] : memref<10000x64xf32, #tpu.memory_space<vmem_shared>> -> memref<10000x64xf32, #tpu.memory_space<vmem_shared>>
    tpu.enqueue_indirect_dma source(%arg10 : memref<125x64xf32, #tpu.memory_space<vmem>>) target(%dma_start3A_94 : memref<10000x64xf32, #tpu.memory_space<vmem_shared>>) offsets(%dma_start3A_91 : memref<125xi32, #tpu.memory_space<vmem>>) semaphore(%arg17 : memref<!tpu.dma_semaphore, #tpu.memory_space<semaphore_mem>>) {add = true}
    %dma_wait3A_95 = arith.constant 1 : i32
    %dma_wait3A_96 = arith.constant 0 : i32
    %dma_wait3A_97 = tpu.memref_slice %arg7[%dma_wait3A_95, %dma_wait3A_96] : memref<80x125xi32, #tpu.memory_space<vmem>> -> memref<1x125xi32, #tpu.memory_space<vmem>>
    %dma_wait3A_98 = tpu.memref_squeeze %dma_wait3A_97 : memref<1x125xi32, #tpu.memory_space<vmem>> -> memref<125xi32, #tpu.memory_space<vmem>>
    %dma_wait3A_99 = arith.constant 0 : i32
    %dma_wait3A_100 = arith.constant 0 : i32
    %dma_wait3A_101 = tpu.memref_slice %arg11[%dma_wait3A_99, %dma_wait3A_100] : memref<10000x64xf32, #tpu.memory_space<vmem_shared>> -> memref<10000x64xf32, #tpu.memory_space<vmem_shared>>
    tpu.wait_indirect_dma semaphore(%arg16 : memref<!tpu.dma_semaphore, #tpu.memory_space<semaphore_mem>>) src(%arg9 : memref<125x64xf32, #tpu.memory_space<vmem>>) dst(%dma_wait3A_101 : memref<10000x64xf32, #tpu.memory_space<vmem_shared>>)
    %dma_start3A_102 = arith.constant 4 : i32
    %dma_start3A_103 = arith.constant 0 : i32
    %dma_start3A_104 = tpu.memref_slice %arg6[%dma_start3A_102, %dma_start3A_103] : memref<80x125xi32, #tpu.memory_space<vmem>> -> memref<1x125xi32, #tpu.memory_space<vmem>>
    %dma_start3A_105 = tpu.memref_squeeze %dma_start3A_104 : memref<1x125xi32, #tpu.memory_space<vmem>> -> memref<125xi32, #tpu.memory_space<vmem>>
    %dma_start3A_106 = arith.constant 0 : i32
    %dma_start3A_107 = arith.constant 0 : i32
    %dma_start3A_108 = tpu.memref_slice %arg2[%dma_start3A_106, %dma_start3A_107] : memref<10000x64xf32, #tpu.memory_space<hbm>> -> memref<10000x64xf32, #tpu.memory_space<hbm>>
    tpu.enqueue_indirect_dma source(%dma_start3A_108 : memref<10000x64xf32, #tpu.memory_space<hbm>>) target(%arg9 : memref<125x64xf32, #tpu.memory_space<vmem>>) offsets(%dma_start3A_105 : memref<125xi32, #tpu.memory_space<vmem>>) semaphore(%arg13 : memref<!tpu.dma_semaphore, #tpu.memory_space<semaphore_mem>>)
    %scan3A_109 = arith.constant 0 : i32
    %scan3A_110 = arith.constant 1 : i32
    %scan3A_111 = arith.constant 25 : i32
    %scan3A_112 = arith.addi %scan3A_110, %scan3A_111 : i32
    %scan3A_113 = arith.constant 1 : i32
    scf.for %scan3A_169 = %scan3A_110 to %scan3A_112 step %scan3A_113  : i32 {
      %mul3A_170 = arith.constant 3 : i32
      %mul3A_171 = arith.muli %scan3A_169, %mul3A_170 : i32
      %add3A_172 = arith.constant 0 : i32
      %add3A_173 = arith.addi %mul3A_171, %add3A_172 : i32
      %dma_wait3A_174 = arith.constant 0 : i32
      %dma_wait3A_175 = tpu.memref_slice %arg6[%add3A_173, %dma_wait3A_174] : memref<80x125xi32, #tpu.memory_space<vmem>> -> memref<1x125xi32, #tpu.memory_space<vmem>>
      %dma_wait3A_176 = tpu.memref_squeeze %dma_wait3A_175 : memref<1x125xi32, #tpu.memory_space<vmem>> -> memref<125xi32, #tpu.memory_space<vmem>>
      %dma_wait3A_177 = arith.constant 0 : i32
      %dma_wait3A_178 = arith.constant 0 : i32
      %dma_wait3A_179 = tpu.memref_slice %arg2[%dma_wait3A_177, %dma_wait3A_178] : memref<10000x64xf32, #tpu.memory_space<hbm>> -> memref<10000x64xf32, #tpu.memory_space<hbm>>
      tpu.wait_indirect_dma semaphore(%arg12 : memref<!tpu.dma_semaphore, #tpu.memory_space<semaphore_mem>>) src(%dma_wait3A_179 : memref<10000x64xf32, #tpu.memory_space<hbm>>) dst(%arg8 : memref<125x64xf32, #tpu.memory_space<vmem>>)
      %dma_start3A_180 = arith.constant 0 : i32
      %dma_start3A_181 = tpu.memref_slice %arg7[%add3A_173, %dma_start3A_180] : memref<80x125xi32, #tpu.memory_space<vmem>> -> memref<1x125xi32, #tpu.memory_space<vmem>>
      %dma_start3A_182 = tpu.memref_squeeze %dma_start3A_181 : memref<1x125xi32, #tpu.memory_space<vmem>> -> memref<125xi32, #tpu.memory_space<vmem>>
      %dma_start3A_183 = arith.constant 0 : i32
      %dma_start3A_184 = arith.constant 0 : i32
      %dma_start3A_185 = tpu.memref_slice %arg11[%dma_start3A_183, %dma_start3A_184] : memref<10000x64xf32, #tpu.memory_space<vmem_shared>> -> memref<10000x64xf32, #tpu.memory_space<vmem_shared>>
      tpu.enqueue_indirect_dma source(%arg8 : memref<125x64xf32, #tpu.memory_space<vmem>>) target(%dma_start3A_185 : memref<10000x64xf32, #tpu.memory_space<vmem_shared>>) offsets(%dma_start3A_182 : memref<125xi32, #tpu.memory_space<vmem>>) semaphore(%arg15 : memref<!tpu.dma_semaphore, #tpu.memory_space<semaphore_mem>>) {add = true}
      %sub3A = arith.constant 1 : i32
      %sub3A_186 = arith.subi %add3A_173, %sub3A : i32
      %dma_wait3A_187 = arith.constant 0 : i32
      %dma_wait3A_188 = tpu.memref_slice %arg7[%sub3A_186, %dma_wait3A_187] : memref<80x125xi32, #tpu.memory_space<vmem>> -> memref<1x125xi32, #tpu.memory_space<vmem>>
      %dma_wait3A_189 = tpu.memref_squeeze %dma_wait3A_188 : memref<1x125xi32, #tpu.memory_space<vmem>> -> memref<125xi32, #tpu.memory_space<vmem>>
      %dma_wait3A_190 = arith.constant 0 : i32
      %dma_wait3A_191 = arith.constant 0 : i32
      %dma_wait3A_192 = tpu.memref_slice %arg11[%dma_wait3A_190, %dma_wait3A_191] : memref<10000x64xf32, #tpu.memory_space<vmem_shared>> -> memref<10000x64xf32, #tpu.memory_space<vmem_shared>>
      tpu.wait_indirect_dma semaphore(%arg17 : memref<!tpu.dma_semaphore, #tpu.memory_space<semaphore_mem>>) src(%arg10 : memref<125x64xf32, #tpu.memory_space<vmem>>) dst(%dma_wait3A_192 : memref<10000x64xf32, #tpu.memory_space<vmem_shared>>)
      %add3A_193 = arith.constant 2 : i32
      %add3A_194 = arith.addi %add3A_173, %add3A_193 : i32
      %dma_start3A_195 = arith.constant 0 : i32
      %dma_start3A_196 = tpu.memref_slice %arg6[%add3A_194, %dma_start3A_195] : memref<80x125xi32, #tpu.memory_space<vmem>> -> memref<1x125xi32, #tpu.memory_space<vmem>>
      %dma_start3A_197 = tpu.memref_squeeze %dma_start3A_196 : memref<1x125xi32, #tpu.memory_space<vmem>> -> memref<125xi32, #tpu.memory_space<vmem>>
      %dma_start3A_198 = arith.constant 0 : i32
      %dma_start3A_199 = arith.constant 0 : i32
      %dma_start3A_200 = tpu.memref_slice %arg2[%dma_start3A_198, %dma_start3A_199] : memref<10000x64xf32, #tpu.memory_space<hbm>> -> memref<10000x64xf32, #tpu.memory_space<hbm>>
      tpu.enqueue_indirect_dma source(%dma_start3A_200 : memref<10000x64xf32, #tpu.memory_space<hbm>>) target(%arg10 : memref<125x64xf32, #tpu.memory_space<vmem>>) offsets(%dma_start3A_197 : memref<125xi32, #tpu.memory_space<vmem>>) semaphore(%arg14 : memref<!tpu.dma_semaphore, #tpu.memory_space<semaphore_mem>>)
      %mul3A_201 = arith.constant 3 : i32
      %mul3A_202 = arith.muli %scan3A_169, %mul3A_201 : i32
      %add3A_203 = arith.constant 1 : i32
      %add3A_204 = arith.addi %mul3A_202, %add3A_203 : i32
      %dma_wait3A_205 = arith.constant 0 : i32
      %dma_wait3A_206 = tpu.memref_slice %arg6[%add3A_204, %dma_wait3A_205] : memref<80x125xi32, #tpu.memory_space<vmem>> -> memref<1x125xi32, #tpu.memory_space<vmem>>
      %dma_wait3A_207 = tpu.memref_squeeze %dma_wait3A_206 : memref<1x125xi32, #tpu.memory_space<vmem>> -> memref<125xi32, #tpu.memory_space<vmem>>
      %dma_wait3A_208 = arith.constant 0 : i32
      %dma_wait3A_209 = arith.constant 0 : i32
      %dma_wait3A_210 = tpu.memref_slice %arg2[%dma_wait3A_208, %dma_wait3A_209] : memref<10000x64xf32, #tpu.memory_space<hbm>> -> memref<10000x64xf32, #tpu.memory_space<hbm>>
      tpu.wait_indirect_dma semaphore(%arg13 : memref<!tpu.dma_semaphore, #tpu.memory_space<semaphore_mem>>) src(%dma_wait3A_210 : memref<10000x64xf32, #tpu.memory_space<hbm>>) dst(%arg9 : memref<125x64xf32, #tpu.memory_space<vmem>>)
      %dma_start3A_211 = arith.constant 0 : i32
      %dma_start3A_212 = tpu.memref_slice %arg7[%add3A_204, %dma_start3A_211] : memref<80x125xi32, #tpu.memory_space<vmem>> -> memref<1x125xi32, #tpu.memory_space<vmem>>
      %dma_start3A_213 = tpu.memref_squeeze %dma_start3A_212 : memref<1x125xi32, #tpu.memory_space<vmem>> -> memref<125xi32, #tpu.memory_space<vmem>>
      %dma_start3A_214 = arith.constant 0 : i32
      %dma_start3A_215 = arith.constant 0 : i32
      %dma_start3A_216 = tpu.memref_slice %arg11[%dma_start3A_214, %dma_start3A_215] : memref<10000x64xf32, #tpu.memory_space<vmem_shared>> -> memref<10000x64xf32, #tpu.memory_space<vmem_shared>>
      tpu.enqueue_indirect_dma source(%arg9 : memref<125x64xf32, #tpu.memory_space<vmem>>) target(%dma_start3A_216 : memref<10000x64xf32, #tpu.memory_space<vmem_shared>>) offsets(%dma_start3A_213 : memref<125xi32, #tpu.memory_space<vmem>>) semaphore(%arg16 : memref<!tpu.dma_semaphore, #tpu.memory_space<semaphore_mem>>) {add = true}
      %sub3A_217 = arith.constant 1 : i32
      %sub3A_218 = arith.subi %add3A_204, %sub3A_217 : i32
      %dma_wait3A_219 = arith.constant 0 : i32
      %dma_wait3A_220 = tpu.memref_slice %arg7[%sub3A_218, %dma_wait3A_219] : memref<80x125xi32, #tpu.memory_space<vmem>> -> memref<1x125xi32, #tpu.memory_space<vmem>>
      %dma_wait3A_221 = tpu.memref_squeeze %dma_wait3A_220 : memref<1x125xi32, #tpu.memory_space<vmem>> -> memref<125xi32, #tpu.memory_space<vmem>>
      %dma_wait3A_222 = arith.constant 0 : i32
      %dma_wait3A_223 = arith.constant 0 : i32
      %dma_wait3A_224 = tpu.memref_slice %arg11[%dma_wait3A_222, %dma_wait3A_223] : memref<10000x64xf32, #tpu.memory_space<vmem_shared>> -> memref<10000x64xf32, #tpu.memory_space<vmem_shared>>
      tpu.wait_indirect_dma semaphore(%arg15 : memref<!tpu.dma_semaphore, #tpu.memory_space<semaphore_mem>>) src(%arg8 : memref<125x64xf32, #tpu.memory_space<vmem>>) dst(%dma_wait3A_224 : memref<10000x64xf32, #tpu.memory_space<vmem_shared>>)
      %add3A_225 = arith.constant 2 : i32
      %add3A_226 = arith.addi %add3A_204, %add3A_225 : i32
      %dma_start3A_227 = arith.constant 0 : i32
      %dma_start3A_228 = tpu.memref_slice %arg6[%add3A_226, %dma_start3A_227] : memref<80x125xi32, #tpu.memory_space<vmem>> -> memref<1x125xi32, #tpu.memory_space<vmem>>
      %dma_start3A_229 = tpu.memref_squeeze %dma_start3A_228 : memref<1x125xi32, #tpu.memory_space<vmem>> -> memref<125xi32, #tpu.memory_space<vmem>>
      %dma_start3A_230 = arith.constant 0 : i32
      %dma_start3A_231 = arith.constant 0 : i32
      %dma_start3A_232 = tpu.memref_slice %arg2[%dma_start3A_230, %dma_start3A_231] : memref<10000x64xf32, #tpu.memory_space<hbm>> -> memref<10000x64xf32, #tpu.memory_space<hbm>>
      tpu.enqueue_indirect_dma source(%dma_start3A_232 : memref<10000x64xf32, #tpu.memory_space<hbm>>) target(%arg8 : memref<125x64xf32, #tpu.memory_space<vmem>>) offsets(%dma_start3A_229 : memref<125xi32, #tpu.memory_space<vmem>>) semaphore(%arg12 : memref<!tpu.dma_semaphore, #tpu.memory_space<semaphore_mem>>)
      %mul3A_233 = arith.constant 3 : i32
      %mul3A_234 = arith.muli %scan3A_169, %mul3A_233 : i32
      %add3A_235 = arith.constant 2 : i32
      %add3A_236 = arith.addi %mul3A_234, %add3A_235 : i32
      %dma_wait3A_237 = arith.constant 0 : i32
      %dma_wait3A_238 = tpu.memref_slice %arg6[%add3A_236, %dma_wait3A_237] : memref<80x125xi32, #tpu.memory_space<vmem>> -> memref<1x125xi32, #tpu.memory_space<vmem>>
      %dma_wait3A_239 = tpu.memref_squeeze %dma_wait3A_238 : memref<1x125xi32, #tpu.memory_space<vmem>> -> memref<125xi32, #tpu.memory_space<vmem>>
      %dma_wait3A_240 = arith.constant 0 : i32
      %dma_wait3A_241 = arith.constant 0 : i32
      %dma_wait3A_242 = tpu.memref_slice %arg2[%dma_wait3A_240, %dma_wait3A_241] : memref<10000x64xf32, #tpu.memory_space<hbm>> -> memref<10000x64xf32, #tpu.memory_space<hbm>>
      tpu.wait_indirect_dma semaphore(%arg14 : memref<!tpu.dma_semaphore, #tpu.memory_space<semaphore_mem>>) src(%dma_wait3A_242 : memref<10000x64xf32, #tpu.memory_space<hbm>>) dst(%arg10 : memref<125x64xf32, #tpu.memory_space<vmem>>)
      %dma_start3A_243 = arith.constant 0 : i32
      %dma_start3A_244 = tpu.memref_slice %arg7[%add3A_236, %dma_start3A_243] : memref<80x125xi32, #tpu.memory_space<vmem>> -> memref<1x125xi32, #tpu.memory_space<vmem>>
      %dma_start3A_245 = tpu.memref_squeeze %dma_start3A_244 : memref<1x125xi32, #tpu.memory_space<vmem>> -> memref<125xi32, #tpu.memory_space<vmem>>
      %dma_start3A_246 = arith.constant 0 : i32
      %dma_start3A_247 = arith.constant 0 : i32
      %dma_start3A_248 = tpu.memref_slice %arg11[%dma_start3A_246, %dma_start3A_247] : memref<10000x64xf32, #tpu.memory_space<vmem_shared>> -> memref<10000x64xf32, #tpu.memory_space<vmem_shared>>
      tpu.enqueue_indirect_dma source(%arg10 : memref<125x64xf32, #tpu.memory_space<vmem>>) target(%dma_start3A_248 : memref<10000x64xf32, #tpu.memory_space<vmem_shared>>) offsets(%dma_start3A_245 : memref<125xi32, #tpu.memory_space<vmem>>) semaphore(%arg17 : memref<!tpu.dma_semaphore, #tpu.memory_space<semaphore_mem>>) {add = true}
      %sub3A_249 = arith.constant 1 : i32
      %sub3A_250 = arith.subi %add3A_236, %sub3A_249 : i32
      %dma_wait3A_251 = arith.constant 0 : i32
      %dma_wait3A_252 = tpu.memref_slice %arg7[%sub3A_250, %dma_wait3A_251] : memref<80x125xi32, #tpu.memory_space<vmem>> -> memref<1x125xi32, #tpu.memory_space<vmem>>
      %dma_wait3A_253 = tpu.memref_squeeze %dma_wait3A_252 : memref<1x125xi32, #tpu.memory_space<vmem>> -> memref<125xi32, #tpu.memory_space<vmem>>
      %dma_wait3A_254 = arith.constant 0 : i32
      %dma_wait3A_255 = arith.constant 0 : i32
      %dma_wait3A_256 = tpu.memref_slice %arg11[%dma_wait3A_254, %dma_wait3A_255] : memref<10000x64xf32, #tpu.memory_space<vmem_shared>> -> memref<10000x64xf32, #tpu.memory_space<vmem_shared>>
      tpu.wait_indirect_dma semaphore(%arg16 : memref<!tpu.dma_semaphore, #tpu.memory_space<semaphore_mem>>) src(%arg9 : memref<125x64xf32, #tpu.memory_space<vmem>>) dst(%dma_wait3A_256 : memref<10000x64xf32, #tpu.memory_space<vmem_shared>>)
      %add3A_257 = arith.constant 2 : i32
      %add3A_258 = arith.addi %add3A_236, %add3A_257 : i32
      %dma_start3A_259 = arith.constant 0 : i32
      %dma_start3A_260 = tpu.memref_slice %arg6[%add3A_258, %dma_start3A_259] : memref<80x125xi32, #tpu.memory_space<vmem>> -> memref<1x125xi32, #tpu.memory_space<vmem>>
      %dma_start3A_261 = tpu.memref_squeeze %dma_start3A_260 : memref<1x125xi32, #tpu.memory_space<vmem>> -> memref<125xi32, #tpu.memory_space<vmem>>
      %dma_start3A_262 = arith.constant 0 : i32
      %dma_start3A_263 = arith.constant 0 : i32
      %dma_start3A_264 = tpu.memref_slice %arg2[%dma_start3A_262, %dma_start3A_263] : memref<10000x64xf32, #tpu.memory_space<hbm>> -> memref<10000x64xf32, #tpu.memory_space<hbm>>
      tpu.enqueue_indirect_dma source(%dma_start3A_264 : memref<10000x64xf32, #tpu.memory_space<hbm>>) target(%arg9 : memref<125x64xf32, #tpu.memory_space<vmem>>) offsets(%dma_start3A_261 : memref<125xi32, #tpu.memory_space<vmem>>) semaphore(%arg13 : memref<!tpu.dma_semaphore, #tpu.memory_space<semaphore_mem>>)
    }
    %scan3A_114 = arith.constant 25 : i32
    %dma_wait3A_115 = arith.constant 78 : i32
    %dma_wait3A_116 = arith.constant 0 : i32
    %dma_wait3A_117 = tpu.memref_slice %arg6[%dma_wait3A_115, %dma_wait3A_116] : memref<80x125xi32, #tpu.memory_space<vmem>> -> memref<1x125xi32, #tpu.memory_space<vmem>>
    %dma_wait3A_118 = tpu.memref_squeeze %dma_wait3A_117 : memref<1x125xi32, #tpu.memory_space<vmem>> -> memref<125xi32, #tpu.memory_space<vmem>>
    %dma_wait3A_119 = arith.constant 0 : i32
    %dma_wait3A_120 = arith.constant 0 : i32
    %dma_wait3A_121 = tpu.memref_slice %arg2[%dma_wait3A_119, %dma_wait3A_120] : memref<10000x64xf32, #tpu.memory_space<hbm>> -> memref<10000x64xf32, #tpu.memory_space<hbm>>
    tpu.wait_indirect_dma semaphore(%arg12 : memref<!tpu.dma_semaphore, #tpu.memory_space<semaphore_mem>>) src(%dma_wait3A_121 : memref<10000x64xf32, #tpu.memory_space<hbm>>) dst(%arg8 : memref<125x64xf32, #tpu.memory_space<vmem>>)
    %dma_start3A_122 = arith.constant 78 : i32
    %dma_start3A_123 = arith.constant 0 : i32
    %dma_start3A_124 = tpu.memref_slice %arg7[%dma_start3A_122, %dma_start3A_123] : memref<80x125xi32, #tpu.memory_space<vmem>> -> memref<1x125xi32, #tpu.memory_space<vmem>>
    %dma_start3A_125 = tpu.memref_squeeze %dma_start3A_124 : memref<1x125xi32, #tpu.memory_space<vmem>> -> memref<125xi32, #tpu.memory_space<vmem>>
    %dma_start3A_126 = arith.constant 0 : i32
    %dma_start3A_127 = arith.constant 0 : i32
    %dma_start3A_128 = tpu.memref_slice %arg11[%dma_start3A_126, %dma_start3A_127] : memref<10000x64xf32, #tpu.memory_space<vmem_shared>> -> memref<10000x64xf32, #tpu.memory_space<vmem_shared>>
    tpu.enqueue_indirect_dma source(%arg8 : memref<125x64xf32, #tpu.memory_space<vmem>>) target(%dma_start3A_128 : memref<10000x64xf32, #tpu.memory_space<vmem_shared>>) offsets(%dma_start3A_125 : memref<125xi32, #tpu.memory_space<vmem>>) semaphore(%arg15 : memref<!tpu.dma_semaphore, #tpu.memory_space<semaphore_mem>>) {add = true}
    %dma_wait3A_129 = arith.constant 77 : i32
    %dma_wait3A_130 = arith.constant 0 : i32
    %dma_wait3A_131 = tpu.memref_slice %arg7[%dma_wait3A_129, %dma_wait3A_130] : memref<80x125xi32, #tpu.memory_space<vmem>> -> memref<1x125xi32, #tpu.memory_space<vmem>>
    %dma_wait3A_132 = tpu.memref_squeeze %dma_wait3A_131 : memref<1x125xi32, #tpu.memory_space<vmem>> -> memref<125xi32, #tpu.memory_space<vmem>>
    %dma_wait3A_133 = arith.constant 0 : i32
    %dma_wait3A_134 = arith.constant 0 : i32
    %dma_wait3A_135 = tpu.memref_slice %arg11[%dma_wait3A_133, %dma_wait3A_134] : memref<10000x64xf32, #tpu.memory_space<vmem_shared>> -> memref<10000x64xf32, #tpu.memory_space<vmem_shared>>
    tpu.wait_indirect_dma semaphore(%arg17 : memref<!tpu.dma_semaphore, #tpu.memory_space<semaphore_mem>>) src(%arg10 : memref<125x64xf32, #tpu.memory_space<vmem>>) dst(%dma_wait3A_135 : memref<10000x64xf32, #tpu.memory_space<vmem_shared>>)
    %dma_wait3A_136 = arith.constant 79 : i32
    %dma_wait3A_137 = arith.constant 0 : i32
    %dma_wait3A_138 = tpu.memref_slice %arg6[%dma_wait3A_136, %dma_wait3A_137] : memref<80x125xi32, #tpu.memory_space<vmem>> -> memref<1x125xi32, #tpu.memory_space<vmem>>
    %dma_wait3A_139 = tpu.memref_squeeze %dma_wait3A_138 : memref<1x125xi32, #tpu.memory_space<vmem>> -> memref<125xi32, #tpu.memory_space<vmem>>
    %dma_wait3A_140 = arith.constant 0 : i32
    %dma_wait3A_141 = arith.constant 0 : i32
    %dma_wait3A_142 = tpu.memref_slice %arg2[%dma_wait3A_140, %dma_wait3A_141] : memref<10000x64xf32, #tpu.memory_space<hbm>> -> memref<10000x64xf32, #tpu.memory_space<hbm>>
    tpu.wait_indirect_dma semaphore(%arg13 : memref<!tpu.dma_semaphore, #tpu.memory_space<semaphore_mem>>) src(%dma_wait3A_142 : memref<10000x64xf32, #tpu.memory_space<hbm>>) dst(%arg9 : memref<125x64xf32, #tpu.memory_space<vmem>>)
    %dma_start3A_143 = arith.constant 79 : i32
    %dma_start3A_144 = arith.constant 0 : i32
    %dma_start3A_145 = tpu.memref_slice %arg7[%dma_start3A_143, %dma_start3A_144] : memref<80x125xi32, #tpu.memory_space<vmem>> -> memref<1x125xi32, #tpu.memory_space<vmem>>
    %dma_start3A_146 = tpu.memref_squeeze %dma_start3A_145 : memref<1x125xi32, #tpu.memory_space<vmem>> -> memref<125xi32, #tpu.memory_space<vmem>>
    %dma_start3A_147 = arith.constant 0 : i32
    %dma_start3A_148 = arith.constant 0 : i32
    %dma_start3A_149 = tpu.memref_slice %arg11[%dma_start3A_147, %dma_start3A_148] : memref<10000x64xf32, #tpu.memory_space<vmem_shared>> -> memref<10000x64xf32, #tpu.memory_space<vmem_shared>>
    tpu.enqueue_indirect_dma source(%arg9 : memref<125x64xf32, #tpu.memory_space<vmem>>) target(%dma_start3A_149 : memref<10000x64xf32, #tpu.memory_space<vmem_shared>>) offsets(%dma_start3A_146 : memref<125xi32, #tpu.memory_space<vmem>>) semaphore(%arg16 : memref<!tpu.dma_semaphore, #tpu.memory_space<semaphore_mem>>) {add = true}
    %dma_wait3A_150 = arith.constant 78 : i32
    %dma_wait3A_151 = arith.constant 0 : i32
    %dma_wait3A_152 = tpu.memref_slice %arg7[%dma_wait3A_150, %dma_wait3A_151] : memref<80x125xi32, #tpu.memory_space<vmem>> -> memref<1x125xi32, #tpu.memory_space<vmem>>
    %dma_wait3A_153 = tpu.memref_squeeze %dma_wait3A_152 : memref<1x125xi32, #tpu.memory_space<vmem>> -> memref<125xi32, #tpu.memory_space<vmem>>
    %dma_wait3A_154 = arith.constant 0 : i32
    %dma_wait3A_155 = arith.constant 0 : i32
    %dma_wait3A_156 = tpu.memref_slice %arg11[%dma_wait3A_154, %dma_wait3A_155] : memref<10000x64xf32, #tpu.memory_space<vmem_shared>> -> memref<10000x64xf32, #tpu.memory_space<vmem_shared>>
    tpu.wait_indirect_dma semaphore(%arg15 : memref<!tpu.dma_semaphore, #tpu.memory_space<semaphore_mem>>) src(%arg8 : memref<125x64xf32, #tpu.memory_space<vmem>>) dst(%dma_wait3A_156 : memref<10000x64xf32, #tpu.memory_space<vmem_shared>>)
    %dma_wait3A_157 = arith.constant 79 : i32
    %dma_wait3A_158 = arith.constant 0 : i32
    %dma_wait3A_159 = tpu.memref_slice %arg7[%dma_wait3A_157, %dma_wait3A_158] : memref<80x125xi32, #tpu.memory_space<vmem>> -> memref<1x125xi32, #tpu.memory_space<vmem>>
    %dma_wait3A_160 = tpu.memref_squeeze %dma_wait3A_159 : memref<1x125xi32, #tpu.memory_space<vmem>> -> memref<125xi32, #tpu.memory_space<vmem>>
    %dma_wait3A_161 = arith.constant 0 : i32
    %dma_wait3A_162 = arith.constant 0 : i32
    %dma_wait3A_163 = tpu.memref_slice %arg11[%dma_wait3A_161, %dma_wait3A_162] : memref<10000x64xf32, #tpu.memory_space<vmem_shared>> -> memref<10000x64xf32, #tpu.memory_space<vmem_shared>>
    tpu.wait_indirect_dma semaphore(%arg16 : memref<!tpu.dma_semaphore, #tpu.memory_space<semaphore_mem>>) src(%arg9 : memref<125x64xf32, #tpu.memory_space<vmem>>) dst(%dma_wait3A_163 : memref<10000x64xf32, #tpu.memory_space<vmem_shared>>)
    %barrier3A_164 = arith.constant 0 : index
    tpu.barrier barrier_id(%barrier3A_164)
    %mul3A_165 = arith.constant 64 : i32
    %mul3A_166 = arith.muli %arg0, %mul3A_165 : i32
    "tpu.region"() ({
      %run_scoped3A = tpu.sem_alloc : memref<!tpu.dma_semaphore, #tpu.memory_space<semaphore_mem>>
      %dma_start3A_169 = tpu.memref_slice %arg5[%mul3A_9, %mul3A_166] : memref<10000x128xf32, #tpu.memory_space<hbm>> -> memref<624x64xf32, #tpu.memory_space<hbm>>
      %dma_start3A_170 = arith.constant 0 : i32
      %dma_start3A_171 = tpu.memref_slice %arg11[%mul3A_9, %dma_start3A_170] : memref<10000x64xf32, #tpu.memory_space<vmem_shared>> -> memref<624x64xf32, #tpu.memory_space<vmem_shared>>
      tpu.enqueue_dma source(%dma_start3A_171 : memref<624x64xf32, #tpu.memory_space<vmem_shared>>) target(%dma_start3A_169 : memref<624x64xf32, #tpu.memory_space<hbm>>) target_semaphore(%run_scoped3A : memref<!tpu.dma_semaphore, #tpu.memory_space<semaphore_mem>>)
      %dma_wait3A_172 = tpu.memref_slice %arg5[%mul3A_9, %mul3A_166] : memref<10000x128xf32, #tpu.memory_space<hbm>> -> memref<624x64xf32, #tpu.memory_space<hbm>>
      %dma_wait3A_173 = arith.constant 0 : i32
      %dma_wait3A_174 = tpu.memref_slice %arg11[%mul3A_9, %dma_wait3A_173] : memref<10000x64xf32, #tpu.memory_space<vmem_shared>> -> memref<624x64xf32, #tpu.memory_space<vmem_shared>>
      tpu.wait_dma2 semaphore(%run_scoped3A : memref<!tpu.dma_semaphore, #tpu.memory_space<semaphore_mem>>) src(%dma_wait3A_174 : memref<624x64xf32, #tpu.memory_space<vmem_shared>>) dst(%dma_wait3A_172 : memref<624x64xf32, #tpu.memory_space<hbm>>)
      tpu.yield
    }) : () -> ()
    %mul3A_167 = arith.constant 64 : i32
    %mul3A_168 = arith.muli %arg0, %mul3A_167 : i32
    "tpu.region"() ({
      %run_scoped3A = tpu.sem_alloc : memref<!tpu.dma_semaphore, #tpu.memory_space<semaphore_mem>>
      %dma_start3A_169 = arith.constant 9984 : i32
      %dma_start3A_170 = tpu.memref_slice %arg5[%dma_start3A_169, %mul3A_168] : memref<10000x128xf32, #tpu.memory_space<hbm>> -> memref<16x64xf32, #tpu.memory_space<hbm>>
      %dma_start3A_171 = arith.constant 9984 : i32
      %dma_start3A_172 = arith.constant 0 : i32
      %dma_start3A_173 = tpu.memref_slice %arg11[%dma_start3A_171, %dma_start3A_172] : memref<10000x64xf32, #tpu.memory_space<vmem_shared>> -> memref<16x64xf32, #tpu.memory_space<vmem_shared>>
      tpu.enqueue_dma source(%dma_start3A_173 : memref<16x64xf32, #tpu.memory_space<vmem_shared>>) target(%dma_start3A_170 : memref<16x64xf32, #tpu.memory_space<hbm>>) target_semaphore(%run_scoped3A : memref<!tpu.dma_semaphore, #tpu.memory_space<semaphore_mem>>)
      %dma_wait3A_174 = arith.constant 9984 : i32
      %dma_wait3A_175 = tpu.memref_slice %arg5[%dma_wait3A_174, %mul3A_168] : memref<10000x128xf32, #tpu.memory_space<hbm>> -> memref<16x64xf32, #tpu.memory_space<hbm>>
      %dma_wait3A_176 = arith.constant 9984 : i32
      %dma_wait3A_177 = arith.constant 0 : i32
      %dma_wait3A_178 = tpu.memref_slice %arg11[%dma_wait3A_176, %dma_wait3A_177] : memref<10000x64xf32, #tpu.memory_space<vmem_shared>> -> memref<16x64xf32, #tpu.memory_space<vmem_shared>>
      tpu.wait_dma2 semaphore(%run_scoped3A : memref<!tpu.dma_semaphore, #tpu.memory_space<semaphore_mem>>) src(%dma_wait3A_178 : memref<16x64xf32, #tpu.memory_space<vmem_shared>>) dst(%dma_wait3A_175 : memref<16x64xf32, #tpu.memory_space<hbm>>)
      tpu.yield
    }) : () -> ()
    return
  }
}

#map = affine_map<(d0, d1) -> (0, 0)>
module attributes {stable_mosaic.version = 14 : i64} {
  func.func @seg_k(%arg0: i32, %arg1: i32, %arg2: memref<10000x64xf32, #tpu.memory_space<hbm>>, %arg3: memref<2560x125xi32, #tpu.memory_space<hbm>>, %arg4: memref<2560x125xi32, #tpu.memory_space<hbm>>, %arg5: memref<10000x128xf32, #tpu.memory_space<hbm>>, %arg6: memref<80x125xi32, #tpu.memory_space<vmem>>, %arg7: memref<80x125xi32, #tpu.memory_space<vmem>>, %arg8: memref<125x64xf32, #tpu.memory_space<vmem>>, %arg9: memref<125x64xf32, #tpu.memory_space<vmem>>, %arg10: memref<125x64xf32, #tpu.memory_space<vmem>>, %arg11: memref<10000x64xf32, #tpu.memory_space<vmem_shared>>, %arg12: memref<!tpu.dma_semaphore, #tpu.memory_space<semaphore_mem>>, %arg13: memref<!tpu.dma_semaphore, #tpu.memory_space<semaphore_mem>>, %arg14: memref<!tpu.dma_semaphore, #tpu.memory_space<semaphore_mem>>, %arg15: memref<!tpu.dma_semaphore, #tpu.memory_space<semaphore_mem>>, %arg16: memref<!tpu.dma_semaphore, #tpu.memory_space<semaphore_mem>>, %arg17: memref<!tpu.dma_semaphore, #tpu.memory_space<semaphore_mem>>, %arg18: memref<!tpu.dma_semaphore, #tpu.memory_space<semaphore_mem>>) attributes {dimension_semantics = [#tpu.dimension_semantics<core_parallel>, #tpu.dimension_semantics<subcore_parallel>], iteration_bounds = array<i64: 2, 16>, scalar_prefetch = 0 : i64, scratch_operands = 13 : i64, tpu.core_type = #tpu.core_type<sc_vector_subcore>, window_params = [{transform_indices = #map}, {transform_indices = #map}, {transform_indices = #map}, {transform_indices = #map}]} {
    %scan3A = arith.constant 0 : i32
    %scan3A_0 = arith.constant 0 : i32
    %scan3A_1 = arith.constant 125 : i32
    %scan3A_2 = arith.addi %scan3A_0, %scan3A_1 : i32
    %scan3A_3 = arith.constant 1 : i32
    scf.for %scan3A_169 = %scan3A_0 to %scan3A_2 step %scan3A_3  : i32 {
      %scan3A_170 = arith.constant 0 : i32
      %scan3A_171 = arith.constant 4 : i32
      %scan3A_172 = arith.addi %scan3A_170, %scan3A_171 : i32
      %scan3A_173 = arith.constant 1 : i32
      scf.for %scan3A_175 = %scan3A_170 to %scan3A_172 step %scan3A_173  : i32 {
        %broadcast_in_dim3A = arith.constant 0.000000e+00 : f32
        %broadcast_in_dim3A_176 = vector.broadcast %broadcast_in_dim3A : f32 to vector<16xf32>
        %mul3A_177 = arith.constant 16 : i32
        %mul3A_178 = arith.muli %scan3A_175, %mul3A_177 : i32
        %swap3A = arith.index_cast %scan3A_169 : i32 to index
        %swap3A_179 = arith.index_cast %mul3A_178 : i32 to index
        %swap3A_180 = tpu.vector_load %arg8[%swap3A, %swap3A_179] {strides = array<i32>} : memref<125x64xf32, #tpu.memory_space<vmem>>, vector<1x16xf32>,
        %swap3A_181 = vector.shape_cast %swap3A_180 : vector<1x16xf32> to vector<16xf32>
        %swap3A_182 = vector.shape_cast %broadcast_in_dim3A_176 : vector<16xf32> to vector<1x16xf32>
        tpu.vector_store %arg8[%swap3A, %swap3A_179], %swap3A_182 {strides = array<i32>} : memref<125x64xf32, #tpu.memory_space<vmem>>, vector<1x16xf32>,
      }
      %scan3A_174 = arith.constant 4 : i32
    }
    %scan3A_4 = arith.constant 125 : i32
    %mul3A = arith.constant 1280 : i32
    %mul3A_5 = arith.muli %arg0, %mul3A : i32
    %mul3A_6 = arith.constant 80 : i32
    %mul3A_7 = arith.muli %arg1, %mul3A_6 : i32
    %add3A = arith.addi %mul3A_5, %mul3A_7 : i32
    "tpu.region"() ({
      %run_scoped3A = tpu.sem_alloc : memref<!tpu.dma_semaphore, #tpu.memory_space<semaphore_mem>>
      %dma_start3A_169 = arith.constant 0 : i32
      %dma_start3A_170 = tpu.memref_slice %arg3[%add3A, %dma_start3A_169] : memref<2560x125xi32, #tpu.memory_space<hbm>> -> memref<80x125xi32, #tpu.memory_space<hbm>>
      %dma_start3A_171 = arith.constant 0 : i32
      %dma_start3A_172 = tpu.memref_slice %arg3[%add3A, %dma_start3A_171] : memref<2560x125xi32, #tpu.memory_space<hbm>> -> memref<80x125xi32, #tpu.memory_space<hbm>>
      tpu.enqueue_dma source(%dma_start3A_172 : memref<80x125xi32, #tpu.memory_space<hbm>>) target(%arg6 : memref<80x125xi32, #tpu.memory_space<vmem>>) target_semaphore(%run_scoped3A : memref<!tpu.dma_semaphore, #tpu.memory_space<semaphore_mem>>)
      %dma_wait3A_173 = arith.constant 0 : i32
      %dma_wait3A_174 = tpu.memref_slice %arg3[%add3A, %dma_wait3A_173] : memref<2560x125xi32, #tpu.memory_space<hbm>> -> memref<80x125xi32, #tpu.memory_space<hbm>>
      %dma_wait3A_175 = arith.constant 0 : i32
      %dma_wait3A_176 = tpu.memref_slice %arg3[%add3A, %dma_wait3A_175] : memref<2560x125xi32, #tpu.memory_space<hbm>> -> memref<80x125xi32, #tpu.memory_space<hbm>>
      tpu.wait_dma2 semaphore(%run_scoped3A : memref<!tpu.dma_semaphore, #tpu.memory_space<semaphore_mem>>) src(%dma_wait3A_176 : memref<80x125xi32, #tpu.memory_space<hbm>>) dst(%arg6 : memref<80x125xi32, #tpu.memory_space<vmem>>)
      tpu.yield
    }) : () -> ()
    "tpu.region"() ({
      %run_scoped3A = tpu.sem_alloc : memref<!tpu.dma_semaphore, #tpu.memory_space<semaphore_mem>>
      %dma_start3A_169 = arith.constant 0 : i32
      %dma_start3A_170 = tpu.memref_slice %arg4[%add3A, %dma_start3A_169] : memref<2560x125xi32, #tpu.memory_space<hbm>> -> memref<80x125xi32, #tpu.memory_space<hbm>>
      %dma_start3A_171 = arith.constant 0 : i32
      %dma_start3A_172 = tpu.memref_slice %arg4[%add3A, %dma_start3A_171] : memref<2560x125xi32, #tpu.memory_space<hbm>> -> memref<80x125xi32, #tpu.memory_space<hbm>>
      tpu.enqueue_dma source(%dma_start3A_172 : memref<80x125xi32, #tpu.memory_space<hbm>>) target(%arg7 : memref<80x125xi32, #tpu.memory_space<vmem>>) target_semaphore(%run_scoped3A : memref<!tpu.dma_semaphore, #tpu.memory_space<semaphore_mem>>)
      %dma_wait3A_173 = arith.constant 0 : i32
      %dma_wait3A_174 = tpu.memref_slice %arg4[%add3A, %dma_wait3A_173] : memref<2560x125xi32, #tpu.memory_space<hbm>> -> memref<80x125xi32, #tpu.memory_space<hbm>>
      %dma_wait3A_175 = arith.constant 0 : i32
      %dma_wait3A_176 = tpu.memref_slice %arg4[%add3A, %dma_wait3A_175] : memref<2560x125xi32, #tpu.memory_space<hbm>> -> memref<80x125xi32, #tpu.memory_space<hbm>>
      tpu.wait_dma2 semaphore(%run_scoped3A : memref<!tpu.dma_semaphore, #tpu.memory_space<semaphore_mem>>) src(%dma_wait3A_176 : memref<80x125xi32, #tpu.memory_space<hbm>>) dst(%arg7 : memref<80x125xi32, #tpu.memory_space<vmem>>)
      tpu.yield
    }) : () -> ()
    %mul3A_8 = arith.constant 624 : i32
    %mul3A_9 = arith.muli %arg1, %mul3A_8 : i32
    %add3A_10 = arith.constant 0 : i32
    %add3A_11 = arith.addi %mul3A_9, %add3A_10 : i32
    "tpu.region"() ({
      %run_scoped3A = tpu.sem_alloc : memref<!tpu.dma_semaphore, #tpu.memory_space<semaphore_mem>>
      %dma_start3A_169 = arith.constant 0 : i32
      %dma_start3A_170 = tpu.memref_slice %arg11[%add3A_11, %dma_start3A_169] : memref<10000x64xf32, #tpu.memory_space<vmem_shared>> -> memref<125x64xf32, #tpu.memory_space<vmem_shared>>
      %dma_start3A_171 = arith.constant 0 : i32
      %dma_start3A_172 = tpu.memref_slice %arg11[%add3A_11, %dma_start3A_171] : memref<10000x64xf32, #tpu.memory_space<vmem_shared>> -> memref<125x64xf32, #tpu.memory_space<vmem_shared>>
      tpu.enqueue_dma source(%arg8 : memref<125x64xf32, #tpu.memory_space<vmem>>) target(%dma_start3A_172 : memref<125x64xf32, #tpu.memory_space<vmem_shared>>) target_semaphore(%run_scoped3A : memref<!tpu.dma_semaphore, #tpu.memory_space<semaphore_mem>>)
      %dma_wait3A_173 = arith.constant 0 : i32
      %dma_wait3A_174 = tpu.memref_slice %arg11[%add3A_11, %dma_wait3A_173] : memref<10000x64xf32, #tpu.memory_space<vmem_shared>> -> memref<125x64xf32, #tpu.memory_space<vmem_shared>>
      %dma_wait3A_175 = arith.constant 0 : i32
      %dma_wait3A_176 = tpu.memref_slice %arg11[%add3A_11, %dma_wait3A_175] : memref<10000x64xf32, #tpu.memory_space<vmem_shared>> -> memref<125x64xf32, #tpu.memory_space<vmem_shared>>
      tpu.wait_dma2 semaphore(%run_scoped3A : memref<!tpu.dma_semaphore, #tpu.memory_space<semaphore_mem>>) src(%arg8 : memref<125x64xf32, #tpu.memory_space<vmem>>) dst(%dma_wait3A_176 : memref<125x64xf32, #tpu.memory_space<vmem_shared>>)
      tpu.yield
    }) : () -> ()
    %add3A_12 = arith.constant 125 : i32
    %add3A_13 = arith.addi %mul3A_9, %add3A_12 : i32
    "tpu.region"() ({
      %run_scoped3A = tpu.sem_alloc : memref<!tpu.dma_semaphore, #tpu.memory_space<semaphore_mem>>
      %dma_start3A_169 = arith.constant 0 : i32
      %dma_start3A_170 = tpu.memref_slice %arg11[%add3A_13, %dma_start3A_169] : memref<10000x64xf32, #tpu.memory_space<vmem_shared>> -> memref<125x64xf32, #tpu.memory_space<vmem_shared>>
      %dma_start3A_171 = arith.constant 0 : i32
      %dma_start3A_172 = tpu.memref_slice %arg11[%add3A_13, %dma_start3A_171] : memref<10000x64xf32, #tpu.memory_space<vmem_shared>> -> memref<125x64xf32, #tpu.memory_space<vmem_shared>>
      tpu.enqueue_dma source(%arg8 : memref<125x64xf32, #tpu.memory_space<vmem>>) target(%dma_start3A_172 : memref<125x64xf32, #tpu.memory_space<vmem_shared>>) target_semaphore(%run_scoped3A : memref<!tpu.dma_semaphore, #tpu.memory_space<semaphore_mem>>)
      %dma_wait3A_173 = arith.constant 0 : i32
      %dma_wait3A_174 = tpu.memref_slice %arg11[%add3A_13, %dma_wait3A_173] : memref<10000x64xf32, #tpu.memory_space<vmem_shared>> -> memref<125x64xf32, #tpu.memory_space<vmem_shared>>
      %dma_wait3A_175 = arith.constant 0 : i32
      %dma_wait3A_176 = tpu.memref_slice %arg11[%add3A_13, %dma_wait3A_175] : memref<10000x64xf32, #tpu.memory_space<vmem_shared>> -> memref<125x64xf32, #tpu.memory_space<vmem_shared>>
      tpu.wait_dma2 semaphore(%run_scoped3A : memref<!tpu.dma_semaphore, #tpu.memory_space<semaphore_mem>>) src(%arg8 : memref<125x64xf32, #tpu.memory_space<vmem>>) dst(%dma_wait3A_176 : memref<125x64xf32, #tpu.memory_space<vmem_shared>>)
      tpu.yield
    }) : () -> ()
    %add3A_14 = arith.constant 250 : i32
    %add3A_15 = arith.addi %mul3A_9, %add3A_14 : i32
    "tpu.region"() ({
      %run_scoped3A = tpu.sem_alloc : memref<!tpu.dma_semaphore, #tpu.memory_space<semaphore_mem>>
      %dma_start3A_169 = arith.constant 0 : i32
      %dma_start3A_170 = tpu.memref_slice %arg11[%add3A_15, %dma_start3A_169] : memref<10000x64xf32, #tpu.memory_space<vmem_shared>> -> memref<125x64xf32, #tpu.memory_space<vmem_shared>>
      %dma_start3A_171 = arith.constant 0 : i32
      %dma_start3A_172 = tpu.memref_slice %arg11[%add3A_15, %dma_start3A_171] : memref<10000x64xf32, #tpu.memory_space<vmem_shared>> -> memref<125x64xf32, #tpu.memory_space<vmem_shared>>
      tpu.enqueue_dma source(%arg8 : memref<125x64xf32, #tpu.memory_space<vmem>>) target(%dma_start3A_172 : memref<125x64xf32, #tpu.memory_space<vmem_shared>>) target_semaphore(%run_scoped3A : memref<!tpu.dma_semaphore, #tpu.memory_space<semaphore_mem>>)
      %dma_wait3A_173 = arith.constant 0 : i32
      %dma_wait3A_174 = tpu.memref_slice %arg11[%add3A_15, %dma_wait3A_173] : memref<10000x64xf32, #tpu.memory_space<vmem_shared>> -> memref<125x64xf32, #tpu.memory_space<vmem_shared>>
      %dma_wait3A_175 = arith.constant 0 : i32
      %dma_wait3A_176 = tpu.memref_slice %arg11[%add3A_15, %dma_wait3A_175] : memref<10000x64xf32, #tpu.memory_space<vmem_shared>> -> memref<125x64xf32, #tpu.memory_space<vmem_shared>>
      tpu.wait_dma2 semaphore(%run_scoped3A : memref<!tpu.dma_semaphore, #tpu.memory_space<semaphore_mem>>) src(%arg8 : memref<125x64xf32, #tpu.memory_space<vmem>>) dst(%dma_wait3A_176 : memref<125x64xf32, #tpu.memory_space<vmem_shared>>)
      tpu.yield
    }) : () -> ()
    %add3A_16 = arith.constant 375 : i32
    %add3A_17 = arith.addi %mul3A_9, %add3A_16 : i32
    "tpu.region"() ({
      %run_scoped3A = tpu.sem_alloc : memref<!tpu.dma_semaphore, #tpu.memory_space<semaphore_mem>>
      %dma_start3A_169 = arith.constant 0 : i32
      %dma_start3A_170 = tpu.memref_slice %arg11[%add3A_17, %dma_start3A_169] : memref<10000x64xf32, #tpu.memory_space<vmem_shared>> -> memref<125x64xf32, #tpu.memory_space<vmem_shared>>
      %dma_start3A_171 = arith.constant 0 : i32
      %dma_start3A_172 = tpu.memref_slice %arg11[%add3A_17, %dma_start3A_171] : memref<10000x64xf32, #tpu.memory_space<vmem_shared>> -> memref<125x64xf32, #tpu.memory_space<vmem_shared>>
      tpu.enqueue_dma source(%arg8 : memref<125x64xf32, #tpu.memory_space<vmem>>) target(%dma_start3A_172 : memref<125x64xf32, #tpu.memory_space<vmem_shared>>) target_semaphore(%run_scoped3A : memref<!tpu.dma_semaphore, #tpu.memory_space<semaphore_mem>>)
      %dma_wait3A_173 = arith.constant 0 : i32
      %dma_wait3A_174 = tpu.memref_slice %arg11[%add3A_17, %dma_wait3A_173] : memref<10000x64xf32, #tpu.memory_space<vmem_shared>> -> memref<125x64xf32, #tpu.memory_space<vmem_shared>>
      %dma_wait3A_175 = arith.constant 0 : i32
      %dma_wait3A_176 = tpu.memref_slice %arg11[%add3A_17, %dma_wait3A_175] : memref<10000x64xf32, #tpu.memory_space<vmem_shared>> -> memref<125x64xf32, #tpu.memory_space<vmem_shared>>
      tpu.wait_dma2 semaphore(%run_scoped3A : memref<!tpu.dma_semaphore, #tpu.memory_space<semaphore_mem>>) src(%arg8 : memref<125x64xf32, #tpu.memory_space<vmem>>) dst(%dma_wait3A_176 : memref<125x64xf32, #tpu.memory_space<vmem_shared>>)
      tpu.yield
    }) : () -> ()
    %add3A_18 = arith.constant 500 : i32
    %add3A_19 = arith.addi %mul3A_9, %add3A_18 : i32
    "tpu.region"() ({
      %run_scoped3A = tpu.sem_alloc : memref<!tpu.dma_semaphore, #tpu.memory_space<semaphore_mem>>
      %dma_start3A_169 = arith.constant 0 : i32
      %dma_start3A_170 = arith.constant 0 : i32
      %dma_start3A_171 = tpu.memref_slice %arg8[%dma_start3A_169, %dma_start3A_170] : memref<125x64xf32, #tpu.memory_space<vmem>> -> memref<124x64xf32, #tpu.memory_space<vmem>>
      %dma_start3A_172 = arith.constant 0 : i32
      %dma_start3A_173 = tpu.memref_slice %arg11[%add3A_19, %dma_start3A_172] : memref<10000x64xf32, #tpu.memory_space<vmem_shared>> -> memref<124x64xf32, #tpu.memory_space<vmem_shared>>
      %dma_start3A_174 = arith.constant 0 : i32
      %dma_start3A_175 = tpu.memref_slice %arg11[%add3A_19, %dma_start3A_174] : memref<10000x64xf32, #tpu.memory_space<vmem_shared>> -> memref<124x64xf32, #tpu.memory_space<vmem_shared>>
      %dma_start3A_176 = arith.constant 0 : i32
      %dma_start3A_177 = arith.constant 0 : i32
      %dma_start3A_178 = tpu.memref_slice %arg8[%dma_start3A_176, %dma_start3A_177] : memref<125x64xf32, #tpu.memory_space<vmem>> -> memref<124x64xf32, #tpu.memory_space<vmem>>
      tpu.enqueue_dma source(%dma_start3A_178 : memref<124x64xf32, #tpu.memory_space<vmem>>) target(%dma_start3A_175 : memref<124x64xf32, #tpu.memory_space<vmem_shared>>) target_semaphore(%run_scoped3A : memref<!tpu.dma_semaphore, #tpu.memory_space<semaphore_mem>>)
      %dma_wait3A_179 = arith.constant 0 : i32
      %dma_wait3A_180 = arith.constant 0 : i32
      %dma_wait3A_181 = tpu.memref_slice %arg8[%dma_wait3A_179, %dma_wait3A_180] : memref<125x64xf32, #tpu.memory_space<vmem>> -> memref<124x64xf32, #tpu.memory_space<vmem>>
      %dma_wait3A_182 = arith.constant 0 : i32
      %dma_wait3A_183 = tpu.memref_slice %arg11[%add3A_19, %dma_wait3A_182] : memref<10000x64xf32, #tpu.memory_space<vmem_shared>> -> memref<124x64xf32, #tpu.memory_space<vmem_shared>>
      %dma_wait3A_184 = arith.constant 0 : i32
      %dma_wait3A_185 = tpu.memref_slice %arg11[%add3A_19, %dma_wait3A_184] : memref<10000x64xf32, #tpu.memory_space<vmem_shared>> -> memref<124x64xf32, #tpu.memory_space<vmem_shared>>
      %dma_wait3A_186 = arith.constant 0 : i32
      %dma_wait3A_187 = arith.constant 0 : i32
      %dma_wait3A_188 = tpu.memref_slice %arg8[%dma_wait3A_186, %dma_wait3A_187] : memref<125x64xf32, #tpu.memory_space<vmem>> -> memref<124x64xf32, #tpu.memory_space<vmem>>
      tpu.wait_dma2 semaphore(%run_scoped3A : memref<!tpu.dma_semaphore, #tpu.memory_space<semaphore_mem>>) src(%dma_wait3A_188 : memref<124x64xf32, #tpu.memory_space<vmem>>) dst(%dma_wait3A_185 : memref<124x64xf32, #tpu.memory_space<vmem_shared>>)
      tpu.yield
    }) : () -> ()
    "tpu.region"() ({
      %run_scoped3A = tpu.sem_alloc : memref<!tpu.dma_semaphore, #tpu.memory_space<semaphore_mem>>
      %dma_start3A_169 = arith.constant 0 : i32
      %dma_start3A_170 = arith.constant 0 : i32
      %dma_start3A_171 = tpu.memref_slice %arg8[%dma_start3A_169, %dma_start3A_170] : memref<125x64xf32, #tpu.memory_space<vmem>> -> memref<16x64xf32, #tpu.memory_space<vmem>>
      %dma_start3A_172 = arith.constant 9984 : i32
      %dma_start3A_173 = arith.constant 0 : i32
      %dma_start3A_174 = tpu.memref_slice %arg11[%dma_start3A_172, %dma_start3A_173] : memref<10000x64xf32, #tpu.memory_space<vmem_shared>> -> memref<16x64xf32, #tpu.memory_space<vmem_shared>>
      %dma_start3A_175 = arith.constant 9984 : i32
      %dma_start3A_176 = arith.constant 0 : i32
      %dma_start3A_177 = tpu.memref_slice %arg11[%dma_start3A_175, %dma_start3A_176] : memref<10000x64xf32, #tpu.memory_space<vmem_shared>> -> memref<16x64xf32, #tpu.memory_space<vmem_shared>>
      %dma_start3A_178 = arith.constant 0 : i32
      %dma_start3A_179 = arith.constant 0 : i32
      %dma_start3A_180 = tpu.memref_slice %arg8[%dma_start3A_178, %dma_start3A_179] : memref<125x64xf32, #tpu.memory_space<vmem>> -> memref<16x64xf32, #tpu.memory_space<vmem>>
      tpu.enqueue_dma source(%dma_start3A_180 : memref<16x64xf32, #tpu.memory_space<vmem>>) target(%dma_start3A_177 : memref<16x64xf32, #tpu.memory_space<vmem_shared>>) target_semaphore(%run_scoped3A : memref<!tpu.dma_semaphore, #tpu.memory_space<semaphore_mem>>)
      %dma_wait3A_181 = arith.constant 0 : i32
      %dma_wait3A_182 = arith.constant 0 : i32
      %dma_wait3A_183 = tpu.memref_slice %arg8[%dma_wait3A_181, %dma_wait3A_182] : memref<125x64xf32, #tpu.memory_space<vmem>> -> memref<16x64xf32, #tpu.memory_space<vmem>>
      %dma_wait3A_184 = arith.constant 9984 : i32
      %dma_wait3A_185 = arith.constant 0 : i32
      %dma_wait3A_186 = tpu.memref_slice %arg11[%dma_wait3A_184, %dma_wait3A_185] : memref<10000x64xf32, #tpu.memory_space<vmem_shared>> -> memref<16x64xf32, #tpu.memory_space<vmem_shared>>
      %dma_wait3A_187 = arith.constant 9984 : i32
      %dma_wait3A_188 = arith.constant 0 : i32
      %dma_wait3A_189 = tpu.memref_slice %arg11[%dma_wait3A_187, %dma_wait3A_188] : memref<10000x64xf32, #tpu.memory_space<vmem_shared>> -> memref<16x64xf32, #tpu.memory_space<vmem_shared>>
      %dma_wait3A_190 = arith.constant 0 : i32
      %dma_wait3A_191 = arith.constant 0 : i32
      %dma_wait3A_192 = tpu.memref_slice %arg8[%dma_wait3A_190, %dma_wait3A_191] : memref<125x64xf32, #tpu.memory_space<vmem>> -> memref<16x64xf32, #tpu.memory_space<vmem>>
      tpu.wait_dma2 semaphore(%run_scoped3A : memref<!tpu.dma_semaphore, #tpu.memory_space<semaphore_mem>>) src(%dma_wait3A_192 : memref<16x64xf32, #tpu.memory_space<vmem>>) dst(%dma_wait3A_189 : memref<16x64xf32, #tpu.memory_space<vmem_shared>>)
      tpu.yield
    }) : () -> ()
    %barrier3A = arith.constant 0 : index
    tpu.barrier barrier_id(%barrier3A)
    %dma_start3A = arith.constant 0 : i32
    %dma_start3A_20 = arith.constant 0 : i32
    %dma_start3A_21 = tpu.memref_slice %arg6[%dma_start3A, %dma_start3A_20] : memref<80x125xi32, #tpu.memory_space<vmem>> -> memref<1x125xi32, #tpu.memory_space<vmem>>
    %dma_start3A_22 = tpu.memref_squeeze %dma_start3A_21 : memref<1x125xi32, #tpu.memory_space<vmem>> -> memref<125xi32, #tpu.memory_space<vmem>>
    %dma_start3A_23 = arith.constant 0 : i32
    %dma_start3A_24 = arith.constant 0 : i32
    %dma_start3A_25 = tpu.memref_slice %arg2[%dma_start3A_23, %dma_start3A_24] : memref<10000x64xf32, #tpu.memory_space<hbm>> -> memref<10000x64xf32, #tpu.memory_space<hbm>>
    tpu.enqueue_indirect_dma source(%dma_start3A_25 : memref<10000x64xf32, #tpu.memory_space<hbm>>) target(%arg8 : memref<125x64xf32, #tpu.memory_space<vmem>>) offsets(%dma_start3A_22 : memref<125xi32, #tpu.memory_space<vmem>>) semaphore(%arg12 : memref<!tpu.dma_semaphore, #tpu.memory_space<semaphore_mem>>)
    %dma_start3A_26 = arith.constant 1 : i32
    %dma_start3A_27 = arith.constant 0 : i32
    %dma_start3A_28 = tpu.memref_slice %arg6[%dma_start3A_26, %dma_start3A_27] : memref<80x125xi32, #tpu.memory_space<vmem>> -> memref<1x125xi32, #tpu.memory_space<vmem>>
    %dma_start3A_29 = tpu.memref_squeeze %dma_start3A_28 : memref<1x125xi32, #tpu.memory_space<vmem>> -> memref<125xi32, #tpu.memory_space<vmem>>
    %dma_start3A_30 = arith.constant 0 : i32
    %dma_start3A_31 = arith.constant 0 : i32
    %dma_start3A_32 = tpu.memref_slice %arg2[%dma_start3A_30, %dma_start3A_31] : memref<10000x64xf32, #tpu.memory_space<hbm>> -> memref<10000x64xf32, #tpu.memory_space<hbm>>
    tpu.enqueue_indirect_dma source(%dma_start3A_32 : memref<10000x64xf32, #tpu.memory_space<hbm>>) target(%arg9 : memref<125x64xf32, #tpu.memory_space<vmem>>) offsets(%dma_start3A_29 : memref<125xi32, #tpu.memory_space<vmem>>) semaphore(%arg13 : memref<!tpu.dma_semaphore, #tpu.memory_space<semaphore_mem>>)
    %dma_wait3A = arith.constant 0 : i32
    %dma_wait3A_33 = arith.constant 0 : i32
    %dma_wait3A_34 = tpu.memref_slice %arg6[%dma_wait3A, %dma_wait3A_33] : memref<80x125xi32, #tpu.memory_space<vmem>> -> memref<1x125xi32, #tpu.memory_space<vmem>>
    %dma_wait3A_35 = tpu.memref_squeeze %dma_wait3A_34 : memref<1x125xi32, #tpu.memory_space<vmem>> -> memref<125xi32, #tpu.memory_space<vmem>>
    %dma_wait3A_36 = arith.constant 0 : i32
    %dma_wait3A_37 = arith.constant 0 : i32
    %dma_wait3A_38 = tpu.memref_slice %arg2[%dma_wait3A_36, %dma_wait3A_37] : memref<10000x64xf32, #tpu.memory_space<hbm>> -> memref<10000x64xf32, #tpu.memory_space<hbm>>
    tpu.wait_indirect_dma semaphore(%arg12 : memref<!tpu.dma_semaphore, #tpu.memory_space<semaphore_mem>>) src(%dma_wait3A_38 : memref<10000x64xf32, #tpu.memory_space<hbm>>) dst(%arg8 : memref<125x64xf32, #tpu.memory_space<vmem>>)
    %dma_start3A_39 = arith.constant 0 : i32
    %dma_start3A_40 = arith.constant 0 : i32
    %dma_start3A_41 = tpu.memref_slice %arg7[%dma_start3A_39, %dma_start3A_40] : memref<80x125xi32, #tpu.memory_space<vmem>> -> memref<1x125xi32, #tpu.memory_space<vmem>>
    %dma_start3A_42 = tpu.memref_squeeze %dma_start3A_41 : memref<1x125xi32, #tpu.memory_space<vmem>> -> memref<125xi32, #tpu.memory_space<vmem>>
    %dma_start3A_43 = arith.constant 0 : i32
    %dma_start3A_44 = arith.constant 0 : i32
    %dma_start3A_45 = tpu.memref_slice %arg11[%dma_start3A_43, %dma_start3A_44] : memref<10000x64xf32, #tpu.memory_space<vmem_shared>> -> memref<10000x64xf32, #tpu.memory_space<vmem_shared>>
    tpu.enqueue_indirect_dma source(%arg8 : memref<125x64xf32, #tpu.memory_space<vmem>>) target(%dma_start3A_45 : memref<10000x64xf32, #tpu.memory_space<vmem_shared>>) offsets(%dma_start3A_42 : memref<125xi32, #tpu.memory_space<vmem>>) semaphore(%arg15 : memref<!tpu.dma_semaphore, #tpu.memory_space<semaphore_mem>>) {add = true}
    %dma_start3A_46 = arith.constant 2 : i32
    %dma_start3A_47 = arith.constant 0 : i32
    %dma_start3A_48 = tpu.memref_slice %arg6[%dma_start3A_46, %dma_start3A_47] : memref<80x125xi32, #tpu.memory_space<vmem>> -> memref<1x125xi32, #tpu.memory_space<vmem>>
    %dma_start3A_49 = tpu.memref_squeeze %dma_start3A_48 : memref<1x125xi32, #tpu.memory_space<vmem>> -> memref<125xi32, #tpu.memory_space<vmem>>
    %dma_start3A_50 = arith.constant 0 : i32
    %dma_start3A_51 = arith.constant 0 : i32
    %dma_start3A_52 = tpu.memref_slice %arg2[%dma_start3A_50, %dma_start3A_51] : memref<10000x64xf32, #tpu.memory_space<hbm>> -> memref<10000x64xf32, #tpu.memory_space<hbm>>
    tpu.enqueue_indirect_dma source(%dma_start3A_52 : memref<10000x64xf32, #tpu.memory_space<hbm>>) target(%arg10 : memref<125x64xf32, #tpu.memory_space<vmem>>) offsets(%dma_start3A_49 : memref<125xi32, #tpu.memory_space<vmem>>) semaphore(%arg14 : memref<!tpu.dma_semaphore, #tpu.memory_space<semaphore_mem>>)
    %dma_wait3A_53 = arith.constant 1 : i32
    %dma_wait3A_54 = arith.constant 0 : i32
    %dma_wait3A_55 = tpu.memref_slice %arg6[%dma_wait3A_53, %dma_wait3A_54] : memref<80x125xi32, #tpu.memory_space<vmem>> -> memref<1x125xi32, #tpu.memory_space<vmem>>
    %dma_wait3A_56 = tpu.memref_squeeze %dma_wait3A_55 : memref<1x125xi32, #tpu.memory_space<vmem>> -> memref<125xi32, #tpu.memory_space<vmem>>
    %dma_wait3A_57 = arith.constant 0 : i32
    %dma_wait3A_58 = arith.constant 0 : i32
    %dma_wait3A_59 = tpu.memref_slice %arg2[%dma_wait3A_57, %dma_wait3A_58] : memref<10000x64xf32, #tpu.memory_space<hbm>> -> memref<10000x64xf32, #tpu.memory_space<hbm>>
    tpu.wait_indirect_dma semaphore(%arg13 : memref<!tpu.dma_semaphore, #tpu.memory_space<semaphore_mem>>) src(%dma_wait3A_59 : memref<10000x64xf32, #tpu.memory_space<hbm>>) dst(%arg9 : memref<125x64xf32, #tpu.memory_space<vmem>>)
    %dma_start3A_60 = arith.constant 1 : i32
    %dma_start3A_61 = arith.constant 0 : i32
    %dma_start3A_62 = tpu.memref_slice %arg7[%dma_start3A_60, %dma_start3A_61] : memref<80x125xi32, #tpu.memory_space<vmem>> -> memref<1x125xi32, #tpu.memory_space<vmem>>
    %dma_start3A_63 = tpu.memref_squeeze %dma_start3A_62 : memref<1x125xi32, #tpu.memory_space<vmem>> -> memref<125xi32, #tpu.memory_space<vmem>>
    %dma_start3A_64 = arith.constant 0 : i32
    %dma_start3A_65 = arith.constant 0 : i32
    %dma_start3A_66 = tpu.memref_slice %arg11[%dma_start3A_64, %dma_start3A_65] : memref<10000x64xf32, #tpu.memory_space<vmem_shared>> -> memref<10000x64xf32, #tpu.memory_space<vmem_shared>>
    tpu.enqueue_indirect_dma source(%arg9 : memref<125x64xf32, #tpu.memory_space<vmem>>) target(%dma_start3A_66 : memref<10000x64xf32, #tpu.memory_space<vmem_shared>>) offsets(%dma_start3A_63 : memref<125xi32, #tpu.memory_space<vmem>>) semaphore(%arg16 : memref<!tpu.dma_semaphore, #tpu.memory_space<semaphore_mem>>) {add = true}
    %dma_wait3A_67 = arith.constant 0 : i32
    %dma_wait3A_68 = arith.constant 0 : i32
    %dma_wait3A_69 = tpu.memref_slice %arg7[%dma_wait3A_67, %dma_wait3A_68] : memref<80x125xi32, #tpu.memory_space<vmem>> -> memref<1x125xi32, #tpu.memory_space<vmem>>
    %dma_wait3A_70 = tpu.memref_squeeze %dma_wait3A_69 : memref<1x125xi32, #tpu.memory_space<vmem>> -> memref<125xi32, #tpu.memory_space<vmem>>
    %dma_wait3A_71 = arith.constant 0 : i32
    %dma_wait3A_72 = arith.constant 0 : i32
    %dma_wait3A_73 = tpu.memref_slice %arg11[%dma_wait3A_71, %dma_wait3A_72] : memref<10000x64xf32, #tpu.memory_space<vmem_shared>> -> memref<10000x64xf32, #tpu.memory_space<vmem_shared>>
    tpu.wait_indirect_dma semaphore(%arg15 : memref<!tpu.dma_semaphore, #tpu.memory_space<semaphore_mem>>) src(%arg8 : memref<125x64xf32, #tpu.memory_space<vmem>>) dst(%dma_wait3A_73 : memref<10000x64xf32, #tpu.memory_space<vmem_shared>>)
    %dma_start3A_74 = arith.constant 3 : i32
    %dma_start3A_75 = arith.constant 0 : i32
    %dma_start3A_76 = tpu.memref_slice %arg6[%dma_start3A_74, %dma_start3A_75] : memref<80x125xi32, #tpu.memory_space<vmem>> -> memref<1x125xi32, #tpu.memory_space<vmem>>
    %dma_start3A_77 = tpu.memref_squeeze %dma_start3A_76 : memref<1x125xi32, #tpu.memory_space<vmem>> -> memref<125xi32, #tpu.memory_space<vmem>>
    %dma_start3A_78 = arith.constant 0 : i32
    %dma_start3A_79 = arith.constant 0 : i32
    %dma_start3A_80 = tpu.memref_slice %arg2[%dma_start3A_78, %dma_start3A_79] : memref<10000x64xf32, #tpu.memory_space<hbm>> -> memref<10000x64xf32, #tpu.memory_space<hbm>>
    tpu.enqueue_indirect_dma source(%dma_start3A_80 : memref<10000x64xf32, #tpu.memory_space<hbm>>) target(%arg8 : memref<125x64xf32, #tpu.memory_space<vmem>>) offsets(%dma_start3A_77 : memref<125xi32, #tpu.memory_space<vmem>>) semaphore(%arg12 : memref<!tpu.dma_semaphore, #tpu.memory_space<semaphore_mem>>)
    %dma_wait3A_81 = arith.constant 2 : i32
    %dma_wait3A_82 = arith.constant 0 : i32
    %dma_wait3A_83 = tpu.memref_slice %arg6[%dma_wait3A_81, %dma_wait3A_82] : memref<80x125xi32, #tpu.memory_space<vmem>> -> memref<1x125xi32, #tpu.memory_space<vmem>>
    %dma_wait3A_84 = tpu.memref_squeeze %dma_wait3A_83 : memref<1x125xi32, #tpu.memory_space<vmem>> -> memref<125xi32, #tpu.memory_space<vmem>>
    %dma_wait3A_85 = arith.constant 0 : i32
    %dma_wait3A_86 = arith.constant 0 : i32
    %dma_wait3A_87 = tpu.memref_slice %arg2[%dma_wait3A_85, %dma_wait3A_86] : memref<10000x64xf32, #tpu.memory_space<hbm>> -> memref<10000x64xf32, #tpu.memory_space<hbm>>
    tpu.wait_indirect_dma semaphore(%arg14 : memref<!tpu.dma_semaphore, #tpu.memory_space<semaphore_mem>>) src(%dma_wait3A_87 : memref<10000x64xf32, #tpu.memory_space<hbm>>) dst(%arg10 : memref<125x64xf32, #tpu.memory_space<vmem>>)
    %dma_start3A_88 = arith.constant 2 : i32
    %dma_start3A_89 = arith.constant 0 : i32
    %dma_start3A_90 = tpu.memref_slice %arg7[%dma_start3A_88, %dma_start3A_89] : memref<80x125xi32, #tpu.memory_space<vmem>> -> memref<1x125xi32, #tpu.memory_space<vmem>>
    %dma_start3A_91 = tpu.memref_squeeze %dma_start3A_90 : memref<1x125xi32, #tpu.memory_space<vmem>> -> memref<125xi32, #tpu.memory_space<vmem>>
    %dma_start3A_92 = arith.constant 0 : i32
    %dma_start3A_93 = arith.constant 0 : i32
    %dma_start3A_94 = tpu.memref_slice %arg11[%dma_start3A_92, %dma_start3A_93] : memref<10000x64xf32, #tpu.memory_space<vmem_shared>> -> memref<10000x64xf32, #tpu.memory_space<vmem_shared>>
    tpu.enqueue_indirect_dma source(%arg10 : memref<125x64xf32, #tpu.memory_space<vmem>>) target(%dma_start3A_94 : memref<10000x64xf32, #tpu.memory_space<vmem_shared>>) offsets(%dma_start3A_91 : memref<125xi32, #tpu.memory_space<vmem>>) semaphore(%arg17 : memref<!tpu.dma_semaphore, #tpu.memory_space<semaphore_mem>>) {add = true}
    %dma_wait3A_95 = arith.constant 1 : i32
    %dma_wait3A_96 = arith.constant 0 : i32
    %dma_wait3A_97 = tpu.memref_slice %arg7[%dma_wait3A_95, %dma_wait3A_96] : memref<80x125xi32, #tpu.memory_space<vmem>> -> memref<1x125xi32, #tpu.memory_space<vmem>>
    %dma_wait3A_98 = tpu.memref_squeeze %dma_wait3A_97 : memref<1x125xi32, #tpu.memory_space<vmem>> -> memref<125xi32, #tpu.memory_space<vmem>>
    %dma_wait3A_99 = arith.constant 0 : i32
    %dma_wait3A_100 = arith.constant 0 : i32
    %dma_wait3A_101 = tpu.memref_slice %arg11[%dma_wait3A_99, %dma_wait3A_100] : memref<10000x64xf32, #tpu.memory_space<vmem_shared>> -> memref<10000x64xf32, #tpu.memory_space<vmem_shared>>
    tpu.wait_indirect_dma semaphore(%arg16 : memref<!tpu.dma_semaphore, #tpu.memory_space<semaphore_mem>>) src(%arg9 : memref<125x64xf32, #tpu.memory_space<vmem>>) dst(%dma_wait3A_101 : memref<10000x64xf32, #tpu.memory_space<vmem_shared>>)
    %dma_start3A_102 = arith.constant 4 : i32
    %dma_start3A_103 = arith.constant 0 : i32
    %dma_start3A_104 = tpu.memref_slice %arg6[%dma_start3A_102, %dma_start3A_103] : memref<80x125xi32, #tpu.memory_space<vmem>> -> memref<1x125xi32, #tpu.memory_space<vmem>>
    %dma_start3A_105 = tpu.memref_squeeze %dma_start3A_104 : memref<1x125xi32, #tpu.memory_space<vmem>> -> memref<125xi32, #tpu.memory_space<vmem>>
    %dma_start3A_106 = arith.constant 0 : i32
    %dma_start3A_107 = arith.constant 0 : i32
    %dma_start3A_108 = tpu.memref_slice %arg2[%dma_start3A_106, %dma_start3A_107] : memref<10000x64xf32, #tpu.memory_space<hbm>> -> memref<10000x64xf32, #tpu.memory_space<hbm>>
    tpu.enqueue_indirect_dma source(%dma_start3A_108 : memref<10000x64xf32, #tpu.memory_space<hbm>>) target(%arg9 : memref<125x64xf32, #tpu.memory_space<vmem>>) offsets(%dma_start3A_105 : memref<125xi32, #tpu.memory_space<vmem>>) semaphore(%arg13 : memref<!tpu.dma_semaphore, #tpu.memory_space<semaphore_mem>>)
    %scan3A_109 = arith.constant 0 : i32
    %scan3A_110 = arith.constant 1 : i32
    %scan3A_111 = arith.constant 25 : i32
    %scan3A_112 = arith.addi %scan3A_110, %scan3A_111 : i32
    %scan3A_113 = arith.constant 1 : i32
    scf.for %scan3A_169 = %scan3A_110 to %scan3A_112 step %scan3A_113  : i32 {
      %mul3A_170 = arith.constant 3 : i32
      %mul3A_171 = arith.muli %scan3A_169, %mul3A_170 : i32
      %add3A_172 = arith.constant 0 : i32
      %add3A_173 = arith.addi %mul3A_171, %add3A_172 : i32
      %dma_wait3A_174 = arith.constant 0 : i32
      %dma_wait3A_175 = tpu.memref_slice %arg6[%add3A_173, %dma_wait3A_174] : memref<80x125xi32, #tpu.memory_space<vmem>> -> memref<1x125xi32, #tpu.memory_space<vmem>>
      %dma_wait3A_176 = tpu.memref_squeeze %dma_wait3A_175 : memref<1x125xi32, #tpu.memory_space<vmem>> -> memref<125xi32, #tpu.memory_space<vmem>>
      %dma_wait3A_177 = arith.constant 0 : i32
      %dma_wait3A_178 = arith.constant 0 : i32
      %dma_wait3A_179 = tpu.memref_slice %arg2[%dma_wait3A_177, %dma_wait3A_178] : memref<10000x64xf32, #tpu.memory_space<hbm>> -> memref<10000x64xf32, #tpu.memory_space<hbm>>
      tpu.wait_indirect_dma semaphore(%arg12 : memref<!tpu.dma_semaphore, #tpu.memory_space<semaphore_mem>>) src(%dma_wait3A_179 : memref<10000x64xf32, #tpu.memory_space<hbm>>) dst(%arg8 : memref<125x64xf32, #tpu.memory_space<vmem>>)
      %dma_start3A_180 = arith.constant 0 : i32
      %dma_start3A_181 = tpu.memref_slice %arg7[%add3A_173, %dma_start3A_180] : memref<80x125xi32, #tpu.memory_space<vmem>> -> memref<1x125xi32, #tpu.memory_space<vmem>>
      %dma_start3A_182 = tpu.memref_squeeze %dma_start3A_181 : memref<1x125xi32, #tpu.memory_space<vmem>> -> memref<125xi32, #tpu.memory_space<vmem>>
      %dma_start3A_183 = arith.constant 0 : i32
      %dma_start3A_184 = arith.constant 0 : i32
      %dma_start3A_185 = tpu.memref_slice %arg11[%dma_start3A_183, %dma_start3A_184] : memref<10000x64xf32, #tpu.memory_space<vmem_shared>> -> memref<10000x64xf32, #tpu.memory_space<vmem_shared>>
      tpu.enqueue_indirect_dma source(%arg8 : memref<125x64xf32, #tpu.memory_space<vmem>>) target(%dma_start3A_185 : memref<10000x64xf32, #tpu.memory_space<vmem_shared>>) offsets(%dma_start3A_182 : memref<125xi32, #tpu.memory_space<vmem>>) semaphore(%arg15 : memref<!tpu.dma_semaphore, #tpu.memory_space<semaphore_mem>>) {add = true}
      %sub3A = arith.constant 1 : i32
      %sub3A_186 = arith.subi %add3A_173, %sub3A : i32
      %dma_wait3A_187 = arith.constant 0 : i32
      %dma_wait3A_188 = tpu.memref_slice %arg7[%sub3A_186, %dma_wait3A_187] : memref<80x125xi32, #tpu.memory_space<vmem>> -> memref<1x125xi32, #tpu.memory_space<vmem>>
      %dma_wait3A_189 = tpu.memref_squeeze %dma_wait3A_188 : memref<1x125xi32, #tpu.memory_space<vmem>> -> memref<125xi32, #tpu.memory_space<vmem>>
      %dma_wait3A_190 = arith.constant 0 : i32
      %dma_wait3A_191 = arith.constant 0 : i32
      %dma_wait3A_192 = tpu.memref_slice %arg11[%dma_wait3A_190, %dma_wait3A_191] : memref<10000x64xf32, #tpu.memory_space<vmem_shared>> -> memref<10000x64xf32, #tpu.memory_space<vmem_shared>>
      tpu.wait_indirect_dma semaphore(%arg17 : memref<!tpu.dma_semaphore, #tpu.memory_space<semaphore_mem>>) src(%arg10 : memref<125x64xf32, #tpu.memory_space<vmem>>) dst(%dma_wait3A_192 : memref<10000x64xf32, #tpu.memory_space<vmem_shared>>)
      %add3A_193 = arith.constant 2 : i32
      %add3A_194 = arith.addi %add3A_173, %add3A_193 : i32
      %dma_start3A_195 = arith.constant 0 : i32
      %dma_start3A_196 = tpu.memref_slice %arg6[%add3A_194, %dma_start3A_195] : memref<80x125xi32, #tpu.memory_space<vmem>> -> memref<1x125xi32, #tpu.memory_space<vmem>>
      %dma_start3A_197 = tpu.memref_squeeze %dma_start3A_196 : memref<1x125xi32, #tpu.memory_space<vmem>> -> memref<125xi32, #tpu.memory_space<vmem>>
      %dma_start3A_198 = arith.constant 0 : i32
      %dma_start3A_199 = arith.constant 0 : i32
      %dma_start3A_200 = tpu.memref_slice %arg2[%dma_start3A_198, %dma_start3A_199] : memref<10000x64xf32, #tpu.memory_space<hbm>> -> memref<10000x64xf32, #tpu.memory_space<hbm>>
      tpu.enqueue_indirect_dma source(%dma_start3A_200 : memref<10000x64xf32, #tpu.memory_space<hbm>>) target(%arg10 : memref<125x64xf32, #tpu.memory_space<vmem>>) offsets(%dma_start3A_197 : memref<125xi32, #tpu.memory_space<vmem>>) semaphore(%arg14 : memref<!tpu.dma_semaphore, #tpu.memory_space<semaphore_mem>>)
      %mul3A_201 = arith.constant 3 : i32
      %mul3A_202 = arith.muli %scan3A_169, %mul3A_201 : i32
      %add3A_203 = arith.constant 1 : i32
      %add3A_204 = arith.addi %mul3A_202, %add3A_203 : i32
      %dma_wait3A_205 = arith.constant 0 : i32
      %dma_wait3A_206 = tpu.memref_slice %arg6[%add3A_204, %dma_wait3A_205] : memref<80x125xi32, #tpu.memory_space<vmem>> -> memref<1x125xi32, #tpu.memory_space<vmem>>
      %dma_wait3A_207 = tpu.memref_squeeze %dma_wait3A_206 : memref<1x125xi32, #tpu.memory_space<vmem>> -> memref<125xi32, #tpu.memory_space<vmem>>
      %dma_wait3A_208 = arith.constant 0 : i32
      %dma_wait3A_209 = arith.constant 0 : i32
      %dma_wait3A_210 = tpu.memref_slice %arg2[%dma_wait3A_208, %dma_wait3A_209] : memref<10000x64xf32, #tpu.memory_space<hbm>> -> memref<10000x64xf32, #tpu.memory_space<hbm>>
      tpu.wait_indirect_dma semaphore(%arg13 : memref<!tpu.dma_semaphore, #tpu.memory_space<semaphore_mem>>) src(%dma_wait3A_210 : memref<10000x64xf32, #tpu.memory_space<hbm>>) dst(%arg9 : memref<125x64xf32, #tpu.memory_space<vmem>>)
      %dma_start3A_211 = arith.constant 0 : i32
      %dma_start3A_212 = tpu.memref_slice %arg7[%add3A_204, %dma_start3A_211] : memref<80x125xi32, #tpu.memory_space<vmem>> -> memref<1x125xi32, #tpu.memory_space<vmem>>
      %dma_start3A_213 = tpu.memref_squeeze %dma_start3A_212 : memref<1x125xi32, #tpu.memory_space<vmem>> -> memref<125xi32, #tpu.memory_space<vmem>>
      %dma_start3A_214 = arith.constant 0 : i32
      %dma_start3A_215 = arith.constant 0 : i32
      %dma_start3A_216 = tpu.memref_slice %arg11[%dma_start3A_214, %dma_start3A_215] : memref<10000x64xf32, #tpu.memory_space<vmem_shared>> -> memref<10000x64xf32, #tpu.memory_space<vmem_shared>>
      tpu.enqueue_indirect_dma source(%arg9 : memref<125x64xf32, #tpu.memory_space<vmem>>) target(%dma_start3A_216 : memref<10000x64xf32, #tpu.memory_space<vmem_shared>>) offsets(%dma_start3A_213 : memref<125xi32, #tpu.memory_space<vmem>>) semaphore(%arg16 : memref<!tpu.dma_semaphore, #tpu.memory_space<semaphore_mem>>) {add = true}
      %sub3A_217 = arith.constant 1 : i32
      %sub3A_218 = arith.subi %add3A_204, %sub3A_217 : i32
      %dma_wait3A_219 = arith.constant 0 : i32
      %dma_wait3A_220 = tpu.memref_slice %arg7[%sub3A_218, %dma_wait3A_219] : memref<80x125xi32, #tpu.memory_space<vmem>> -> memref<1x125xi32, #tpu.memory_space<vmem>>
      %dma_wait3A_221 = tpu.memref_squeeze %dma_wait3A_220 : memref<1x125xi32, #tpu.memory_space<vmem>> -> memref<125xi32, #tpu.memory_space<vmem>>
      %dma_wait3A_222 = arith.constant 0 : i32
      %dma_wait3A_223 = arith.constant 0 : i32
      %dma_wait3A_224 = tpu.memref_slice %arg11[%dma_wait3A_222, %dma_wait3A_223] : memref<10000x64xf32, #tpu.memory_space<vmem_shared>> -> memref<10000x64xf32, #tpu.memory_space<vmem_shared>>
      tpu.wait_indirect_dma semaphore(%arg15 : memref<!tpu.dma_semaphore, #tpu.memory_space<semaphore_mem>>) src(%arg8 : memref<125x64xf32, #tpu.memory_space<vmem>>) dst(%dma_wait3A_224 : memref<10000x64xf32, #tpu.memory_space<vmem_shared>>)
      %add3A_225 = arith.constant 2 : i32
      %add3A_226 = arith.addi %add3A_204, %add3A_225 : i32
      %dma_start3A_227 = arith.constant 0 : i32
      %dma_start3A_228 = tpu.memref_slice %arg6[%add3A_226, %dma_start3A_227] : memref<80x125xi32, #tpu.memory_space<vmem>> -> memref<1x125xi32, #tpu.memory_space<vmem>>
      %dma_start3A_229 = tpu.memref_squeeze %dma_start3A_228 : memref<1x125xi32, #tpu.memory_space<vmem>> -> memref<125xi32, #tpu.memory_space<vmem>>
      %dma_start3A_230 = arith.constant 0 : i32
      %dma_start3A_231 = arith.constant 0 : i32
      %dma_start3A_232 = tpu.memref_slice %arg2[%dma_start3A_230, %dma_start3A_231] : memref<10000x64xf32, #tpu.memory_space<hbm>> -> memref<10000x64xf32, #tpu.memory_space<hbm>>
      tpu.enqueue_indirect_dma source(%dma_start3A_232 : memref<10000x64xf32, #tpu.memory_space<hbm>>) target(%arg8 : memref<125x64xf32, #tpu.memory_space<vmem>>) offsets(%dma_start3A_229 : memref<125xi32, #tpu.memory_space<vmem>>) semaphore(%arg12 : memref<!tpu.dma_semaphore, #tpu.memory_space<semaphore_mem>>)
      %mul3A_233 = arith.constant 3 : i32
      %mul3A_234 = arith.muli %scan3A_169, %mul3A_233 : i32
      %add3A_235 = arith.constant 2 : i32
      %add3A_236 = arith.addi %mul3A_234, %add3A_235 : i32
      %dma_wait3A_237 = arith.constant 0 : i32
      %dma_wait3A_238 = tpu.memref_slice %arg6[%add3A_236, %dma_wait3A_237] : memref<80x125xi32, #tpu.memory_space<vmem>> -> memref<1x125xi32, #tpu.memory_space<vmem>>
      %dma_wait3A_239 = tpu.memref_squeeze %dma_wait3A_238 : memref<1x125xi32, #tpu.memory_space<vmem>> -> memref<125xi32, #tpu.memory_space<vmem>>
      %dma_wait3A_240 = arith.constant 0 : i32
      %dma_wait3A_241 = arith.constant 0 : i32
      %dma_wait3A_242 = tpu.memref_slice %arg2[%dma_wait3A_240, %dma_wait3A_241] : memref<10000x64xf32, #tpu.memory_space<hbm>> -> memref<10000x64xf32, #tpu.memory_space<hbm>>
      tpu.wait_indirect_dma semaphore(%arg14 : memref<!tpu.dma_semaphore, #tpu.memory_space<semaphore_mem>>) src(%dma_wait3A_242 : memref<10000x64xf32, #tpu.memory_space<hbm>>) dst(%arg10 : memref<125x64xf32, #tpu.memory_space<vmem>>)
      %dma_start3A_243 = arith.constant 0 : i32
      %dma_start3A_244 = tpu.memref_slice %arg7[%add3A_236, %dma_start3A_243] : memref<80x125xi32, #tpu.memory_space<vmem>> -> memref<1x125xi32, #tpu.memory_space<vmem>>
      %dma_start3A_245 = tpu.memref_squeeze %dma_start3A_244 : memref<1x125xi32, #tpu.memory_space<vmem>> -> memref<125xi32, #tpu.memory_space<vmem>>
      %dma_start3A_246 = arith.constant 0 : i32
      %dma_start3A_247 = arith.constant 0 : i32
      %dma_start3A_248 = tpu.memref_slice %arg11[%dma_start3A_246, %dma_start3A_247] : memref<10000x64xf32, #tpu.memory_space<vmem_shared>> -> memref<10000x64xf32, #tpu.memory_space<vmem_shared>>
      tpu.enqueue_indirect_dma source(%arg10 : memref<125x64xf32, #tpu.memory_space<vmem>>) target(%dma_start3A_248 : memref<10000x64xf32, #tpu.memory_space<vmem_shared>>) offsets(%dma_start3A_245 : memref<125xi32, #tpu.memory_space<vmem>>) semaphore(%arg17 : memref<!tpu.dma_semaphore, #tpu.memory_space<semaphore_mem>>) {add = true}
      %sub3A_249 = arith.constant 1 : i32
      %sub3A_250 = arith.subi %add3A_236, %sub3A_249 : i32
      %dma_wait3A_251 = arith.constant 0 : i32
      %dma_wait3A_252 = tpu.memref_slice %arg7[%sub3A_250, %dma_wait3A_251] : memref<80x125xi32, #tpu.memory_space<vmem>> -> memref<1x125xi32, #tpu.memory_space<vmem>>
      %dma_wait3A_253 = tpu.memref_squeeze %dma_wait3A_252 : memref<1x125xi32, #tpu.memory_space<vmem>> -> memref<125xi32, #tpu.memory_space<vmem>>
      %dma_wait3A_254 = arith.constant 0 : i32
      %dma_wait3A_255 = arith.constant 0 : i32
      %dma_wait3A_256 = tpu.memref_slice %arg11[%dma_wait3A_254, %dma_wait3A_255] : memref<10000x64xf32, #tpu.memory_space<vmem_shared>> -> memref<10000x64xf32, #tpu.memory_space<vmem_shared>>
      tpu.wait_indirect_dma semaphore(%arg16 : memref<!tpu.dma_semaphore, #tpu.memory_space<semaphore_mem>>) src(%arg9 : memref<125x64xf32, #tpu.memory_space<vmem>>) dst(%dma_wait3A_256 : memref<10000x64xf32, #tpu.memory_space<vmem_shared>>)
      %add3A_257 = arith.constant 2 : i32
      %add3A_258 = arith.addi %add3A_236, %add3A_257 : i32
      %dma_start3A_259 = arith.constant 0 : i32
      %dma_start3A_260 = tpu.memref_slice %arg6[%add3A_258, %dma_start3A_259] : memref<80x125xi32, #tpu.memory_space<vmem>> -> memref<1x125xi32, #tpu.memory_space<vmem>>
      %dma_start3A_261 = tpu.memref_squeeze %dma_start3A_260 : memref<1x125xi32, #tpu.memory_space<vmem>> -> memref<125xi32, #tpu.memory_space<vmem>>
      %dma_start3A_262 = arith.constant 0 : i32
      %dma_start3A_263 = arith.constant 0 : i32
      %dma_start3A_264 = tpu.memref_slice %arg2[%dma_start3A_262, %dma_start3A_263] : memref<10000x64xf32, #tpu.memory_space<hbm>> -> memref<10000x64xf32, #tpu.memory_space<hbm>>
      tpu.enqueue_indirect_dma source(%dma_start3A_264 : memref<10000x64xf32, #tpu.memory_space<hbm>>) target(%arg9 : memref<125x64xf32, #tpu.memory_space<vmem>>) offsets(%dma_start3A_261 : memref<125xi32, #tpu.memory_space<vmem>>) semaphore(%arg13 : memref<!tpu.dma_semaphore, #tpu.memory_space<semaphore_mem>>)
    }
    %scan3A_114 = arith.constant 25 : i32
    %dma_wait3A_115 = arith.constant 78 : i32
    %dma_wait3A_116 = arith.constant 0 : i32
    %dma_wait3A_117 = tpu.memref_slice %arg6[%dma_wait3A_115, %dma_wait3A_116] : memref<80x125xi32, #tpu.memory_space<vmem>> -> memref<1x125xi32, #tpu.memory_space<vmem>>
    %dma_wait3A_118 = tpu.memref_squeeze %dma_wait3A_117 : memref<1x125xi32, #tpu.memory_space<vmem>> -> memref<125xi32, #tpu.memory_space<vmem>>
    %dma_wait3A_119 = arith.constant 0 : i32
    %dma_wait3A_120 = arith.constant 0 : i32
    %dma_wait3A_121 = tpu.memref_slice %arg2[%dma_wait3A_119, %dma_wait3A_120] : memref<10000x64xf32, #tpu.memory_space<hbm>> -> memref<10000x64xf32, #tpu.memory_space<hbm>>
    tpu.wait_indirect_dma semaphore(%arg12 : memref<!tpu.dma_semaphore, #tpu.memory_space<semaphore_mem>>) src(%dma_wait3A_121 : memref<10000x64xf32, #tpu.memory_space<hbm>>) dst(%arg8 : memref<125x64xf32, #tpu.memory_space<vmem>>)
    %dma_start3A_122 = arith.constant 78 : i32
    %dma_start3A_123 = arith.constant 0 : i32
    %dma_start3A_124 = tpu.memref_slice %arg7[%dma_start3A_122, %dma_start3A_123] : memref<80x125xi32, #tpu.memory_space<vmem>> -> memref<1x125xi32, #tpu.memory_space<vmem>>
    %dma_start3A_125 = tpu.memref_squeeze %dma_start3A_124 : memref<1x125xi32, #tpu.memory_space<vmem>> -> memref<125xi32, #tpu.memory_space<vmem>>
    %dma_start3A_126 = arith.constant 0 : i32
    %dma_start3A_127 = arith.constant 0 : i32
    %dma_start3A_128 = tpu.memref_slice %arg11[%dma_start3A_126, %dma_start3A_127] : memref<10000x64xf32, #tpu.memory_space<vmem_shared>> -> memref<10000x64xf32, #tpu.memory_space<vmem_shared>>
    tpu.enqueue_indirect_dma source(%arg8 : memref<125x64xf32, #tpu.memory_space<vmem>>) target(%dma_start3A_128 : memref<10000x64xf32, #tpu.memory_space<vmem_shared>>) offsets(%dma_start3A_125 : memref<125xi32, #tpu.memory_space<vmem>>) semaphore(%arg15 : memref<!tpu.dma_semaphore, #tpu.memory_space<semaphore_mem>>) {add = true}
    %dma_wait3A_129 = arith.constant 77 : i32
    %dma_wait3A_130 = arith.constant 0 : i32
    %dma_wait3A_131 = tpu.memref_slice %arg7[%dma_wait3A_129, %dma_wait3A_130] : memref<80x125xi32, #tpu.memory_space<vmem>> -> memref<1x125xi32, #tpu.memory_space<vmem>>
    %dma_wait3A_132 = tpu.memref_squeeze %dma_wait3A_131 : memref<1x125xi32, #tpu.memory_space<vmem>> -> memref<125xi32, #tpu.memory_space<vmem>>
    %dma_wait3A_133 = arith.constant 0 : i32
    %dma_wait3A_134 = arith.constant 0 : i32
    %dma_wait3A_135 = tpu.memref_slice %arg11[%dma_wait3A_133, %dma_wait3A_134] : memref<10000x64xf32, #tpu.memory_space<vmem_shared>> -> memref<10000x64xf32, #tpu.memory_space<vmem_shared>>
    tpu.wait_indirect_dma semaphore(%arg17 : memref<!tpu.dma_semaphore, #tpu.memory_space<semaphore_mem>>) src(%arg10 : memref<125x64xf32, #tpu.memory_space<vmem>>) dst(%dma_wait3A_135 : memref<10000x64xf32, #tpu.memory_space<vmem_shared>>)
    %dma_wait3A_136 = arith.constant 79 : i32
    %dma_wait3A_137 = arith.constant 0 : i32
    %dma_wait3A_138 = tpu.memref_slice %arg6[%dma_wait3A_136, %dma_wait3A_137] : memref<80x125xi32, #tpu.memory_space<vmem>> -> memref<1x125xi32, #tpu.memory_space<vmem>>
    %dma_wait3A_139 = tpu.memref_squeeze %dma_wait3A_138 : memref<1x125xi32, #tpu.memory_space<vmem>> -> memref<125xi32, #tpu.memory_space<vmem>>
    %dma_wait3A_140 = arith.constant 0 : i32
    %dma_wait3A_141 = arith.constant 0 : i32
    %dma_wait3A_142 = tpu.memref_slice %arg2[%dma_wait3A_140, %dma_wait3A_141] : memref<10000x64xf32, #tpu.memory_space<hbm>> -> memref<10000x64xf32, #tpu.memory_space<hbm>>
    tpu.wait_indirect_dma semaphore(%arg13 : memref<!tpu.dma_semaphore, #tpu.memory_space<semaphore_mem>>) src(%dma_wait3A_142 : memref<10000x64xf32, #tpu.memory_space<hbm>>) dst(%arg9 : memref<125x64xf32, #tpu.memory_space<vmem>>)
    %dma_start3A_143 = arith.constant 79 : i32
    %dma_start3A_144 = arith.constant 0 : i32
    %dma_start3A_145 = tpu.memref_slice %arg7[%dma_start3A_143, %dma_start3A_144] : memref<80x125xi32, #tpu.memory_space<vmem>> -> memref<1x125xi32, #tpu.memory_space<vmem>>
    %dma_start3A_146 = tpu.memref_squeeze %dma_start3A_145 : memref<1x125xi32, #tpu.memory_space<vmem>> -> memref<125xi32, #tpu.memory_space<vmem>>
    %dma_start3A_147 = arith.constant 0 : i32
    %dma_start3A_148 = arith.constant 0 : i32
    %dma_start3A_149 = tpu.memref_slice %arg11[%dma_start3A_147, %dma_start3A_148] : memref<10000x64xf32, #tpu.memory_space<vmem_shared>> -> memref<10000x64xf32, #tpu.memory_space<vmem_shared>>
    tpu.enqueue_indirect_dma source(%arg9 : memref<125x64xf32, #tpu.memory_space<vmem>>) target(%dma_start3A_149 : memref<10000x64xf32, #tpu.memory_space<vmem_shared>>) offsets(%dma_start3A_146 : memref<125xi32, #tpu.memory_space<vmem>>) semaphore(%arg16 : memref<!tpu.dma_semaphore, #tpu.memory_space<semaphore_mem>>) {add = true}
    %dma_wait3A_150 = arith.constant 78 : i32
    %dma_wait3A_151 = arith.constant 0 : i32
    %dma_wait3A_152 = tpu.memref_slice %arg7[%dma_wait3A_150, %dma_wait3A_151] : memref<80x125xi32, #tpu.memory_space<vmem>> -> memref<1x125xi32, #tpu.memory_space<vmem>>
    %dma_wait3A_153 = tpu.memref_squeeze %dma_wait3A_152 : memref<1x125xi32, #tpu.memory_space<vmem>> -> memref<125xi32, #tpu.memory_space<vmem>>
    %dma_wait3A_154 = arith.constant 0 : i32
    %dma_wait3A_155 = arith.constant 0 : i32
    %dma_wait3A_156 = tpu.memref_slice %arg11[%dma_wait3A_154, %dma_wait3A_155] : memref<10000x64xf32, #tpu.memory_space<vmem_shared>> -> memref<10000x64xf32, #tpu.memory_space<vmem_shared>>
    tpu.wait_indirect_dma semaphore(%arg15 : memref<!tpu.dma_semaphore, #tpu.memory_space<semaphore_mem>>) src(%arg8 : memref<125x64xf32, #tpu.memory_space<vmem>>) dst(%dma_wait3A_156 : memref<10000x64xf32, #tpu.memory_space<vmem_shared>>)
    %dma_wait3A_157 = arith.constant 79 : i32
    %dma_wait3A_158 = arith.constant 0 : i32
    %dma_wait3A_159 = tpu.memref_slice %arg7[%dma_wait3A_157, %dma_wait3A_158] : memref<80x125xi32, #tpu.memory_space<vmem>> -> memref<1x125xi32, #tpu.memory_space<vmem>>
    %dma_wait3A_160 = tpu.memref_squeeze %dma_wait3A_159 : memref<1x125xi32, #tpu.memory_space<vmem>> -> memref<125xi32, #tpu.memory_space<vmem>>
    %dma_wait3A_161 = arith.constant 0 : i32
    %dma_wait3A_162 = arith.constant 0 : i32
    %dma_wait3A_163 = tpu.memref_slice %arg11[%dma_wait3A_161, %dma_wait3A_162] : memref<10000x64xf32, #tpu.memory_space<vmem_shared>> -> memref<10000x64xf32, #tpu.memory_space<vmem_shared>>
    tpu.wait_indirect_dma semaphore(%arg16 : memref<!tpu.dma_semaphore, #tpu.memory_space<semaphore_mem>>) src(%arg9 : memref<125x64xf32, #tpu.memory_space<vmem>>) dst(%dma_wait3A_163 : memref<10000x64xf32, #tpu.memory_space<vmem_shared>>)
    %barrier3A_164 = arith.constant 0 : index
    tpu.barrier barrier_id(%barrier3A_164)
    %mul3A_165 = arith.constant 64 : i32
    %mul3A_166 = arith.muli %arg0, %mul3A_165 : i32
    "tpu.region"() ({
      %run_scoped3A = tpu.sem_alloc : memref<!tpu.dma_semaphore, #tpu.memory_space<semaphore_mem>>
      %dma_start3A_169 = tpu.memref_slice %arg5[%mul3A_9, %mul3A_166] : memref<10000x128xf32, #tpu.memory_space<hbm>> -> memref<624x64xf32, #tpu.memory_space<hbm>>
      %dma_start3A_170 = arith.constant 0 : i32
      %dma_start3A_171 = tpu.memref_slice %arg11[%mul3A_9, %dma_start3A_170] : memref<10000x64xf32, #tpu.memory_space<vmem_shared>> -> memref<624x64xf32, #tpu.memory_space<vmem_shared>>
      tpu.enqueue_dma source(%dma_start3A_171 : memref<624x64xf32, #tpu.memory_space<vmem_shared>>) target(%dma_start3A_169 : memref<624x64xf32, #tpu.memory_space<hbm>>) target_semaphore(%run_scoped3A : memref<!tpu.dma_semaphore, #tpu.memory_space<semaphore_mem>>)
      %dma_wait3A_172 = tpu.memref_slice %arg5[%mul3A_9, %mul3A_166] : memref<10000x128xf32, #tpu.memory_space<hbm>> -> memref<624x64xf32, #tpu.memory_space<hbm>>
      %dma_wait3A_173 = arith.constant 0 : i32
      %dma_wait3A_174 = tpu.memref_slice %arg11[%mul3A_9, %dma_wait3A_173] : memref<10000x64xf32, #tpu.memory_space<vmem_shared>> -> memref<624x64xf32, #tpu.memory_space<vmem_shared>>
      tpu.wait_dma2 semaphore(%run_scoped3A : memref<!tpu.dma_semaphore, #tpu.memory_space<semaphore_mem>>) src(%dma_wait3A_174 : memref<624x64xf32, #tpu.memory_space<vmem_shared>>) dst(%dma_wait3A_172 : memref<624x64xf32, #tpu.memory_space<hbm>>)
      tpu.yield
    }) : () -> ()
    %mul3A_167 = arith.constant 64 : i32
    %mul3A_168 = arith.muli %arg0, %mul3A_167 : i32
    "tpu.region"() ({
      %run_scoped3A = tpu.sem_alloc : memref<!tpu.dma_semaphore, #tpu.memory_space<semaphore_mem>>
      %dma_start3A_169 = arith.constant 9984 : i32
      %dma_start3A_170 = tpu.memref_slice %arg5[%dma_start3A_169, %mul3A_168] : memref<10000x128xf32, #tpu.memory_space<hbm>> -> memref<16x64xf32, #tpu.memory_space<hbm>>
      %dma_start3A_171 = arith.constant 9984 : i32
      %dma_start3A_172 = arith.constant 0 : i32
      %dma_start3A_173 = tpu.memref_slice %arg11[%dma_start3A_171, %dma_start3A_172] : memref<10000x64xf32, #tpu.memory_space<vmem_shared>> -> memref<16x64xf32, #tpu.memory_space<vmem_shared>>
      tpu.enqueue_dma source(%dma_start3A_173 : memref<16x64xf32, #tpu.memory_space<vmem_shared>>) target(%dma_start3A_170 : memref<16x64xf32, #tpu.memory_space<hbm>>) target_semaphore(%run_scoped3A : memref<!tpu.dma_semaphore, #tpu.memory_space<semaphore_mem>>)
      %dma_wait3A_174 = arith.constant 9984 : i32
      %dma_wait3A_175 = tpu.memref_slice %arg5[%dma_wait3A_174, %mul3A_168] : memref<10000x128xf32, #tpu.memory_space<hbm>> -> memref<16x64xf32, #tpu.memory_space<hbm>>
      %dma_wait3A_176 = arith.constant 9984 : i32
      %dma_wait3A_177 = arith.constant 0 : i32
      %dma_wait3A_178 = tpu.memref_slice %arg11[%dma_wait3A_176, %dma_wait3A_177] : memref<10000x64xf32, #tpu.memory_space<vmem_shared>> -> memref<16x64xf32, #tpu.memory_space<vmem_shared>>
      tpu.wait_dma2 semaphore(%run_scoped3A : memref<!tpu.dma_semaphore, #tpu.memory_space<semaphore_mem>>) src(%dma_wait3A_178 : memref<16x64xf32, #tpu.memory_space<vmem_shared>>) dst(%dma_wait3A_175 : memref<16x64xf32, #tpu.memory_space<hbm>>)
      tpu.yield
    }) : () -> ()
    return
  }
}

#map = affine_map<(d0, d1) -> (0, 0)>
#map1 = affine_map<(d0, d1) -> (0, 0, 0)>
module attributes {stable_mosaic.version = 14 : i64} {
  func.func @deg_k(%arg0: i32, %arg1: i32, %arg2: memref<4000x80xi32, #tpu.memory_space<hbm>>, %arg3: memref<2x10240x16xf32, #tpu.memory_space<hbm>>, %arg4: memref<125x80xi32, #tpu.memory_space<vmem>>, %arg5: memref<80x16xf32, #tpu.memory_space<vmem>>, %arg6: memref<10240x16xf32, #tpu.memory_space<vmem_shared>>, %arg7: memref<!tpu.dma_semaphore, #tpu.memory_space<semaphore_mem>>) attributes {dimension_semantics = [#tpu.dimension_semantics<core_parallel>, #tpu.dimension_semantics<subcore_parallel>], iteration_bounds = array<i64: 2, 16>, scalar_prefetch = 0 : i64, scratch_operands = 4 : i64, tpu.core_type = #tpu.core_type<sc_vector_subcore>, window_params = [{transform_indices = #map}, {transform_indices = #map1}]} {
    %scan3A = arith.constant 0 : i32
    %scan3A_0 = arith.constant 0 : i32
    %scan3A_1 = arith.constant 80 : i32
    %scan3A_2 = arith.addi %scan3A_0, %scan3A_1 : i32
    %scan3A_3 = arith.constant 1 : i32
    scf.for %scan3A_51 = %scan3A_0 to %scan3A_2 step %scan3A_3  : i32 {
      %broadcast_in_dim3A = arith.constant 1.000000e+00 : f32
      %broadcast_in_dim3A_52 = vector.broadcast %broadcast_in_dim3A : f32 to vector<16xf32>
      %swap3A = arith.index_cast %scan3A_51 : i32 to index
      %swap3A_53 = arith.constant 0 : index
      %swap3A_54 = tpu.vector_load %arg5[%swap3A, %swap3A_53] {strides = array<i32>} : memref<80x16xf32, #tpu.memory_space<vmem>>, vector<1x16xf32>,
      %swap3A_55 = vector.shape_cast %swap3A_54 : vector<1x16xf32> to vector<16xf32>
      %swap3A_56 = vector.shape_cast %broadcast_in_dim3A_52 : vector<16xf32> to vector<1x16xf32>
      tpu.vector_store %arg5[%swap3A, %swap3A_53], %swap3A_56 {strides = array<i32>} : memref<80x16xf32, #tpu.memory_space<vmem>>, vector<1x16xf32>,
    }
    %scan3A_4 = arith.constant 80 : i32
    %mul3A = arith.constant 2000 : i32
    %mul3A_5 = arith.muli %arg0, %mul3A : i32
    %mul3A_6 = arith.constant 125 : i32
    %mul3A_7 = arith.muli %arg1, %mul3A_6 : i32
    %add3A = arith.addi %mul3A_5, %mul3A_7 : i32
    "tpu.region"() ({
      %run_scoped3A = tpu.sem_alloc : memref<!tpu.dma_semaphore, #tpu.memory_space<semaphore_mem>>
      %dma_start3A = arith.constant 0 : i32
      %dma_start3A_51 = tpu.memref_slice %arg2[%add3A, %dma_start3A] : memref<4000x80xi32, #tpu.memory_space<hbm>> -> memref<125x80xi32, #tpu.memory_space<hbm>>
      %dma_start3A_52 = arith.constant 0 : i32
      %dma_start3A_53 = tpu.memref_slice %arg2[%add3A, %dma_start3A_52] : memref<4000x80xi32, #tpu.memory_space<hbm>> -> memref<125x80xi32, #tpu.memory_space<hbm>>
      tpu.enqueue_dma source(%dma_start3A_53 : memref<125x80xi32, #tpu.memory_space<hbm>>) target(%arg4 : memref<125x80xi32, #tpu.memory_space<vmem>>) target_semaphore(%run_scoped3A : memref<!tpu.dma_semaphore, #tpu.memory_space<semaphore_mem>>)
      %dma_wait3A = arith.constant 0 : i32
      %dma_wait3A_54 = tpu.memref_slice %arg2[%add3A, %dma_wait3A] : memref<4000x80xi32, #tpu.memory_space<hbm>> -> memref<125x80xi32, #tpu.memory_space<hbm>>
      %dma_wait3A_55 = arith.constant 0 : i32
      %dma_wait3A_56 = tpu.memref_slice %arg2[%add3A, %dma_wait3A_55] : memref<4000x80xi32, #tpu.memory_space<hbm>> -> memref<125x80xi32, #tpu.memory_space<hbm>>
      tpu.wait_dma2 semaphore(%run_scoped3A : memref<!tpu.dma_semaphore, #tpu.memory_space<semaphore_mem>>) src(%dma_wait3A_56 : memref<125x80xi32, #tpu.memory_space<hbm>>) dst(%arg4 : memref<125x80xi32, #tpu.memory_space<vmem>>)
      tpu.yield
    }) : () -> ()
    %mul3A_8 = arith.constant 640 : i32
    %mul3A_9 = arith.muli %arg1, %mul3A_8 : i32
    %scan3A_10 = arith.constant 0 : i32
    %scan3A_11 = arith.constant 0 : i32
    %scan3A_12 = arith.constant 80 : i32
    %scan3A_13 = arith.addi %scan3A_11, %scan3A_12 : i32
    %scan3A_14 = arith.constant 1 : i32
    scf.for %scan3A_51 = %scan3A_11 to %scan3A_13 step %scan3A_14  : i32 {
      %broadcast_in_dim3A = arith.constant 0.000000e+00 : f32
      %broadcast_in_dim3A_52 = vector.broadcast %broadcast_in_dim3A : f32 to vector<16xf32>
      %swap3A = arith.index_cast %scan3A_51 : i32 to index
      %swap3A_53 = arith.constant 0 : index
      %swap3A_54 = tpu.vector_load %arg5[%swap3A, %swap3A_53] {strides = array<i32>} : memref<80x16xf32, #tpu.memory_space<vmem>>, vector<1x16xf32>,
      %swap3A_55 = vector.shape_cast %swap3A_54 : vector<1x16xf32> to vector<16xf32>
      %swap3A_56 = vector.shape_cast %broadcast_in_dim3A_52 : vector<16xf32> to vector<1x16xf32>
      tpu.vector_store %arg5[%swap3A, %swap3A_53], %swap3A_56 {strides = array<i32>} : memref<80x16xf32, #tpu.memory_space<vmem>>, vector<1x16xf32>,
    }
    %scan3A_15 = arith.constant 80 : i32
    %add3A_16 = arith.constant 0 : i32
    %add3A_17 = arith.addi %mul3A_9, %add3A_16 : i32
    "tpu.region"() ({
      %run_scoped3A = tpu.sem_alloc : memref<!tpu.dma_semaphore, #tpu.memory_space<semaphore_mem>>
      %dma_start3A = arith.constant 0 : i32
      %dma_start3A_51 = tpu.memref_slice %arg6[%add3A_17, %dma_start3A] : memref<10240x16xf32, #tpu.memory_space<vmem_shared>> -> memref<80x16xf32, #tpu.memory_space<vmem_shared>>
      %dma_start3A_52 = arith.constant 0 : i32
      %dma_start3A_53 = tpu.memref_slice %arg6[%add3A_17, %dma_start3A_52] : memref<10240x16xf32, #tpu.memory_space<vmem_shared>> -> memref<80x16xf32, #tpu.memory_space<vmem_shared>>
      tpu.enqueue_dma source(%arg5 : memref<80x16xf32, #tpu.memory_space<vmem>>) target(%dma_start3A_53 : memref<80x16xf32, #tpu.memory_space<vmem_shared>>) target_semaphore(%run_scoped3A : memref<!tpu.dma_semaphore, #tpu.memory_space<semaphore_mem>>)
      %dma_wait3A = arith.constant 0 : i32
      %dma_wait3A_54 = tpu.memref_slice %arg6[%add3A_17, %dma_wait3A] : memref<10240x16xf32, #tpu.memory_space<vmem_shared>> -> memref<80x16xf32, #tpu.memory_space<vmem_shared>>
      %dma_wait3A_55 = arith.constant 0 : i32
      %dma_wait3A_56 = tpu.memref_slice %arg6[%add3A_17, %dma_wait3A_55] : memref<10240x16xf32, #tpu.memory_space<vmem_shared>> -> memref<80x16xf32, #tpu.memory_space<vmem_shared>>
      tpu.wait_dma2 semaphore(%run_scoped3A : memref<!tpu.dma_semaphore, #tpu.memory_space<semaphore_mem>>) src(%arg5 : memref<80x16xf32, #tpu.memory_space<vmem>>) dst(%dma_wait3A_56 : memref<80x16xf32, #tpu.memory_space<vmem_shared>>)
      tpu.yield
    }) : () -> ()
    %add3A_18 = arith.constant 80 : i32
    %add3A_19 = arith.addi %mul3A_9, %add3A_18 : i32
    "tpu.region"() ({
      %run_scoped3A = tpu.sem_alloc : memref<!tpu.dma_semaphore, #tpu.memory_space<semaphore_mem>>
      %dma_start3A = arith.constant 0 : i32
      %dma_start3A_51 = tpu.memref_slice %arg6[%add3A_19, %dma_start3A] : memref<10240x16xf32, #tpu.memory_space<vmem_shared>> -> memref<80x16xf32, #tpu.memory_space<vmem_shared>>
      %dma_start3A_52 = arith.constant 0 : i32
      %dma_start3A_53 = tpu.memref_slice %arg6[%add3A_19, %dma_start3A_52] : memref<10240x16xf32, #tpu.memory_space<vmem_shared>> -> memref<80x16xf32, #tpu.memory_space<vmem_shared>>
      tpu.enqueue_dma source(%arg5 : memref<80x16xf32, #tpu.memory_space<vmem>>) target(%dma_start3A_53 : memref<80x16xf32, #tpu.memory_space<vmem_shared>>) target_semaphore(%run_scoped3A : memref<!tpu.dma_semaphore, #tpu.memory_space<semaphore_mem>>)
      %dma_wait3A = arith.constant 0 : i32
      %dma_wait3A_54 = tpu.memref_slice %arg6[%add3A_19, %dma_wait3A] : memref<10240x16xf32, #tpu.memory_space<vmem_shared>> -> memref<80x16xf32, #tpu.memory_space<vmem_shared>>
      %dma_wait3A_55 = arith.constant 0 : i32
      %dma_wait3A_56 = tpu.memref_slice %arg6[%add3A_19, %dma_wait3A_55] : memref<10240x16xf32, #tpu.memory_space<vmem_shared>> -> memref<80x16xf32, #tpu.memory_space<vmem_shared>>
      tpu.wait_dma2 semaphore(%run_scoped3A : memref<!tpu.dma_semaphore, #tpu.memory_space<semaphore_mem>>) src(%arg5 : memref<80x16xf32, #tpu.memory_space<vmem>>) dst(%dma_wait3A_56 : memref<80x16xf32, #tpu.memory_space<vmem_shared>>)
      tpu.yield
    }) : () -> ()
    %add3A_20 = arith.constant 160 : i32
    %add3A_21 = arith.addi %mul3A_9, %add3A_20 : i32
    "tpu.region"() ({
      %run_scoped3A = tpu.sem_alloc : memref<!tpu.dma_semaphore, #tpu.memory_space<semaphore_mem>>
      %dma_start3A = arith.constant 0 : i32
      %dma_start3A_51 = tpu.memref_slice %arg6[%add3A_21, %dma_start3A] : memref<10240x16xf32, #tpu.memory_space<vmem_shared>> -> memref<80x16xf32, #tpu.memory_space<vmem_shared>>
      %dma_start3A_52 = arith.constant 0 : i32
      %dma_start3A_53 = tpu.memref_slice %arg6[%add3A_21, %dma_start3A_52] : memref<10240x16xf32, #tpu.memory_space<vmem_shared>> -> memref<80x16xf32, #tpu.memory_space<vmem_shared>>
      tpu.enqueue_dma source(%arg5 : memref<80x16xf32, #tpu.memory_space<vmem>>) target(%dma_start3A_53 : memref<80x16xf32, #tpu.memory_space<vmem_shared>>) target_semaphore(%run_scoped3A : memref<!tpu.dma_semaphore, #tpu.memory_space<semaphore_mem>>)
      %dma_wait3A = arith.constant 0 : i32
      %dma_wait3A_54 = tpu.memref_slice %arg6[%add3A_21, %dma_wait3A] : memref<10240x16xf32, #tpu.memory_space<vmem_shared>> -> memref<80x16xf32, #tpu.memory_space<vmem_shared>>
      %dma_wait3A_55 = arith.constant 0 : i32
      %dma_wait3A_56 = tpu.memref_slice %arg6[%add3A_21, %dma_wait3A_55] : memref<10240x16xf32, #tpu.memory_space<vmem_shared>> -> memref<80x16xf32, #tpu.memory_space<vmem_shared>>
      tpu.wait_dma2 semaphore(%run_scoped3A : memref<!tpu.dma_semaphore, #tpu.memory_space<semaphore_mem>>) src(%arg5 : memref<80x16xf32, #tpu.memory_space<vmem>>) dst(%dma_wait3A_56 : memref<80x16xf32, #tpu.memory_space<vmem_shared>>)
      tpu.yield
    }) : () -> ()
    %add3A_22 = arith.constant 240 : i32
    %add3A_23 = arith.addi %mul3A_9, %add3A_22 : i32
    "tpu.region"() ({
      %run_scoped3A = tpu.sem_alloc : memref<!tpu.dma_semaphore, #tpu.memory_space<semaphore_mem>>
      %dma_start3A = arith.constant 0 : i32
      %dma_start3A_51 = tpu.memref_slice %arg6[%add3A_23, %dma_start3A] : memref<10240x16xf32, #tpu.memory_space<vmem_shared>> -> memref<80x16xf32, #tpu.memory_space<vmem_shared>>
      %dma_start3A_52 = arith.constant 0 : i32
      %dma_start3A_53 = tpu.memref_slice %arg6[%add3A_23, %dma_start3A_52] : memref<10240x16xf32, #tpu.memory_space<vmem_shared>> -> memref<80x16xf32, #tpu.memory_space<vmem_shared>>
      tpu.enqueue_dma source(%arg5 : memref<80x16xf32, #tpu.memory_space<vmem>>) target(%dma_start3A_53 : memref<80x16xf32, #tpu.memory_space<vmem_shared>>) target_semaphore(%run_scoped3A : memref<!tpu.dma_semaphore, #tpu.memory_space<semaphore_mem>>)
      %dma_wait3A = arith.constant 0 : i32
      %dma_wait3A_54 = tpu.memref_slice %arg6[%add3A_23, %dma_wait3A] : memref<10240x16xf32, #tpu.memory_space<vmem_shared>> -> memref<80x16xf32, #tpu.memory_space<vmem_shared>>
      %dma_wait3A_55 = arith.constant 0 : i32
      %dma_wait3A_56 = tpu.memref_slice %arg6[%add3A_23, %dma_wait3A_55] : memref<10240x16xf32, #tpu.memory_space<vmem_shared>> -> memref<80x16xf32, #tpu.memory_space<vmem_shared>>
      tpu.wait_dma2 semaphore(%run_scoped3A : memref<!tpu.dma_semaphore, #tpu.memory_space<semaphore_mem>>) src(%arg5 : memref<80x16xf32, #tpu.memory_space<vmem>>) dst(%dma_wait3A_56 : memref<80x16xf32, #tpu.memory_space<vmem_shared>>)
      tpu.yield
    }) : () -> ()
    %add3A_24 = arith.constant 320 : i32
    %add3A_25 = arith.addi %mul3A_9, %add3A_24 : i32
    "tpu.region"() ({
      %run_scoped3A = tpu.sem_alloc : memref<!tpu.dma_semaphore, #tpu.memory_space<semaphore_mem>>
      %dma_start3A = arith.constant 0 : i32
      %dma_start3A_51 = tpu.memref_slice %arg6[%add3A_25, %dma_start3A] : memref<10240x16xf32, #tpu.memory_space<vmem_shared>> -> memref<80x16xf32, #tpu.memory_space<vmem_shared>>
      %dma_start3A_52 = arith.constant 0 : i32
      %dma_start3A_53 = tpu.memref_slice %arg6[%add3A_25, %dma_start3A_52] : memref<10240x16xf32, #tpu.memory_space<vmem_shared>> -> memref<80x16xf32, #tpu.memory_space<vmem_shared>>
      tpu.enqueue_dma source(%arg5 : memref<80x16xf32, #tpu.memory_space<vmem>>) target(%dma_start3A_53 : memref<80x16xf32, #tpu.memory_space<vmem_shared>>) target_semaphore(%run_scoped3A : memref<!tpu.dma_semaphore, #tpu.memory_space<semaphore_mem>>)
      %dma_wait3A = arith.constant 0 : i32
      %dma_wait3A_54 = tpu.memref_slice %arg6[%add3A_25, %dma_wait3A] : memref<10240x16xf32, #tpu.memory_space<vmem_shared>> -> memref<80x16xf32, #tpu.memory_space<vmem_shared>>
      %dma_wait3A_55 = arith.constant 0 : i32
      %dma_wait3A_56 = tpu.memref_slice %arg6[%add3A_25, %dma_wait3A_55] : memref<10240x16xf32, #tpu.memory_space<vmem_shared>> -> memref<80x16xf32, #tpu.memory_space<vmem_shared>>
      tpu.wait_dma2 semaphore(%run_scoped3A : memref<!tpu.dma_semaphore, #tpu.memory_space<semaphore_mem>>) src(%arg5 : memref<80x16xf32, #tpu.memory_space<vmem>>) dst(%dma_wait3A_56 : memref<80x16xf32, #tpu.memory_space<vmem_shared>>)
      tpu.yield
    }) : () -> ()
    %add3A_26 = arith.constant 400 : i32
    %add3A_27 = arith.addi %mul3A_9, %add3A_26 : i32
    "tpu.region"() ({
      %run_scoped3A = tpu.sem_alloc : memref<!tpu.dma_semaphore, #tpu.memory_space<semaphore_mem>>
      %dma_start3A = arith.constant 0 : i32
      %dma_start3A_51 = tpu.memref_slice %arg6[%add3A_27, %dma_start3A] : memref<10240x16xf32, #tpu.memory_space<vmem_shared>> -> memref<80x16xf32, #tpu.memory_space<vmem_shared>>
      %dma_start3A_52 = arith.constant 0 : i32
      %dma_start3A_53 = tpu.memref_slice %arg6[%add3A_27, %dma_start3A_52] : memref<10240x16xf32, #tpu.memory_space<vmem_shared>> -> memref<80x16xf32, #tpu.memory_space<vmem_shared>>
      tpu.enqueue_dma source(%arg5 : memref<80x16xf32, #tpu.memory_space<vmem>>) target(%dma_start3A_53 : memref<80x16xf32, #tpu.memory_space<vmem_shared>>) target_semaphore(%run_scoped3A : memref<!tpu.dma_semaphore, #tpu.memory_space<semaphore_mem>>)
      %dma_wait3A = arith.constant 0 : i32
      %dma_wait3A_54 = tpu.memref_slice %arg6[%add3A_27, %dma_wait3A] : memref<10240x16xf32, #tpu.memory_space<vmem_shared>> -> memref<80x16xf32, #tpu.memory_space<vmem_shared>>
      %dma_wait3A_55 = arith.constant 0 : i32
      %dma_wait3A_56 = tpu.memref_slice %arg6[%add3A_27, %dma_wait3A_55] : memref<10240x16xf32, #tpu.memory_space<vmem_shared>> -> memref<80x16xf32, #tpu.memory_space<vmem_shared>>
      tpu.wait_dma2 semaphore(%run_scoped3A : memref<!tpu.dma_semaphore, #tpu.memory_space<semaphore_mem>>) src(%arg5 : memref<80x16xf32, #tpu.memory_space<vmem>>) dst(%dma_wait3A_56 : memref<80x16xf32, #tpu.memory_space<vmem_shared>>)
      tpu.yield
    }) : () -> ()
    %add3A_28 = arith.constant 480 : i32
    %add3A_29 = arith.addi %mul3A_9, %add3A_28 : i32
    "tpu.region"() ({
      %run_scoped3A = tpu.sem_alloc : memref<!tpu.dma_semaphore, #tpu.memory_space<semaphore_mem>>
      %dma_start3A = arith.constant 0 : i32
      %dma_start3A_51 = tpu.memref_slice %arg6[%add3A_29, %dma_start3A] : memref<10240x16xf32, #tpu.memory_space<vmem_shared>> -> memref<80x16xf32, #tpu.memory_space<vmem_shared>>
      %dma_start3A_52 = arith.constant 0 : i32
      %dma_start3A_53 = tpu.memref_slice %arg6[%add3A_29, %dma_start3A_52] : memref<10240x16xf32, #tpu.memory_space<vmem_shared>> -> memref<80x16xf32, #tpu.memory_space<vmem_shared>>
      tpu.enqueue_dma source(%arg5 : memref<80x16xf32, #tpu.memory_space<vmem>>) target(%dma_start3A_53 : memref<80x16xf32, #tpu.memory_space<vmem_shared>>) target_semaphore(%run_scoped3A : memref<!tpu.dma_semaphore, #tpu.memory_space<semaphore_mem>>)
      %dma_wait3A = arith.constant 0 : i32
      %dma_wait3A_54 = tpu.memref_slice %arg6[%add3A_29, %dma_wait3A] : memref<10240x16xf32, #tpu.memory_space<vmem_shared>> -> memref<80x16xf32, #tpu.memory_space<vmem_shared>>
      %dma_wait3A_55 = arith.constant 0 : i32
      %dma_wait3A_56 = tpu.memref_slice %arg6[%add3A_29, %dma_wait3A_55] : memref<10240x16xf32, #tpu.memory_space<vmem_shared>> -> memref<80x16xf32, #tpu.memory_space<vmem_shared>>
      tpu.wait_dma2 semaphore(%run_scoped3A : memref<!tpu.dma_semaphore, #tpu.memory_space<semaphore_mem>>) src(%arg5 : memref<80x16xf32, #tpu.memory_space<vmem>>) dst(%dma_wait3A_56 : memref<80x16xf32, #tpu.memory_space<vmem_shared>>)
      tpu.yield
    }) : () -> ()
    %add3A_30 = arith.constant 560 : i32
    %add3A_31 = arith.addi %mul3A_9, %add3A_30 : i32
    "tpu.region"() ({
      %run_scoped3A = tpu.sem_alloc : memref<!tpu.dma_semaphore, #tpu.memory_space<semaphore_mem>>
      %dma_start3A = arith.constant 0 : i32
      %dma_start3A_51 = tpu.memref_slice %arg6[%add3A_31, %dma_start3A] : memref<10240x16xf32, #tpu.memory_space<vmem_shared>> -> memref<80x16xf32, #tpu.memory_space<vmem_shared>>
      %dma_start3A_52 = arith.constant 0 : i32
      %dma_start3A_53 = tpu.memref_slice %arg6[%add3A_31, %dma_start3A_52] : memref<10240x16xf32, #tpu.memory_space<vmem_shared>> -> memref<80x16xf32, #tpu.memory_space<vmem_shared>>
      tpu.enqueue_dma source(%arg5 : memref<80x16xf32, #tpu.memory_space<vmem>>) target(%dma_start3A_53 : memref<80x16xf32, #tpu.memory_space<vmem_shared>>) target_semaphore(%run_scoped3A : memref<!tpu.dma_semaphore, #tpu.memory_space<semaphore_mem>>)
      %dma_wait3A = arith.constant 0 : i32
      %dma_wait3A_54 = tpu.memref_slice %arg6[%add3A_31, %dma_wait3A] : memref<10240x16xf32, #tpu.memory_space<vmem_shared>> -> memref<80x16xf32, #tpu.memory_space<vmem_shared>>
      %dma_wait3A_55 = arith.constant 0 : i32
      %dma_wait3A_56 = tpu.memref_slice %arg6[%add3A_31, %dma_wait3A_55] : memref<10240x16xf32, #tpu.memory_space<vmem_shared>> -> memref<80x16xf32, #tpu.memory_space<vmem_shared>>
      tpu.wait_dma2 semaphore(%run_scoped3A : memref<!tpu.dma_semaphore, #tpu.memory_space<semaphore_mem>>) src(%arg5 : memref<80x16xf32, #tpu.memory_space<vmem>>) dst(%dma_wait3A_56 : memref<80x16xf32, #tpu.memory_space<vmem_shared>>)
      tpu.yield
    }) : () -> ()
    %scan3A_32 = arith.constant 0 : i32
    %scan3A_33 = arith.constant 0 : i32
    %scan3A_34 = arith.constant 80 : i32
    %scan3A_35 = arith.addi %scan3A_33, %scan3A_34 : i32
    %scan3A_36 = arith.constant 1 : i32
    scf.for %scan3A_51 = %scan3A_33 to %scan3A_35 step %scan3A_36  : i32 {
      %broadcast_in_dim3A = arith.constant 1.000000e+00 : f32
      %broadcast_in_dim3A_52 = vector.broadcast %broadcast_in_dim3A : f32 to vector<16xf32>
      %swap3A = arith.index_cast %scan3A_51 : i32 to index
      %swap3A_53 = arith.constant 0 : index
      %swap3A_54 = tpu.vector_load %arg5[%swap3A, %swap3A_53] {strides = array<i32>} : memref<80x16xf32, #tpu.memory_space<vmem>>, vector<1x16xf32>,
      %swap3A_55 = vector.shape_cast %swap3A_54 : vector<1x16xf32> to vector<16xf32>
      %swap3A_56 = vector.shape_cast %broadcast_in_dim3A_52 : vector<16xf32> to vector<1x16xf32>
      tpu.vector_store %arg5[%swap3A, %swap3A_53], %swap3A_56 {strides = array<i32>} : memref<80x16xf32, #tpu.memory_space<vmem>>, vector<1x16xf32>,
    }
    %scan3A_37 = arith.constant 80 : i32
    %barrier3A = arith.constant 0 : index
    tpu.barrier barrier_id(%barrier3A)
    %scan3A_38 = arith.constant 0 : i32
    %scan3A_39 = arith.constant 0 : i32
    %scan3A_40 = arith.constant 125 : i32
    %scan3A_41 = arith.addi %scan3A_39, %scan3A_40 : i32
    %scan3A_42 = arith.constant 1 : i32
    scf.for %scan3A_51 = %scan3A_39 to %scan3A_41 step %scan3A_42  : i32 {
      %dma_start3A = arith.constant 0 : i32
      %dma_start3A_52 = tpu.memref_slice %arg4[%scan3A_51, %dma_start3A] : memref<125x80xi32, #tpu.memory_space<vmem>> -> memref<1x80xi32, #tpu.memory_space<vmem>>
      %dma_start3A_53 = tpu.memref_squeeze %dma_start3A_52 : memref<1x80xi32, #tpu.memory_space<vmem>> -> memref<80xi32, #tpu.memory_space<vmem>>
      %dma_start3A_54 = arith.constant 0 : i32
      %dma_start3A_55 = arith.constant 0 : i32
      %dma_start3A_56 = tpu.memref_slice %arg6[%dma_start3A_54, %dma_start3A_55] : memref<10240x16xf32, #tpu.memory_space<vmem_shared>> -> memref<10240x16xf32, #tpu.memory_space<vmem_shared>>
      tpu.enqueue_indirect_dma source(%arg5 : memref<80x16xf32, #tpu.memory_space<vmem>>) target(%dma_start3A_56 : memref<10240x16xf32, #tpu.memory_space<vmem_shared>>) offsets(%dma_start3A_53 : memref<80xi32, #tpu.memory_space<vmem>>) semaphore(%arg7 : memref<!tpu.dma_semaphore, #tpu.memory_space<semaphore_mem>>) {add = true}
    }
    %scan3A_43 = arith.constant 125 : i32
    %scan3A_44 = arith.constant 0 : i32
    %scan3A_45 = arith.constant 0 : i32
    %scan3A_46 = arith.constant 125 : i32
    %scan3A_47 = arith.addi %scan3A_45, %scan3A_46 : i32
    %scan3A_48 = arith.constant 1 : i32
    scf.for %scan3A_51 = %scan3A_45 to %scan3A_47 step %scan3A_48  : i32 {
      %dma_wait3A = arith.constant 0 : i32
      %dma_wait3A_52 = tpu.memref_slice %arg4[%scan3A_51, %dma_wait3A] : memref<125x80xi32, #tpu.memory_space<vmem>> -> memref<1x80xi32, #tpu.memory_space<vmem>>
      %dma_wait3A_53 = tpu.memref_squeeze %dma_wait3A_52 : memref<1x80xi32, #tpu.memory_space<vmem>> -> memref<80xi32, #tpu.memory_space<vmem>>
      %dma_wait3A_54 = arith.constant 0 : i32
      %dma_wait3A_55 = arith.constant 0 : i32
      %dma_wait3A_56 = tpu.memref_slice %arg6[%dma_wait3A_54, %dma_wait3A_55] : memref<10240x16xf32, #tpu.memory_space<vmem_shared>> -> memref<10240x16xf32, #tpu.memory_space<vmem_shared>>
      tpu.wait_indirect_dma semaphore(%arg7 : memref<!tpu.dma_semaphore, #tpu.memory_space<semaphore_mem>>) src(%arg5 : memref<80x16xf32, #tpu.memory_space<vmem>>) dst(%dma_wait3A_56 : memref<10240x16xf32, #tpu.memory_space<vmem_shared>>)
    }
    %scan3A_49 = arith.constant 125 : i32
    %barrier3A_50 = arith.constant 0 : index
    tpu.barrier barrier_id(%barrier3A_50)
    "tpu.region"() ({
      %run_scoped3A = tpu.sem_alloc : memref<!tpu.dma_semaphore, #tpu.memory_space<semaphore_mem>>
      %dma_start3A = arith.constant 0 : i32
      %dma_start3A_51 = tpu.memref_slice %arg3[%arg0, %mul3A_9, %dma_start3A] : memref<2x10240x16xf32, #tpu.memory_space<hbm>> -> memref<1x640x16xf32, #tpu.memory_space<hbm>>
      %dma_start3A_52 = tpu.memref_squeeze %dma_start3A_51 : memref<1x640x16xf32, #tpu.memory_space<hbm>> -> memref<640x16xf32, #tpu.memory_space<hbm>>
      %dma_start3A_53 = arith.constant 0 : i32
      %dma_start3A_54 = tpu.memref_slice %arg6[%mul3A_9, %dma_start3A_53] : memref<10240x16xf32, #tpu.memory_space<vmem_shared>> -> memref<640x16xf32, #tpu.memory_space<vmem_shared>>
      tpu.enqueue_dma source(%dma_start3A_54 : memref<640x16xf32, #tpu.memory_space<vmem_shared>>) target(%dma_start3A_52 : memref<640x16xf32, #tpu.memory_space<hbm>>) target_semaphore(%run_scoped3A : memref<!tpu.dma_semaphore, #tpu.memory_space<semaphore_mem>>)
      %dma_wait3A = arith.constant 0 : i32
      %dma_wait3A_55 = tpu.memref_slice %arg3[%arg0, %mul3A_9, %dma_wait3A] : memref<2x10240x16xf32, #tpu.memory_space<hbm>> -> memref<1x640x16xf32, #tpu.memory_space<hbm>>
      %dma_wait3A_56 = tpu.memref_squeeze %dma_wait3A_55 : memref<1x640x16xf32, #tpu.memory_space<hbm>> -> memref<640x16xf32, #tpu.memory_space<hbm>>
      %dma_wait3A_57 = arith.constant 0 : i32
      %dma_wait3A_58 = tpu.memref_slice %arg6[%mul3A_9, %dma_wait3A_57] : memref<10240x16xf32, #tpu.memory_space<vmem_shared>> -> memref<640x16xf32, #tpu.memory_space<vmem_shared>>
      tpu.wait_dma2 semaphore(%run_scoped3A : memref<!tpu.dma_semaphore, #tpu.memory_space<semaphore_mem>>) src(%dma_wait3A_58 : memref<640x16xf32, #tpu.memory_space<vmem_shared>>) dst(%dma_wait3A_56 : memref<640x16xf32, #tpu.memory_space<hbm>>)
      tpu.yield
    }) : () -> ()
    return
  }
}

#map = affine_map<(d0, d1) -> (0, 0)>
#map1 = affine_map<(d0, d1) -> (0, 0, 0)>
module attributes {stable_mosaic.version = 14 : i64} {
  func.func @seg_k(%arg0: i32, %arg1: i32, %arg2: memref<10000x128xf32, #tpu.memory_space<hbm>>, %arg3: memref<4000x80xi32, #tpu.memory_space<hbm>>, %arg4: memref<4000x80xi32, #tpu.memory_space<hbm>>, %arg5: memref<2x10000x128xf32, #tpu.memory_space<hbm>>, %arg6: memref<125x80xi32, #tpu.memory_space<vmem>>, %arg7: memref<125x80xi32, #tpu.memory_space<vmem>>, %arg8: memref<80x128xf32, #tpu.memory_space<vmem>>, %arg9: memref<80x128xf32, #tpu.memory_space<vmem>>, %arg10: memref<80x128xf32, #tpu.memory_space<vmem>>, %arg11: memref<10000x128xf32, #tpu.memory_space<vmem_shared>>, %arg12: memref<!tpu.dma_semaphore, #tpu.memory_space<semaphore_mem>>, %arg13: memref<!tpu.dma_semaphore, #tpu.memory_space<semaphore_mem>>, %arg14: memref<!tpu.dma_semaphore, #tpu.memory_space<semaphore_mem>>, %arg15: memref<!tpu.dma_semaphore, #tpu.memory_space<semaphore_mem>>, %arg16: memref<!tpu.dma_semaphore, #tpu.memory_space<semaphore_mem>>, %arg17: memref<!tpu.dma_semaphore, #tpu.memory_space<semaphore_mem>>, %arg18: memref<!tpu.dma_semaphore, #tpu.memory_space<semaphore_mem>>) attributes {dimension_semantics = [#tpu.dimension_semantics<core_parallel>, #tpu.dimension_semantics<subcore_parallel>], iteration_bounds = array<i64: 2, 16>, scalar_prefetch = 0 : i64, scratch_operands = 13 : i64, tpu.core_type = #tpu.core_type<sc_vector_subcore>, window_params = [{transform_indices = #map}, {transform_indices = #map}, {transform_indices = #map}, {transform_indices = #map1}]} {
    %scan3A = arith.constant 0 : i32
    %scan3A_0 = arith.constant 0 : i32
    %scan3A_1 = arith.constant 80 : i32
    %scan3A_2 = arith.addi %scan3A_0, %scan3A_1 : i32
    %scan3A_3 = arith.constant 1 : i32
    scf.for %scan3A_171 = %scan3A_0 to %scan3A_2 step %scan3A_3  : i32 {
      %scan3A_172 = arith.constant 0 : i32
      %scan3A_173 = arith.constant 8 : i32
      %scan3A_174 = arith.addi %scan3A_172, %scan3A_173 : i32
      %scan3A_175 = arith.constant 1 : i32
      scf.for %scan3A_177 = %scan3A_172 to %scan3A_174 step %scan3A_175  : i32 {
        %broadcast_in_dim3A = arith.constant 0.000000e+00 : f32
        %broadcast_in_dim3A_178 = vector.broadcast %broadcast_in_dim3A : f32 to vector<16xf32>
        %mul3A_179 = arith.constant 16 : i32
        %mul3A_180 = arith.muli %scan3A_177, %mul3A_179 : i32
        %swap3A = arith.index_cast %scan3A_171 : i32 to index
        %swap3A_181 = arith.index_cast %mul3A_180 : i32 to index
        %swap3A_182 = tpu.vector_load %arg8[%swap3A, %swap3A_181] {strides = array<i32>} : memref<80x128xf32, #tpu.memory_space<vmem>>, vector<1x16xf32>,
        %swap3A_183 = vector.shape_cast %swap3A_182 : vector<1x16xf32> to vector<16xf32>
        %swap3A_184 = vector.shape_cast %broadcast_in_dim3A_178 : vector<16xf32> to vector<1x16xf32>
        tpu.vector_store %arg8[%swap3A, %swap3A_181], %swap3A_184 {strides = array<i32>} : memref<80x128xf32, #tpu.memory_space<vmem>>, vector<1x16xf32>,
      }
      %scan3A_176 = arith.constant 8 : i32
    }
    %scan3A_4 = arith.constant 80 : i32
    %mul3A = arith.constant 2000 : i32
    %mul3A_5 = arith.muli %arg0, %mul3A : i32
    %mul3A_6 = arith.constant 125 : i32
    %mul3A_7 = arith.muli %arg1, %mul3A_6 : i32
    %add3A = arith.addi %mul3A_5, %mul3A_7 : i32
    "tpu.region"() ({
      %run_scoped3A = tpu.sem_alloc : memref<!tpu.dma_semaphore, #tpu.memory_space<semaphore_mem>>
      %dma_start3A_171 = arith.constant 0 : i32
      %dma_start3A_172 = tpu.memref_slice %arg3[%add3A, %dma_start3A_171] : memref<4000x80xi32, #tpu.memory_space<hbm>> -> memref<125x80xi32, #tpu.memory_space<hbm>>
      %dma_start3A_173 = arith.constant 0 : i32
      %dma_start3A_174 = tpu.memref_slice %arg3[%add3A, %dma_start3A_173] : memref<4000x80xi32, #tpu.memory_space<hbm>> -> memref<125x80xi32, #tpu.memory_space<hbm>>
      tpu.enqueue_dma source(%dma_start3A_174 : memref<125x80xi32, #tpu.memory_space<hbm>>) target(%arg6 : memref<125x80xi32, #tpu.memory_space<vmem>>) target_semaphore(%run_scoped3A : memref<!tpu.dma_semaphore, #tpu.memory_space<semaphore_mem>>)
      %dma_wait3A_175 = arith.constant 0 : i32
      %dma_wait3A_176 = tpu.memref_slice %arg3[%add3A, %dma_wait3A_175] : memref<4000x80xi32, #tpu.memory_space<hbm>> -> memref<125x80xi32, #tpu.memory_space<hbm>>
      %dma_wait3A_177 = arith.constant 0 : i32
      %dma_wait3A_178 = tpu.memref_slice %arg3[%add3A, %dma_wait3A_177] : memref<4000x80xi32, #tpu.memory_space<hbm>> -> memref<125x80xi32, #tpu.memory_space<hbm>>
      tpu.wait_dma2 semaphore(%run_scoped3A : memref<!tpu.dma_semaphore, #tpu.memory_space<semaphore_mem>>) src(%dma_wait3A_178 : memref<125x80xi32, #tpu.memory_space<hbm>>) dst(%arg6 : memref<125x80xi32, #tpu.memory_space<vmem>>)
      tpu.yield
    }) : () -> ()
    "tpu.region"() ({
      %run_scoped3A = tpu.sem_alloc : memref<!tpu.dma_semaphore, #tpu.memory_space<semaphore_mem>>
      %dma_start3A_171 = arith.constant 0 : i32
      %dma_start3A_172 = tpu.memref_slice %arg4[%add3A, %dma_start3A_171] : memref<4000x80xi32, #tpu.memory_space<hbm>> -> memref<125x80xi32, #tpu.memory_space<hbm>>
      %dma_start3A_173 = arith.constant 0 : i32
      %dma_start3A_174 = tpu.memref_slice %arg4[%add3A, %dma_start3A_173] : memref<4000x80xi32, #tpu.memory_space<hbm>> -> memref<125x80xi32, #tpu.memory_space<hbm>>
      tpu.enqueue_dma source(%dma_start3A_174 : memref<125x80xi32, #tpu.memory_space<hbm>>) target(%arg7 : memref<125x80xi32, #tpu.memory_space<vmem>>) target_semaphore(%run_scoped3A : memref<!tpu.dma_semaphore, #tpu.memory_space<semaphore_mem>>)
      %dma_wait3A_175 = arith.constant 0 : i32
      %dma_wait3A_176 = tpu.memref_slice %arg4[%add3A, %dma_wait3A_175] : memref<4000x80xi32, #tpu.memory_space<hbm>> -> memref<125x80xi32, #tpu.memory_space<hbm>>
      %dma_wait3A_177 = arith.constant 0 : i32
      %dma_wait3A_178 = tpu.memref_slice %arg4[%add3A, %dma_wait3A_177] : memref<4000x80xi32, #tpu.memory_space<hbm>> -> memref<125x80xi32, #tpu.memory_space<hbm>>
      tpu.wait_dma2 semaphore(%run_scoped3A : memref<!tpu.dma_semaphore, #tpu.memory_space<semaphore_mem>>) src(%dma_wait3A_178 : memref<125x80xi32, #tpu.memory_space<hbm>>) dst(%arg7 : memref<125x80xi32, #tpu.memory_space<vmem>>)
      tpu.yield
    }) : () -> ()
    %mul3A_8 = arith.constant 624 : i32
    %mul3A_9 = arith.muli %arg1, %mul3A_8 : i32
    %add3A_10 = arith.constant 0 : i32
    %add3A_11 = arith.addi %mul3A_9, %add3A_10 : i32
    "tpu.region"() ({
      %run_scoped3A = tpu.sem_alloc : memref<!tpu.dma_semaphore, #tpu.memory_space<semaphore_mem>>
      %dma_start3A_171 = arith.constant 0 : i32
      %dma_start3A_172 = tpu.memref_slice %arg11[%add3A_11, %dma_start3A_171] : memref<10000x128xf32, #tpu.memory_space<vmem_shared>> -> memref<80x128xf32, #tpu.memory_space<vmem_shared>>
      %dma_start3A_173 = arith.constant 0 : i32
      %dma_start3A_174 = tpu.memref_slice %arg11[%add3A_11, %dma_start3A_173] : memref<10000x128xf32, #tpu.memory_space<vmem_shared>> -> memref<80x128xf32, #tpu.memory_space<vmem_shared>>
      tpu.enqueue_dma source(%arg8 : memref<80x128xf32, #tpu.memory_space<vmem>>) target(%dma_start3A_174 : memref<80x128xf32, #tpu.memory_space<vmem_shared>>) target_semaphore(%run_scoped3A : memref<!tpu.dma_semaphore, #tpu.memory_space<semaphore_mem>>)
      %dma_wait3A_175 = arith.constant 0 : i32
      %dma_wait3A_176 = tpu.memref_slice %arg11[%add3A_11, %dma_wait3A_175] : memref<10000x128xf32, #tpu.memory_space<vmem_shared>> -> memref<80x128xf32, #tpu.memory_space<vmem_shared>>
      %dma_wait3A_177 = arith.constant 0 : i32
      %dma_wait3A_178 = tpu.memref_slice %arg11[%add3A_11, %dma_wait3A_177] : memref<10000x128xf32, #tpu.memory_space<vmem_shared>> -> memref<80x128xf32, #tpu.memory_space<vmem_shared>>
      tpu.wait_dma2 semaphore(%run_scoped3A : memref<!tpu.dma_semaphore, #tpu.memory_space<semaphore_mem>>) src(%arg8 : memref<80x128xf32, #tpu.memory_space<vmem>>) dst(%dma_wait3A_178 : memref<80x128xf32, #tpu.memory_space<vmem_shared>>)
      tpu.yield
    }) : () -> ()
    %add3A_12 = arith.constant 80 : i32
    %add3A_13 = arith.addi %mul3A_9, %add3A_12 : i32
    "tpu.region"() ({
      %run_scoped3A = tpu.sem_alloc : memref<!tpu.dma_semaphore, #tpu.memory_space<semaphore_mem>>
      %dma_start3A_171 = arith.constant 0 : i32
      %dma_start3A_172 = tpu.memref_slice %arg11[%add3A_13, %dma_start3A_171] : memref<10000x128xf32, #tpu.memory_space<vmem_shared>> -> memref<80x128xf32, #tpu.memory_space<vmem_shared>>
      %dma_start3A_173 = arith.constant 0 : i32
      %dma_start3A_174 = tpu.memref_slice %arg11[%add3A_13, %dma_start3A_173] : memref<10000x128xf32, #tpu.memory_space<vmem_shared>> -> memref<80x128xf32, #tpu.memory_space<vmem_shared>>
      tpu.enqueue_dma source(%arg8 : memref<80x128xf32, #tpu.memory_space<vmem>>) target(%dma_start3A_174 : memref<80x128xf32, #tpu.memory_space<vmem_shared>>) target_semaphore(%run_scoped3A : memref<!tpu.dma_semaphore, #tpu.memory_space<semaphore_mem>>)
      %dma_wait3A_175 = arith.constant 0 : i32
      %dma_wait3A_176 = tpu.memref_slice %arg11[%add3A_13, %dma_wait3A_175] : memref<10000x128xf32, #tpu.memory_space<vmem_shared>> -> memref<80x128xf32, #tpu.memory_space<vmem_shared>>
      %dma_wait3A_177 = arith.constant 0 : i32
      %dma_wait3A_178 = tpu.memref_slice %arg11[%add3A_13, %dma_wait3A_177] : memref<10000x128xf32, #tpu.memory_space<vmem_shared>> -> memref<80x128xf32, #tpu.memory_space<vmem_shared>>
      tpu.wait_dma2 semaphore(%run_scoped3A : memref<!tpu.dma_semaphore, #tpu.memory_space<semaphore_mem>>) src(%arg8 : memref<80x128xf32, #tpu.memory_space<vmem>>) dst(%dma_wait3A_178 : memref<80x128xf32, #tpu.memory_space<vmem_shared>>)
      tpu.yield
    }) : () -> ()
    %add3A_14 = arith.constant 160 : i32
    %add3A_15 = arith.addi %mul3A_9, %add3A_14 : i32
    "tpu.region"() ({
      %run_scoped3A = tpu.sem_alloc : memref<!tpu.dma_semaphore, #tpu.memory_space<semaphore_mem>>
      %dma_start3A_171 = arith.constant 0 : i32
      %dma_start3A_172 = tpu.memref_slice %arg11[%add3A_15, %dma_start3A_171] : memref<10000x128xf32, #tpu.memory_space<vmem_shared>> -> memref<80x128xf32, #tpu.memory_space<vmem_shared>>
      %dma_start3A_173 = arith.constant 0 : i32
      %dma_start3A_174 = tpu.memref_slice %arg11[%add3A_15, %dma_start3A_173] : memref<10000x128xf32, #tpu.memory_space<vmem_shared>> -> memref<80x128xf32, #tpu.memory_space<vmem_shared>>
      tpu.enqueue_dma source(%arg8 : memref<80x128xf32, #tpu.memory_space<vmem>>) target(%dma_start3A_174 : memref<80x128xf32, #tpu.memory_space<vmem_shared>>) target_semaphore(%run_scoped3A : memref<!tpu.dma_semaphore, #tpu.memory_space<semaphore_mem>>)
      %dma_wait3A_175 = arith.constant 0 : i32
      %dma_wait3A_176 = tpu.memref_slice %arg11[%add3A_15, %dma_wait3A_175] : memref<10000x128xf32, #tpu.memory_space<vmem_shared>> -> memref<80x128xf32, #tpu.memory_space<vmem_shared>>
      %dma_wait3A_177 = arith.constant 0 : i32
      %dma_wait3A_178 = tpu.memref_slice %arg11[%add3A_15, %dma_wait3A_177] : memref<10000x128xf32, #tpu.memory_space<vmem_shared>> -> memref<80x128xf32, #tpu.memory_space<vmem_shared>>
      tpu.wait_dma2 semaphore(%run_scoped3A : memref<!tpu.dma_semaphore, #tpu.memory_space<semaphore_mem>>) src(%arg8 : memref<80x128xf32, #tpu.memory_space<vmem>>) dst(%dma_wait3A_178 : memref<80x128xf32, #tpu.memory_space<vmem_shared>>)
      tpu.yield
    }) : () -> ()
    %add3A_16 = arith.constant 240 : i32
    %add3A_17 = arith.addi %mul3A_9, %add3A_16 : i32
    "tpu.region"() ({
      %run_scoped3A = tpu.sem_alloc : memref<!tpu.dma_semaphore, #tpu.memory_space<semaphore_mem>>
      %dma_start3A_171 = arith.constant 0 : i32
      %dma_start3A_172 = tpu.memref_slice %arg11[%add3A_17, %dma_start3A_171] : memref<10000x128xf32, #tpu.memory_space<vmem_shared>> -> memref<80x128xf32, #tpu.memory_space<vmem_shared>>
      %dma_start3A_173 = arith.constant 0 : i32
      %dma_start3A_174 = tpu.memref_slice %arg11[%add3A_17, %dma_start3A_173] : memref<10000x128xf32, #tpu.memory_space<vmem_shared>> -> memref<80x128xf32, #tpu.memory_space<vmem_shared>>
      tpu.enqueue_dma source(%arg8 : memref<80x128xf32, #tpu.memory_space<vmem>>) target(%dma_start3A_174 : memref<80x128xf32, #tpu.memory_space<vmem_shared>>) target_semaphore(%run_scoped3A : memref<!tpu.dma_semaphore, #tpu.memory_space<semaphore_mem>>)
      %dma_wait3A_175 = arith.constant 0 : i32
      %dma_wait3A_176 = tpu.memref_slice %arg11[%add3A_17, %dma_wait3A_175] : memref<10000x128xf32, #tpu.memory_space<vmem_shared>> -> memref<80x128xf32, #tpu.memory_space<vmem_shared>>
      %dma_wait3A_177 = arith.constant 0 : i32
      %dma_wait3A_178 = tpu.memref_slice %arg11[%add3A_17, %dma_wait3A_177] : memref<10000x128xf32, #tpu.memory_space<vmem_shared>> -> memref<80x128xf32, #tpu.memory_space<vmem_shared>>
      tpu.wait_dma2 semaphore(%run_scoped3A : memref<!tpu.dma_semaphore, #tpu.memory_space<semaphore_mem>>) src(%arg8 : memref<80x128xf32, #tpu.memory_space<vmem>>) dst(%dma_wait3A_178 : memref<80x128xf32, #tpu.memory_space<vmem_shared>>)
      tpu.yield
    }) : () -> ()
    %add3A_18 = arith.constant 320 : i32
    %add3A_19 = arith.addi %mul3A_9, %add3A_18 : i32
    "tpu.region"() ({
      %run_scoped3A = tpu.sem_alloc : memref<!tpu.dma_semaphore, #tpu.memory_space<semaphore_mem>>
      %dma_start3A_171 = arith.constant 0 : i32
      %dma_start3A_172 = tpu.memref_slice %arg11[%add3A_19, %dma_start3A_171] : memref<10000x128xf32, #tpu.memory_space<vmem_shared>> -> memref<80x128xf32, #tpu.memory_space<vmem_shared>>
      %dma_start3A_173 = arith.constant 0 : i32
      %dma_start3A_174 = tpu.memref_slice %arg11[%add3A_19, %dma_start3A_173] : memref<10000x128xf32, #tpu.memory_space<vmem_shared>> -> memref<80x128xf32, #tpu.memory_space<vmem_shared>>
      tpu.enqueue_dma source(%arg8 : memref<80x128xf32, #tpu.memory_space<vmem>>) target(%dma_start3A_174 : memref<80x128xf32, #tpu.memory_space<vmem_shared>>) target_semaphore(%run_scoped3A : memref<!tpu.dma_semaphore, #tpu.memory_space<semaphore_mem>>)
      %dma_wait3A_175 = arith.constant 0 : i32
      %dma_wait3A_176 = tpu.memref_slice %arg11[%add3A_19, %dma_wait3A_175] : memref<10000x128xf32, #tpu.memory_space<vmem_shared>> -> memref<80x128xf32, #tpu.memory_space<vmem_shared>>
      %dma_wait3A_177 = arith.constant 0 : i32
      %dma_wait3A_178 = tpu.memref_slice %arg11[%add3A_19, %dma_wait3A_177] : memref<10000x128xf32, #tpu.memory_space<vmem_shared>> -> memref<80x128xf32, #tpu.memory_space<vmem_shared>>
      tpu.wait_dma2 semaphore(%run_scoped3A : memref<!tpu.dma_semaphore, #tpu.memory_space<semaphore_mem>>) src(%arg8 : memref<80x128xf32, #tpu.memory_space<vmem>>) dst(%dma_wait3A_178 : memref<80x128xf32, #tpu.memory_space<vmem_shared>>)
      tpu.yield
    }) : () -> ()
    %add3A_20 = arith.constant 400 : i32
    %add3A_21 = arith.addi %mul3A_9, %add3A_20 : i32
    "tpu.region"() ({
      %run_scoped3A = tpu.sem_alloc : memref<!tpu.dma_semaphore, #tpu.memory_space<semaphore_mem>>
      %dma_start3A_171 = arith.constant 0 : i32
      %dma_start3A_172 = tpu.memref_slice %arg11[%add3A_21, %dma_start3A_171] : memref<10000x128xf32, #tpu.memory_space<vmem_shared>> -> memref<80x128xf32, #tpu.memory_space<vmem_shared>>
      %dma_start3A_173 = arith.constant 0 : i32
      %dma_start3A_174 = tpu.memref_slice %arg11[%add3A_21, %dma_start3A_173] : memref<10000x128xf32, #tpu.memory_space<vmem_shared>> -> memref<80x128xf32, #tpu.memory_space<vmem_shared>>
      tpu.enqueue_dma source(%arg8 : memref<80x128xf32, #tpu.memory_space<vmem>>) target(%dma_start3A_174 : memref<80x128xf32, #tpu.memory_space<vmem_shared>>) target_semaphore(%run_scoped3A : memref<!tpu.dma_semaphore, #tpu.memory_space<semaphore_mem>>)
      %dma_wait3A_175 = arith.constant 0 : i32
      %dma_wait3A_176 = tpu.memref_slice %arg11[%add3A_21, %dma_wait3A_175] : memref<10000x128xf32, #tpu.memory_space<vmem_shared>> -> memref<80x128xf32, #tpu.memory_space<vmem_shared>>
      %dma_wait3A_177 = arith.constant 0 : i32
      %dma_wait3A_178 = tpu.memref_slice %arg11[%add3A_21, %dma_wait3A_177] : memref<10000x128xf32, #tpu.memory_space<vmem_shared>> -> memref<80x128xf32, #tpu.memory_space<vmem_shared>>
      tpu.wait_dma2 semaphore(%run_scoped3A : memref<!tpu.dma_semaphore, #tpu.memory_space<semaphore_mem>>) src(%arg8 : memref<80x128xf32, #tpu.memory_space<vmem>>) dst(%dma_wait3A_178 : memref<80x128xf32, #tpu.memory_space<vmem_shared>>)
      tpu.yield
    }) : () -> ()
    %add3A_22 = arith.constant 480 : i32
    %add3A_23 = arith.addi %mul3A_9, %add3A_22 : i32
    "tpu.region"() ({
      %run_scoped3A = tpu.sem_alloc : memref<!tpu.dma_semaphore, #tpu.memory_space<semaphore_mem>>
      %dma_start3A_171 = arith.constant 0 : i32
      %dma_start3A_172 = tpu.memref_slice %arg11[%add3A_23, %dma_start3A_171] : memref<10000x128xf32, #tpu.memory_space<vmem_shared>> -> memref<80x128xf32, #tpu.memory_space<vmem_shared>>
      %dma_start3A_173 = arith.constant 0 : i32
      %dma_start3A_174 = tpu.memref_slice %arg11[%add3A_23, %dma_start3A_173] : memref<10000x128xf32, #tpu.memory_space<vmem_shared>> -> memref<80x128xf32, #tpu.memory_space<vmem_shared>>
      tpu.enqueue_dma source(%arg8 : memref<80x128xf32, #tpu.memory_space<vmem>>) target(%dma_start3A_174 : memref<80x128xf32, #tpu.memory_space<vmem_shared>>) target_semaphore(%run_scoped3A : memref<!tpu.dma_semaphore, #tpu.memory_space<semaphore_mem>>)
      %dma_wait3A_175 = arith.constant 0 : i32
      %dma_wait3A_176 = tpu.memref_slice %arg11[%add3A_23, %dma_wait3A_175] : memref<10000x128xf32, #tpu.memory_space<vmem_shared>> -> memref<80x128xf32, #tpu.memory_space<vmem_shared>>
      %dma_wait3A_177 = arith.constant 0 : i32
      %dma_wait3A_178 = tpu.memref_slice %arg11[%add3A_23, %dma_wait3A_177] : memref<10000x128xf32, #tpu.memory_space<vmem_shared>> -> memref<80x128xf32, #tpu.memory_space<vmem_shared>>
      tpu.wait_dma2 semaphore(%run_scoped3A : memref<!tpu.dma_semaphore, #tpu.memory_space<semaphore_mem>>) src(%arg8 : memref<80x128xf32, #tpu.memory_space<vmem>>) dst(%dma_wait3A_178 : memref<80x128xf32, #tpu.memory_space<vmem_shared>>)
      tpu.yield
    }) : () -> ()
    %add3A_24 = arith.constant 560 : i32
    %add3A_25 = arith.addi %mul3A_9, %add3A_24 : i32
    "tpu.region"() ({
      %run_scoped3A = tpu.sem_alloc : memref<!tpu.dma_semaphore, #tpu.memory_space<semaphore_mem>>
      %dma_start3A_171 = arith.constant 0 : i32
      %dma_start3A_172 = arith.constant 0 : i32
      %dma_start3A_173 = tpu.memref_slice %arg8[%dma_start3A_171, %dma_start3A_172] : memref<80x128xf32, #tpu.memory_space<vmem>> -> memref<64x128xf32, #tpu.memory_space<vmem>>
      %dma_start3A_174 = arith.constant 0 : i32
      %dma_start3A_175 = tpu.memref_slice %arg11[%add3A_25, %dma_start3A_174] : memref<10000x128xf32, #tpu.memory_space<vmem_shared>> -> memref<64x128xf32, #tpu.memory_space<vmem_shared>>
      %dma_start3A_176 = arith.constant 0 : i32
      %dma_start3A_177 = tpu.memref_slice %arg11[%add3A_25, %dma_start3A_176] : memref<10000x128xf32, #tpu.memory_space<vmem_shared>> -> memref<64x128xf32, #tpu.memory_space<vmem_shared>>
      %dma_start3A_178 = arith.constant 0 : i32
      %dma_start3A_179 = arith.constant 0 : i32
      %dma_start3A_180 = tpu.memref_slice %arg8[%dma_start3A_178, %dma_start3A_179] : memref<80x128xf32, #tpu.memory_space<vmem>> -> memref<64x128xf32, #tpu.memory_space<vmem>>
      tpu.enqueue_dma source(%dma_start3A_180 : memref<64x128xf32, #tpu.memory_space<vmem>>) target(%dma_start3A_177 : memref<64x128xf32, #tpu.memory_space<vmem_shared>>) target_semaphore(%run_scoped3A : memref<!tpu.dma_semaphore, #tpu.memory_space<semaphore_mem>>)
      %dma_wait3A_181 = arith.constant 0 : i32
      %dma_wait3A_182 = arith.constant 0 : i32
      %dma_wait3A_183 = tpu.memref_slice %arg8[%dma_wait3A_181, %dma_wait3A_182] : memref<80x128xf32, #tpu.memory_space<vmem>> -> memref<64x128xf32, #tpu.memory_space<vmem>>
      %dma_wait3A_184 = arith.constant 0 : i32
      %dma_wait3A_185 = tpu.memref_slice %arg11[%add3A_25, %dma_wait3A_184] : memref<10000x128xf32, #tpu.memory_space<vmem_shared>> -> memref<64x128xf32, #tpu.memory_space<vmem_shared>>
      %dma_wait3A_186 = arith.constant 0 : i32
      %dma_wait3A_187 = tpu.memref_slice %arg11[%add3A_25, %dma_wait3A_186] : memref<10000x128xf32, #tpu.memory_space<vmem_shared>> -> memref<64x128xf32, #tpu.memory_space<vmem_shared>>
      %dma_wait3A_188 = arith.constant 0 : i32
      %dma_wait3A_189 = arith.constant 0 : i32
      %dma_wait3A_190 = tpu.memref_slice %arg8[%dma_wait3A_188, %dma_wait3A_189] : memref<80x128xf32, #tpu.memory_space<vmem>> -> memref<64x128xf32, #tpu.memory_space<vmem>>
      tpu.wait_dma2 semaphore(%run_scoped3A : memref<!tpu.dma_semaphore, #tpu.memory_space<semaphore_mem>>) src(%dma_wait3A_190 : memref<64x128xf32, #tpu.memory_space<vmem>>) dst(%dma_wait3A_187 : memref<64x128xf32, #tpu.memory_space<vmem_shared>>)
      tpu.yield
    }) : () -> ()
    "tpu.region"() ({
      %run_scoped3A = tpu.sem_alloc : memref<!tpu.dma_semaphore, #tpu.memory_space<semaphore_mem>>
      %dma_start3A_171 = arith.constant 0 : i32
      %dma_start3A_172 = arith.constant 0 : i32
      %dma_start3A_173 = tpu.memref_slice %arg8[%dma_start3A_171, %dma_start3A_172] : memref<80x128xf32, #tpu.memory_space<vmem>> -> memref<16x128xf32, #tpu.memory_space<vmem>>
      %dma_start3A_174 = arith.constant 9984 : i32
      %dma_start3A_175 = arith.constant 0 : i32
      %dma_start3A_176 = tpu.memref_slice %arg11[%dma_start3A_174, %dma_start3A_175] : memref<10000x128xf32, #tpu.memory_space<vmem_shared>> -> memref<16x128xf32, #tpu.memory_space<vmem_shared>>
      %dma_start3A_177 = arith.constant 9984 : i32
      %dma_start3A_178 = arith.constant 0 : i32
      %dma_start3A_179 = tpu.memref_slice %arg11[%dma_start3A_177, %dma_start3A_178] : memref<10000x128xf32, #tpu.memory_space<vmem_shared>> -> memref<16x128xf32, #tpu.memory_space<vmem_shared>>
      %dma_start3A_180 = arith.constant 0 : i32
      %dma_start3A_181 = arith.constant 0 : i32
      %dma_start3A_182 = tpu.memref_slice %arg8[%dma_start3A_180, %dma_start3A_181] : memref<80x128xf32, #tpu.memory_space<vmem>> -> memref<16x128xf32, #tpu.memory_space<vmem>>
      tpu.enqueue_dma source(%dma_start3A_182 : memref<16x128xf32, #tpu.memory_space<vmem>>) target(%dma_start3A_179 : memref<16x128xf32, #tpu.memory_space<vmem_shared>>) target_semaphore(%run_scoped3A : memref<!tpu.dma_semaphore, #tpu.memory_space<semaphore_mem>>)
      %dma_wait3A_183 = arith.constant 0 : i32
      %dma_wait3A_184 = arith.constant 0 : i32
      %dma_wait3A_185 = tpu.memref_slice %arg8[%dma_wait3A_183, %dma_wait3A_184] : memref<80x128xf32, #tpu.memory_space<vmem>> -> memref<16x128xf32, #tpu.memory_space<vmem>>
      %dma_wait3A_186 = arith.constant 9984 : i32
      %dma_wait3A_187 = arith.constant 0 : i32
      %dma_wait3A_188 = tpu.memref_slice %arg11[%dma_wait3A_186, %dma_wait3A_187] : memref<10000x128xf32, #tpu.memory_space<vmem_shared>> -> memref<16x128xf32, #tpu.memory_space<vmem_shared>>
      %dma_wait3A_189 = arith.constant 9984 : i32
      %dma_wait3A_190 = arith.constant 0 : i32
      %dma_wait3A_191 = tpu.memref_slice %arg11[%dma_wait3A_189, %dma_wait3A_190] : memref<10000x128xf32, #tpu.memory_space<vmem_shared>> -> memref<16x128xf32, #tpu.memory_space<vmem_shared>>
      %dma_wait3A_192 = arith.constant 0 : i32
      %dma_wait3A_193 = arith.constant 0 : i32
      %dma_wait3A_194 = tpu.memref_slice %arg8[%dma_wait3A_192, %dma_wait3A_193] : memref<80x128xf32, #tpu.memory_space<vmem>> -> memref<16x128xf32, #tpu.memory_space<vmem>>
      tpu.wait_dma2 semaphore(%run_scoped3A : memref<!tpu.dma_semaphore, #tpu.memory_space<semaphore_mem>>) src(%dma_wait3A_194 : memref<16x128xf32, #tpu.memory_space<vmem>>) dst(%dma_wait3A_191 : memref<16x128xf32, #tpu.memory_space<vmem_shared>>)
      tpu.yield
    }) : () -> ()
    %barrier3A = arith.constant 0 : index
    tpu.barrier barrier_id(%barrier3A)
    %dma_start3A = arith.constant 0 : i32
    %dma_start3A_26 = arith.constant 0 : i32
    %dma_start3A_27 = tpu.memref_slice %arg6[%dma_start3A, %dma_start3A_26] : memref<125x80xi32, #tpu.memory_space<vmem>> -> memref<1x80xi32, #tpu.memory_space<vmem>>
    %dma_start3A_28 = tpu.memref_squeeze %dma_start3A_27 : memref<1x80xi32, #tpu.memory_space<vmem>> -> memref<80xi32, #tpu.memory_space<vmem>>
    %dma_start3A_29 = arith.constant 0 : i32
    %dma_start3A_30 = arith.constant 0 : i32
    %dma_start3A_31 = tpu.memref_slice %arg2[%dma_start3A_29, %dma_start3A_30] : memref<10000x128xf32, #tpu.memory_space<hbm>> -> memref<10000x128xf32, #tpu.memory_space<hbm>>
    tpu.enqueue_indirect_dma source(%dma_start3A_31 : memref<10000x128xf32, #tpu.memory_space<hbm>>) target(%arg8 : memref<80x128xf32, #tpu.memory_space<vmem>>) offsets(%dma_start3A_28 : memref<80xi32, #tpu.memory_space<vmem>>) semaphore(%arg12 : memref<!tpu.dma_semaphore, #tpu.memory_space<semaphore_mem>>)
    %dma_start3A_32 = arith.constant 1 : i32
    %dma_start3A_33 = arith.constant 0 : i32
    %dma_start3A_34 = tpu.memref_slice %arg6[%dma_start3A_32, %dma_start3A_33] : memref<125x80xi32, #tpu.memory_space<vmem>> -> memref<1x80xi32, #tpu.memory_space<vmem>>
    %dma_start3A_35 = tpu.memref_squeeze %dma_start3A_34 : memref<1x80xi32, #tpu.memory_space<vmem>> -> memref<80xi32, #tpu.memory_space<vmem>>
    %dma_start3A_36 = arith.constant 0 : i32
    %dma_start3A_37 = arith.constant 0 : i32
    %dma_start3A_38 = tpu.memref_slice %arg2[%dma_start3A_36, %dma_start3A_37] : memref<10000x128xf32, #tpu.memory_space<hbm>> -> memref<10000x128xf32, #tpu.memory_space<hbm>>
    tpu.enqueue_indirect_dma source(%dma_start3A_38 : memref<10000x128xf32, #tpu.memory_space<hbm>>) target(%arg9 : memref<80x128xf32, #tpu.memory_space<vmem>>) offsets(%dma_start3A_35 : memref<80xi32, #tpu.memory_space<vmem>>) semaphore(%arg13 : memref<!tpu.dma_semaphore, #tpu.memory_space<semaphore_mem>>)
    %dma_wait3A = arith.constant 0 : i32
    %dma_wait3A_39 = arith.constant 0 : i32
    %dma_wait3A_40 = tpu.memref_slice %arg6[%dma_wait3A, %dma_wait3A_39] : memref<125x80xi32, #tpu.memory_space<vmem>> -> memref<1x80xi32, #tpu.memory_space<vmem>>
    %dma_wait3A_41 = tpu.memref_squeeze %dma_wait3A_40 : memref<1x80xi32, #tpu.memory_space<vmem>> -> memref<80xi32, #tpu.memory_space<vmem>>
    %dma_wait3A_42 = arith.constant 0 : i32
    %dma_wait3A_43 = arith.constant 0 : i32
    %dma_wait3A_44 = tpu.memref_slice %arg2[%dma_wait3A_42, %dma_wait3A_43] : memref<10000x128xf32, #tpu.memory_space<hbm>> -> memref<10000x128xf32, #tpu.memory_space<hbm>>
    tpu.wait_indirect_dma semaphore(%arg12 : memref<!tpu.dma_semaphore, #tpu.memory_space<semaphore_mem>>) src(%dma_wait3A_44 : memref<10000x128xf32, #tpu.memory_space<hbm>>) dst(%arg8 : memref<80x128xf32, #tpu.memory_space<vmem>>)
    %dma_start3A_45 = arith.constant 0 : i32
    %dma_start3A_46 = arith.constant 0 : i32
    %dma_start3A_47 = tpu.memref_slice %arg7[%dma_start3A_45, %dma_start3A_46] : memref<125x80xi32, #tpu.memory_space<vmem>> -> memref<1x80xi32, #tpu.memory_space<vmem>>
    %dma_start3A_48 = tpu.memref_squeeze %dma_start3A_47 : memref<1x80xi32, #tpu.memory_space<vmem>> -> memref<80xi32, #tpu.memory_space<vmem>>
    %dma_start3A_49 = arith.constant 0 : i32
    %dma_start3A_50 = arith.constant 0 : i32
    %dma_start3A_51 = tpu.memref_slice %arg11[%dma_start3A_49, %dma_start3A_50] : memref<10000x128xf32, #tpu.memory_space<vmem_shared>> -> memref<10000x128xf32, #tpu.memory_space<vmem_shared>>
    tpu.enqueue_indirect_dma source(%arg8 : memref<80x128xf32, #tpu.memory_space<vmem>>) target(%dma_start3A_51 : memref<10000x128xf32, #tpu.memory_space<vmem_shared>>) offsets(%dma_start3A_48 : memref<80xi32, #tpu.memory_space<vmem>>) semaphore(%arg15 : memref<!tpu.dma_semaphore, #tpu.memory_space<semaphore_mem>>) {add = true}
    %dma_start3A_52 = arith.constant 2 : i32
    %dma_start3A_53 = arith.constant 0 : i32
    %dma_start3A_54 = tpu.memref_slice %arg6[%dma_start3A_52, %dma_start3A_53] : memref<125x80xi32, #tpu.memory_space<vmem>> -> memref<1x80xi32, #tpu.memory_space<vmem>>
    %dma_start3A_55 = tpu.memref_squeeze %dma_start3A_54 : memref<1x80xi32, #tpu.memory_space<vmem>> -> memref<80xi32, #tpu.memory_space<vmem>>
    %dma_start3A_56 = arith.constant 0 : i32
    %dma_start3A_57 = arith.constant 0 : i32
    %dma_start3A_58 = tpu.memref_slice %arg2[%dma_start3A_56, %dma_start3A_57] : memref<10000x128xf32, #tpu.memory_space<hbm>> -> memref<10000x128xf32, #tpu.memory_space<hbm>>
    tpu.enqueue_indirect_dma source(%dma_start3A_58 : memref<10000x128xf32, #tpu.memory_space<hbm>>) target(%arg10 : memref<80x128xf32, #tpu.memory_space<vmem>>) offsets(%dma_start3A_55 : memref<80xi32, #tpu.memory_space<vmem>>) semaphore(%arg14 : memref<!tpu.dma_semaphore, #tpu.memory_space<semaphore_mem>>)
    %dma_wait3A_59 = arith.constant 1 : i32
    %dma_wait3A_60 = arith.constant 0 : i32
    %dma_wait3A_61 = tpu.memref_slice %arg6[%dma_wait3A_59, %dma_wait3A_60] : memref<125x80xi32, #tpu.memory_space<vmem>> -> memref<1x80xi32, #tpu.memory_space<vmem>>
    %dma_wait3A_62 = tpu.memref_squeeze %dma_wait3A_61 : memref<1x80xi32, #tpu.memory_space<vmem>> -> memref<80xi32, #tpu.memory_space<vmem>>
    %dma_wait3A_63 = arith.constant 0 : i32
    %dma_wait3A_64 = arith.constant 0 : i32
    %dma_wait3A_65 = tpu.memref_slice %arg2[%dma_wait3A_63, %dma_wait3A_64] : memref<10000x128xf32, #tpu.memory_space<hbm>> -> memref<10000x128xf32, #tpu.memory_space<hbm>>
    tpu.wait_indirect_dma semaphore(%arg13 : memref<!tpu.dma_semaphore, #tpu.memory_space<semaphore_mem>>) src(%dma_wait3A_65 : memref<10000x128xf32, #tpu.memory_space<hbm>>) dst(%arg9 : memref<80x128xf32, #tpu.memory_space<vmem>>)
    %dma_start3A_66 = arith.constant 1 : i32
    %dma_start3A_67 = arith.constant 0 : i32
    %dma_start3A_68 = tpu.memref_slice %arg7[%dma_start3A_66, %dma_start3A_67] : memref<125x80xi32, #tpu.memory_space<vmem>> -> memref<1x80xi32, #tpu.memory_space<vmem>>
    %dma_start3A_69 = tpu.memref_squeeze %dma_start3A_68 : memref<1x80xi32, #tpu.memory_space<vmem>> -> memref<80xi32, #tpu.memory_space<vmem>>
    %dma_start3A_70 = arith.constant 0 : i32
    %dma_start3A_71 = arith.constant 0 : i32
    %dma_start3A_72 = tpu.memref_slice %arg11[%dma_start3A_70, %dma_start3A_71] : memref<10000x128xf32, #tpu.memory_space<vmem_shared>> -> memref<10000x128xf32, #tpu.memory_space<vmem_shared>>
    tpu.enqueue_indirect_dma source(%arg9 : memref<80x128xf32, #tpu.memory_space<vmem>>) target(%dma_start3A_72 : memref<10000x128xf32, #tpu.memory_space<vmem_shared>>) offsets(%dma_start3A_69 : memref<80xi32, #tpu.memory_space<vmem>>) semaphore(%arg16 : memref<!tpu.dma_semaphore, #tpu.memory_space<semaphore_mem>>) {add = true}
    %dma_wait3A_73 = arith.constant 0 : i32
    %dma_wait3A_74 = arith.constant 0 : i32
    %dma_wait3A_75 = tpu.memref_slice %arg7[%dma_wait3A_73, %dma_wait3A_74] : memref<125x80xi32, #tpu.memory_space<vmem>> -> memref<1x80xi32, #tpu.memory_space<vmem>>
    %dma_wait3A_76 = tpu.memref_squeeze %dma_wait3A_75 : memref<1x80xi32, #tpu.memory_space<vmem>> -> memref<80xi32, #tpu.memory_space<vmem>>
    %dma_wait3A_77 = arith.constant 0 : i32
    %dma_wait3A_78 = arith.constant 0 : i32
    %dma_wait3A_79 = tpu.memref_slice %arg11[%dma_wait3A_77, %dma_wait3A_78] : memref<10000x128xf32, #tpu.memory_space<vmem_shared>> -> memref<10000x128xf32, #tpu.memory_space<vmem_shared>>
    tpu.wait_indirect_dma semaphore(%arg15 : memref<!tpu.dma_semaphore, #tpu.memory_space<semaphore_mem>>) src(%arg8 : memref<80x128xf32, #tpu.memory_space<vmem>>) dst(%dma_wait3A_79 : memref<10000x128xf32, #tpu.memory_space<vmem_shared>>)
    %dma_start3A_80 = arith.constant 3 : i32
    %dma_start3A_81 = arith.constant 0 : i32
    %dma_start3A_82 = tpu.memref_slice %arg6[%dma_start3A_80, %dma_start3A_81] : memref<125x80xi32, #tpu.memory_space<vmem>> -> memref<1x80xi32, #tpu.memory_space<vmem>>
    %dma_start3A_83 = tpu.memref_squeeze %dma_start3A_82 : memref<1x80xi32, #tpu.memory_space<vmem>> -> memref<80xi32, #tpu.memory_space<vmem>>
    %dma_start3A_84 = arith.constant 0 : i32
    %dma_start3A_85 = arith.constant 0 : i32
    %dma_start3A_86 = tpu.memref_slice %arg2[%dma_start3A_84, %dma_start3A_85] : memref<10000x128xf32, #tpu.memory_space<hbm>> -> memref<10000x128xf32, #tpu.memory_space<hbm>>
    tpu.enqueue_indirect_dma source(%dma_start3A_86 : memref<10000x128xf32, #tpu.memory_space<hbm>>) target(%arg8 : memref<80x128xf32, #tpu.memory_space<vmem>>) offsets(%dma_start3A_83 : memref<80xi32, #tpu.memory_space<vmem>>) semaphore(%arg12 : memref<!tpu.dma_semaphore, #tpu.memory_space<semaphore_mem>>)
    %dma_wait3A_87 = arith.constant 2 : i32
    %dma_wait3A_88 = arith.constant 0 : i32
    %dma_wait3A_89 = tpu.memref_slice %arg6[%dma_wait3A_87, %dma_wait3A_88] : memref<125x80xi32, #tpu.memory_space<vmem>> -> memref<1x80xi32, #tpu.memory_space<vmem>>
    %dma_wait3A_90 = tpu.memref_squeeze %dma_wait3A_89 : memref<1x80xi32, #tpu.memory_space<vmem>> -> memref<80xi32, #tpu.memory_space<vmem>>
    %dma_wait3A_91 = arith.constant 0 : i32
    %dma_wait3A_92 = arith.constant 0 : i32
    %dma_wait3A_93 = tpu.memref_slice %arg2[%dma_wait3A_91, %dma_wait3A_92] : memref<10000x128xf32, #tpu.memory_space<hbm>> -> memref<10000x128xf32, #tpu.memory_space<hbm>>
    tpu.wait_indirect_dma semaphore(%arg14 : memref<!tpu.dma_semaphore, #tpu.memory_space<semaphore_mem>>) src(%dma_wait3A_93 : memref<10000x128xf32, #tpu.memory_space<hbm>>) dst(%arg10 : memref<80x128xf32, #tpu.memory_space<vmem>>)
    %dma_start3A_94 = arith.constant 2 : i32
    %dma_start3A_95 = arith.constant 0 : i32
    %dma_start3A_96 = tpu.memref_slice %arg7[%dma_start3A_94, %dma_start3A_95] : memref<125x80xi32, #tpu.memory_space<vmem>> -> memref<1x80xi32, #tpu.memory_space<vmem>>
    %dma_start3A_97 = tpu.memref_squeeze %dma_start3A_96 : memref<1x80xi32, #tpu.memory_space<vmem>> -> memref<80xi32, #tpu.memory_space<vmem>>
    %dma_start3A_98 = arith.constant 0 : i32
    %dma_start3A_99 = arith.constant 0 : i32
    %dma_start3A_100 = tpu.memref_slice %arg11[%dma_start3A_98, %dma_start3A_99] : memref<10000x128xf32, #tpu.memory_space<vmem_shared>> -> memref<10000x128xf32, #tpu.memory_space<vmem_shared>>
    tpu.enqueue_indirect_dma source(%arg10 : memref<80x128xf32, #tpu.memory_space<vmem>>) target(%dma_start3A_100 : memref<10000x128xf32, #tpu.memory_space<vmem_shared>>) offsets(%dma_start3A_97 : memref<80xi32, #tpu.memory_space<vmem>>) semaphore(%arg17 : memref<!tpu.dma_semaphore, #tpu.memory_space<semaphore_mem>>) {add = true}
    %dma_wait3A_101 = arith.constant 1 : i32
    %dma_wait3A_102 = arith.constant 0 : i32
    %dma_wait3A_103 = tpu.memref_slice %arg7[%dma_wait3A_101, %dma_wait3A_102] : memref<125x80xi32, #tpu.memory_space<vmem>> -> memref<1x80xi32, #tpu.memory_space<vmem>>
    %dma_wait3A_104 = tpu.memref_squeeze %dma_wait3A_103 : memref<1x80xi32, #tpu.memory_space<vmem>> -> memref<80xi32, #tpu.memory_space<vmem>>
    %dma_wait3A_105 = arith.constant 0 : i32
    %dma_wait3A_106 = arith.constant 0 : i32
    %dma_wait3A_107 = tpu.memref_slice %arg11[%dma_wait3A_105, %dma_wait3A_106] : memref<10000x128xf32, #tpu.memory_space<vmem_shared>> -> memref<10000x128xf32, #tpu.memory_space<vmem_shared>>
    tpu.wait_indirect_dma semaphore(%arg16 : memref<!tpu.dma_semaphore, #tpu.memory_space<semaphore_mem>>) src(%arg9 : memref<80x128xf32, #tpu.memory_space<vmem>>) dst(%dma_wait3A_107 : memref<10000x128xf32, #tpu.memory_space<vmem_shared>>)
    %dma_start3A_108 = arith.constant 4 : i32
    %dma_start3A_109 = arith.constant 0 : i32
    %dma_start3A_110 = tpu.memref_slice %arg6[%dma_start3A_108, %dma_start3A_109] : memref<125x80xi32, #tpu.memory_space<vmem>> -> memref<1x80xi32, #tpu.memory_space<vmem>>
    %dma_start3A_111 = tpu.memref_squeeze %dma_start3A_110 : memref<1x80xi32, #tpu.memory_space<vmem>> -> memref<80xi32, #tpu.memory_space<vmem>>
    %dma_start3A_112 = arith.constant 0 : i32
    %dma_start3A_113 = arith.constant 0 : i32
    %dma_start3A_114 = tpu.memref_slice %arg2[%dma_start3A_112, %dma_start3A_113] : memref<10000x128xf32, #tpu.memory_space<hbm>> -> memref<10000x128xf32, #tpu.memory_space<hbm>>
    tpu.enqueue_indirect_dma source(%dma_start3A_114 : memref<10000x128xf32, #tpu.memory_space<hbm>>) target(%arg9 : memref<80x128xf32, #tpu.memory_space<vmem>>) offsets(%dma_start3A_111 : memref<80xi32, #tpu.memory_space<vmem>>) semaphore(%arg13 : memref<!tpu.dma_semaphore, #tpu.memory_space<semaphore_mem>>)
    %scan3A_115 = arith.constant 0 : i32
    %scan3A_116 = arith.constant 1 : i32
    %scan3A_117 = arith.constant 40 : i32
    %scan3A_118 = arith.addi %scan3A_116, %scan3A_117 : i32
    %scan3A_119 = arith.constant 1 : i32
    scf.for %scan3A_171 = %scan3A_116 to %scan3A_118 step %scan3A_119  : i32 {
      %mul3A_172 = arith.constant 3 : i32
      %mul3A_173 = arith.muli %scan3A_171, %mul3A_172 : i32
      %add3A_174 = arith.constant 0 : i32
      %add3A_175 = arith.addi %mul3A_173, %add3A_174 : i32
      %dma_wait3A_176 = arith.constant 0 : i32
      %dma_wait3A_177 = tpu.memref_slice %arg6[%add3A_175, %dma_wait3A_176] : memref<125x80xi32, #tpu.memory_space<vmem>> -> memref<1x80xi32, #tpu.memory_space<vmem>>
      %dma_wait3A_178 = tpu.memref_squeeze %dma_wait3A_177 : memref<1x80xi32, #tpu.memory_space<vmem>> -> memref<80xi32, #tpu.memory_space<vmem>>
      %dma_wait3A_179 = arith.constant 0 : i32
      %dma_wait3A_180 = arith.constant 0 : i32
      %dma_wait3A_181 = tpu.memref_slice %arg2[%dma_wait3A_179, %dma_wait3A_180] : memref<10000x128xf32, #tpu.memory_space<hbm>> -> memref<10000x128xf32, #tpu.memory_space<hbm>>
      tpu.wait_indirect_dma semaphore(%arg12 : memref<!tpu.dma_semaphore, #tpu.memory_space<semaphore_mem>>) src(%dma_wait3A_181 : memref<10000x128xf32, #tpu.memory_space<hbm>>) dst(%arg8 : memref<80x128xf32, #tpu.memory_space<vmem>>)
      %dma_start3A_182 = arith.constant 0 : i32
      %dma_start3A_183 = tpu.memref_slice %arg7[%add3A_175, %dma_start3A_182] : memref<125x80xi32, #tpu.memory_space<vmem>> -> memref<1x80xi32, #tpu.memory_space<vmem>>
      %dma_start3A_184 = tpu.memref_squeeze %dma_start3A_183 : memref<1x80xi32, #tpu.memory_space<vmem>> -> memref<80xi32, #tpu.memory_space<vmem>>
      %dma_start3A_185 = arith.constant 0 : i32
      %dma_start3A_186 = arith.constant 0 : i32
      %dma_start3A_187 = tpu.memref_slice %arg11[%dma_start3A_185, %dma_start3A_186] : memref<10000x128xf32, #tpu.memory_space<vmem_shared>> -> memref<10000x128xf32, #tpu.memory_space<vmem_shared>>
      tpu.enqueue_indirect_dma source(%arg8 : memref<80x128xf32, #tpu.memory_space<vmem>>) target(%dma_start3A_187 : memref<10000x128xf32, #tpu.memory_space<vmem_shared>>) offsets(%dma_start3A_184 : memref<80xi32, #tpu.memory_space<vmem>>) semaphore(%arg15 : memref<!tpu.dma_semaphore, #tpu.memory_space<semaphore_mem>>) {add = true}
      %sub3A = arith.constant 1 : i32
      %sub3A_188 = arith.subi %add3A_175, %sub3A : i32
      %dma_wait3A_189 = arith.constant 0 : i32
      %dma_wait3A_190 = tpu.memref_slice %arg7[%sub3A_188, %dma_wait3A_189] : memref<125x80xi32, #tpu.memory_space<vmem>> -> memref<1x80xi32, #tpu.memory_space<vmem>>
      %dma_wait3A_191 = tpu.memref_squeeze %dma_wait3A_190 : memref<1x80xi32, #tpu.memory_space<vmem>> -> memref<80xi32, #tpu.memory_space<vmem>>
      %dma_wait3A_192 = arith.constant 0 : i32
      %dma_wait3A_193 = arith.constant 0 : i32
      %dma_wait3A_194 = tpu.memref_slice %arg11[%dma_wait3A_192, %dma_wait3A_193] : memref<10000x128xf32, #tpu.memory_space<vmem_shared>> -> memref<10000x128xf32, #tpu.memory_space<vmem_shared>>
      tpu.wait_indirect_dma semaphore(%arg17 : memref<!tpu.dma_semaphore, #tpu.memory_space<semaphore_mem>>) src(%arg10 : memref<80x128xf32, #tpu.memory_space<vmem>>) dst(%dma_wait3A_194 : memref<10000x128xf32, #tpu.memory_space<vmem_shared>>)
      %add3A_195 = arith.constant 2 : i32
      %add3A_196 = arith.addi %add3A_175, %add3A_195 : i32
      %dma_start3A_197 = arith.constant 0 : i32
      %dma_start3A_198 = tpu.memref_slice %arg6[%add3A_196, %dma_start3A_197] : memref<125x80xi32, #tpu.memory_space<vmem>> -> memref<1x80xi32, #tpu.memory_space<vmem>>
      %dma_start3A_199 = tpu.memref_squeeze %dma_start3A_198 : memref<1x80xi32, #tpu.memory_space<vmem>> -> memref<80xi32, #tpu.memory_space<vmem>>
      %dma_start3A_200 = arith.constant 0 : i32
      %dma_start3A_201 = arith.constant 0 : i32
      %dma_start3A_202 = tpu.memref_slice %arg2[%dma_start3A_200, %dma_start3A_201] : memref<10000x128xf32, #tpu.memory_space<hbm>> -> memref<10000x128xf32, #tpu.memory_space<hbm>>
      tpu.enqueue_indirect_dma source(%dma_start3A_202 : memref<10000x128xf32, #tpu.memory_space<hbm>>) target(%arg10 : memref<80x128xf32, #tpu.memory_space<vmem>>) offsets(%dma_start3A_199 : memref<80xi32, #tpu.memory_space<vmem>>) semaphore(%arg14 : memref<!tpu.dma_semaphore, #tpu.memory_space<semaphore_mem>>)
      %mul3A_203 = arith.constant 3 : i32
      %mul3A_204 = arith.muli %scan3A_171, %mul3A_203 : i32
      %add3A_205 = arith.constant 1 : i32
      %add3A_206 = arith.addi %mul3A_204, %add3A_205 : i32
      %dma_wait3A_207 = arith.constant 0 : i32
      %dma_wait3A_208 = tpu.memref_slice %arg6[%add3A_206, %dma_wait3A_207] : memref<125x80xi32, #tpu.memory_space<vmem>> -> memref<1x80xi32, #tpu.memory_space<vmem>>
      %dma_wait3A_209 = tpu.memref_squeeze %dma_wait3A_208 : memref<1x80xi32, #tpu.memory_space<vmem>> -> memref<80xi32, #tpu.memory_space<vmem>>
      %dma_wait3A_210 = arith.constant 0 : i32
      %dma_wait3A_211 = arith.constant 0 : i32
      %dma_wait3A_212 = tpu.memref_slice %arg2[%dma_wait3A_210, %dma_wait3A_211] : memref<10000x128xf32, #tpu.memory_space<hbm>> -> memref<10000x128xf32, #tpu.memory_space<hbm>>
      tpu.wait_indirect_dma semaphore(%arg13 : memref<!tpu.dma_semaphore, #tpu.memory_space<semaphore_mem>>) src(%dma_wait3A_212 : memref<10000x128xf32, #tpu.memory_space<hbm>>) dst(%arg9 : memref<80x128xf32, #tpu.memory_space<vmem>>)
      %dma_start3A_213 = arith.constant 0 : i32
      %dma_start3A_214 = tpu.memref_slice %arg7[%add3A_206, %dma_start3A_213] : memref<125x80xi32, #tpu.memory_space<vmem>> -> memref<1x80xi32, #tpu.memory_space<vmem>>
      %dma_start3A_215 = tpu.memref_squeeze %dma_start3A_214 : memref<1x80xi32, #tpu.memory_space<vmem>> -> memref<80xi32, #tpu.memory_space<vmem>>
      %dma_start3A_216 = arith.constant 0 : i32
      %dma_start3A_217 = arith.constant 0 : i32
      %dma_start3A_218 = tpu.memref_slice %arg11[%dma_start3A_216, %dma_start3A_217] : memref<10000x128xf32, #tpu.memory_space<vmem_shared>> -> memref<10000x128xf32, #tpu.memory_space<vmem_shared>>
      tpu.enqueue_indirect_dma source(%arg9 : memref<80x128xf32, #tpu.memory_space<vmem>>) target(%dma_start3A_218 : memref<10000x128xf32, #tpu.memory_space<vmem_shared>>) offsets(%dma_start3A_215 : memref<80xi32, #tpu.memory_space<vmem>>) semaphore(%arg16 : memref<!tpu.dma_semaphore, #tpu.memory_space<semaphore_mem>>) {add = true}
      %sub3A_219 = arith.constant 1 : i32
      %sub3A_220 = arith.subi %add3A_206, %sub3A_219 : i32
      %dma_wait3A_221 = arith.constant 0 : i32
      %dma_wait3A_222 = tpu.memref_slice %arg7[%sub3A_220, %dma_wait3A_221] : memref<125x80xi32, #tpu.memory_space<vmem>> -> memref<1x80xi32, #tpu.memory_space<vmem>>
      %dma_wait3A_223 = tpu.memref_squeeze %dma_wait3A_222 : memref<1x80xi32, #tpu.memory_space<vmem>> -> memref<80xi32, #tpu.memory_space<vmem>>
      %dma_wait3A_224 = arith.constant 0 : i32
      %dma_wait3A_225 = arith.constant 0 : i32
      %dma_wait3A_226 = tpu.memref_slice %arg11[%dma_wait3A_224, %dma_wait3A_225] : memref<10000x128xf32, #tpu.memory_space<vmem_shared>> -> memref<10000x128xf32, #tpu.memory_space<vmem_shared>>
      tpu.wait_indirect_dma semaphore(%arg15 : memref<!tpu.dma_semaphore, #tpu.memory_space<semaphore_mem>>) src(%arg8 : memref<80x128xf32, #tpu.memory_space<vmem>>) dst(%dma_wait3A_226 : memref<10000x128xf32, #tpu.memory_space<vmem_shared>>)
      %add3A_227 = arith.constant 2 : i32
      %add3A_228 = arith.addi %add3A_206, %add3A_227 : i32
      %dma_start3A_229 = arith.constant 0 : i32
      %dma_start3A_230 = tpu.memref_slice %arg6[%add3A_228, %dma_start3A_229] : memref<125x80xi32, #tpu.memory_space<vmem>> -> memref<1x80xi32, #tpu.memory_space<vmem>>
      %dma_start3A_231 = tpu.memref_squeeze %dma_start3A_230 : memref<1x80xi32, #tpu.memory_space<vmem>> -> memref<80xi32, #tpu.memory_space<vmem>>
      %dma_start3A_232 = arith.constant 0 : i32
      %dma_start3A_233 = arith.constant 0 : i32
      %dma_start3A_234 = tpu.memref_slice %arg2[%dma_start3A_232, %dma_start3A_233] : memref<10000x128xf32, #tpu.memory_space<hbm>> -> memref<10000x128xf32, #tpu.memory_space<hbm>>
      tpu.enqueue_indirect_dma source(%dma_start3A_234 : memref<10000x128xf32, #tpu.memory_space<hbm>>) target(%arg8 : memref<80x128xf32, #tpu.memory_space<vmem>>) offsets(%dma_start3A_231 : memref<80xi32, #tpu.memory_space<vmem>>) semaphore(%arg12 : memref<!tpu.dma_semaphore, #tpu.memory_space<semaphore_mem>>)
      %mul3A_235 = arith.constant 3 : i32
      %mul3A_236 = arith.muli %scan3A_171, %mul3A_235 : i32
      %add3A_237 = arith.constant 2 : i32
      %add3A_238 = arith.addi %mul3A_236, %add3A_237 : i32
      %dma_wait3A_239 = arith.constant 0 : i32
      %dma_wait3A_240 = tpu.memref_slice %arg6[%add3A_238, %dma_wait3A_239] : memref<125x80xi32, #tpu.memory_space<vmem>> -> memref<1x80xi32, #tpu.memory_space<vmem>>
      %dma_wait3A_241 = tpu.memref_squeeze %dma_wait3A_240 : memref<1x80xi32, #tpu.memory_space<vmem>> -> memref<80xi32, #tpu.memory_space<vmem>>
      %dma_wait3A_242 = arith.constant 0 : i32
      %dma_wait3A_243 = arith.constant 0 : i32
      %dma_wait3A_244 = tpu.memref_slice %arg2[%dma_wait3A_242, %dma_wait3A_243] : memref<10000x128xf32, #tpu.memory_space<hbm>> -> memref<10000x128xf32, #tpu.memory_space<hbm>>
      tpu.wait_indirect_dma semaphore(%arg14 : memref<!tpu.dma_semaphore, #tpu.memory_space<semaphore_mem>>) src(%dma_wait3A_244 : memref<10000x128xf32, #tpu.memory_space<hbm>>) dst(%arg10 : memref<80x128xf32, #tpu.memory_space<vmem>>)
      %dma_start3A_245 = arith.constant 0 : i32
      %dma_start3A_246 = tpu.memref_slice %arg7[%add3A_238, %dma_start3A_245] : memref<125x80xi32, #tpu.memory_space<vmem>> -> memref<1x80xi32, #tpu.memory_space<vmem>>
      %dma_start3A_247 = tpu.memref_squeeze %dma_start3A_246 : memref<1x80xi32, #tpu.memory_space<vmem>> -> memref<80xi32, #tpu.memory_space<vmem>>
      %dma_start3A_248 = arith.constant 0 : i32
      %dma_start3A_249 = arith.constant 0 : i32
      %dma_start3A_250 = tpu.memref_slice %arg11[%dma_start3A_248, %dma_start3A_249] : memref<10000x128xf32, #tpu.memory_space<vmem_shared>> -> memref<10000x128xf32, #tpu.memory_space<vmem_shared>>
      tpu.enqueue_indirect_dma source(%arg10 : memref<80x128xf32, #tpu.memory_space<vmem>>) target(%dma_start3A_250 : memref<10000x128xf32, #tpu.memory_space<vmem_shared>>) offsets(%dma_start3A_247 : memref<80xi32, #tpu.memory_space<vmem>>) semaphore(%arg17 : memref<!tpu.dma_semaphore, #tpu.memory_space<semaphore_mem>>) {add = true}
      %sub3A_251 = arith.constant 1 : i32
      %sub3A_252 = arith.subi %add3A_238, %sub3A_251 : i32
      %dma_wait3A_253 = arith.constant 0 : i32
      %dma_wait3A_254 = tpu.memref_slice %arg7[%sub3A_252, %dma_wait3A_253] : memref<125x80xi32, #tpu.memory_space<vmem>> -> memref<1x80xi32, #tpu.memory_space<vmem>>
      %dma_wait3A_255 = tpu.memref_squeeze %dma_wait3A_254 : memref<1x80xi32, #tpu.memory_space<vmem>> -> memref<80xi32, #tpu.memory_space<vmem>>
      %dma_wait3A_256 = arith.constant 0 : i32
      %dma_wait3A_257 = arith.constant 0 : i32
      %dma_wait3A_258 = tpu.memref_slice %arg11[%dma_wait3A_256, %dma_wait3A_257] : memref<10000x128xf32, #tpu.memory_space<vmem_shared>> -> memref<10000x128xf32, #tpu.memory_space<vmem_shared>>
      tpu.wait_indirect_dma semaphore(%arg16 : memref<!tpu.dma_semaphore, #tpu.memory_space<semaphore_mem>>) src(%arg9 : memref<80x128xf32, #tpu.memory_space<vmem>>) dst(%dma_wait3A_258 : memref<10000x128xf32, #tpu.memory_space<vmem_shared>>)
      %add3A_259 = arith.constant 2 : i32
      %add3A_260 = arith.addi %add3A_238, %add3A_259 : i32
      %dma_start3A_261 = arith.constant 0 : i32
      %dma_start3A_262 = tpu.memref_slice %arg6[%add3A_260, %dma_start3A_261] : memref<125x80xi32, #tpu.memory_space<vmem>> -> memref<1x80xi32, #tpu.memory_space<vmem>>
      %dma_start3A_263 = tpu.memref_squeeze %dma_start3A_262 : memref<1x80xi32, #tpu.memory_space<vmem>> -> memref<80xi32, #tpu.memory_space<vmem>>
      %dma_start3A_264 = arith.constant 0 : i32
      %dma_start3A_265 = arith.constant 0 : i32
      %dma_start3A_266 = tpu.memref_slice %arg2[%dma_start3A_264, %dma_start3A_265] : memref<10000x128xf32, #tpu.memory_space<hbm>> -> memref<10000x128xf32, #tpu.memory_space<hbm>>
      tpu.enqueue_indirect_dma source(%dma_start3A_266 : memref<10000x128xf32, #tpu.memory_space<hbm>>) target(%arg9 : memref<80x128xf32, #tpu.memory_space<vmem>>) offsets(%dma_start3A_263 : memref<80xi32, #tpu.memory_space<vmem>>) semaphore(%arg13 : memref<!tpu.dma_semaphore, #tpu.memory_space<semaphore_mem>>)
    }
    %scan3A_120 = arith.constant 40 : i32
    %dma_wait3A_121 = arith.constant 123 : i32
    %dma_wait3A_122 = arith.constant 0 : i32
    %dma_wait3A_123 = tpu.memref_slice %arg6[%dma_wait3A_121, %dma_wait3A_122] : memref<125x80xi32, #tpu.memory_space<vmem>> -> memref<1x80xi32, #tpu.memory_space<vmem>>
    %dma_wait3A_124 = tpu.memref_squeeze %dma_wait3A_123 : memref<1x80xi32, #tpu.memory_space<vmem>> -> memref<80xi32, #tpu.memory_space<vmem>>
    %dma_wait3A_125 = arith.constant 0 : i32
    %dma_wait3A_126 = arith.constant 0 : i32
    %dma_wait3A_127 = tpu.memref_slice %arg2[%dma_wait3A_125, %dma_wait3A_126] : memref<10000x128xf32, #tpu.memory_space<hbm>> -> memref<10000x128xf32, #tpu.memory_space<hbm>>
    tpu.wait_indirect_dma semaphore(%arg12 : memref<!tpu.dma_semaphore, #tpu.memory_space<semaphore_mem>>) src(%dma_wait3A_127 : memref<10000x128xf32, #tpu.memory_space<hbm>>) dst(%arg8 : memref<80x128xf32, #tpu.memory_space<vmem>>)
    %dma_start3A_128 = arith.constant 123 : i32
    %dma_start3A_129 = arith.constant 0 : i32
    %dma_start3A_130 = tpu.memref_slice %arg7[%dma_start3A_128, %dma_start3A_129] : memref<125x80xi32, #tpu.memory_space<vmem>> -> memref<1x80xi32, #tpu.memory_space<vmem>>
    %dma_start3A_131 = tpu.memref_squeeze %dma_start3A_130 : memref<1x80xi32, #tpu.memory_space<vmem>> -> memref<80xi32, #tpu.memory_space<vmem>>
    %dma_start3A_132 = arith.constant 0 : i32
    %dma_start3A_133 = arith.constant 0 : i32
    %dma_start3A_134 = tpu.memref_slice %arg11[%dma_start3A_132, %dma_start3A_133] : memref<10000x128xf32, #tpu.memory_space<vmem_shared>> -> memref<10000x128xf32, #tpu.memory_space<vmem_shared>>
    tpu.enqueue_indirect_dma source(%arg8 : memref<80x128xf32, #tpu.memory_space<vmem>>) target(%dma_start3A_134 : memref<10000x128xf32, #tpu.memory_space<vmem_shared>>) offsets(%dma_start3A_131 : memref<80xi32, #tpu.memory_space<vmem>>) semaphore(%arg15 : memref<!tpu.dma_semaphore, #tpu.memory_space<semaphore_mem>>) {add = true}
    %dma_wait3A_135 = arith.constant 122 : i32
    %dma_wait3A_136 = arith.constant 0 : i32
    %dma_wait3A_137 = tpu.memref_slice %arg7[%dma_wait3A_135, %dma_wait3A_136] : memref<125x80xi32, #tpu.memory_space<vmem>> -> memref<1x80xi32, #tpu.memory_space<vmem>>
    %dma_wait3A_138 = tpu.memref_squeeze %dma_wait3A_137 : memref<1x80xi32, #tpu.memory_space<vmem>> -> memref<80xi32, #tpu.memory_space<vmem>>
    %dma_wait3A_139 = arith.constant 0 : i32
    %dma_wait3A_140 = arith.constant 0 : i32
    %dma_wait3A_141 = tpu.memref_slice %arg11[%dma_wait3A_139, %dma_wait3A_140] : memref<10000x128xf32, #tpu.memory_space<vmem_shared>> -> memref<10000x128xf32, #tpu.memory_space<vmem_shared>>
    tpu.wait_indirect_dma semaphore(%arg17 : memref<!tpu.dma_semaphore, #tpu.memory_space<semaphore_mem>>) src(%arg10 : memref<80x128xf32, #tpu.memory_space<vmem>>) dst(%dma_wait3A_141 : memref<10000x128xf32, #tpu.memory_space<vmem_shared>>)
    %dma_wait3A_142 = arith.constant 124 : i32
    %dma_wait3A_143 = arith.constant 0 : i32
    %dma_wait3A_144 = tpu.memref_slice %arg6[%dma_wait3A_142, %dma_wait3A_143] : memref<125x80xi32, #tpu.memory_space<vmem>> -> memref<1x80xi32, #tpu.memory_space<vmem>>
    %dma_wait3A_145 = tpu.memref_squeeze %dma_wait3A_144 : memref<1x80xi32, #tpu.memory_space<vmem>> -> memref<80xi32, #tpu.memory_space<vmem>>
    %dma_wait3A_146 = arith.constant 0 : i32
    %dma_wait3A_147 = arith.constant 0 : i32
    %dma_wait3A_148 = tpu.memref_slice %arg2[%dma_wait3A_146, %dma_wait3A_147] : memref<10000x128xf32, #tpu.memory_space<hbm>> -> memref<10000x128xf32, #tpu.memory_space<hbm>>
    tpu.wait_indirect_dma semaphore(%arg13 : memref<!tpu.dma_semaphore, #tpu.memory_space<semaphore_mem>>) src(%dma_wait3A_148 : memref<10000x128xf32, #tpu.memory_space<hbm>>) dst(%arg9 : memref<80x128xf32, #tpu.memory_space<vmem>>)
    %dma_start3A_149 = arith.constant 124 : i32
    %dma_start3A_150 = arith.constant 0 : i32
    %dma_start3A_151 = tpu.memref_slice %arg7[%dma_start3A_149, %dma_start3A_150] : memref<125x80xi32, #tpu.memory_space<vmem>> -> memref<1x80xi32, #tpu.memory_space<vmem>>
    %dma_start3A_152 = tpu.memref_squeeze %dma_start3A_151 : memref<1x80xi32, #tpu.memory_space<vmem>> -> memref<80xi32, #tpu.memory_space<vmem>>
    %dma_start3A_153 = arith.constant 0 : i32
    %dma_start3A_154 = arith.constant 0 : i32
    %dma_start3A_155 = tpu.memref_slice %arg11[%dma_start3A_153, %dma_start3A_154] : memref<10000x128xf32, #tpu.memory_space<vmem_shared>> -> memref<10000x128xf32, #tpu.memory_space<vmem_shared>>
    tpu.enqueue_indirect_dma source(%arg9 : memref<80x128xf32, #tpu.memory_space<vmem>>) target(%dma_start3A_155 : memref<10000x128xf32, #tpu.memory_space<vmem_shared>>) offsets(%dma_start3A_152 : memref<80xi32, #tpu.memory_space<vmem>>) semaphore(%arg16 : memref<!tpu.dma_semaphore, #tpu.memory_space<semaphore_mem>>) {add = true}
    %dma_wait3A_156 = arith.constant 123 : i32
    %dma_wait3A_157 = arith.constant 0 : i32
    %dma_wait3A_158 = tpu.memref_slice %arg7[%dma_wait3A_156, %dma_wait3A_157] : memref<125x80xi32, #tpu.memory_space<vmem>> -> memref<1x80xi32, #tpu.memory_space<vmem>>
    %dma_wait3A_159 = tpu.memref_squeeze %dma_wait3A_158 : memref<1x80xi32, #tpu.memory_space<vmem>> -> memref<80xi32, #tpu.memory_space<vmem>>
    %dma_wait3A_160 = arith.constant 0 : i32
    %dma_wait3A_161 = arith.constant 0 : i32
    %dma_wait3A_162 = tpu.memref_slice %arg11[%dma_wait3A_160, %dma_wait3A_161] : memref<10000x128xf32, #tpu.memory_space<vmem_shared>> -> memref<10000x128xf32, #tpu.memory_space<vmem_shared>>
    tpu.wait_indirect_dma semaphore(%arg15 : memref<!tpu.dma_semaphore, #tpu.memory_space<semaphore_mem>>) src(%arg8 : memref<80x128xf32, #tpu.memory_space<vmem>>) dst(%dma_wait3A_162 : memref<10000x128xf32, #tpu.memory_space<vmem_shared>>)
    %dma_wait3A_163 = arith.constant 124 : i32
    %dma_wait3A_164 = arith.constant 0 : i32
    %dma_wait3A_165 = tpu.memref_slice %arg7[%dma_wait3A_163, %dma_wait3A_164] : memref<125x80xi32, #tpu.memory_space<vmem>> -> memref<1x80xi32, #tpu.memory_space<vmem>>
    %dma_wait3A_166 = tpu.memref_squeeze %dma_wait3A_165 : memref<1x80xi32, #tpu.memory_space<vmem>> -> memref<80xi32, #tpu.memory_space<vmem>>
    %dma_wait3A_167 = arith.constant 0 : i32
    %dma_wait3A_168 = arith.constant 0 : i32
    %dma_wait3A_169 = tpu.memref_slice %arg11[%dma_wait3A_167, %dma_wait3A_168] : memref<10000x128xf32, #tpu.memory_space<vmem_shared>> -> memref<10000x128xf32, #tpu.memory_space<vmem_shared>>
    tpu.wait_indirect_dma semaphore(%arg16 : memref<!tpu.dma_semaphore, #tpu.memory_space<semaphore_mem>>) src(%arg9 : memref<80x128xf32, #tpu.memory_space<vmem>>) dst(%dma_wait3A_169 : memref<10000x128xf32, #tpu.memory_space<vmem_shared>>)
    %barrier3A_170 = arith.constant 0 : index
    tpu.barrier barrier_id(%barrier3A_170)
    "tpu.region"() ({
      %run_scoped3A = tpu.sem_alloc : memref<!tpu.dma_semaphore, #tpu.memory_space<semaphore_mem>>
      %dma_start3A_171 = arith.constant 0 : i32
      %dma_start3A_172 = tpu.memref_slice %arg5[%arg0, %mul3A_9, %dma_start3A_171] : memref<2x10000x128xf32, #tpu.memory_space<hbm>> -> memref<1x624x128xf32, #tpu.memory_space<hbm>>
      %dma_start3A_173 = tpu.memref_squeeze %dma_start3A_172 : memref<1x624x128xf32, #tpu.memory_space<hbm>> -> memref<624x128xf32, #tpu.memory_space<hbm>>
      %dma_start3A_174 = arith.constant 0 : i32
      %dma_start3A_175 = tpu.memref_slice %arg11[%mul3A_9, %dma_start3A_174] : memref<10000x128xf32, #tpu.memory_space<vmem_shared>> -> memref<624x128xf32, #tpu.memory_space<vmem_shared>>
      tpu.enqueue_dma source(%dma_start3A_175 : memref<624x128xf32, #tpu.memory_space<vmem_shared>>) target(%dma_start3A_173 : memref<624x128xf32, #tpu.memory_space<hbm>>) target_semaphore(%run_scoped3A : memref<!tpu.dma_semaphore, #tpu.memory_space<semaphore_mem>>)
      %dma_wait3A_176 = arith.constant 0 : i32
      %dma_wait3A_177 = tpu.memref_slice %arg5[%arg0, %mul3A_9, %dma_wait3A_176] : memref<2x10000x128xf32, #tpu.memory_space<hbm>> -> memref<1x624x128xf32, #tpu.memory_space<hbm>>
      %dma_wait3A_178 = tpu.memref_squeeze %dma_wait3A_177 : memref<1x624x128xf32, #tpu.memory_space<hbm>> -> memref<624x128xf32, #tpu.memory_space<hbm>>
      %dma_wait3A_179 = arith.constant 0 : i32
      %dma_wait3A_180 = tpu.memref_slice %arg11[%mul3A_9, %dma_wait3A_179] : memref<10000x128xf32, #tpu.memory_space<vmem_shared>> -> memref<624x128xf32, #tpu.memory_space<vmem_shared>>
      tpu.wait_dma2 semaphore(%run_scoped3A : memref<!tpu.dma_semaphore, #tpu.memory_space<semaphore_mem>>) src(%dma_wait3A_180 : memref<624x128xf32, #tpu.memory_space<vmem_shared>>) dst(%dma_wait3A_178 : memref<624x128xf32, #tpu.memory_space<hbm>>)
      tpu.yield
    }) : () -> ()
    "tpu.region"() ({
      %run_scoped3A = tpu.sem_alloc : memref<!tpu.dma_semaphore, #tpu.memory_space<semaphore_mem>>
      %dma_start3A_171 = arith.constant 9984 : i32
      %dma_start3A_172 = arith.constant 0 : i32
      %dma_start3A_173 = tpu.memref_slice %arg5[%arg0, %dma_start3A_171, %dma_start3A_172] : memref<2x10000x128xf32, #tpu.memory_space<hbm>> -> memref<1x16x128xf32, #tpu.memory_space<hbm>>
      %dma_start3A_174 = tpu.memref_squeeze %dma_start3A_173 : memref<1x16x128xf32, #tpu.memory_space<hbm>> -> memref<16x128xf32, #tpu.memory_space<hbm>>
      %dma_start3A_175 = arith.constant 9984 : i32
      %dma_start3A_176 = arith.constant 0 : i32
      %dma_start3A_177 = tpu.memref_slice %arg11[%dma_start3A_175, %dma_start3A_176] : memref<10000x128xf32, #tpu.memory_space<vmem_shared>> -> memref<16x128xf32, #tpu.memory_space<vmem_shared>>
      tpu.enqueue_dma source(%dma_start3A_177 : memref<16x128xf32, #tpu.memory_space<vmem_shared>>) target(%dma_start3A_174 : memref<16x128xf32, #tpu.memory_space<hbm>>) target_semaphore(%run_scoped3A : memref<!tpu.dma_semaphore, #tpu.memory_space<semaphore_mem>>)
      %dma_wait3A_178 = arith.constant 9984 : i32
      %dma_wait3A_179 = arith.constant 0 : i32
      %dma_wait3A_180 = tpu.memref_slice %arg5[%arg0, %dma_wait3A_178, %dma_wait3A_179] : memref<2x10000x128xf32, #tpu.memory_space<hbm>> -> memref<1x16x128xf32, #tpu.memory_space<hbm>>
      %dma_wait3A_181 = tpu.memref_squeeze %dma_wait3A_180 : memref<1x16x128xf32, #tpu.memory_space<hbm>> -> memref<16x128xf32, #tpu.memory_space<hbm>>
      %dma_wait3A_182 = arith.constant 9984 : i32
      %dma_wait3A_183 = arith.constant 0 : i32
      %dma_wait3A_184 = tpu.memref_slice %arg11[%dma_wait3A_182, %dma_wait3A_183] : memref<10000x128xf32, #tpu.memory_space<vmem_shared>> -> memref<16x128xf32, #tpu.memory_space<vmem_shared>>
      tpu.wait_dma2 semaphore(%run_scoped3A : memref<!tpu.dma_semaphore, #tpu.memory_space<semaphore_mem>>) src(%dma_wait3A_184 : memref<16x128xf32, #tpu.memory_space<vmem_shared>>) dst(%dma_wait3A_181 : memref<16x128xf32, #tpu.memory_space<hbm>>)
      tpu.yield
    }) : () -> ()
    return
  }
}

module attributes {stable_mosaic.version = 14 : i64} {
  func.func @body(%arg0: i32, %arg1: memref<2000x128xf32, #tpu.memory_space<vmem>>, %arg2: memref<128x128xf32, #tpu.memory_space<vmem>>, %arg3: memref<2x2000x16xf32, #tpu.memory_space<vmem>>, %arg4: memref<2000x128xf32, #tpu.memory_space<vmem>>) attributes {dimension_semantics = [#tpu.dimension_semantics<arbitrary>], iteration_bounds = array<i64: 5>, scalar_prefetch = 0 : i64, scratch_operands = 0 : i64, tpu.core_type = #tpu.core_type<tc>, window_params = [{transform_indices = @transform_0, window_bounds = array<i64: 2000, 128>}, {pipeline_mode = #tpu.pipeline_mode<synchronous>, transform_indices = @transform_1, window_bounds = array<i64: 128, 128>}, {transform_indices = @transform_2, window_bounds = array<i64: 2, 2000, 16>}, {transform_indices = @transform_3, window_bounds = array<i64: 2000, 128>}]} {
    %get3A = arith.constant 0 : index
    %get3A_0 = arith.constant 0 : index
    %get3A_1 = arith.constant 0 : index
    %get3A_2 = vector.load %arg3[%get3A, %get3A_0, %get3A_1] : memref<2x2000x16xf32, #tpu.memory_space<vmem>>, vector<1x2000x16xf32>
    %get3A_3 = vector.shape_cast %get3A_2 : vector<1x2000x16xf32> to vector<2000x16xf32>
    %get3A_4 = arith.constant 1 : index
    %get3A_5 = arith.constant 0 : index
    %get3A_6 = arith.constant 0 : index
    %get3A_7 = vector.load %arg3[%get3A_4, %get3A_5, %get3A_6] : memref<2x2000x16xf32, #tpu.memory_space<vmem>>, vector<1x2000x16xf32>
    %get3A_8 = vector.shape_cast %get3A_7 : vector<1x2000x16xf32> to vector<2000x16xf32>
    %add3A = arith.addf %get3A_3, %get3A_8 : vector<2000x16xf32>
    %slice3A = vector.extract_strided_slice %add3A {offsets = [0, 0], sizes = [2000, 1], strides = [1, 1]} : vector<2000x16xf32> to vector<2000x1xf32>
    %add3A_9 = arith.constant 1.000000e+00 : f32
    %add3A_10 = vector.broadcast %add3A_9 : f32 to vector<2000x1xf32>
    %add3A_11 = arith.addf %slice3A, %add3A_10 : vector<2000x1xf32>
    %rsqrt3A = math.rsqrt %add3A_11 : vector<2000x1xf32>
    %get3A_12 = arith.constant 0 : index
    %get3A_13 = arith.constant 0 : index
    %get3A_14 = vector.load %arg1[%get3A_12, %get3A_13] : memref<2000x128xf32, #tpu.memory_space<vmem>>, vector<2000x128xf32>
    %get3A_15 = arith.constant 0 : index
    %get3A_16 = arith.constant 0 : index
    %get3A_17 = vector.load %arg2[%get3A_15, %get3A_16] : memref<128x128xf32, #tpu.memory_space<vmem>>, vector<128x128xf32>
    %dot_general3A = arith.constant dense<0.000000e+00> : vector<2000x128xf32>
    %dot_general3A_18 = tpu.matmul %get3A_14, %get3A_17, %dot_general3A {dimension_numbers = #tpu.dot_dimension_numbers<[1], [0], [0], [1], [0, 0, 1, 1], [], []>, precision = #tpu.contract_precision<fp32>, transpose_lhs_hint = false} : vector<2000x128xf32>, vector<128x128xf32>, vector<2000x128xf32> -> vector<2000x128xf32>
    %mul3A = vector.broadcast %rsqrt3A : vector<2000x1xf32> to vector<2000x128xf32>
    %mul3A_19 = arith.mulf %mul3A, %dot_general3A_18 : vector<2000x128xf32>
    %swap3A = arith.constant 0 : index
    %swap3A_20 = arith.constant 0 : index
    %swap3A_21 = vector.load %arg4[%swap3A, %swap3A_20] : memref<2000x128xf32, #tpu.memory_space<vmem>>, vector<2000x128xf32>
    tpu.vector_store %arg4[%swap3A, %swap3A_20], %mul3A_19 {strides = array<i32>} : memref<2000x128xf32, #tpu.memory_space<vmem>>, vector<2000x128xf32>,
    return
  }
  func.func @transform_0(%arg0: i32) -> (i32, i32) {
    %c0_i32 = arith.constant 0 : i32
    %c0_i32_0 = arith.constant 0 : i32
    return %arg0, %c0_i32 : i32, i32
  }
  func.func @transform_1(%arg0: i32) -> (i32, i32) {
    %c0_i32 = arith.constant 0 : i32
    %c0_i32_0 = arith.constant 0 : i32
    %c0_i32_1 = arith.constant 0 : i32
    return %c0_i32, %c0_i32_0 : i32, i32
  }
  func.func @transform_2(%arg0: i32) -> (i32, i32, i32) {
    %c0_i32 = arith.constant 0 : i32
    %c0_i32_0 = arith.constant 0 : i32
    %c0_i32_1 = arith.constant 0 : i32
    return %c0_i32, %arg0, %c0_i32_0 : i32, i32, i32
  }
  func.func @transform_3(%arg0: i32) -> (i32, i32) {
    %c0_i32 = arith.constant 0 : i32
    %c0_i32_0 = arith.constant 0 : i32
    return %arg0, %c0_i32 : i32, i32
  }
}

module attributes {stable_mosaic.version = 14 : i64} {
  func.func @body(%arg0: i32, %arg1: memref<2x2000x128xf32, #tpu.memory_space<vmem>>, %arg2: memref<2000x128xf32, #tpu.memory_space<vmem>>, %arg3: memref<2x2000x16xf32, #tpu.memory_space<vmem>>, %arg4: memref<1x128xf32, #tpu.memory_space<vmem>>, %arg5: memref<128x64xf32, #tpu.memory_space<vmem>>, %arg6: memref<2000x64xf32, #tpu.memory_space<vmem>>) attributes {dimension_semantics = [#tpu.dimension_semantics<arbitrary>], iteration_bounds = array<i64: 5>, scalar_prefetch = 0 : i64, scratch_operands = 0 : i64, tpu.core_type = #tpu.core_type<tc>, window_params = [{transform_indices = @transform_0, window_bounds = array<i64: 2, 2000, 128>}, {transform_indices = @transform_1, window_bounds = array<i64: 2000, 128>}, {transform_indices = @transform_2, window_bounds = array<i64: 2, 2000, 16>}, {pipeline_mode = #tpu.pipeline_mode<synchronous>, transform_indices = @transform_3, window_bounds = array<i64: 1, 128>}, {pipeline_mode = #tpu.pipeline_mode<synchronous>, transform_indices = @transform_4, window_bounds = array<i64: 128, 64>}, {transform_indices = @transform_5, window_bounds = array<i64: 2000, 64>}]} {
    %get3A = arith.constant 0 : index
    %get3A_0 = arith.constant 0 : index
    %get3A_1 = arith.constant 0 : index
    %get3A_2 = vector.load %arg3[%get3A, %get3A_0, %get3A_1] : memref<2x2000x16xf32, #tpu.memory_space<vmem>>, vector<1x2000x16xf32>
    %get3A_3 = vector.shape_cast %get3A_2 : vector<1x2000x16xf32> to vector<2000x16xf32>
    %get3A_4 = arith.constant 1 : index
    %get3A_5 = arith.constant 0 : index
    %get3A_6 = arith.constant 0 : index
    %get3A_7 = vector.load %arg3[%get3A_4, %get3A_5, %get3A_6] : memref<2x2000x16xf32, #tpu.memory_space<vmem>>, vector<1x2000x16xf32>
    %get3A_8 = vector.shape_cast %get3A_7 : vector<1x2000x16xf32> to vector<2000x16xf32>
    %add3A = arith.addf %get3A_3, %get3A_8 : vector<2000x16xf32>
    %slice3A = vector.extract_strided_slice %add3A {offsets = [0, 0], sizes = [2000, 1], strides = [1, 1]} : vector<2000x16xf32> to vector<2000x1xf32>
    %add3A_9 = arith.constant 1.000000e+00 : f32
    %add3A_10 = vector.broadcast %add3A_9 : f32 to vector<2000x1xf32>
    %add3A_11 = arith.addf %slice3A, %add3A_10 : vector<2000x1xf32>
    %rsqrt3A = math.rsqrt %add3A_11 : vector<2000x1xf32>
    %get3A_12 = arith.constant 0 : index
    %get3A_13 = arith.constant 0 : index
    %get3A_14 = arith.constant 0 : index
    %get3A_15 = vector.load %arg1[%get3A_12, %get3A_13, %get3A_14] : memref<2x2000x128xf32, #tpu.memory_space<vmem>>, vector<1x2000x128xf32>
    %get3A_16 = vector.shape_cast %get3A_15 : vector<1x2000x128xf32> to vector<2000x128xf32>
    %get3A_17 = arith.constant 1 : index
    %get3A_18 = arith.constant 0 : index
    %get3A_19 = arith.constant 0 : index
    %get3A_20 = vector.load %arg1[%get3A_17, %get3A_18, %get3A_19] : memref<2x2000x128xf32, #tpu.memory_space<vmem>>, vector<1x2000x128xf32>
    %get3A_21 = vector.shape_cast %get3A_20 : vector<1x2000x128xf32> to vector<2000x128xf32>
    %add3A_22 = arith.addf %get3A_16, %get3A_21 : vector<2000x128xf32>
    %get3A_23 = arith.constant 0 : index
    %get3A_24 = arith.constant 0 : index
    %get3A_25 = vector.load %arg2[%get3A_23, %get3A_24] : memref<2000x128xf32, #tpu.memory_space<vmem>>, vector<2000x128xf32>
    %add3A_26 = arith.addf %add3A_22, %get3A_25 : vector<2000x128xf32>
    %mul3A = vector.broadcast %rsqrt3A : vector<2000x1xf32> to vector<2000x128xf32>
    %mul3A_27 = arith.mulf %mul3A, %add3A_26 : vector<2000x128xf32>
    %get3A_28 = arith.constant 0 : index
    %get3A_29 = arith.constant 0 : index
    %get3A_30 = vector.load %arg4[%get3A_28, %get3A_29] : memref<1x128xf32, #tpu.memory_space<vmem>>, vector<1x128xf32>
    %add3A_31 = vector.broadcast %get3A_30 : vector<1x128xf32> to vector<2000x128xf32>
    %add3A_32 = arith.addf %mul3A_27, %add3A_31 : vector<2000x128xf32>
    %max3A = arith.constant 0.000000e+00 : f32
    %max3A_33 = vector.broadcast %max3A : f32 to vector<2000x128xf32>
    %max3A_34 = arith.maximumf %add3A_32, %max3A_33 : vector<2000x128xf32>
    %get3A_35 = arith.constant 0 : index
    %get3A_36 = arith.constant 0 : index
    %get3A_37 = vector.load %arg5[%get3A_35, %get3A_36] : memref<128x64xf32, #tpu.memory_space<vmem>>, vector<128x64xf32>
    %dot_general3A = arith.constant dense<0.000000e+00> : vector<2000x64xf32>
    %dot_general3A_38 = tpu.matmul %max3A_34, %get3A_37, %dot_general3A {dimension_numbers = #tpu.dot_dimension_numbers<[1], [0], [0], [1], [0, 0, 1, 1], [], []>, precision = #tpu.contract_precision<fp32>, transpose_lhs_hint = false} : vector<2000x128xf32>, vector<128x64xf32>, vector<2000x64xf32> -> vector<2000x64xf32>
    %mul3A_39 = vector.broadcast %rsqrt3A : vector<2000x1xf32> to vector<2000x64xf32>
    %mul3A_40 = arith.mulf %mul3A_39, %dot_general3A_38 : vector<2000x64xf32>
    %swap3A = arith.constant 0 : index
    %swap3A_41 = arith.constant 0 : index
    %swap3A_42 = vector.load %arg6[%swap3A, %swap3A_41] : memref<2000x64xf32, #tpu.memory_space<vmem>>, vector<2000x64xf32>
    tpu.vector_store %arg6[%swap3A, %swap3A_41], %mul3A_40 {strides = array<i32>} : memref<2000x64xf32, #tpu.memory_space<vmem>>, vector<2000x64xf32>,
    return
  }
  func.func @transform_0(%arg0: i32) -> (i32, i32, i32) {
    %c0_i32 = arith.constant 0 : i32
    %c0_i32_0 = arith.constant 0 : i32
    %c0_i32_1 = arith.constant 0 : i32
    return %c0_i32, %arg0, %c0_i32_0 : i32, i32, i32
  }
  func.func @transform_1(%arg0: i32) -> (i32, i32) {
    %c0_i32 = arith.constant 0 : i32
    %c0_i32_0 = arith.constant 0 : i32
    return %arg0, %c0_i32 : i32, i32
  }
  func.func @transform_2(%arg0: i32) -> (i32, i32, i32) {
    %c0_i32 = arith.constant 0 : i32
    %c0_i32_0 = arith.constant 0 : i32
    %c0_i32_1 = arith.constant 0 : i32
    return %c0_i32, %arg0, %c0_i32_0 : i32, i32, i32
  }
  func.func @transform_3(%arg0: i32) -> (i32, i32) {
    %c0_i32 = arith.constant 0 : i32
    %c0_i32_0 = arith.constant 0 : i32
    %c0_i32_1 = arith.constant 0 : i32
    return %c0_i32, %c0_i32_0 : i32, i32
  }
  func.func @transform_4(%arg0: i32) -> (i32, i32) {
    %c0_i32 = arith.constant 0 : i32
    %c0_i32_0 = arith.constant 0 : i32
    %c0_i32_1 = arith.constant 0 : i32
    return %c0_i32, %c0_i32_0 : i32, i32
  }
  func.func @transform_5(%arg0: i32) -> (i32, i32) {
    %c0_i32 = arith.constant 0 : i32
    %c0_i32_0 = arith.constant 0 : i32
    return %arg0, %c0_i32 : i32, i32
  }
}

module attributes {stable_mosaic.version = 14 : i64} {
  func.func @body(%arg0: i32, %arg1: memref<2000x128xf32, #tpu.memory_space<vmem>>, %arg2: memref<2000x64xf32, #tpu.memory_space<vmem>>, %arg3: memref<2x2000x16xf32, #tpu.memory_space<vmem>>, %arg4: memref<1x64xf32, #tpu.memory_space<vmem>>, %arg5: memref<64x64xf32, #tpu.memory_space<vmem>>, %arg6: memref<2000x64xf32, #tpu.memory_space<vmem>>) attributes {dimension_semantics = [#tpu.dimension_semantics<arbitrary>], iteration_bounds = array<i64: 5>, scalar_prefetch = 0 : i64, scratch_operands = 0 : i64, tpu.core_type = #tpu.core_type<tc>, window_params = [{transform_indices = @transform_0, window_bounds = array<i64: 2000, 128>}, {transform_indices = @transform_1, window_bounds = array<i64: 2000, 64>}, {transform_indices = @transform_2, window_bounds = array<i64: 2, 2000, 16>}, {pipeline_mode = #tpu.pipeline_mode<synchronous>, transform_indices = @transform_3, window_bounds = array<i64: 1, 64>}, {pipeline_mode = #tpu.pipeline_mode<synchronous>, transform_indices = @transform_4, window_bounds = array<i64: 64, 64>}, {transform_indices = @transform_5, window_bounds = array<i64: 2000, 64>}]} {
    %get3A = arith.constant 0 : index
    %get3A_0 = arith.constant 0 : index
    %get3A_1 = arith.constant 0 : index
    %get3A_2 = vector.load %arg3[%get3A, %get3A_0, %get3A_1] : memref<2x2000x16xf32, #tpu.memory_space<vmem>>, vector<1x2000x16xf32>
    %get3A_3 = vector.shape_cast %get3A_2 : vector<1x2000x16xf32> to vector<2000x16xf32>
    %get3A_4 = arith.constant 1 : index
    %get3A_5 = arith.constant 0 : index
    %get3A_6 = arith.constant 0 : index
    %get3A_7 = vector.load %arg3[%get3A_4, %get3A_5, %get3A_6] : memref<2x2000x16xf32, #tpu.memory_space<vmem>>, vector<1x2000x16xf32>
    %get3A_8 = vector.shape_cast %get3A_7 : vector<1x2000x16xf32> to vector<2000x16xf32>
    %add3A = arith.addf %get3A_3, %get3A_8 : vector<2000x16xf32>
    %slice3A = vector.extract_strided_slice %add3A {offsets = [0, 0], sizes = [2000, 1], strides = [1, 1]} : vector<2000x16xf32> to vector<2000x1xf32>
    %add3A_9 = arith.constant 1.000000e+00 : f32
    %add3A_10 = vector.broadcast %add3A_9 : f32 to vector<2000x1xf32>
    %add3A_11 = arith.addf %slice3A, %add3A_10 : vector<2000x1xf32>
    %rsqrt3A = math.rsqrt %add3A_11 : vector<2000x1xf32>
    %get3A_12 = arith.constant 0 : index
    %get3A_13 = arith.constant 0 : index
    %get3A_14 = vector.load %arg1[%get3A_12, %get3A_13] : memref<2000x128xf32, #tpu.memory_space<vmem>>, vector<2000x64xf32>
    %get3A_15 = arith.constant 0 : index
    %get3A_16 = arith.constant 64 : index
    %get3A_17 = vector.load %arg1[%get3A_15, %get3A_16] : memref<2000x128xf32, #tpu.memory_space<vmem>>, vector<2000x64xf32>
    %add3A_18 = arith.addf %get3A_14, %get3A_17 : vector<2000x64xf32>
    %get3A_19 = arith.constant 0 : index
    %get3A_20 = arith.constant 0 : index
    %get3A_21 = vector.load %arg2[%get3A_19, %get3A_20] : memref<2000x64xf32, #tpu.memory_space<vmem>>, vector<2000x64xf32>
    %add3A_22 = arith.addf %add3A_18, %get3A_21 : vector<2000x64xf32>
    %mul3A = vector.broadcast %rsqrt3A : vector<2000x1xf32> to vector<2000x64xf32>
    %mul3A_23 = arith.mulf %mul3A, %add3A_22 : vector<2000x64xf32>
    %get3A_24 = arith.constant 0 : index
    %get3A_25 = arith.constant 0 : index
    %get3A_26 = vector.load %arg4[%get3A_24, %get3A_25] : memref<1x64xf32, #tpu.memory_space<vmem>>, vector<1x64xf32>
    %add3A_27 = vector.broadcast %get3A_26 : vector<1x64xf32> to vector<2000x64xf32>
    %add3A_28 = arith.addf %mul3A_23, %add3A_27 : vector<2000x64xf32>
    %max3A = arith.constant 0.000000e+00 : f32
    %max3A_29 = vector.broadcast %max3A : f32 to vector<2000x64xf32>
    %max3A_30 = arith.maximumf %add3A_28, %max3A_29 : vector<2000x64xf32>
    %get3A_31 = arith.constant 0 : index
    %get3A_32 = arith.constant 0 : index
    %get3A_33 = vector.load %arg5[%get3A_31, %get3A_32] : memref<64x64xf32, #tpu.memory_space<vmem>>, vector<64x64xf32>
    %dot_general3A = arith.constant dense<0.000000e+00> : vector<2000x64xf32>
    %dot_general3A_34 = tpu.matmul %max3A_30, %get3A_33, %dot_general3A {dimension_numbers = #tpu.dot_dimension_numbers<[1], [0], [0], [1], [0, 0, 1, 1], [], []>, precision = #tpu.contract_precision<fp32>, transpose_lhs_hint = false} : vector<2000x64xf32>, vector<64x64xf32>, vector<2000x64xf32> -> vector<2000x64xf32>
    %mul3A_35 = vector.broadcast %rsqrt3A : vector<2000x1xf32> to vector<2000x64xf32>
    %mul3A_36 = arith.mulf %mul3A_35, %dot_general3A_34 : vector<2000x64xf32>
    %swap3A = arith.constant 0 : index
    %swap3A_37 = arith.constant 0 : index
    %swap3A_38 = vector.load %arg6[%swap3A, %swap3A_37] : memref<2000x64xf32, #tpu.memory_space<vmem>>, vector<2000x64xf32>
    tpu.vector_store %arg6[%swap3A, %swap3A_37], %mul3A_36 {strides = array<i32>} : memref<2000x64xf32, #tpu.memory_space<vmem>>, vector<2000x64xf32>,
    return
  }
  func.func @transform_0(%arg0: i32) -> (i32, i32) {
    %c0_i32 = arith.constant 0 : i32
    %c0_i32_0 = arith.constant 0 : i32
    return %arg0, %c0_i32 : i32, i32
  }
  func.func @transform_1(%arg0: i32) -> (i32, i32) {
    %c0_i32 = arith.constant 0 : i32
    %c0_i32_0 = arith.constant 0 : i32
    return %arg0, %c0_i32 : i32, i32
  }
  func.func @transform_2(%arg0: i32) -> (i32, i32, i32) {
    %c0_i32 = arith.constant 0 : i32
    %c0_i32_0 = arith.constant 0 : i32
    %c0_i32_1 = arith.constant 0 : i32
    return %c0_i32, %arg0, %c0_i32_0 : i32, i32, i32
  }
  func.func @transform_3(%arg0: i32) -> (i32, i32) {
    %c0_i32 = arith.constant 0 : i32
    %c0_i32_0 = arith.constant 0 : i32
    %c0_i32_1 = arith.constant 0 : i32
    return %c0_i32, %c0_i32_0 : i32, i32
  }
  func.func @transform_4(%arg0: i32) -> (i32, i32) {
    %c0_i32 = arith.constant 0 : i32
    %c0_i32_0 = arith.constant 0 : i32
    %c0_i32_1 = arith.constant 0 : i32
    return %c0_i32, %c0_i32_0 : i32, i32
  }
  func.func @transform_5(%arg0: i32) -> (i32, i32) {
    %c0_i32 = arith.constant 0 : i32
    %c0_i32_0 = arith.constant 0 : i32
    return %arg0, %c0_i32 : i32, i32
  }
}

module attributes {stable_mosaic.version = 14 : i64} {
  func.func @body(%arg0: i32, %arg1: memref<2000x128xf32, #tpu.memory_space<vmem>>, %arg2: memref<2000x64xf32, #tpu.memory_space<vmem>>, %arg3: memref<2x2000x16xf32, #tpu.memory_space<vmem>>, %arg4: memref<1x64xf32, #tpu.memory_space<vmem>>, %arg5: memref<2000x64xf32, #tpu.memory_space<vmem>>) attributes {dimension_semantics = [#tpu.dimension_semantics<arbitrary>], iteration_bounds = array<i64: 5>, scalar_prefetch = 0 : i64, scratch_operands = 0 : i64, tpu.core_type = #tpu.core_type<tc>, window_params = [{transform_indices = @transform_0, window_bounds = array<i64: 2000, 128>}, {transform_indices = @transform_1, window_bounds = array<i64: 2000, 64>}, {transform_indices = @transform_2, window_bounds = array<i64: 2, 2000, 16>}, {pipeline_mode = #tpu.pipeline_mode<synchronous>, transform_indices = @transform_3, window_bounds = array<i64: 1, 64>}, {transform_indices = @transform_4, window_bounds = array<i64: 2000, 64>}]} {
    %get3A = arith.constant 0 : index
    %get3A_0 = arith.constant 0 : index
    %get3A_1 = arith.constant 0 : index
    %get3A_2 = vector.load %arg3[%get3A, %get3A_0, %get3A_1] : memref<2x2000x16xf32, #tpu.memory_space<vmem>>, vector<1x2000x16xf32>
    %get3A_3 = vector.shape_cast %get3A_2 : vector<1x2000x16xf32> to vector<2000x16xf32>
    %get3A_4 = arith.constant 1 : index
    %get3A_5 = arith.constant 0 : index
    %get3A_6 = arith.constant 0 : index
    %get3A_7 = vector.load %arg3[%get3A_4, %get3A_5, %get3A_6] : memref<2x2000x16xf32, #tpu.memory_space<vmem>>, vector<1x2000x16xf32>
    %get3A_8 = vector.shape_cast %get3A_7 : vector<1x2000x16xf32> to vector<2000x16xf32>
    %add3A = arith.addf %get3A_3, %get3A_8 : vector<2000x16xf32>
    %slice3A = vector.extract_strided_slice %add3A {offsets = [0, 0], sizes = [2000, 1], strides = [1, 1]} : vector<2000x16xf32> to vector<2000x1xf32>
    %add3A_9 = arith.constant 1.000000e+00 : f32
    %add3A_10 = vector.broadcast %add3A_9 : f32 to vector<2000x1xf32>
    %add3A_11 = arith.addf %slice3A, %add3A_10 : vector<2000x1xf32>
    %rsqrt3A = math.rsqrt %add3A_11 : vector<2000x1xf32>
    %get3A_12 = arith.constant 0 : index
    %get3A_13 = arith.constant 0 : index
    %get3A_14 = vector.load %arg1[%get3A_12, %get3A_13] : memref<2000x128xf32, #tpu.memory_space<vmem>>, vector<2000x64xf32>
    %get3A_15 = arith.constant 0 : index
    %get3A_16 = arith.constant 64 : index
    %get3A_17 = vector.load %arg1[%get3A_15, %get3A_16] : memref<2000x128xf32, #tpu.memory_space<vmem>>, vector<2000x64xf32>
    %add3A_18 = arith.addf %get3A_14, %get3A_17 : vector<2000x64xf32>
    %get3A_19 = arith.constant 0 : index
    %get3A_20 = arith.constant 0 : index
    %get3A_21 = vector.load %arg2[%get3A_19, %get3A_20] : memref<2000x64xf32, #tpu.memory_space<vmem>>, vector<2000x64xf32>
    %add3A_22 = arith.addf %add3A_18, %get3A_21 : vector<2000x64xf32>
    %mul3A = vector.broadcast %rsqrt3A : vector<2000x1xf32> to vector<2000x64xf32>
    %mul3A_23 = arith.mulf %mul3A, %add3A_22 : vector<2000x64xf32>
    %get3A_24 = arith.constant 0 : index
    %get3A_25 = arith.constant 0 : index
    %get3A_26 = vector.load %arg4[%get3A_24, %get3A_25] : memref<1x64xf32, #tpu.memory_space<vmem>>, vector<1x64xf32>
    %add3A_27 = vector.broadcast %get3A_26 : vector<1x64xf32> to vector<2000x64xf32>
    %add3A_28 = arith.addf %mul3A_23, %add3A_27 : vector<2000x64xf32>
    %swap3A = arith.constant 0 : index
    %swap3A_29 = arith.constant 0 : index
    %swap3A_30 = vector.load %arg5[%swap3A, %swap3A_29] : memref<2000x64xf32, #tpu.memory_space<vmem>>, vector<2000x64xf32>
    tpu.vector_store %arg5[%swap3A, %swap3A_29], %add3A_28 {strides = array<i32>} : memref<2000x64xf32, #tpu.memory_space<vmem>>, vector<2000x64xf32>,
    return
  }
  func.func @transform_0(%arg0: i32) -> (i32, i32) {
    %c0_i32 = arith.constant 0 : i32
    %c0_i32_0 = arith.constant 0 : i32
    return %arg0, %c0_i32 : i32, i32
  }
  func.func @transform_1(%arg0: i32) -> (i32, i32) {
    %c0_i32 = arith.constant 0 : i32
    %c0_i32_0 = arith.constant 0 : i32
    return %arg0, %c0_i32 : i32, i32
  }
  func.func @transform_2(%arg0: i32) -> (i32, i32, i32) {
    %c0_i32 = arith.constant 0 : i32
    %c0_i32_0 = arith.constant 0 : i32
    %c0_i32_1 = arith.constant 0 : i32
    return %c0_i32, %arg0, %c0_i32_0 : i32, i32, i32
  }
  func.func @transform_3(%arg0: i32) -> (i32, i32) {
    %c0_i32 = arith.constant 0 : i32
    %c0_i32_0 = arith.constant 0 : i32
    %c0_i32_1 = arith.constant 0 : i32
    return %c0_i32, %c0_i32_0 : i32, i32
  }
  func.func @transform_4(%arg0: i32) -> (i32, i32) {
    %c0_i32 = arith.constant 0 : i32
    %c0_i32_0 = arith.constant 0 : i32
    return %arg0, %c0_i32 : i32, i32
  }
}

</mosaic_0001>

<sc_bundles>
// kernel: kernel.10.cloned.1.call-start
scs
__scs_entry_jumppad:
0x0: {  	(pc) =	sbr.rel $0x88, $3  }
0x1: {  	(tag) =	ssettag $0x0;
	lr =	simm.s32 $0x1  }
0x2: {  	[smem:$0x3F99] =	sst lr;
	_ =	strace $0xD0000000  }
0x3: {  	_ = 	snop  }
0x4: {  	_ = 	snop  }
0x5: {  	_ = 	snop  }
0x6: {  	_ = 	snop  }
0x7: {  	_ = 	snop  }
__scs_overlays_trampoline_lowered:
0x8: {  	[smem:$0x3FA8] =	sst s0  }
0x9: {  	[smem:$0x3FA9] =	sst s1  }
0xa: {  	[smem:$0x3FAA] =	sst s2  }
0xb: {  	[smem:$0x3FAB] =	sst s3  }
0xc: {  	[smem:$0x3FAC] =	sst s4  }
0xd: {  	[smem:$0x3FAD] =	sst s5  }
0xe: {  	[smem:$0x3FAE] =	sst s6  }
0xf: {  	[smem:$0x3FAF] =	sst s7  }
0x10: {  	[smem:$0x3FB0] =	sst s8  }
0x11: {  	[smem:$0x3FB1] =	sst s9;
	s0 =	simm.s32 @!p0 $0x0  }
0x12: {  	s1 =	sld [smem:$0x3F97];
	s0 =	simm.s32 @p0 $0x1  }
0x13: {  	[smem:$0x3FB2] =	sst s0;
	s0 =	simm.s32 @!p1 $0x0  }
0x14: {  	s2 =	sld [smem:$0x3F96];
	s0 =	simm.s32 @p1 $0x1  }
0x15: {  	[smem:$0x3FB3] =	sst s0;
	s0 =	simm.s32 @!p2 $0x0  }
0x16: {  	s3 =	sld [smem:$0x3FDB];
	s0 =	simm.s32 @p2 $0x1  }
0x17: {  	s4 =	simm.s32 $0x1BF5;
	[smem:$0x3FB5] =	sst s0  }
0x18: {  	s0 =	sld [smem:$0x3F98];
	_ =	swait.ge [sflag:s4], $0x0  }
0x19: {  	s7 =	sld [smem:$0x3F99]  }
0x1a: {  	s8 =	sadd.s32 $0xFFFFE003, lr  }
0x1b: {  	s9 =	sadd.s32 $0xFFFFFEF7, lr;
	s5 =	simm.s32 $0xFFFFFFFF;
	p2 =	slt.u32 s8, $0xFFFFF086  }
0x1c: {  	p1 =	slt.u32 s9, $0xF7A;
	s5 =	simm.s32 @!p2 $0x0  }
0x1d: {  	s5 =	simm.s32 @p1 $0x1;
	p0 =	seq.s32 s7, s2  }
0x1e: {  	s7 =	smul.u32 @!p0 $0xF7A, s2;
	p2 =	seq.s32 @!p0 s5, $0x0  }
0x1f: {  	s9 =	smul.u32 $0xF7A, s1;
	s8 =	simm.s32 @!p0 $0x1BF5;
	p2 =	por !p2, p0  }
0x20: {  	[sflag:s8] =	ssyncset.s32 @!p0 $0xFFFFF086;
	s6 =	sadd.s32 @!p0 s3, s7;
	s7 =	simm.s32 @!p0 $0x108  }
0x21: {  	s3 =	sadd.s32 s3, s9;
	s6 =	sadd.s32 @!p0 $0x88, s6;
	s7 =	simm.s32 @p2 $0x1082  }
0x22: {  	[simem:s7], [sflag:s8] =	dma.local @!p0 [hbm:s6], $0xF7A  }
0x23: {  	s9 =	sor.u32 $0xD0000000, s2;
	s6 =	simm.s32 $0x108;
	_ =	swait.ge @!p0 [sflag:s8], $0x0  }
0x24: {  	s3 =	sadd.s32 $0x88, s3;
	s6 =	simm.s32 @!p1 $0x1082;
	[sflag:s4] =	ssyncset.s32 $0xFFFFF086  }
0x25: {  	[simem:s6], [sflag:s4] =	dma.local [hbm:s3], $0xF7A  }
0x26: {  	[smem:$0x3F99] =	sst s1;
	(tag) =	ssettag s2;
	_ =	strace s9  }
0x27: {  	s1 =	sld [smem:$0x3FA9]  }
0x28: {  	s2 =	sld [smem:$0x3FAA]  }
0x29: {  	s4 =	sld [smem:$0x3FAC]  }
0x2a: {  	p0 =	seq.s32 s5, $0x0;
	s5 =	sld [smem:$0x3FAD]  }
0x2b: {  	s6 =	sld [smem:$0x3FAE]  }
0x2c: {  	s7 =	sld [smem:$0x3FAF]  }
0x2d: {  	s3 =	simm.s32 $0x108;
	s8 =	sld [smem:$0x3FB0]  }
0x2e: {  	s3 =	simm.s32 @!p0 $0x1082;
	s9 =	sld [smem:$0x3FB1]  }
0x2f: {  	lr =	sadd.s32 s0, s3;
	s0 =	sld [smem:$0x3FA8]  }
0x30: {  	s3 =	sld [smem:$0x3FAB]  }
0x31: {  	[smem:$0x3FB4] =	sst s10  }
0x32: {  	s10 =	sld [smem:$0x3FB2];
	_ =	sdelay $0x3  }
0x33: {  	p0 =	seq.s32 s10, $0x1;
	s10 =	sld [smem:$0x3FB4];
	_ =	sdelay $0x3  }
0x34: {  	[smem:$0x3FB4] =	sst s10  }
0x35: {  	s10 =	sld [smem:$0x3FB3];
	_ =	sdelay $0x3  }
0x36: {  	p1 =	seq.s32 s10, $0x1;
	s10 =	sld [smem:$0x3FB4];
	_ =	sdelay $0x3  }
0x37: {  	[smem:$0x3FB4] =	sst s10  }
0x38: {  	s10 =	sld [smem:$0x3FB5]  }
0x39: {  	_ = 	snop;
	(pc) =	sbr.ind lr, $3  }
0x3a: {  	_ = 	snop  }
0x3b: {  	_ = 	snop  }
0x3c: {  	p2 =	seq.s32 s10, $0x1;
	s10 =	sld [smem:$0x3FB4]  }
0x3d: {  	_ =	shalt  }
0x3e: {  	_ =	shalt  }
0x3f: {  	_ =	shalt  }
0x40: {  	_ =	shalt  }
0x41: {  	_ =	shalt  }
0x42: {  	_ =	shalt  }
0x43: {  	_ =	shalt  }
0x44: {  	_ =	shalt  }
0x45: {  	_ =	shalt  }
0x46: {  	_ =	shalt  }
0x47: {  	_ =	shalt  }
0x48: {  	_ =	shalt  }
0x49: {  	_ =	shalt  }
0x4a: {  	_ =	shalt  }
0x4b: {  	_ =	shalt  }
0x4c: {  	_ =	shalt  }
0x4d: {  	_ =	shalt  }
0x4e: {  	_ =	shalt  }
0x4f: {  	_ =	shalt  }
0x50: {  	_ =	shalt  }
0x51: {  	_ =	shalt  }
0x52: {  	_ =	shalt  }
0x53: {  	_ =	shalt  }
0x54: {  	_ =	shalt  }
0x55: {  	_ =	shalt  }
0x56: {  	_ =	shalt  }
0x57: {  	_ =	shalt  }
0x58: {  	_ =	shalt  }
0x59: {  	_ =	shalt  }
0x5a: {  	_ =	shalt  }
0x5b: {  	_ =	shalt  }
0x5c: {  	_ =	shalt  }
0x5d: {  	_ =	shalt  }
0x5e: {  	_ =	shalt  }
0x5f: {  	_ =	shalt  }
0x60: {  	_ =	shalt  }
0x61: {  	_ =	shalt  }
0x62: {  	_ =	shalt  }
0x63: {  	_ =	shalt  }
0x64: {  	_ =	shalt  }
0x65: {  	_ =	shalt  }
0x66: {  	_ =	shalt  }
0x67: {  	_ =	shalt  }
0x68: {  	_ =	shalt  }
0x69: {  	_ =	shalt  }
0x6a: {  	_ =	shalt  }
0x6b: {  	_ =	shalt  }
0x6c: {  	_ =	shalt  }
0x6d: {  	_ =	shalt  }
0x6e: {  	_ =	shalt  }
0x6f: {  	_ =	shalt  }
0x70: {  	_ =	shalt  }
0x71: {  	_ =	shalt  }
0x72: {  	_ =	shalt  }
0x73: {  	_ =	shalt  }
0x74: {  	_ =	shalt  }
0x75: {  	_ =	shalt  }
0x76: {  	_ =	shalt  }
0x77: {  	_ =	shalt  }
0x78: {  	_ =	shalt  }
0x79: {  	_ =	shalt  }
0x7a: {  	_ =	shalt  }
0x7b: {  	_ =	shalt  }
0x7c: {  	_ =	shalt  }
0x7d: {  	_ =	shalt  }
0x7e: {  	_ =	shalt  }
0x7f: {  	_ =	shalt  }
0x80: {  	_ =	shalt  }
0x81: {  	_ =	shalt  }
0x82: {  	_ =	shalt  }
0x83: {  	_ =	shalt  }
0x84: {  	_ =	shalt  }
0x85: {  	_ =	shalt  }
0x86: {  	_ =	shalt  }
0x87: {  	_ =	shalt  }
.Lfunc_end0:
.L_simem_size_0:
called_computation_lowered:
.L_overlay_start_0:
0x88: {  	s2 =	sld [smem:$0x3FD9]  }
0x89: {  	s3 =	sld [smem:$0x3FFE];
	_ =	sdelay $0x1  }
0x8a: {  	s1 =	srdreg.scid  }
0x8b: {  	s0 =	sand.u32 $0x1, s1  }
0x8c: {  	s17 =	sshll.u32 s0, $0xA;
	s2 =	sadd.s32 s3, s2  }
0x8d: {  	s2 =	sadd.s32 s2, s17  }
0x8e: {  	[smem:$0x3FC0] =	sst s2  }
0x8f: {  	_ = 	snop  }
0x90: {  	s2 =	sld [smem:$0x3FD0];
	(tm) =	ssettm $0x1  }
0x91: {  	s18 =	sld [smem:$0x3FFB];
	_ =	sdelay $0x3  }
0x92: {  	_ =	strace s18  }
0x93: {  	s3 =	sld [smem:$0x3FFC];
	_ =	sdelay $0x3  }
0x94: {  	_ =	strace s3  }
0x95: {  	s3 =	sld [smem:$0x3FFD];
	_ =	sdelay $0x3  }
0x96: {  	_ =	strace s3  }
0x97: {  	_ =	strace $0x8FFFFFFF  }
0x98: {  	s19 =	sld [smem:$0x3FDB];
	_ =	sdelay $0x1  }
0x99: {  	s4 =	simm.s32 $_scs_section_size  }
0x9a: {  	s5 =	simm.s32 $_size__tile_overlayer_lowered;
	s6 =	simm.s32 $_tile_overlayer_lowered  }
0x9b: {  	s22 =	simm.s32 $0x1BFF;
	s21 =	sshll.u32 s6, $0x1;
	s3 =	sadd.s32 s4, s19  }
0x9c: {  	s7 =	simm.s32 $0x0;
	s20 =	sshll.u32 s5, $0x1;
	s5 =	sadd.s32 s21, s3  }
0x9d: {  	[timem:s7], [sflag:s22] =	dma.local [hbm:s5], s20  }
0x9e: {  	_ =	swait.ge [sflag:s22], s20  }
0x9f: {  	s4 =	ssub.s32 $0x0, s20;
	[sflag:s22] =	ssyncset.done $0x0  }
0xa0: {  	[sflag:s22] =	ssyncadd.s32 s4;
	_ =	sdelay $0x1  }
0xa1: {  	s23 =	simm.s32 $0x1B8B  }
0xa2: {  	_ =	swait.ge [sflag:s23], $0x1  }
0xa3: {  	[sflag:s23] =	ssyncset.done $0x0  }
0xa4: {  	s25 =	simm.s32 $0x1B8E;
	s24 =	sld [smem:$0x3FFE];
	[sflag:s23] =	ssyncadd.s32 $0xFFFFFFFF  }
0xa5: {  	s26 =	simm.s32 $execute0_lowered;
	[smem:$0x3FD2] =	sst s25  }
0xa6: {  	s5 =	sshll.u32 s26, $0x1;
	_ =	strace $0x80000046;
	[dreg:$0x1] =	wrdreg $0xFFFFFFFF  }
0xa7: {  	s28 =	simm.s32 $_size_execute0_lowered;
	s3 =	sadd.s32 s3, s5;
	[dreg:$0x0] =	wrdreg $0x0  }
0xa8: {  	s5 =	sshll.u32 s28, $0x1;
	[dreg:$0x2] =	wrdreg s3  }
0xa9: {  	[dreg:$0x3] =	wrdreg s5  }
0xaa: {  	[dreg:$0x4] =	wrdreg $0xC0  }
0xab: {  	_ =	task [dreg:s7], $0x5FFFF  }
0xac: {  	[dreg:$0x1] =	wrdreg $0xFFFFFFFF  }
0xad: {  	[dreg:$0x0] =	wrdreg $0x60  }
0xae: {  	[dreg:$0x2] =	wrdreg s24  }
0xaf: {  	[dreg:$0x3] =	wrdreg s2  }
0xb0: {  	[dreg:$0x4] =	wrdreg $0x2C100  }
0xb1: {  	[dreg:$0x5] =	wrdreg $0x9  }
0xb2: {  	_ =	task.clear_ibuf [dreg:s7], $0x6FFFF;
	_ =	strace $0x90000046  }
0xb3: {  	s29 =	simm.s32 $0x9;
	_ =	strace $0x80000048  }
0xb4: {  	_ =	swait.ge [sflag:s29], $0x1  }
0xb5: {  	[sflag:s29] =	ssyncadd.s32 $0xFFFFFFFF  }
0xb6: {  	_ =	strace $0x90000048  }
0xb7: {  	_ =	sfence  }
0xb8: {  	s30 =	sld [smem:$0x0];
	_ =	sdelay $0x2  }
0xb9: {  	s31 =	sshll.u32 s1, $0xD;
	s1 =	sshrl.u32 s1, $0x2  }
0xba: {  	s3 =	sand.u32 $0x4000, s31;
	s1 =	sadd.s32 s1, s30  }
0xbb: {  	s0 =	sor.u32 s3, s0;
	s1 =	sshll.u32 s1, $0x11  }
0xbc: {  	s0 =	sor.u32 s1, s0  }
0xbd: {  	s0 =	sadd.s32 $0x8F2B, s0  }
0xbe: {  	[sflag:s0] =	ssyncadd.remote.s32 $0x1  }
0xbf: {  	_ =	sfence.sel $0xFFFF  }
0xc0: {  	[dreg:$0x0] =	wrdreg $0xFFFFFFFF;
	(pc) =	sbr.abs _section_cstart, $3  }
0xc1: {  	[dreg:$0x1] =	wrdreg $0xFFFFFFFF  }
0xc2: {  	_ =	task.clear_ibuf [dreg:s7], $0x2FFFF;
	_ =	strace $0x9FFFFFFF  }
0xc3: {  	(tm) =	ssettm $0x7FFFFFFF  }
tec
execute0_lowered:
.L_overlay_start_1:
0x0: {  	(tag) =	ssettag $0x1  }
0x1: {  	s4 =	rddreg [dreg:$0x0]  }
0x2: {  	s13 =	rddreg [dreg:$0x1];
	s0 =	srdreg.scid  }
0x3: {  	s2 =	rddreg [dreg:$0x2];
	s1 =	stileid.u32  }
0x4: {  	s3 =	simm.s32 $0x0;
	s16 =	simm.s32 $0x2710;
	s7 =	smul.u32 $0x4E2, s1  }
0x5: {  	s17 =	simm.s32 $0x50;
	s18 =	simm.s32 $0x1;
	s8 =	smul.u32 $0xA000, s1  }
0x6: {  	s5 =	sand.u32 $0x1, s0;
	s0 =	rddreg [dreg:$0x3];
	s10 =	smul.u32 $0x2800, s1  }
0x7: {  	[smem:$0x7FF] =	sst s3;
	s19 =	sshll.u32 s1, $0x6;
	s6 =	smul.u32 $0x4E20, s5  }
0x8: {  	s29 =	ssub.s32 $0x2, s5;
	_ =	strace $0x80000047;
	s11 =	smul.u32 $0x28000, s5  }
0x9: {  	s19 =	sor.u32 $0x1C02, s19;
	s30 =	sshrl.u32 s29, $0x1;
	s31 =	sshrl.u32 s8, $0x2  }
0xa: {  	s5 =	sadd.s32 s10, s2;
	s6 =	sadd.s32 s7, s6;
	s14 =	ssub.s32 s29, s30  }
0xb: {  	s12 =	sadd.s32 s31, s2;
	s15 =	sadd.s32 s10, s11;
	s4 =	sadd.s32 s6, s4  }
0xc: {  	s6 =	sadd.s32 $0x500, s12;
	s7 =	sadd.s32 $0xA00, s12;
	s8 =	sadd.s32 $0xF00, s12  }
0xd: {  	s9 =	sadd.s32 $0x1400, s12;
	s10 =	sadd.s32 $0x1900, s12;
	s11 =	sadd.s32 $0x1E00, s12  }
0xe: {  	s15 =	sshrl.u32 s15, $0x3;
	s12 =	sadd.s32 $0x2300, s12;
	s14 =	smax.u32 s14, $0x1  }
0xf: {  	v0 =	vimm.f32 $1.000000000e+00;
	v1 =	vimm.f32 $0.0e+00;
	s4 =	sadd.s32 $0xCA00, s4;
	s13 =	sadd.s32 s13, s15;
	s15 =	simm.s32 $0x2  }
.LBB2_1:
0x10: {  	s20 =	simm.s32 $0x40;
	s21 =	simm.s32 $0x0  }
.LBB2_2:
0x11: {  	p0 =	sne.s32 s20, $0x13C0;
	[tilespmem:s21+$0x2710] =	vst v0;
	s21 =	smov.u32 s20;
	s20 =	sadd.s32 $0x40, s20  }
.Ltmp0:
0x12: {  	(pc) =	sbr.rel @p0 .LBB2_2-.Ltmp0, $2  }
0x13: {  	_ =	sdelay $0x2  }
0x14: {  	s21 =	sshra.s32 s21, $0x2  }
0x15: {  	[tilespmem:s21+$0x2710] =	vst v0;
	s20 =	simm.s32 $0x0  }
0x16: {  	[tilespmem:s20], [sflag:$0x2] =	stream.linear.gather [hbm4b:s4+s20], $0x2710, $0x38;
	[tilespmem:$0x5410] =	vst v63  }
0x17: {  	_ =	swait.ge [sflag:s15], $0x2710  }
0x18: {  	[sflag:s15] =	ssyncset.done $0x0  }
0x19: {  	s21 =	simm.s32 $0x0;
	s20 =	simm.s32 $0x40;
	[sflag:s15] =	ssyncadd.s32 $0xFFFFD8F0  }
.LBB2_4:
0x1a: {  	p0 =	sne.s32 s20, $0x13C0;
	[tilespmem:s21+$0x2710] =	vst v1;
	s21 =	smov.u32 s20;
	s20 =	sadd.s32 $0x40, s20  }
.Ltmp1:
0x1b: {  	(pc) =	sbr.rel @p0 .LBB2_4-.Ltmp1, $2  }
0x1c: {  	_ =	sdelay $0x2  }
0x1d: {  	s21 =	sshra.s32 s21, $0x2  }
0x1e: {  	[tilespmem:s21+$0x2710] =	vst v1  }
0x1f: {  	[spmem:s5] =	stream.linear.scatter [tilespmem:s16], [sflag:$0x2], $0x500, $0x38;
	[tilespmem:$0x5410] =	vst v63  }
0x20: {  	_ =	swait.ge [sflag:s15], $0x500  }
0x21: {  	[sflag:s15] =	ssyncset.done $0x0  }
0x22: {  	[sflag:s15] =	ssyncadd.s32 $0xFFFFFB00  }
0x23: {  	[spmem:s6] =	stream.linear.scatter [tilespmem:s16], [sflag:$0x2], $0x500, $0x38;
	[tilespmem:$0x5410] =	vst v63  }
0x24: {  	_ =	swait.ge [sflag:s15], $0x500  }
0x25: {  	[sflag:s15] =	ssyncset.done $0x0  }
0x26: {  	[sflag:s15] =	ssyncadd.s32 $0xFFFFFB00  }
0x27: {  	[spmem:s7] =	stream.linear.scatter [tilespmem:s16], [sflag:$0x2], $0x500, $0x38;
	[tilespmem:$0x5410] =	vst v63  }
0x28: {  	_ =	swait.ge [sflag:s15], $0x500  }
0x29: {  	[sflag:s15] =	ssyncset.done $0x0  }
0x2a: {  	[sflag:s15] =	ssyncadd.s32 $0xFFFFFB00  }
0x2b: {  	[spmem:s8] =	stream.linear.scatter [tilespmem:s16], [sflag:$0x2], $0x500, $0x38;
	[tilespmem:$0x5410] =	vst v63  }
0x2c: {  	_ =	swait.ge [sflag:s15], $0x500  }
0x2d: {  	[sflag:s15] =	ssyncset.done $0x0  }
0x2e: {  	[sflag:s15] =	ssyncadd.s32 $0xFFFFFB00  }
0x2f: {  	[spmem:s9] =	stream.linear.scatter [tilespmem:s16], [sflag:$0x2], $0x500, $0x38;
	[tilespmem:$0x5410] =	vst v63  }
0x30: {  	_ =	swait.ge [sflag:s15], $0x500  }
0x31: {  	[sflag:s15] =	ssyncset.done $0x0  }
0x32: {  	[sflag:s15] =	ssyncadd.s32 $0xFFFFFB00  }
0x33: {  	[spmem:s10] =	stream.linear.scatter [tilespmem:s16], [sflag:$0x2], $0x500, $0x38;
	[tilespmem:$0x5410] =	vst v63  }
0x34: {  	_ =	swait.ge [sflag:s15], $0x500  }
0x35: {  	[sflag:s15] =	ssyncset.done $0x0  }
0x36: {  	[sflag:s15] =	ssyncadd.s32 $0xFFFFFB00  }
0x37: {  	[spmem:s11] =	stream.linear.scatter [tilespmem:s16], [sflag:$0x2], $0x500, $0x38;
	[tilespmem:$0x5410] =	vst v63  }
0x38: {  	_ =	swait.ge [sflag:s15], $0x500  }
0x39: {  	[sflag:s15] =	ssyncset.done $0x0  }
0x3a: {  	[sflag:s15] =	ssyncadd.s32 $0xFFFFFB00  }
0x3b: {  	[spmem:s12] =	stream.linear.scatter [tilespmem:s16], [sflag:$0x2], $0x500, $0x38;
	[tilespmem:$0x5410] =	vst v63  }
0x3c: {  	_ =	swait.ge [sflag:s15], $0x500  }
0x3d: {  	[sflag:s15] =	ssyncset.done $0x0  }
0x3e: {  	s20 =	simm.s32 $0x40;
	s21 =	simm.s32 $0x0;
	[sflag:s15] =	ssyncadd.s32 $0xFFFFFB00  }
.LBB2_6:
0x3f: {  	p0 =	sne.s32 s20, $0x13C0;
	[tilespmem:s21+$0x2710] =	vst v0;
	s21 =	smov.u32 s20;
	s20 =	sadd.s32 $0x40, s20  }
.Ltmp2:
0x40: {  	(pc) =	sbr.rel @p0 .LBB2_6-.Ltmp2, $2  }
0x41: {  	_ =	sdelay $0x2  }
0x42: {  	s21 =	sshra.s32 s21, $0x2  }
0x43: {  	[tilespmem:s21+$0x2710] =	vst v0  }
0x44: {  	s20 =	simm.s32 $0x0;
	[bflag:$0x0] =	sbarrier.arrive $0xFFFF  }
.LBB2_8:
0x45: {  	p0 =	sne.s32 s20, $0x9B00  }
.Ltmp3:
0x46: {  	_ = 	snop;
	(pc) =	sbr.rel @p0 .LBB2_8-.Ltmp3, $3  }
0x47: {  	_ =	sdelay $0x1  }
0x48: {  	s21 =	sshra.s32 s20, $0x2;
	s20 =	sadd.s32 $0x140, s20  }
0x49: {  	[spmem:s2] =	stream.indirect.scatter.add.f32 [tilespmem:s16], [sflag:$0x1], $0x10, s21, s17, $0xb8;
	[tilespmem:$0x5410] =	vst v63  }
0x4a: {  	_ =	swait.ge [sflag:s18], $0x500  }
0x4b: {  	s20 =	simm.s32 $0x7C;
	[sflag:s18] =	ssyncset.done $0x0  }
.LBB2_10:
0x4c: {  	p0 =	sne.s32 s20, $0x1;
	s20 =	sadd.s32 $0xFFFFFFFF, s20;
	[sflag:s18] =	ssyncadd.s32 $0xFFFFFB00  }
.Ltmp4:
0x4d: {  	(pc) =	sbr.rel @p0 .LBB2_10-.Ltmp4, $3  }
0x4e: {  	_ =	sdelay $0x1  }
0x4f: {  	_ =	swait.ge [sflag:s18], $0x500  }
0x50: {  	[sflag:s18] =	ssyncset.done $0x0  }
0x51: {  	s3 =	sadd.s32 $0x1, s3  }
0x52: {  	[sflag:s18] =	ssyncadd.s32 $0xFFFFFB00;
	p0 =	sne.s32 s3, s14  }
.Ltmp5:
0x53: {  	s20 =	sshrl.u32 s5, $0x3;
	[bflag:$0x0] =	sbarrier.arrive $0xFFFF;
	(pc) =	sbr.rel @p0 .LBB2_1-.Ltmp5, $4  }
0x54: {  	[hbm:s13], [sflag:s19] =	dma.local [spmem:s20], $0x500  }
0x55: {  	_ =	swait.ge [sflag:s15], $0x500  }
0x56: {  	[sflag:s15] =	ssyncset.done $0x0  }
0x57: {  	[sflag:s15] =	ssyncadd.s32 $0xFFFFFB00  }
0x58: {  	_ =	sfence.sel $0x180000  }
0x59: {  	[bflag:$0x0] =	sbarrier.arrive $0xFFFF  }
0x5a: {  	p0 =	sne.s32 s1, $0x0;
	_ =	strace $0x90000047  }
0x5b: {  	s0 =	sadd.s32 @!p0 $0x100000, s0;
	[bflag:$0x2] =	sbarrier.arrive $0xFFFF  }
0x5c: {  	[sflag:s0] =	ssyncadd.tile.s32 @!p0 $0x1;
	_ =	shalt  }
.Lfunc_end2:
_tile_overlayer_lowered:
.L_overlay_start_2:
0x5d: {  	(tag) =	ssettag $0x2  }
0x5e: {  	s0 =	rddreg [dreg:$0x0];
	s2 =	stileid.u32  }
0x5f: {  	s1 =	rddreg [dreg:$0x1];
	p0 =	sne.s32 s2, $0x0  }
0x60: {  	s3 =	rddreg [dreg:$0x2];
	[bflag:$0x3] =	sbarrier.arrive $0xFFFF;
	s2 =	simm.s32 @!p0 $0x1C02  }
0x61: {  	[timem:s3], [sflag:s2] =	dma.local @!p0 [hbm:s0], s1  }
0x62: {  	s0 =	simm.s32 @!p0 $0x2  }
0x63: {  	_ =	swait.ge @!p0 [sflag:s0], s1  }
0x64: {  	s1 =	ssub.s32 @!p0 $0x0, s1;
	[sflag:s0] =	ssyncset.done @!p0 $0x0  }
0x65: {  	[sflag:s0] =	ssyncadd.s32 @!p0 s1  }
0x66: {  	[bflag:$0x3] =	sbarrier.arrive $0xFFFF  }
0x67: {  	_ =	shalt  }

// kernel: kernel.13.cloned.1.call-start
scs
__scs_entry_jumppad:
0x0: {  	(pc) =	sbr.rel $0x88, $3  }
0x1: {  	(tag) =	ssettag $0x0;
	lr =	simm.s32 $0x1  }
0x2: {  	[smem:$0x3F99] =	sst lr;
	_ =	strace $0xD0000000  }
0x3: {  	_ = 	snop  }
0x4: {  	_ = 	snop  }
0x5: {  	_ = 	snop  }
0x6: {  	_ = 	snop  }
0x7: {  	_ = 	snop  }
__scs_overlays_trampoline_lowered:
0x8: {  	[smem:$0x3FA8] =	sst s0  }
0x9: {  	[smem:$0x3FA9] =	sst s1  }
0xa: {  	[smem:$0x3FAA] =	sst s2  }
0xb: {  	[smem:$0x3FAB] =	sst s3  }
0xc: {  	[smem:$0x3FAC] =	sst s4  }
0xd: {  	[smem:$0x3FAD] =	sst s5  }
0xe: {  	[smem:$0x3FAE] =	sst s6  }
0xf: {  	[smem:$0x3FAF] =	sst s7  }
0x10: {  	[smem:$0x3FB0] =	sst s8  }
0x11: {  	[smem:$0x3FB1] =	sst s9;
	s0 =	simm.s32 @!p0 $0x0  }
0x12: {  	s1 =	sld [smem:$0x3F97];
	s0 =	simm.s32 @p0 $0x1  }
0x13: {  	[smem:$0x3FB2] =	sst s0;
	s0 =	simm.s32 @!p1 $0x0  }
0x14: {  	s2 =	sld [smem:$0x3F96];
	s0 =	simm.s32 @p1 $0x1  }
0x15: {  	[smem:$0x3FB3] =	sst s0;
	s0 =	simm.s32 @!p2 $0x0  }
0x16: {  	s3 =	sld [smem:$0x3FDB];
	s0 =	simm.s32 @p2 $0x1  }
0x17: {  	s4 =	simm.s32 $0x1BF5;
	[smem:$0x3FB5] =	sst s0  }
0x18: {  	s0 =	sld [smem:$0x3F98];
	_ =	swait.ge [sflag:s4], $0x0  }
0x19: {  	s7 =	sld [smem:$0x3F99]  }
0x1a: {  	s8 =	sadd.s32 $0xFFFFE003, lr  }
0x1b: {  	s9 =	sadd.s32 $0xFFFFFEF7, lr;
	s5 =	simm.s32 $0xFFFFFFFF;
	p2 =	slt.u32 s8, $0xFFFFF086  }
0x1c: {  	p1 =	slt.u32 s9, $0xF7A;
	s5 =	simm.s32 @!p2 $0x0  }
0x1d: {  	s5 =	simm.s32 @p1 $0x1;
	p0 =	seq.s32 s7, s2  }
0x1e: {  	s7 =	smul.u32 @!p0 $0xF7A, s2;
	p2 =	seq.s32 @!p0 s5, $0x0  }
0x1f: {  	s9 =	smul.u32 $0xF7A, s1;
	s8 =	simm.s32 @!p0 $0x1BF5;
	p2 =	por !p2, p0  }
0x20: {  	[sflag:s8] =	ssyncset.s32 @!p0 $0xFFFFF086;
	s6 =	sadd.s32 @!p0 s3, s7;
	s7 =	simm.s32 @!p0 $0x108  }
0x21: {  	s3 =	sadd.s32 s3, s9;
	s6 =	sadd.s32 @!p0 $0x88, s6;
	s7 =	simm.s32 @p2 $0x1082  }
0x22: {  	[simem:s7], [sflag:s8] =	dma.local @!p0 [hbm:s6], $0xF7A  }
0x23: {  	s9 =	sor.u32 $0xD0000000, s2;
	s6 =	simm.s32 $0x108;
	_ =	swait.ge @!p0 [sflag:s8], $0x0  }
0x24: {  	s3 =	sadd.s32 $0x88, s3;
	s6 =	simm.s32 @!p1 $0x1082;
	[sflag:s4] =	ssyncset.s32 $0xFFFFF086  }
0x25: {  	[simem:s6], [sflag:s4] =	dma.local [hbm:s3], $0xF7A  }
0x26: {  	[smem:$0x3F99] =	sst s1;
	(tag) =	ssettag s2;
	_ =	strace s9  }
0x27: {  	s1 =	sld [smem:$0x3FA9]  }
0x28: {  	s2 =	sld [smem:$0x3FAA]  }
0x29: {  	s4 =	sld [smem:$0x3FAC]  }
0x2a: {  	p0 =	seq.s32 s5, $0x0;
	s5 =	sld [smem:$0x3FAD]  }
0x2b: {  	s6 =	sld [smem:$0x3FAE]  }
0x2c: {  	s7 =	sld [smem:$0x3FAF]  }
0x2d: {  	s3 =	simm.s32 $0x108;
	s8 =	sld [smem:$0x3FB0]  }
0x2e: {  	s3 =	simm.s32 @!p0 $0x1082;
	s9 =	sld [smem:$0x3FB1]  }
0x2f: {  	lr =	sadd.s32 s0, s3;
	s0 =	sld [smem:$0x3FA8]  }
0x30: {  	s3 =	sld [smem:$0x3FAB]  }
0x31: {  	[smem:$0x3FB4] =	sst s10  }
0x32: {  	s10 =	sld [smem:$0x3FB2];
	_ =	sdelay $0x3  }
0x33: {  	p0 =	seq.s32 s10, $0x1;
	s10 =	sld [smem:$0x3FB4];
	_ =	sdelay $0x3  }
0x34: {  	[smem:$0x3FB4] =	sst s10  }
0x35: {  	s10 =	sld [smem:$0x3FB3];
	_ =	sdelay $0x3  }
0x36: {  	p1 =	seq.s32 s10, $0x1;
	s10 =	sld [smem:$0x3FB4];
	_ =	sdelay $0x3  }
0x37: {  	[smem:$0x3FB4] =	sst s10  }
0x38: {  	s10 =	sld [smem:$0x3FB5]  }
0x39: {  	_ = 	snop;
	(pc) =	sbr.ind lr, $3  }
0x3a: {  	_ = 	snop  }
0x3b: {  	_ = 	snop  }
0x3c: {  	p2 =	seq.s32 s10, $0x1;
	s10 =	sld [smem:$0x3FB4]  }
0x3d: {  	_ =	shalt  }
0x3e: {  	_ =	shalt  }
0x3f: {  	_ =	shalt  }
0x40: {  	_ =	shalt  }
0x41: {  	_ =	shalt  }
0x42: {  	_ =	shalt  }
0x43: {  	_ =	shalt  }
0x44: {  	_ =	shalt  }
0x45: {  	_ =	shalt  }
0x46: {  	_ =	shalt  }
0x47: {  	_ =	shalt  }
0x48: {  	_ =	shalt  }
0x49: {  	_ =	shalt  }
0x4a: {  	_ =	shalt  }
0x4b: {  	_ =	shalt  }
0x4c: {  	_ =	shalt  }
0x4d: {  	_ =	shalt  }
0x4e: {  	_ =	shalt  }
0x4f: {  	_ =	shalt  }
0x50: {  	_ =	shalt  }
0x51: {  	_ =	shalt  }
0x52: {  	_ =	shalt  }
0x53: {  	_ =	shalt  }
0x54: {  	_ =	shalt  }
0x55: {  	_ =	shalt  }
0x56: {  	_ =	shalt  }
0x57: {  	_ =	shalt  }
0x58: {  	_ =	shalt  }
0x59: {  	_ =	shalt  }
0x5a: {  	_ =	shalt  }
0x5b: {  	_ =	shalt  }
0x5c: {  	_ =	shalt  }
0x5d: {  	_ =	shalt  }
0x5e: {  	_ =	shalt  }
0x5f: {  	_ =	shalt  }
0x60: {  	_ =	shalt  }
0x61: {  	_ =	shalt  }
0x62: {  	_ =	shalt  }
0x63: {  	_ =	shalt  }
0x64: {  	_ =	shalt  }
0x65: {  	_ =	shalt  }
0x66: {  	_ =	shalt  }
0x67: {  	_ =	shalt  }
0x68: {  	_ =	shalt  }
0x69: {  	_ =	shalt  }
0x6a: {  	_ =	shalt  }
0x6b: {  	_ =	shalt  }
0x6c: {  	_ =	shalt  }
0x6d: {  	_ =	shalt  }
0x6e: {  	_ =	shalt  }
0x6f: {  	_ =	shalt  }
0x70: {  	_ =	shalt  }
0x71: {  	_ =	shalt  }
0x72: {  	_ =	shalt  }
0x73: {  	_ =	shalt  }
0x74: {  	_ =	shalt  }
0x75: {  	_ =	shalt  }
0x76: {  	_ =	shalt  }
0x77: {  	_ =	shalt  }
0x78: {  	_ =	shalt  }
0x79: {  	_ =	shalt  }
0x7a: {  	_ =	shalt  }
0x7b: {  	_ =	shalt  }
0x7c: {  	_ =	shalt  }
0x7d: {  	_ =	shalt  }
0x7e: {  	_ =	shalt  }
0x7f: {  	_ =	shalt  }
0x80: {  	_ =	shalt  }
0x81: {  	_ =	shalt  }
0x82: {  	_ =	shalt  }
0x83: {  	_ =	shalt  }
0x84: {  	_ =	shalt  }
0x85: {  	_ =	shalt  }
0x86: {  	_ =	shalt  }
0x87: {  	_ =	shalt  }
.Lfunc_end0:
.L_simem_size_0:
called_computation.1_lowered:
.L_overlay_start_0:
0x88: {  	s2 =	sld [smem:$0x3FD9]  }
0x89: {  	s3 =	sld [smem:$0x3FFE];
	_ =	sdelay $0x1  }
0x8a: {  	s1 =	srdreg.scid  }
0x8b: {  	s0 =	sand.u32 $0x1, s1  }
0x8c: {  	s16 =	sshll.u32 s0, $0xA;
	s2 =	sadd.s32 s3, s2  }
0x8d: {  	s2 =	sadd.s32 s2, s16  }
0x8e: {  	[smem:$0x3FC0] =	sst s2  }
0x8f: {  	_ = 	snop  }
0x90: {  	(tm) =	ssettm $0x1  }
0x91: {  	s17 =	sld [smem:$0x3FFB];
	_ =	sdelay $0x3  }
0x92: {  	_ =	strace s17  }
0x93: {  	s2 =	sld [smem:$0x3FFC];
	_ =	sdelay $0x3  }
0x94: {  	_ =	strace s2  }
0x95: {  	s2 =	sld [smem:$0x3FFD];
	_ =	sdelay $0x3  }
0x96: {  	_ =	strace s2  }
0x97: {  	_ =	strace $0x8FFFFFFF  }
0x98: {  	s18 =	sld [smem:$0x3FDB];
	_ =	sdelay $0x1  }
0x99: {  	s19 =	simm.s32 $_scs_section_size  }
0x9a: {  	s4 =	simm.s32 $_size__tile_overlayer_lowered;
	s5 =	simm.s32 $_tile_overlayer_lowered  }
0x9b: {  	s22 =	simm.s32 $0x1BFF;
	s21 =	sshll.u32 s5, $0x1;
	s2 =	sadd.s32 s19, s18  }
0x9c: {  	s6 =	simm.s32 $0x0;
	s20 =	sshll.u32 s4, $0x1;
	s4 =	sadd.s32 s21, s2  }
0x9d: {  	[timem:s6], [sflag:s22] =	dma.local [hbm:s4], s20  }
0x9e: {  	_ =	swait.ge [sflag:s22], s20  }
0x9f: {  	s3 =	ssub.s32 $0x0, s20;
	[sflag:s22] =	ssyncset.done $0x0  }
0xa0: {  	[sflag:s22] =	ssyncadd.s32 s3;
	_ =	sdelay $0x1  }
0xa1: {  	s23 =	simm.s32 $0x1B8B  }
0xa2: {  	_ =	swait.ge [sflag:s23], $0x1  }
0xa3: {  	[sflag:s23] =	ssyncset.done $0x0  }
0xa4: {  	s25 =	simm.s32 $0x1B8E;
	s24 =	sld [smem:$0x3FFE];
	[sflag:s23] =	ssyncadd.s32 $0xFFFFFFFF  }
0xa5: {  	s26 =	simm.s32 $execute0_lowered;
	[smem:$0x3FD2] =	sst s25  }
0xa6: {  	s4 =	sshll.u32 s26, $0x1;
	_ =	strace $0x80000049;
	[dreg:$0x1] =	wrdreg $0xFFFFFFFF  }
0xa7: {  	s28 =	simm.s32 $_size_execute0_lowered;
	s2 =	sadd.s32 s2, s4;
	[dreg:$0x0] =	wrdreg $0x0  }
0xa8: {  	s4 =	sshll.u32 s28, $0x1;
	[dreg:$0x2] =	wrdreg s2  }
0xa9: {  	[dreg:$0x3] =	wrdreg s4  }
0xaa: {  	[dreg:$0x4] =	wrdreg $0xC0  }
0xab: {  	_ =	task [dreg:s6], $0x5FFFF  }
0xac: {  	[dreg:$0x1] =	wrdreg $0xFFFFFFFF  }
0xad: {  	[dreg:$0x0] =	wrdreg $0x60  }
0xae: {  	[dreg:$0x2] =	wrdreg s24  }
0xaf: {  	[dreg:$0x3] =	wrdreg $0xC6200  }
0xb0: {  	[dreg:$0x4] =	wrdreg $0x9  }
0xb1: {  	_ =	task.clear_ibuf [dreg:s6], $0x5FFFF;
	_ =	strace $0x90000049  }
0xb2: {  	s29 =	simm.s32 $0x9;
	_ =	strace $0x8000004B  }
0xb3: {  	_ =	swait.ge [sflag:s29], $0x1  }
0xb4: {  	[sflag:s29] =	ssyncadd.s32 $0xFFFFFFFF  }
0xb5: {  	_ =	strace $0x9000004B  }
0xb6: {  	_ =	sfence  }
0xb7: {  	s30 =	sld [smem:$0x0];
	_ =	sdelay $0x2  }
0xb8: {  	s31 =	sshll.u32 s1, $0xD;
	s1 =	sshrl.u32 s1, $0x2  }
0xb9: {  	s3 =	sand.u32 $0x4000, s31;
	s1 =	sadd.s32 s1, s30  }
0xba: {  	s0 =	sor.u32 s3, s0;
	s1 =	sshll.u32 s1, $0x11  }
0xbb: {  	s0 =	sor.u32 s1, s0  }
0xbc: {  	s0 =	sadd.s32 $0x8F2B, s0  }
0xbd: {  	[sflag:s0] =	ssyncadd.remote.s32 $0x1  }
0xbe: {  	_ =	sfence.sel $0xFFFF  }
0xbf: {  	[dreg:$0x0] =	wrdreg $0xFFFFFFFF;
	(pc) =	sbr.abs _section_cstart, $3  }
0xc0: {  	[dreg:$0x1] =	wrdreg $0xFFFFFFFF  }
0xc1: {  	_ =	task.clear_ibuf [dreg:s6], $0x2FFFF;
	_ =	strace $0x9FFFFFFF  }
0xc2: {  	(tm) =	ssettm $0x7FFFFFFF  }
0xc3: {  	_ =	shalt  }
tec
execute0_lowered:
.L_overlay_start_1:
0x0: {  	(tag) =	ssettag $0x1  }
0x1: {  	s0 =	rddreg [dreg:$0x0]  }
0x2: {  	s1 =	rddreg [dreg:$0x1]  }
0x3: {  	s2 =	srdreg.scid;
	s3 =	simm.s32 $0x0;
	s9 =	stileid.u32  }
0x4: {  	s19 =	simm.s32 $0x7;
	s20 =	simm.s32 $0x2710;
	s21 =	simm.s32 $0x4E20  }
0x5: {  	s22 =	simm.s32 $0x50;
	s23 =	simm.s32 $0x7620;
	s24 =	simm.s32 $0x1  }
0x6: {  	s28 =	simm.s32 $0x2;
	s30 =	simm.s32 $0x4;
	s6 =	smul.u32 $0x4E2, s9  }
0x7: {  	s31 =	simm.s32 $0x6;
	s2 =	sand.u32 $0x1, s2;
	s7 =	smul.u32 $0x4E000, s9  }
0x8: {  	[smem:$0x7FF] =	sst s3;
	s4 =	sadd.s32 $0x66800, s0;
	s14 =	smul.u32 $0x13800, s9  }
0x9: {  	s5 =	smul.u32 $0x4E20, s2;
	_ =	strace $0x8000004A;
	s25 =	ssub.s32 $0x2, s2  }
0xa: {  	s2 =	smul.u32 $0x138800, s2;
	s26 =	sshrl.u32 s25, $0x1;
	s7 =	sshrl.u32 s7, $0x2  }
0xb: {  	s5 =	sadd.s32 s6, s5;
	s18 =	ssub.s32 s25, s26;
	s15 =	sadd.s32 s7, s1  }
0xc: {  	s7 =	sadd.s32 s14, s1;
	s16 =	sadd.s32 s14, s2;
	s2 =	sshrl.u32 s2, $0x3  }
0xd: {  	s26 =	simm.s32 $0x9E20;
	s25 =	simm.s32 $0x5;
	s8 =	sadd.s32 s5, s0  }
0xe: {  	s0 =	sadd.s32 $0x8DA00, s0;
	s9 =	sadd.s32 $0x5000, s15;
	s10 =	sadd.s32 $0x7800, s15  }
0xf: {  	s11 =	sadd.s32 $0xA000, s15;
	s12 =	sadd.s32 $0xC800, s15;
	s13 =	sadd.s32 $0xF000, s15  }
0x10: {  	s14 =	sadd.s32 $0x11800, s15;
	s16 =	sshrl.u32 s16, $0x3;
	s18 =	smax.u32 s18, $0x1  }
0x11: {  	s29 =	sadd.s32 $0x2C00, s8;
	s6 =	sadd.s32 $0xCA00, s8;
	s8 =	sadd.s32 $0x2800, s15  }
0x12: {  	s15 =	sadd.s32 $0x138000, s1;
	s16 =	sadd.s32 s0, s16;
	s0 =	sadd.s32 s0, s2  }
0x13: {  	v0 =	vimm.f32 $0.0e+00;
	[dreg:$0x3] =	wrdreg s29;
	s17 =	sadd.s32 $0x27000, s0;
	s0 =	simm.s32 $0x3  }
.LBB2_1:
0x14: {  	s2 =	simm.s32 $0x70;
	s29 =	simm.s32 $0x3C0  }
.LBB2_2:
0x15: {  	p0 =	sne.s32 s29, $0x9FC0;
	[tilespmem:s2+$0x4E20] =	vst v0  }
0x16: {  	[tilespmem:s2+$0x4DB0] =	vst v0  }
0x17: {  	[tilespmem:s2+$0x4DC0] =	vst v0  }
.Ltmp0:
0x18: {  	[tilespmem:s2+$0x4DD0] =	vst v0;
	(pc) =	sbr.rel @p0 .LBB2_2-.Ltmp0, $4  }
0x19: {  	[tilespmem:s2+$0x4DE0] =	vst v0  }
0x1a: {  	[tilespmem:s2+$0x4DF0] =	vst v0  }
0x1b: {  	[tilespmem:s2+$0x4E00] =	vst v0  }
0x1c: {  	[tilespmem:s2+$0x4E10] =	vst v0;
	s2 =	sshra.s32 s29, $0x2;
	s29 =	sadd.s32 $0x200, s29  }
0x1d: {  	[tilespmem:s2+$0x4E20] =	vst v0  }
0x1e: {  	[tilespmem:s2+$0x4DB0] =	vst v0  }
0x1f: {  	[tilespmem:s2+$0x4DC0] =	vst v0  }
0x20: {  	[tilespmem:s2+$0x4DD0] =	vst v0  }
0x21: {  	[tilespmem:s2+$0x4DE0] =	vst v0  }
0x22: {  	[tilespmem:s2+$0x4DF0] =	vst v0  }
0x23: {  	[tilespmem:s2+$0x4E00] =	vst v0  }
0x24: {  	[tilespmem:s2+$0x4E10] =	vst v0;
	s2 =	simm.s32 $0x0;
	s5 =	rddreg [dreg:$0x3]  }
0x25: {  	[tilespmem:s2], [sflag:$0x7] =	stream.linear.gather [hbm4b:s5+s2], $0x2710, $0x38;
	[tilespmem:$0x1FEA0] =	vst v63  }
0x26: {  	_ =	swait.ge [sflag:s19], $0x2710  }
0x27: {  	[sflag:s19] =	ssyncset.done $0x0  }
0x28: {  	[sflag:s19] =	ssyncadd.s32 $0xFFFFD8F0  }
0x29: {  	[tilespmem:s20], [sflag:$0x7] =	stream.linear.gather [hbm4b:s6+s2], $0x2710, $0x38;
	[tilespmem:$0x1FEA0] =	vst v63  }
0x2a: {  	_ =	swait.ge [sflag:s19], $0x2710  }
0x2b: {  	[sflag:s19] =	ssyncset.done $0x0  }
0x2c: {  	[sflag:s19] =	ssyncadd.s32 $0xFFFFD8F0  }
0x2d: {  	[spmem:s7] =	stream.linear.scatter [tilespmem:s21], [sflag:$0x7], $0x2800, $0x38;
	[tilespmem:$0x1FEA0] =	vst v63  }
0x2e: {  	_ =	swait.ge [sflag:s19], $0x2800  }
0x2f: {  	[sflag:s19] =	ssyncset.done $0x0  }
0x30: {  	[sflag:s19] =	ssyncadd.s32 $0xFFFFD800  }
0x31: {  	[spmem:s8] =	stream.linear.scatter [tilespmem:s21], [sflag:$0x7], $0x2800, $0x38;
	[tilespmem:$0x1FEA0] =	vst v63  }
0x32: {  	_ =	swait.ge [sflag:s19], $0x2800  }
0x33: {  	[sflag:s19] =	ssyncset.done $0x0  }
0x34: {  	[sflag:s19] =	ssyncadd.s32 $0xFFFFD800  }
0x35: {  	[spmem:s9] =	stream.linear.scatter [tilespmem:s21], [sflag:$0x7], $0x2800, $0x38;
	[tilespmem:$0x1FEA0] =	vst v63  }
0x36: {  	_ =	swait.ge [sflag:s19], $0x2800  }
0x37: {  	[sflag:s19] =	ssyncset.done $0x0  }
0x38: {  	[sflag:s19] =	ssyncadd.s32 $0xFFFFD800  }
0x39: {  	[spmem:s10] =	stream.linear.scatter [tilespmem:s21], [sflag:$0x7], $0x2800, $0x38;
	[tilespmem:$0x1FEA0] =	vst v63  }
0x3a: {  	_ =	swait.ge [sflag:s19], $0x2800  }
0x3b: {  	[sflag:s19] =	ssyncset.done $0x0  }
0x3c: {  	[sflag:s19] =	ssyncadd.s32 $0xFFFFD800  }
0x3d: {  	[spmem:s11] =	stream.linear.scatter [tilespmem:s21], [sflag:$0x7], $0x2800, $0x38;
	[tilespmem:$0x1FEA0] =	vst v63  }
0x3e: {  	_ =	swait.ge [sflag:s19], $0x2800  }
0x3f: {  	[sflag:s19] =	ssyncset.done $0x0  }
0x40: {  	[sflag:s19] =	ssyncadd.s32 $0xFFFFD800  }
0x41: {  	[spmem:s12] =	stream.linear.scatter [tilespmem:s21], [sflag:$0x7], $0x2800, $0x38;
	[tilespmem:$0x1FEA0] =	vst v63  }
0x42: {  	_ =	swait.ge [sflag:s19], $0x2800  }
0x43: {  	[sflag:s19] =	ssyncset.done $0x0  }
0x44: {  	[sflag:s19] =	ssyncadd.s32 $0xFFFFD800  }
0x45: {  	[spmem:s13] =	stream.linear.scatter [tilespmem:s21], [sflag:$0x7], $0x2800, $0x38;
	[tilespmem:$0x1FEA0] =	vst v63  }
0x46: {  	_ =	swait.ge [sflag:s19], $0x2800  }
0x47: {  	[sflag:s19] =	ssyncset.done $0x0  }
0x48: {  	[sflag:s19] =	ssyncadd.s32 $0xFFFFD800  }
0x49: {  	[spmem:s14] =	stream.linear.scatter [tilespmem:s21], [sflag:$0x7], $0x2000, $0x38;
	[tilespmem:$0x1FEA0] =	vst v63  }
0x4a: {  	_ =	swait.ge [sflag:s19], $0x2000  }
0x4b: {  	[sflag:s19] =	ssyncset.done $0x0  }
0x4c: {  	[sflag:s19] =	ssyncadd.s32 $0xFFFFE000  }
0x4d: {  	[spmem:s15] =	stream.linear.scatter [tilespmem:s21], [sflag:$0x7], $0x800, $0x38;
	[tilespmem:$0x1FEA0] =	vst v63  }
0x4e: {  	_ =	swait.ge [sflag:s19], $0x800  }
0x4f: {  	[sflag:s19] =	ssyncset.done $0x0  }
0x50: {  	[sflag:s19] =	ssyncadd.s32 $0xFFFFF800  }
0x51: {  	[bflag:$0x0] =	sbarrier.arrive $0xFFFF  }
0x52: {  	[tilespmem:s21], [sflag:$0x1] =	stream.indirect.gather [hbm4b:s4+s22], $0x80, s2, s22, $0xb8;
	[tilespmem:$0x1FEA0] =	vst v63  }
0x53: {  	_ = 	snop  }
0x54: {  	[tilespmem:s23], [sflag:$0x2] =	stream.indirect.gather [hbm4b:s4+s22], $0x80, s22, s22, $0xb8;
	[tilespmem:$0x1FEA0] =	vst v63  }
0x55: {  	_ =	swait.ge [sflag:s24], $0x2800  }
0x56: {  	[sflag:s24] =	ssyncset.done $0x0  }
0x57: {  	[sflag:s24] =	ssyncadd.s32 $0xFFFFD800  }
0x58: {  	[spmem:s1] =	stream.indirect.scatter.add.f32 [tilespmem:s21], [sflag:$0x4], $0x80, s20, s22, $0xb8;
	[tilespmem:$0x1FEA0] =	vst v63  }
0x59: {  	s5 =	simm.s32 $0xA0  }
0x5a: {  	[tilespmem:s26], [sflag:$0x3] =	stream.indirect.gather [hbm4b:s4+s22], $0x80, s5, s22, $0xb8;
	[tilespmem:$0x1FEA0] =	vst v63  }
0x5b: {  	_ =	swait.ge [sflag:s28], $0x2800  }
0x5c: {  	[sflag:s28] =	ssyncset.done $0x0  }
0x5d: {  	s5 =	simm.s32 $0x2760;
	[sflag:s28] =	ssyncadd.s32 $0xFFFFD800  }
0x5e: {  	[spmem:s1] =	stream.indirect.scatter.add.f32 [tilespmem:s23], [sflag:$0x5], $0x80, s5, s22, $0xb8;
	[tilespmem:$0x1FEA0] =	vst v63  }
0x5f: {  	_ =	swait.ge [sflag:s30], $0x2800  }
0x60: {  	[sflag:s30] =	ssyncset.done $0x0  }
0x61: {  	s5 =	simm.s32 $0xF0;
	[sflag:s30] =	ssyncadd.s32 $0xFFFFD800  }
0x62: {  	[tilespmem:s21], [sflag:$0x1] =	stream.indirect.gather [hbm4b:s4+s22], $0x80, s5, s22, $0xb8;
	[tilespmem:$0x1FEA0] =	vst v63  }
0x63: {  	_ =	swait.ge [sflag:s0], $0x2800  }
0x64: {  	[sflag:s0] =	ssyncset.done $0x0  }
0x65: {  	s5 =	simm.s32 $0x27B0;
	[sflag:s0] =	ssyncadd.s32 $0xFFFFD800  }
0x66: {  	[spmem:s1] =	stream.indirect.scatter.add.f32 [tilespmem:s26], [sflag:$0x6], $0x80, s5, s22, $0xb8;
	[tilespmem:$0x1FEA0] =	vst v63  }
0x67: {  	_ =	swait.ge [sflag:s25], $0x2800  }
0x68: {  	[sflag:s25] =	ssyncset.done $0x0  }
0x69: {  	s5 =	simm.s32 $0x140;
	[sflag:s25] =	ssyncadd.s32 $0xFFFFD800  }
0x6a: {  	[tilespmem:s23], [sflag:$0x2] =	stream.indirect.gather [hbm4b:s4+s22], $0x80, s5, s22, $0xb8;
	[tilespmem:$0x1FEA0] =	vst v63  }
0x6b: {  	_ =	swait.ge [sflag:s24], $0x2800  }
0x6c: {  	[sflag:s24] =	ssyncset.done $0x0  }
0x6d: {  	s5 =	simm.s32 $0x2800;
	[sflag:s24] =	ssyncadd.s32 $0xFFFFD800  }
0x6e: {  	[spmem:s1] =	stream.indirect.scatter.add.f32 [tilespmem:s21], [sflag:$0x4], $0x80, s5, s22, $0xb8;
	[tilespmem:$0x1FEA0] =	vst v63  }
0x6f: {  	_ =	swait.ge [sflag:s31], $0x2800  }
0x70: {  	[sflag:s31] =	ssyncset.done $0x0  }
0x71: {  	s5 =	simm.s32 $0x190;
	[sflag:s31] =	ssyncadd.s32 $0xFFFFD800  }
0x72: {  	[tilespmem:s26], [sflag:$0x3] =	stream.indirect.gather [hbm4b:s4+s22], $0x80, s5, s22, $0xb8;
	[tilespmem:$0x1FEA0] =	vst v63  }
0x73: {  	_ =	swait.ge [sflag:s28], $0x2800  }
0x74: {  	[sflag:s28] =	ssyncset.done $0x0  }
0x75: {  	s5 =	simm.s32 $0x2850;
	[sflag:s28] =	ssyncadd.s32 $0xFFFFD800  }
0x76: {  	[spmem:s1] =	stream.indirect.scatter.add.f32 [tilespmem:s23], [sflag:$0x5], $0x80, s5, s22, $0xb8;
	[tilespmem:$0x1FEA0] =	vst v63  }
0x77: {  	_ =	swait.ge [sflag:s30], $0x2800  }
0x78: {  	[sflag:s30] =	ssyncset.done $0x0  }
0x79: {  	s5 =	simm.s32 $0x1E0;
	[sflag:s30] =	ssyncadd.s32 $0xFFFFD800  }
0x7a: {  	[tilespmem:s21], [sflag:$0x1] =	stream.indirect.gather [hbm4b:s4+s22], $0x80, s5, s22, $0xb8;
	[tilespmem:$0x1FEA0] =	vst v63  }
0x7b: {  	_ =	swait.ge [sflag:s0], $0x2800  }
0x7c: {  	[sflag:s0] =	ssyncset.done $0x0  }
0x7d: {  	s5 =	simm.s32 $0x28A0;
	[sflag:s0] =	ssyncadd.s32 $0xFFFFD800  }
0x7e: {  	[spmem:s1] =	stream.indirect.scatter.add.f32 [tilespmem:s26], [sflag:$0x6], $0x80, s5, s22, $0xb8;
	[tilespmem:$0x1FEA0] =	vst v63  }
0x7f: {  	_ =	swait.ge [sflag:s25], $0x2800  }
0x80: {  	[sflag:s25] =	ssyncset.done $0x0  }
0x81: {  	s29 =	simm.s32 $0x230;
	s2 =	simm.s32 $0x3C0;
	[sflag:s25] =	ssyncadd.s32 $0xFFFFD800  }
.LBB2_4:
0x82: {  	[tilespmem:s23], [sflag:$0x2] =	stream.indirect.gather [hbm4b:s4+s22], $0x80, s29, s22, $0xb8;
	[tilespmem:$0x1FEA0] =	vst v63  }
0x83: {  	s29 =	smov.u32 s2  }
0x84: {  	p0 =	sne.s32 s2, $0x9240;
	s2 =	sadd.s32 $0x3C0, s2;
	_ =	swait.ge [sflag:s24], $0x2800  }
0x85: {  	s29 =	sshra.s32 s29, $0x2;
	[sflag:s24] =	ssyncset.done $0x0  }
0x86: {  	s5 =	sadd.s32 $0x2800, s29;
	[sflag:s24] =	ssyncadd.s32 $0xFFFFD800  }
0x87: {  	[spmem:s1] =	stream.indirect.scatter.add.f32 [tilespmem:s21], [sflag:$0x4], $0x80, s5, s22, $0xb8;
	[tilespmem:$0x1FEA0] =	vst v63  }
0x88: {  	_ =	swait.ge [sflag:s31], $0x2800  }
0x89: {  	[sflag:s31] =	ssyncset.done $0x0  }
0x8a: {  	s5 =	sadd.s32 $0x190, s29;
	[sflag:s31] =	ssyncadd.s32 $0xFFFFD800  }
0x8b: {  	[tilespmem:s26], [sflag:$0x3] =	stream.indirect.gather [hbm4b:s4+s22], $0x80, s5, s22, $0xb8;
	[tilespmem:$0x1FEA0] =	vst v63  }
0x8c: {  	_ =	swait.ge [sflag:s28], $0x2800  }
0x8d: {  	[sflag:s28] =	ssyncset.done $0x0  }
0x8e: {  	s5 =	sadd.s32 $0x2850, s29;
	[sflag:s28] =	ssyncadd.s32 $0xFFFFD800  }
0x8f: {  	[spmem:s1] =	stream.indirect.scatter.add.f32 [tilespmem:s23], [sflag:$0x5], $0x80, s5, s22, $0xb8;
	[tilespmem:$0x1FEA0] =	vst v63  }
0x90: {  	_ =	swait.ge [sflag:s30], $0x2800  }
0x91: {  	[sflag:s30] =	ssyncset.done $0x0  }
0x92: {  	s5 =	sadd.s32 $0x1E0, s29;
	[sflag:s30] =	ssyncadd.s32 $0xFFFFD800  }
0x93: {  	[tilespmem:s21], [sflag:$0x1] =	stream.indirect.gather [hbm4b:s4+s22], $0x80, s5, s22, $0xb8;
	[tilespmem:$0x1FEA0] =	vst v63  }
0x94: {  	_ =	swait.ge [sflag:s0], $0x2800  }
0x95: {  	[sflag:s0] =	ssyncset.done $0x0  }
.Ltmp1:
0x96: {  	s5 =	sadd.s32 $0x28A0, s29;
	[sflag:s0] =	ssyncadd.s32 $0xFFFFD800;
	(pc) =	sbr.rel @p0 .LBB2_4-.Ltmp1, $4  }
0x97: {  	[spmem:s1] =	stream.indirect.scatter.add.f32 [tilespmem:s26], [sflag:$0x6], $0x80, s5, s22, $0xb8;
	[tilespmem:$0x1FEA0] =	vst v63  }
0x98: {  	_ =	swait.ge [sflag:s25], $0x2800  }
0x99: {  	[sflag:s25] =	ssyncset.done $0x0  }
0x9a: {  	s29 =	sadd.s32 $0x230, s29;
	[sflag:s25] =	ssyncadd.s32 $0xFFFFD800  }
0x9b: {  	[tilespmem:s23], [sflag:$0x2] =	stream.indirect.gather [hbm4b:s4+s22], $0x80, s29, s22, $0xb8;
	[tilespmem:$0x1FEA0] =	vst v63  }
0x9c: {  	_ =	swait.ge [sflag:s24], $0x2800  }
0x9d: {  	[sflag:s24] =	ssyncset.done $0x0  }
0x9e: {  	s2 =	simm.s32 $0x4D80;
	[sflag:s24] =	ssyncadd.s32 $0xFFFFD800  }
0x9f: {  	[spmem:s1] =	stream.indirect.scatter.add.f32 [tilespmem:s21], [sflag:$0x4], $0x80, s2, s22, $0xb8;
	[tilespmem:$0x1FEA0] =	vst v63  }
0xa0: {  	_ =	swait.ge [sflag:s31], $0x2800  }
0xa1: {  	[sflag:s31] =	ssyncset.done $0x0  }
0xa2: {  	[sflag:s31] =	ssyncadd.s32 $0xFFFFD800  }
0xa3: {  	_ =	swait.ge [sflag:s28], $0x2800  }
0xa4: {  	[sflag:s28] =	ssyncset.done $0x0  }
0xa5: {  	s29 =	simm.s32 $0x4DD0;
	[sflag:s28] =	ssyncadd.s32 $0xFFFFD800  }
0xa6: {  	[spmem:s1] =	stream.indirect.scatter.add.f32 [tilespmem:s23], [sflag:$0x5], $0x80, s29, s22, $0xb8;
	[tilespmem:$0x1FEA0] =	vst v63  }
0xa7: {  	_ =	swait.ge [sflag:s30], $0x2800  }
0xa8: {  	[sflag:s30] =	ssyncset.done $0x0  }
0xa9: {  	[sflag:s30] =	ssyncadd.s32 $0xFFFFD800  }
0xaa: {  	_ =	swait.ge [sflag:s25], $0x2800  }
0xab: {  	s5 =	stileid.u32;
	[sflag:s25] =	ssyncset.done $0x0  }
0xac: {  	s2 =	sshll.u32 s5, $0x6;
	[sflag:s25] =	ssyncadd.s32 $0xFFFFD800  }
0xad: {  	s5 =	sshrl.u32 s7, $0x3;
	s2 =	sor.u32 $0x1C07, s2;
	[bflag:$0x0] =	sbarrier.arrive $0xFFFF  }
0xae: {  	[hbm:s16], [sflag:s2] =	dma.local [spmem:s5], $0x2700  }
0xaf: {  	s3 =	sadd.s32 $0x1, s3;
	_ =	swait.ge [sflag:s19], $0x2700  }
0xb0: {  	p0 =	sne.s32 s3, s18;
	[sflag:s19] =	ssyncset.done $0x0  }
.Ltmp2:
0xb1: {  	s29 =	sshrl.u32 s15, $0x3;
	[sflag:s19] =	ssyncadd.s32 $0xFFFFD900;
	(pc) =	sbr.rel @p0 .LBB2_1-.Ltmp2, $4  }
0xb2: {  	[hbm:s17], [sflag:s2] =	dma.local [spmem:s29], $0x100  }
0xb3: {  	_ =	swait.ge [sflag:s19], $0x100  }
0xb4: {  	[sflag:s19] =	ssyncset.done $0x0  }
0xb5: {  	[sflag:s19] =	ssyncadd.s32 $0xFFFFFF00  }
0xb6: {  	_ =	sfence.sel $0x180000  }
0xb7: {  	[bflag:$0x0] =	sbarrier.arrive $0xFFFF  }
0xb8: {  	_ =	strace $0x9000004A  }
0xb9: {  	s0 =	stileid.u32;
	[bflag:$0x2] =	sbarrier.arrive $0xFFFF  }
0xba: {  	p0 =	sne.s32 s0, $0x0;
	s0 =	rddreg [dreg:$0x2]  }
0xbb: {  	s0 =	sadd.s32 @!p0 $0x100000, s0  }
0xbc: {  	[sflag:s0] =	ssyncadd.tile.s32 @!p0 $0x1;
	_ =	shalt  }
.Lfunc_end2:
_tile_overlayer_lowered:
.L_overlay_start_2:
0xbd: {  	(tag) =	ssettag $0x2  }
0xbe: {  	s0 =	rddreg [dreg:$0x0];
	s2 =	stileid.u32  }
0xbf: {  	s1 =	rddreg [dreg:$0x1];
	p0 =	sne.s32 s2, $0x0  }
0xc0: {  	s3 =	rddreg [dreg:$0x2];
	[bflag:$0x3] =	sbarrier.arrive $0xFFFF;
	s2 =	simm.s32 @!p0 $0x1C07  }
0xc1: {  	[timem:s3], [sflag:s2] =	dma.local @!p0 [hbm:s0], s1  }
0xc2: {  	s0 =	simm.s32 @!p0 $0x7  }
0xc3: {  	_ =	swait.ge @!p0 [sflag:s0], s1  }
0xc4: {  	s1 =	ssub.s32 @!p0 $0x0, s1;
	[sflag:s0] =	ssyncset.done @!p0 $0x0  }
0xc5: {  	[sflag:s0] =	ssyncadd.s32 @!p0 s1  }
0xc6: {  	[bflag:$0x3] =	sbarrier.arrive $0xFFFF  }
0xc7: {  	_ =	shalt  }

// kernel: kernel.16.cloned.1.call-start
scs
__scs_entry_jumppad:
0x0: {  	(pc) =	sbr.rel $0x88, $3  }
0x1: {  	(tag) =	ssettag $0x0;
	lr =	simm.s32 $0x1  }
0x2: {  	[smem:$0x3F99] =	sst lr;
	_ =	strace $0xD0000000  }
0x3: {  	_ = 	snop  }
0x4: {  	_ = 	snop  }
0x5: {  	_ = 	snop  }
0x6: {  	_ = 	snop  }
0x7: {  	_ = 	snop  }
__scs_overlays_trampoline_lowered:
0x8: {  	[smem:$0x3FA8] =	sst s0  }
0x9: {  	[smem:$0x3FA9] =	sst s1  }
0xa: {  	[smem:$0x3FAA] =	sst s2  }
0xb: {  	[smem:$0x3FAB] =	sst s3  }
0xc: {  	[smem:$0x3FAC] =	sst s4  }
0xd: {  	[smem:$0x3FAD] =	sst s5  }
0xe: {  	[smem:$0x3FAE] =	sst s6  }
0xf: {  	[smem:$0x3FAF] =	sst s7  }
0x10: {  	[smem:$0x3FB0] =	sst s8  }
0x11: {  	[smem:$0x3FB1] =	sst s9;
	s0 =	simm.s32 @!p0 $0x0  }
0x12: {  	s1 =	sld [smem:$0x3F97];
	s0 =	simm.s32 @p0 $0x1  }
0x13: {  	[smem:$0x3FB2] =	sst s0;
	s0 =	simm.s32 @!p1 $0x0  }
0x14: {  	s2 =	sld [smem:$0x3F96];
	s0 =	simm.s32 @p1 $0x1  }
0x15: {  	[smem:$0x3FB3] =	sst s0;
	s0 =	simm.s32 @!p2 $0x0  }
0x16: {  	s3 =	sld [smem:$0x3FDB];
	s0 =	simm.s32 @p2 $0x1  }
0x17: {  	s4 =	simm.s32 $0x1BF5;
	[smem:$0x3FB5] =	sst s0  }
0x18: {  	s0 =	sld [smem:$0x3F98];
	_ =	swait.ge [sflag:s4], $0x0  }
0x19: {  	s7 =	sld [smem:$0x3F99]  }
0x1a: {  	s8 =	sadd.s32 $0xFFFFE003, lr  }
0x1b: {  	s9 =	sadd.s32 $0xFFFFFEF7, lr;
	s5 =	simm.s32 $0xFFFFFFFF;
	p2 =	slt.u32 s8, $0xFFFFF086  }
0x1c: {  	p1 =	slt.u32 s9, $0xF7A;
	s5 =	simm.s32 @!p2 $0x0  }
0x1d: {  	s5 =	simm.s32 @p1 $0x1;
	p0 =	seq.s32 s7, s2  }
0x1e: {  	s7 =	smul.u32 @!p0 $0xF7A, s2;
	p2 =	seq.s32 @!p0 s5, $0x0  }
0x1f: {  	s9 =	smul.u32 $0xF7A, s1;
	s8 =	simm.s32 @!p0 $0x1BF5;
	p2 =	por !p2, p0  }
0x20: {  	[sflag:s8] =	ssyncset.s32 @!p0 $0xFFFFF086;
	s6 =	sadd.s32 @!p0 s3, s7;
	s7 =	simm.s32 @!p0 $0x108  }
0x21: {  	s3 =	sadd.s32 s3, s9;
	s6 =	sadd.s32 @!p0 $0x88, s6;
	s7 =	simm.s32 @p2 $0x1082  }
0x22: {  	[simem:s7], [sflag:s8] =	dma.local @!p0 [hbm:s6], $0xF7A  }
0x23: {  	s9 =	sor.u32 $0xD0000000, s2;
	s6 =	simm.s32 $0x108;
	_ =	swait.ge @!p0 [sflag:s8], $0x0  }
0x24: {  	s3 =	sadd.s32 $0x88, s3;
	s6 =	simm.s32 @!p1 $0x1082;
	[sflag:s4] =	ssyncset.s32 $0xFFFFF086  }
0x25: {  	[simem:s6], [sflag:s4] =	dma.local [hbm:s3], $0xF7A  }
0x26: {  	[smem:$0x3F99] =	sst s1;
	(tag) =	ssettag s2;
	_ =	strace s9  }
0x27: {  	s1 =	sld [smem:$0x3FA9]  }
0x28: {  	s2 =	sld [smem:$0x3FAA]  }
0x29: {  	s4 =	sld [smem:$0x3FAC]  }
0x2a: {  	p0 =	seq.s32 s5, $0x0;
	s5 =	sld [smem:$0x3FAD]  }
0x2b: {  	s6 =	sld [smem:$0x3FAE]  }
0x2c: {  	s7 =	sld [smem:$0x3FAF]  }
0x2d: {  	s3 =	simm.s32 $0x108;
	s8 =	sld [smem:$0x3FB0]  }
0x2e: {  	s3 =	simm.s32 @!p0 $0x1082;
	s9 =	sld [smem:$0x3FB1]  }
0x2f: {  	lr =	sadd.s32 s0, s3;
	s0 =	sld [smem:$0x3FA8]  }
0x30: {  	s3 =	sld [smem:$0x3FAB]  }
0x31: {  	[smem:$0x3FB4] =	sst s10  }
0x32: {  	s10 =	sld [smem:$0x3FB2];
	_ =	sdelay $0x3  }
0x33: {  	p0 =	seq.s32 s10, $0x1;
	s10 =	sld [smem:$0x3FB4];
	_ =	sdelay $0x3  }
0x34: {  	[smem:$0x3FB4] =	sst s10  }
0x35: {  	s10 =	sld [smem:$0x3FB3];
	_ =	sdelay $0x3  }
0x36: {  	p1 =	seq.s32 s10, $0x1;
	s10 =	sld [smem:$0x3FB4];
	_ =	sdelay $0x3  }
0x37: {  	[smem:$0x3FB4] =	sst s10  }
0x38: {  	s10 =	sld [smem:$0x3FB5]  }
0x39: {  	_ = 	snop;
	(pc) =	sbr.ind lr, $3  }
0x3a: {  	_ = 	snop  }
0x3b: {  	_ = 	snop  }
0x3c: {  	p2 =	seq.s32 s10, $0x1;
	s10 =	sld [smem:$0x3FB4]  }
0x3d: {  	_ =	shalt  }
0x3e: {  	_ =	shalt  }
0x3f: {  	_ =	shalt  }
0x40: {  	_ =	shalt  }
0x41: {  	_ =	shalt  }
0x42: {  	_ =	shalt  }
0x43: {  	_ =	shalt  }
0x44: {  	_ =	shalt  }
0x45: {  	_ =	shalt  }
0x46: {  	_ =	shalt  }
0x47: {  	_ =	shalt  }
0x48: {  	_ =	shalt  }
0x49: {  	_ =	shalt  }
0x4a: {  	_ =	shalt  }
0x4b: {  	_ =	shalt  }
0x4c: {  	_ =	shalt  }
0x4d: {  	_ =	shalt  }
0x4e: {  	_ =	shalt  }
0x4f: {  	_ =	shalt  }
0x50: {  	_ =	shalt  }
0x51: {  	_ =	shalt  }
0x52: {  	_ =	shalt  }
0x53: {  	_ =	shalt  }
0x54: {  	_ =	shalt  }
0x55: {  	_ =	shalt  }
0x56: {  	_ =	shalt  }
0x57: {  	_ =	shalt  }
0x58: {  	_ =	shalt  }
0x59: {  	_ =	shalt  }
0x5a: {  	_ =	shalt  }
0x5b: {  	_ =	shalt  }
0x5c: {  	_ =	shalt  }
0x5d: {  	_ =	shalt  }
0x5e: {  	_ =	shalt  }
0x5f: {  	_ =	shalt  }
0x60: {  	_ =	shalt  }
0x61: {  	_ =	shalt  }
0x62: {  	_ =	shalt  }
0x63: {  	_ =	shalt  }
0x64: {  	_ =	shalt  }
0x65: {  	_ =	shalt  }
0x66: {  	_ =	shalt  }
0x67: {  	_ =	shalt  }
0x68: {  	_ =	shalt  }
0x69: {  	_ =	shalt  }
0x6a: {  	_ =	shalt  }
0x6b: {  	_ =	shalt  }
0x6c: {  	_ =	shalt  }
0x6d: {  	_ =	shalt  }
0x6e: {  	_ =	shalt  }
0x6f: {  	_ =	shalt  }
0x70: {  	_ =	shalt  }
0x71: {  	_ =	shalt  }
0x72: {  	_ =	shalt  }
0x73: {  	_ =	shalt  }
0x74: {  	_ =	shalt  }
0x75: {  	_ =	shalt  }
0x76: {  	_ =	shalt  }
0x77: {  	_ =	shalt  }
0x78: {  	_ =	shalt  }
0x79: {  	_ =	shalt  }
0x7a: {  	_ =	shalt  }
0x7b: {  	_ =	shalt  }
0x7c: {  	_ =	shalt  }
0x7d: {  	_ =	shalt  }
0x7e: {  	_ =	shalt  }
0x7f: {  	_ =	shalt  }
0x80: {  	_ =	shalt  }
0x81: {  	_ =	shalt  }
0x82: {  	_ =	shalt  }
0x83: {  	_ =	shalt  }
0x84: {  	_ =	shalt  }
0x85: {  	_ =	shalt  }
0x86: {  	_ =	shalt  }
0x87: {  	_ =	shalt  }
.Lfunc_end0:
.L_simem_size_0:
called_computation.2_lowered:
.L_overlay_start_0:
0x88: {  	s2 =	sld [smem:$0x3FD9]  }
0x89: {  	s3 =	sld [smem:$0x3FFE];
	_ =	sdelay $0x1  }
0x8a: {  	s1 =	srdreg.scid  }
0x8b: {  	s0 =	sand.u32 $0x1, s1  }
0x8c: {  	s17 =	sshll.u32 s0, $0xA;
	s2 =	sadd.s32 s3, s2  }
0x8d: {  	s2 =	sadd.s32 s2, s17  }
0x8e: {  	[smem:$0x3FC0] =	sst s2  }
0x8f: {  	_ = 	snop  }
0x90: {  	s2 =	sld [smem:$0x3FD0];
	(tm) =	ssettm $0x1  }
0x91: {  	s18 =	sld [smem:$0x3FFB];
	_ =	sdelay $0x3  }
0x92: {  	_ =	strace s18  }
0x93: {  	s3 =	sld [smem:$0x3FFC];
	_ =	sdelay $0x3  }
0x94: {  	_ =	strace s3  }
0x95: {  	s3 =	sld [smem:$0x3FFD];
	_ =	sdelay $0x3  }
0x96: {  	_ =	strace s3  }
0x97: {  	_ =	strace $0x8FFFFFFF  }
0x98: {  	s19 =	sld [smem:$0x3FDB];
	_ =	sdelay $0x1  }
0x99: {  	s4 =	simm.s32 $_scs_section_size  }
0x9a: {  	s5 =	simm.s32 $_size__tile_overlayer_lowered;
	s6 =	simm.s32 $_tile_overlayer_lowered  }
0x9b: {  	s22 =	simm.s32 $0x1BFF;
	s21 =	sshll.u32 s6, $0x1;
	s3 =	sadd.s32 s4, s19  }
0x9c: {  	s7 =	simm.s32 $0x0;
	s20 =	sshll.u32 s5, $0x1;
	s5 =	sadd.s32 s21, s3  }
0x9d: {  	[timem:s7], [sflag:s22] =	dma.local [hbm:s5], s20  }
0x9e: {  	_ =	swait.ge [sflag:s22], s20  }
0x9f: {  	s4 =	ssub.s32 $0x0, s20;
	[sflag:s22] =	ssyncset.done $0x0  }
0xa0: {  	[sflag:s22] =	ssyncadd.s32 s4;
	_ =	sdelay $0x1  }
0xa1: {  	s23 =	simm.s32 $0x1B8B  }
0xa2: {  	_ =	swait.ge [sflag:s23], $0x1  }
0xa3: {  	[sflag:s23] =	ssyncset.done $0x0  }
0xa4: {  	s25 =	simm.s32 $0x1B8E;
	s24 =	sld [smem:$0x3FFE];
	[sflag:s23] =	ssyncadd.s32 $0xFFFFFFFF  }
0xa5: {  	s26 =	simm.s32 $execute0_lowered;
	[smem:$0x3FD2] =	sst s25  }
0xa6: {  	s5 =	sshll.u32 s26, $0x1;
	_ =	strace $0x8000004C;
	[dreg:$0x1] =	wrdreg $0xFFFFFFFF  }
0xa7: {  	s28 =	simm.s32 $_size_execute0_lowered;
	s3 =	sadd.s32 s3, s5;
	[dreg:$0x0] =	wrdreg $0x0  }
0xa8: {  	s5 =	sshll.u32 s28, $0x1;
	[dreg:$0x2] =	wrdreg s3  }
0xa9: {  	[dreg:$0x3] =	wrdreg s5  }
0xaa: {  	[dreg:$0x4] =	wrdreg $0xC0  }
0xab: {  	_ =	task [dreg:s7], $0x5FFFF  }
0xac: {  	[dreg:$0x1] =	wrdreg $0xFFFFFFFF  }
0xad: {  	[dreg:$0x0] =	wrdreg $0x60  }
0xae: {  	[dreg:$0x2] =	wrdreg s2  }
0xaf: {  	[dreg:$0x3] =	wrdreg s24  }
0xb0: {  	[dreg:$0x4] =	wrdreg $0xADC00  }
0xb1: {  	[dreg:$0x5] =	wrdreg $0x9  }
0xb2: {  	_ =	task.clear_ibuf [dreg:s7], $0x6FFFF;
	_ =	strace $0x9000004C  }
0xb3: {  	s29 =	simm.s32 $0x9;
	_ =	strace $0x8000004E  }
0xb4: {  	_ =	swait.ge [sflag:s29], $0x1  }
0xb5: {  	[sflag:s29] =	ssyncadd.s32 $0xFFFFFFFF  }
0xb6: {  	_ =	strace $0x9000004E  }
0xb7: {  	_ =	sfence  }
0xb8: {  	s30 =	sld [smem:$0x0];
	_ =	sdelay $0x2  }
0xb9: {  	s31 =	sshll.u32 s1, $0xD;
	s1 =	sshrl.u32 s1, $0x2  }
0xba: {  	s3 =	sand.u32 $0x4000, s31;
	s1 =	sadd.s32 s1, s30  }
0xbb: {  	s0 =	sor.u32 s3, s0;
	s1 =	sshll.u32 s1, $0x11  }
0xbc: {  	s0 =	sor.u32 s1, s0  }
0xbd: {  	s0 =	sadd.s32 $0x8F2B, s0  }
0xbe: {  	[sflag:s0] =	ssyncadd.remote.s32 $0x1  }
0xbf: {  	_ =	sfence.sel $0xFFFF  }
0xc0: {  	[dreg:$0x0] =	wrdreg $0xFFFFFFFF;
	(pc) =	sbr.abs _section_cstart, $3  }
0xc1: {  	[dreg:$0x1] =	wrdreg $0xFFFFFFFF  }
0xc2: {  	_ =	task.clear_ibuf [dreg:s7], $0x2FFFF;
	_ =	strace $0x9FFFFFFF  }
0xc3: {  	(tm) =	ssettm $0x7FFFFFFF  }
tec
execute0_lowered:
.L_overlay_start_1:
0x0: {  	(tag) =	ssettag $0x1  }
0x1: {  	s1 =	rddreg [dreg:$0x0]  }
0x2: {  	s0 =	srdreg.scid;
	s2 =	rddreg [dreg:$0x1]  }
0x3: {  	s9 =	stileid.u32;
	s3 =	rddreg [dreg:$0x2];
	s4 =	simm.s32 $0x0  }
0x4: {  	s16 =	simm.s32 $0x7;
	s17 =	simm.s32 $0x2800;
	s18 =	simm.s32 $0x5000  }
0x5: {  	s19 =	simm.s32 $0x7D;
	s21 =	simm.s32 $0x6F40;
	s22 =	simm.s32 $0x1  }
0x6: {  	s28 =	simm.s32 $0x4;
	s30 =	simm.s32 $0x3;
	s6 =	smul.u32 $0x50, s9  }
0x7: {  	s20 =	simm.s32 $0x6;
	s29 =	simm.s32 $0x10;
	s7 =	smul.u32 $0x27000, s9  }
0x8: {  	s31 =	simm.s32 $0x8;
	s0 =	sand.u32 $0x1, s0;
	s11 =	smul.u32 $0x13800, s9  }
0x9: {  	[smem:$0x7FF] =	sst s4;
	s5 =	smul.u32 $0x500, s0;
	s24 =	ssub.s32 $0x2, s0  }
0xa: {  	_ =	strace $0x8000004D;
	s12 =	sshll.u32 s0, $0x6;
	s0 =	sshll.u32 s0, $0x3  }
0xb: {  	s25 =	sshrl.u32 s24, $0x1;
	s26 =	sshrl.u32 s7, $0x2;
	s12 =	sor.u32 s12, s11  }
0xc: {  	s5 =	sadd.s32 s6, s5;
	s15 =	ssub.s32 s24, s25;
	s6 =	sadd.s32 s26, s3  }
0xd: {  	s13 =	sshrl.u32 s12, $0x3;
	s12 =	sadd.s32 $0x9C000, s3;
	s24 =	simm.s32 $0x8E80  }
0xe: {  	s25 =	simm.s32 $0x2;
	s5 =	sshll.u32 s5, $0x4;
	s9 =	sadd.s32 $0x3E80, s6  }
0xf: {  	s10 =	sadd.s32 $0x5DC0, s6;
	s11 =	sadd.s32 $0x7D00, s6;
	s8 =	sadd.s32 s5, s2  }
0x10: {  	s15 =	smax.u32 s15, $0x1;
	s2 =	sadd.s32 $0x66800, s2;
	s5 =	sadd.s32 $0xE5C00, s8  }
0x11: {  	s7 =	sadd.s32 $0xDBC00, s8;
	s8 =	sadd.s32 $0x1F40, s6;
	s0 =	sadd.s32 s0, s2  }
0x12: {  	v0 =	vimm.f32 $0.0e+00;
	s13 =	sadd.s32 s2, s13;
	s2 =	simm.s32 $0x5;
	s14 =	sadd.s32 $0x27000, s0  }
.LBB2_1:
0x13: {  	s23 =	simm.s32 $0x100;
	s0 =	simm.s32 $0x0  }
.LBB2_2:
0x14: {  	p0 =	sne.s32 s23, $0x7C00;
	[tilespmem:s0+$0x5030] =	vst v0;
	s26 =	smov.u32 s23;
	s23 =	sadd.s32 $0x100, s23  }
.Ltmp0:
0x15: {  	[tilespmem:s0+$0x5020] =	vst v0;
	(pc) =	sbr.rel @p0 .LBB2_2-.Ltmp0, $3  }
0x16: {  	[tilespmem:s0+$0x5000] =	vst v0  }
0x17: {  	[tilespmem:s0+$0x5010] =	vst v0;
	_ =	sdelay $0x1  }
0x18: {  	s0 =	sshra.s32 s26, $0x2  }
0x19: {  	[tilespmem:s0+$0x5030] =	vst v0  }
0x1a: {  	[tilespmem:s0+$0x5020] =	vst v0  }
0x1b: {  	[tilespmem:s0+$0x5000] =	vst v0  }
0x1c: {  	[tilespmem:s0+$0x5010] =	vst v0;
	s23 =	simm.s32 $0x0  }
0x1d: {  	[tilespmem:s23], [sflag:$0x7] =	stream.linear.gather [hbm4b:s5+s23], $0x2800, $0x38;
	[tilespmem:$0x14A00] =	vst v63  }
0x1e: {  	_ =	swait.ge [sflag:s16], $0x2800  }
0x1f: {  	[sflag:s16] =	ssyncset.done $0x0  }
0x20: {  	[sflag:s16] =	ssyncadd.s32 $0xFFFFD800  }
0x21: {  	[tilespmem:s17], [sflag:$0x7] =	stream.linear.gather [hbm4b:s7+s23], $0x2800, $0x38;
	[tilespmem:$0x14A00] =	vst v63  }
0x22: {  	_ =	swait.ge [sflag:s16], $0x2800  }
0x23: {  	[sflag:s16] =	ssyncset.done $0x0  }
0x24: {  	[sflag:s16] =	ssyncadd.s32 $0xFFFFD800  }
0x25: {  	[spmem:s6] =	stream.linear.scatter [tilespmem:s18], [sflag:$0x7], $0x1F40, $0x38;
	[tilespmem:$0x14A00] =	vst v63  }
0x26: {  	_ =	swait.ge [sflag:s16], $0x1F40  }
0x27: {  	[sflag:s16] =	ssyncset.done $0x0  }
0x28: {  	[sflag:s16] =	ssyncadd.s32 $0xFFFFE0C0  }
0x29: {  	[spmem:s8] =	stream.linear.scatter [tilespmem:s18], [sflag:$0x7], $0x1F40, $0x38;
	[tilespmem:$0x14A00] =	vst v63  }
0x2a: {  	_ =	swait.ge [sflag:s16], $0x1F40  }
0x2b: {  	[sflag:s16] =	ssyncset.done $0x0  }
0x2c: {  	[sflag:s16] =	ssyncadd.s32 $0xFFFFE0C0  }
0x2d: {  	[spmem:s9] =	stream.linear.scatter [tilespmem:s18], [sflag:$0x7], $0x1F40, $0x38;
	[tilespmem:$0x14A00] =	vst v63  }
0x2e: {  	_ =	swait.ge [sflag:s16], $0x1F40  }
0x2f: {  	[sflag:s16] =	ssyncset.done $0x0  }
0x30: {  	[sflag:s16] =	ssyncadd.s32 $0xFFFFE0C0  }
0x31: {  	[spmem:s10] =	stream.linear.scatter [tilespmem:s18], [sflag:$0x7], $0x1F40, $0x38;
	[tilespmem:$0x14A00] =	vst v63  }
0x32: {  	_ =	swait.ge [sflag:s16], $0x1F40  }
0x33: {  	[sflag:s16] =	ssyncset.done $0x0  }
0x34: {  	[sflag:s16] =	ssyncadd.s32 $0xFFFFE0C0  }
0x35: {  	[spmem:s11] =	stream.linear.scatter [tilespmem:s18], [sflag:$0x7], $0x1F00, $0x38;
	[tilespmem:$0x14A00] =	vst v63  }
0x36: {  	_ =	swait.ge [sflag:s16], $0x1F00  }
0x37: {  	[sflag:s16] =	ssyncset.done $0x0  }
0x38: {  	[sflag:s16] =	ssyncadd.s32 $0xFFFFE100  }
0x39: {  	[spmem:s12] =	stream.linear.scatter [tilespmem:s18], [sflag:$0x7], $0x400, $0x38;
	[tilespmem:$0x14A00] =	vst v63  }
0x3a: {  	_ =	swait.ge [sflag:s16], $0x400  }
0x3b: {  	[sflag:s16] =	ssyncset.done $0x0  }
0x3c: {  	[sflag:s16] =	ssyncadd.s32 $0xFFFFFC00  }
0x3d: {  	[bflag:$0x0] =	sbarrier.arrive $0xFFFF  }
0x3e: {  	[tilespmem:s18], [sflag:$0x1] =	stream.indirect.gather [hbm4b:s1+s19], $0x40, s23, s19, $0xb8;
	[tilespmem:$0x14A00] =	vst v63  }
0x3f: {  	s26 =	simm.s32 $0x80  }
0x40: {  	[tilespmem:s21], [sflag:$0x2] =	stream.indirect.gather [hbm4b:s1+s19], $0x40, s26, s19, $0xb8;
	[tilespmem:$0x14A00] =	vst v63  }
0x41: {  	_ =	swait.ge [sflag:s22], $0x1F40  }
0x42: {  	[sflag:s22] =	ssyncset.done $0x0  }
0x43: {  	[sflag:s22] =	ssyncadd.s32 $0xFFFFE0C0  }
0x44: {  	[spmem:s3] =	stream.indirect.scatter.add.f32 [tilespmem:s18], [sflag:$0x4], $0x40, s17, s19, $0xb8;
	[tilespmem:$0x14A00] =	vst v63  }
0x45: {  	s23 =	simm.s32 $0x100  }
0x46: {  	[tilespmem:s24], [sflag:$0x3] =	stream.indirect.gather [hbm4b:s1+s19], $0x40, s23, s19, $0xb8;
	[tilespmem:$0x14A00] =	vst v63  }
0x47: {  	_ =	swait.ge [sflag:s25], $0x1F40  }
0x48: {  	[sflag:s25] =	ssyncset.done $0x0  }
0x49: {  	s26 =	simm.s32 $0x2880;
	[sflag:s25] =	ssyncadd.s32 $0xFFFFE0C0  }
0x4a: {  	[spmem:s3] =	stream.indirect.scatter.add.f32 [tilespmem:s21], [sflag:$0x5], $0x40, s26, s19, $0xb8;
	[tilespmem:$0x14A00] =	vst v63  }
0x4b: {  	_ =	swait.ge [sflag:s28], $0x1F40  }
0x4c: {  	[sflag:s28] =	ssyncset.done $0x0  }
0x4d: {  	s23 =	simm.s32 $0x180;
	[sflag:s28] =	ssyncadd.s32 $0xFFFFE0C0  }
0x4e: {  	[tilespmem:s18], [sflag:$0x1] =	stream.indirect.gather [hbm4b:s1+s19], $0x40, s23, s19, $0xb8;
	[tilespmem:$0x14A00] =	vst v63  }
0x4f: {  	_ =	swait.ge [sflag:s30], $0x1F40  }
0x50: {  	[sflag:s30] =	ssyncset.done $0x0  }
0x51: {  	s26 =	simm.s32 $0x2900;
	[sflag:s30] =	ssyncadd.s32 $0xFFFFE0C0  }
0x52: {  	[spmem:s3] =	stream.indirect.scatter.add.f32 [tilespmem:s24], [sflag:$0x6], $0x40, s26, s19, $0xb8;
	[tilespmem:$0x14A00] =	vst v63  }
0x53: {  	_ =	swait.ge [sflag:s2], $0x1F40  }
0x54: {  	[sflag:s2] =	ssyncset.done $0x0  }
0x55: {  	s23 =	simm.s32 $0x200;
	[sflag:s2] =	ssyncadd.s32 $0xFFFFE0C0  }
0x56: {  	[tilespmem:s21], [sflag:$0x2] =	stream.indirect.gather [hbm4b:s1+s19], $0x40, s23, s19, $0xb8;
	[tilespmem:$0x14A00] =	vst v63  }
0x57: {  	_ =	swait.ge [sflag:s22], $0x1F40  }
0x58: {  	[sflag:s22] =	ssyncset.done $0x0  }
0x59: {  	s26 =	simm.s32 $0x2980;
	[sflag:s22] =	ssyncadd.s32 $0xFFFFE0C0  }
0x5a: {  	[spmem:s3] =	stream.indirect.scatter.add.f32 [tilespmem:s18], [sflag:$0x4], $0x40, s26, s19, $0xb8;
	[tilespmem:$0x14A00] =	vst v63  }
0x5b: {  	_ =	swait.ge [sflag:s20], $0x1F40  }
0x5c: {  	[sflag:s20] =	ssyncset.done $0x0  }
0x5d: {  	s23 =	simm.s32 $0x280;
	[sflag:s20] =	ssyncadd.s32 $0xFFFFE0C0  }
0x5e: {  	[tilespmem:s24], [sflag:$0x3] =	stream.indirect.gather [hbm4b:s1+s19], $0x40, s23, s19, $0xb8;
	[tilespmem:$0x14A00] =	vst v63  }
0x5f: {  	_ =	swait.ge [sflag:s25], $0x1F40  }
0x60: {  	[sflag:s25] =	ssyncset.done $0x0  }
0x61: {  	s26 =	simm.s32 $0x2A00;
	[sflag:s25] =	ssyncadd.s32 $0xFFFFE0C0  }
0x62: {  	[spmem:s3] =	stream.indirect.scatter.add.f32 [tilespmem:s21], [sflag:$0x5], $0x40, s26, s19, $0xb8;
	[tilespmem:$0x14A00] =	vst v63  }
0x63: {  	_ =	swait.ge [sflag:s28], $0x1F40  }
0x64: {  	[sflag:s28] =	ssyncset.done $0x0  }
0x65: {  	s23 =	simm.s32 $0x300;
	[sflag:s28] =	ssyncadd.s32 $0xFFFFE0C0  }
0x66: {  	[tilespmem:s18], [sflag:$0x1] =	stream.indirect.gather [hbm4b:s1+s19], $0x40, s23, s19, $0xb8;
	[tilespmem:$0x14A00] =	vst v63  }
0x67: {  	_ =	swait.ge [sflag:s30], $0x1F40  }
0x68: {  	[sflag:s30] =	ssyncset.done $0x0  }
0x69: {  	s26 =	simm.s32 $0x2A80;
	[sflag:s30] =	ssyncadd.s32 $0xFFFFE0C0  }
0x6a: {  	[spmem:s3] =	stream.indirect.scatter.add.f32 [tilespmem:s24], [sflag:$0x6], $0x40, s26, s19, $0xb8;
	[tilespmem:$0x14A00] =	vst v63  }
0x6b: {  	_ =	swait.ge [sflag:s2], $0x1F40  }
0x6c: {  	[sflag:s2] =	ssyncset.done $0x0  }
0x6d: {  	s0 =	simm.s32 $0x600;
	s23 =	simm.s32 $0x380;
	[sflag:s2] =	ssyncadd.s32 $0xFFFFE0C0  }
.LBB2_4:
0x6e: {  	[tilespmem:s21], [sflag:$0x2] =	stream.indirect.gather [hbm4b:s1+s19], $0x40, s23, s19, $0xb8;
	[tilespmem:$0x14A00] =	vst v63  }
0x6f: {  	s23 =	smov.u32 s0  }
0x70: {  	p0 =	sne.s32 s0, $0x9000;
	s0 =	sadd.s32 $0x600, s0;
	_ =	swait.ge [sflag:s22], $0x1F40  }
0x71: {  	s23 =	sshra.s32 s23, $0x2;
	[sflag:s22] =	ssyncset.done $0x0  }
0x72: {  	s26 =	sadd.s32 $0x2980, s23;
	[sflag:s22] =	ssyncadd.s32 $0xFFFFE0C0  }
0x73: {  	[spmem:s3] =	stream.indirect.scatter.add.f32 [tilespmem:s18], [sflag:$0x4], $0x40, s26, s19, $0xb8;
	[tilespmem:$0x14A00] =	vst v63  }
0x74: {  	_ =	swait.ge [sflag:s20], $0x1F40  }
0x75: {  	[sflag:s20] =	ssyncset.done $0x0  }
0x76: {  	s26 =	sadd.s32 $0x280, s23;
	[sflag:s20] =	ssyncadd.s32 $0xFFFFE0C0  }
0x77: {  	[tilespmem:s24], [sflag:$0x3] =	stream.indirect.gather [hbm4b:s1+s19], $0x40, s26, s19, $0xb8;
	[tilespmem:$0x14A00] =	vst v63  }
0x78: {  	_ =	swait.ge [sflag:s25], $0x1F40  }
0x79: {  	[sflag:s25] =	ssyncset.done $0x0  }
0x7a: {  	s26 =	sadd.s32 $0x2A00, s23;
	[sflag:s25] =	ssyncadd.s32 $0xFFFFE0C0  }
0x7b: {  	[spmem:s3] =	stream.indirect.scatter.add.f32 [tilespmem:s21], [sflag:$0x5], $0x40, s26, s19, $0xb8;
	[tilespmem:$0x14A00] =	vst v63  }
0x7c: {  	_ =	swait.ge [sflag:s28], $0x1F40  }
0x7d: {  	[sflag:s28] =	ssyncset.done $0x0  }
0x7e: {  	s26 =	sadd.s32 $0x300, s23;
	[sflag:s28] =	ssyncadd.s32 $0xFFFFE0C0  }
0x7f: {  	[tilespmem:s18], [sflag:$0x1] =	stream.indirect.gather [hbm4b:s1+s19], $0x40, s26, s19, $0xb8;
	[tilespmem:$0x14A00] =	vst v63  }
0x80: {  	_ =	swait.ge [sflag:s30], $0x1F40  }
0x81: {  	[sflag:s30] =	ssyncset.done $0x0  }
.Ltmp1:
0x82: {  	s26 =	sadd.s32 $0x2A80, s23;
	[sflag:s30] =	ssyncadd.s32 $0xFFFFE0C0;
	(pc) =	sbr.rel @p0 .LBB2_4-.Ltmp1, $4  }
0x83: {  	[spmem:s3] =	stream.indirect.scatter.add.f32 [tilespmem:s24], [sflag:$0x6], $0x40, s26, s19, $0xb8;
	[tilespmem:$0x14A00] =	vst v63  }
0x84: {  	_ =	swait.ge [sflag:s2], $0x1F40  }
0x85: {  	[sflag:s2] =	ssyncset.done $0x0  }
0x86: {  	s23 =	sadd.s32 $0x380, s23;
	[sflag:s2] =	ssyncadd.s32 $0xFFFFE0C0  }
0x87: {  	[tilespmem:s21], [sflag:$0x2] =	stream.indirect.gather [hbm4b:s1+s19], $0x40, s23, s19, $0xb8;
	[tilespmem:$0x14A00] =	vst v63  }
0x88: {  	_ =	swait.ge [sflag:s22], $0x1F40  }
0x89: {  	[sflag:s22] =	ssyncset.done $0x0  }
0x8a: {  	s0 =	simm.s32 $0x4F00;
	[sflag:s22] =	ssyncadd.s32 $0xFFFFE0C0  }
0x8b: {  	[spmem:s3] =	stream.indirect.scatter.add.f32 [tilespmem:s18], [sflag:$0x4], $0x40, s0, s19, $0xb8;
	[tilespmem:$0x14A00] =	vst v63  }
0x8c: {  	_ =	swait.ge [sflag:s20], $0x1F40  }
0x8d: {  	[sflag:s20] =	ssyncset.done $0x0  }
0x8e: {  	[sflag:s20] =	ssyncadd.s32 $0xFFFFE0C0  }
0x8f: {  	_ =	swait.ge [sflag:s25], $0x1F40  }
0x90: {  	[sflag:s25] =	ssyncset.done $0x0  }
0x91: {  	s26 =	simm.s32 $0x4F80;
	[sflag:s25] =	ssyncadd.s32 $0xFFFFE0C0  }
0x92: {  	[spmem:s3] =	stream.indirect.scatter.add.f32 [tilespmem:s21], [sflag:$0x5], $0x40, s26, s19, $0xb8;
	[tilespmem:$0x14A00] =	vst v63  }
0x93: {  	_ =	swait.ge [sflag:s28], $0x1F40  }
0x94: {  	[sflag:s28] =	ssyncset.done $0x0  }
0x95: {  	[sflag:s28] =	ssyncadd.s32 $0xFFFFE0C0  }
0x96: {  	_ =	swait.ge [sflag:s2], $0x1F40  }
0x97: {  	s23 =	stileid.u32;
	[sflag:s2] =	ssyncset.done $0x0  }
0x98: {  	s0 =	sshll.u32 s23, $0x6;
	[sflag:s2] =	ssyncadd.s32 $0xFFFFE0C0  }
0x99: {  	s0 =	sor.u32 $0x1C07, s0;
	s26 =	sshrl.u32 s6, $0x3;
	[bflag:$0x0] =	sbarrier.arrive $0xFFFF  }
0x9a: {  	[hbm:s13@s29], [sflag:s0] =	dma.strided [spmem:s26@s31], $0x1380, s22, $0x8   }
0x9b: {  	s4 =	sadd.s32 $0x1, s4;
	_ =	swait.ge [sflag:s16], $0x1380  }
0x9c: {  	p0 =	sne.s32 s4, s15;
	[sflag:s16] =	ssyncset.done $0x0  }
.Ltmp2:
0x9d: {  	s26 =	sshrl.u32 s12, $0x3;
	[sflag:s16] =	ssyncadd.s32 $0xFFFFEC80;
	(pc) =	sbr.rel @p0 .LBB2_1-.Ltmp2, $4  }
0x9e: {  	[hbm:s14@s29], [sflag:s0] =	dma.strided [spmem:s26@s31], $0x80, s22, $0x8   }
0x9f: {  	_ =	swait.ge [sflag:s16], $0x80  }
0xa0: {  	[sflag:s16] =	ssyncset.done $0x0  }
0xa1: {  	[sflag:s16] =	ssyncadd.s32 $0xFFFFFF80  }
0xa2: {  	_ =	sfence.sel $0x180000  }
0xa3: {  	[bflag:$0x0] =	sbarrier.arrive $0xFFFF  }
0xa4: {  	_ =	strace $0x9000004D  }
0xa5: {  	s0 =	stileid.u32;
	[bflag:$0x2] =	sbarrier.arrive $0xFFFF  }
0xa6: {  	p0 =	sne.s32 s0, $0x0;
	s0 =	rddreg [dreg:$0x3]  }
0xa7: {  	s0 =	sadd.s32 @!p0 $0x100000, s0  }
0xa8: {  	[sflag:s0] =	ssyncadd.tile.s32 @!p0 $0x1;
	_ =	shalt  }
.Lfunc_end2:
_tile_overlayer_lowered:
.L_overlay_start_2:
0xa9: {  	(tag) =	ssettag $0x2  }
0xaa: {  	s0 =	rddreg [dreg:$0x0];
	s2 =	stileid.u32  }
0xab: {  	s1 =	rddreg [dreg:$0x1];
	p0 =	sne.s32 s2, $0x0  }
0xac: {  	s3 =	rddreg [dreg:$0x2];
	[bflag:$0x3] =	sbarrier.arrive $0xFFFF;
	s2 =	simm.s32 @!p0 $0x1C07  }
0xad: {  	[timem:s3], [sflag:s2] =	dma.local @!p0 [hbm:s0], s1  }
0xae: {  	s0 =	simm.s32 @!p0 $0x7  }
0xaf: {  	_ =	swait.ge @!p0 [sflag:s0], s1  }
0xb0: {  	s1 =	ssub.s32 @!p0 $0x0, s1;
	[sflag:s0] =	ssyncset.done @!p0 $0x0  }
0xb1: {  	[sflag:s0] =	ssyncadd.s32 @!p0 s1  }
0xb2: {  	[bflag:$0x3] =	sbarrier.arrive $0xFFFF  }
0xb3: {  	_ =	shalt  }

// kernel: kernel.19.cloned.1.call-start
scs
__scs_entry_jumppad:
0x0: {  	(pc) =	sbr.rel $0x88, $3  }
0x1: {  	(tag) =	ssettag $0x0;
	lr =	simm.s32 $0x1  }
0x2: {  	[smem:$0x3F99] =	sst lr;
	_ =	strace $0xD0000000  }
0x3: {  	_ = 	snop  }
0x4: {  	_ = 	snop  }
0x5: {  	_ = 	snop  }
0x6: {  	_ = 	snop  }
0x7: {  	_ = 	snop  }
__scs_overlays_trampoline_lowered:
0x8: {  	[smem:$0x3FA8] =	sst s0  }
0x9: {  	[smem:$0x3FA9] =	sst s1  }
0xa: {  	[smem:$0x3FAA] =	sst s2  }
0xb: {  	[smem:$0x3FAB] =	sst s3  }
0xc: {  	[smem:$0x3FAC] =	sst s4  }
0xd: {  	[smem:$0x3FAD] =	sst s5  }
0xe: {  	[smem:$0x3FAE] =	sst s6  }
0xf: {  	[smem:$0x3FAF] =	sst s7  }
0x10: {  	[smem:$0x3FB0] =	sst s8  }
0x11: {  	[smem:$0x3FB1] =	sst s9;
	s0 =	simm.s32 @!p0 $0x0  }
0x12: {  	s1 =	sld [smem:$0x3F97];
	s0 =	simm.s32 @p0 $0x1  }
0x13: {  	[smem:$0x3FB2] =	sst s0;
	s0 =	simm.s32 @!p1 $0x0  }
0x14: {  	s2 =	sld [smem:$0x3F96];
	s0 =	simm.s32 @p1 $0x1  }
0x15: {  	[smem:$0x3FB3] =	sst s0;
	s0 =	simm.s32 @!p2 $0x0  }
0x16: {  	s3 =	sld [smem:$0x3FDB];
	s0 =	simm.s32 @p2 $0x1  }
0x17: {  	s4 =	simm.s32 $0x1BF5;
	[smem:$0x3FB5] =	sst s0  }
0x18: {  	s0 =	sld [smem:$0x3F98];
	_ =	swait.ge [sflag:s4], $0x0  }
0x19: {  	s7 =	sld [smem:$0x3F99]  }
0x1a: {  	s8 =	sadd.s32 $0xFFFFE003, lr  }
0x1b: {  	s9 =	sadd.s32 $0xFFFFFEF7, lr;
	s5 =	simm.s32 $0xFFFFFFFF;
	p2 =	slt.u32 s8, $0xFFFFF086  }
0x1c: {  	p1 =	slt.u32 s9, $0xF7A;
	s5 =	simm.s32 @!p2 $0x0  }
0x1d: {  	s5 =	simm.s32 @p1 $0x1;
	p0 =	seq.s32 s7, s2  }
0x1e: {  	s7 =	smul.u32 @!p0 $0xF7A, s2;
	p2 =	seq.s32 @!p0 s5, $0x0  }
0x1f: {  	s9 =	smul.u32 $0xF7A, s1;
	s8 =	simm.s32 @!p0 $0x1BF5;
	p2 =	por !p2, p0  }
0x20: {  	[sflag:s8] =	ssyncset.s32 @!p0 $0xFFFFF086;
	s6 =	sadd.s32 @!p0 s3, s7;
	s7 =	simm.s32 @!p0 $0x108  }
0x21: {  	s3 =	sadd.s32 s3, s9;
	s6 =	sadd.s32 @!p0 $0x88, s6;
	s7 =	simm.s32 @p2 $0x1082  }
0x22: {  	[simem:s7], [sflag:s8] =	dma.local @!p0 [hbm:s6], $0xF7A  }
0x23: {  	s9 =	sor.u32 $0xD0000000, s2;
	s6 =	simm.s32 $0x108;
	_ =	swait.ge @!p0 [sflag:s8], $0x0  }
0x24: {  	s3 =	sadd.s32 $0x88, s3;
	s6 =	simm.s32 @!p1 $0x1082;
	[sflag:s4] =	ssyncset.s32 $0xFFFFF086  }
0x25: {  	[simem:s6], [sflag:s4] =	dma.local [hbm:s3], $0xF7A  }
0x26: {  	[smem:$0x3F99] =	sst s1;
	(tag) =	ssettag s2;
	_ =	strace s9  }
0x27: {  	s1 =	sld [smem:$0x3FA9]  }
0x28: {  	s2 =	sld [smem:$0x3FAA]  }
0x29: {  	s4 =	sld [smem:$0x3FAC]  }
0x2a: {  	p0 =	seq.s32 s5, $0x0;
	s5 =	sld [smem:$0x3FAD]  }
0x2b: {  	s6 =	sld [smem:$0x3FAE]  }
0x2c: {  	s7 =	sld [smem:$0x3FAF]  }
0x2d: {  	s3 =	simm.s32 $0x108;
	s8 =	sld [smem:$0x3FB0]  }
0x2e: {  	s3 =	simm.s32 @!p0 $0x1082;
	s9 =	sld [smem:$0x3FB1]  }
0x2f: {  	lr =	sadd.s32 s0, s3;
	s0 =	sld [smem:$0x3FA8]  }
0x30: {  	s3 =	sld [smem:$0x3FAB]  }
0x31: {  	[smem:$0x3FB4] =	sst s10  }
0x32: {  	s10 =	sld [smem:$0x3FB2];
	_ =	sdelay $0x3  }
0x33: {  	p0 =	seq.s32 s10, $0x1;
	s10 =	sld [smem:$0x3FB4];
	_ =	sdelay $0x3  }
0x34: {  	[smem:$0x3FB4] =	sst s10  }
0x35: {  	s10 =	sld [smem:$0x3FB3];
	_ =	sdelay $0x3  }
0x36: {  	p1 =	seq.s32 s10, $0x1;
	s10 =	sld [smem:$0x3FB4];
	_ =	sdelay $0x3  }
0x37: {  	[smem:$0x3FB4] =	sst s10  }
0x38: {  	s10 =	sld [smem:$0x3FB5]  }
0x39: {  	_ = 	snop;
	(pc) =	sbr.ind lr, $3  }
0x3a: {  	_ = 	snop  }
0x3b: {  	_ = 	snop  }
0x3c: {  	p2 =	seq.s32 s10, $0x1;
	s10 =	sld [smem:$0x3FB4]  }
0x3d: {  	_ =	shalt  }
0x3e: {  	_ =	shalt  }
0x3f: {  	_ =	shalt  }
0x40: {  	_ =	shalt  }
0x41: {  	_ =	shalt  }
0x42: {  	_ =	shalt  }
0x43: {  	_ =	shalt  }
0x44: {  	_ =	shalt  }
0x45: {  	_ =	shalt  }
0x46: {  	_ =	shalt  }
0x47: {  	_ =	shalt  }
0x48: {  	_ =	shalt  }
0x49: {  	_ =	shalt  }
0x4a: {  	_ =	shalt  }
0x4b: {  	_ =	shalt  }
0x4c: {  	_ =	shalt  }
0x4d: {  	_ =	shalt  }
0x4e: {  	_ =	shalt  }
0x4f: {  	_ =	shalt  }
0x50: {  	_ =	shalt  }
0x51: {  	_ =	shalt  }
0x52: {  	_ =	shalt  }
0x53: {  	_ =	shalt  }
0x54: {  	_ =	shalt  }
0x55: {  	_ =	shalt  }
0x56: {  	_ =	shalt  }
0x57: {  	_ =	shalt  }
0x58: {  	_ =	shalt  }
0x59: {  	_ =	shalt  }
0x5a: {  	_ =	shalt  }
0x5b: {  	_ =	shalt  }
0x5c: {  	_ =	shalt  }
0x5d: {  	_ =	shalt  }
0x5e: {  	_ =	shalt  }
0x5f: {  	_ =	shalt  }
0x60: {  	_ =	shalt  }
0x61: {  	_ =	shalt  }
0x62: {  	_ =	shalt  }
0x63: {  	_ =	shalt  }
0x64: {  	_ =	shalt  }
0x65: {  	_ =	shalt  }
0x66: {  	_ =	shalt  }
0x67: {  	_ =	shalt  }
0x68: {  	_ =	shalt  }
0x69: {  	_ =	shalt  }
0x6a: {  	_ =	shalt  }
0x6b: {  	_ =	shalt  }
0x6c: {  	_ =	shalt  }
0x6d: {  	_ =	shalt  }
0x6e: {  	_ =	shalt  }
0x6f: {  	_ =	shalt  }
0x70: {  	_ =	shalt  }
0x71: {  	_ =	shalt  }
0x72: {  	_ =	shalt  }
0x73: {  	_ =	shalt  }
0x74: {  	_ =	shalt  }
0x75: {  	_ =	shalt  }
0x76: {  	_ =	shalt  }
0x77: {  	_ =	shalt  }
0x78: {  	_ =	shalt  }
0x79: {  	_ =	shalt  }
0x7a: {  	_ =	shalt  }
0x7b: {  	_ =	shalt  }
0x7c: {  	_ =	shalt  }
0x7d: {  	_ =	shalt  }
0x7e: {  	_ =	shalt  }
0x7f: {  	_ =	shalt  }
0x80: {  	_ =	shalt  }
0x81: {  	_ =	shalt  }
0x82: {  	_ =	shalt  }
0x83: {  	_ =	shalt  }
0x84: {  	_ =	shalt  }
0x85: {  	_ =	shalt  }
0x86: {  	_ =	shalt  }
0x87: {  	_ =	shalt  }
.Lfunc_end0:
.L_simem_size_0:
called_computation.3_lowered:
.L_overlay_start_0:
0x88: {  	s2 =	sld [smem:$0x3FD9]  }
0x89: {  	s3 =	sld [smem:$0x3FFE];
	_ =	sdelay $0x1  }
0x8a: {  	s1 =	srdreg.scid  }
0x8b: {  	s0 =	sand.u32 $0x1, s1  }
0x8c: {  	s17 =	sshll.u32 s0, $0xA;
	s2 =	sadd.s32 s3, s2  }
0x8d: {  	s2 =	sadd.s32 s2, s17  }
0x8e: {  	[smem:$0x3FC0] =	sst s2  }
0x8f: {  	_ = 	snop  }
0x90: {  	s2 =	sld [smem:$0x3FD0];
	(tm) =	ssettm $0x1  }
0x91: {  	s18 =	sld [smem:$0x3FFB];
	_ =	sdelay $0x3  }
0x92: {  	_ =	strace s18  }
0x93: {  	s3 =	sld [smem:$0x3FFC];
	_ =	sdelay $0x3  }
0x94: {  	_ =	strace s3  }
0x95: {  	s3 =	sld [smem:$0x3FFD];
	_ =	sdelay $0x3  }
0x96: {  	_ =	strace s3  }
0x97: {  	_ =	strace $0x8FFFFFFF  }
0x98: {  	s19 =	sld [smem:$0x3FDB];
	_ =	sdelay $0x1  }
0x99: {  	s4 =	simm.s32 $_scs_section_size  }
0x9a: {  	s5 =	simm.s32 $_size__tile_overlayer_lowered;
	s6 =	simm.s32 $_tile_overlayer_lowered  }
0x9b: {  	s22 =	simm.s32 $0x1BFF;
	s21 =	sshll.u32 s6, $0x1;
	s3 =	sadd.s32 s4, s19  }
0x9c: {  	s7 =	simm.s32 $0x0;
	s20 =	sshll.u32 s5, $0x1;
	s5 =	sadd.s32 s21, s3  }
0x9d: {  	[timem:s7], [sflag:s22] =	dma.local [hbm:s5], s20  }
0x9e: {  	_ =	swait.ge [sflag:s22], s20  }
0x9f: {  	s4 =	ssub.s32 $0x0, s20;
	[sflag:s22] =	ssyncset.done $0x0  }
0xa0: {  	[sflag:s22] =	ssyncadd.s32 s4;
	_ =	sdelay $0x1  }
0xa1: {  	s23 =	simm.s32 $0x1B8B  }
0xa2: {  	_ =	swait.ge [sflag:s23], $0x1  }
0xa3: {  	[sflag:s23] =	ssyncset.done $0x0  }
0xa4: {  	s25 =	simm.s32 $0x1B8E;
	s24 =	sld [smem:$0x3FFE];
	[sflag:s23] =	ssyncadd.s32 $0xFFFFFFFF  }
0xa5: {  	s26 =	simm.s32 $execute0_lowered;
	[smem:$0x3FD2] =	sst s25  }
0xa6: {  	s5 =	sshll.u32 s26, $0x1;
	_ =	strace $0x8000004F;
	[dreg:$0x1] =	wrdreg $0xFFFFFFFF  }
0xa7: {  	s28 =	simm.s32 $_size_execute0_lowered;
	s3 =	sadd.s32 s3, s5;
	[dreg:$0x0] =	wrdreg $0x0  }
0xa8: {  	s5 =	sshll.u32 s28, $0x1;
	[dreg:$0x2] =	wrdreg s3  }
0xa9: {  	[dreg:$0x3] =	wrdreg s5  }
0xaa: {  	[dreg:$0x4] =	wrdreg $0xC0  }
0xab: {  	_ =	task [dreg:s7], $0x5FFFF  }
0xac: {  	[dreg:$0x1] =	wrdreg $0xFFFFFFFF  }
0xad: {  	[dreg:$0x0] =	wrdreg $0x60  }
0xae: {  	[dreg:$0x2] =	wrdreg s2  }
0xaf: {  	[dreg:$0x3] =	wrdreg s24  }
0xb0: {  	[dreg:$0x4] =	wrdreg $0xADC00  }
0xb1: {  	[dreg:$0x5] =	wrdreg $0x9  }
0xb2: {  	_ =	task.clear_ibuf [dreg:s7], $0x6FFFF;
	_ =	strace $0x9000004F  }
0xb3: {  	s29 =	simm.s32 $0x9;
	_ =	strace $0x80000051  }
0xb4: {  	_ =	swait.ge [sflag:s29], $0x1  }
0xb5: {  	[sflag:s29] =	ssyncadd.s32 $0xFFFFFFFF  }
0xb6: {  	_ =	strace $0x90000051  }
0xb7: {  	_ =	sfence  }
0xb8: {  	s30 =	sld [smem:$0x0];
	_ =	sdelay $0x2  }
0xb9: {  	s31 =	sshll.u32 s1, $0xD;
	s1 =	sshrl.u32 s1, $0x2  }
0xba: {  	s3 =	sand.u32 $0x4000, s31;
	s1 =	sadd.s32 s1, s30  }
0xbb: {  	s0 =	sor.u32 s3, s0;
	s1 =	sshll.u32 s1, $0x11  }
0xbc: {  	s0 =	sor.u32 s1, s0  }
0xbd: {  	s0 =	sadd.s32 $0x8F2B, s0  }
0xbe: {  	[sflag:s0] =	ssyncadd.remote.s32 $0x1  }
0xbf: {  	_ =	sfence.sel $0xFFFF  }
0xc0: {  	[dreg:$0x0] =	wrdreg $0xFFFFFFFF;
	(pc) =	sbr.abs _section_cstart, $3  }
0xc1: {  	[dreg:$0x1] =	wrdreg $0xFFFFFFFF  }
0xc2: {  	_ =	task.clear_ibuf [dreg:s7], $0x2FFFF;
	_ =	strace $0x9FFFFFFF  }
0xc3: {  	(tm) =	ssettm $0x7FFFFFFF  }
tec
execute0_lowered:
.L_overlay_start_1:
0x0: {  	(tag) =	ssettag $0x1  }
0x1: {  	s1 =	rddreg [dreg:$0x0]  }
0x2: {  	s0 =	srdreg.scid;
	s2 =	rddreg [dreg:$0x1]  }
0x3: {  	s9 =	stileid.u32;
	s3 =	rddreg [dreg:$0x2];
	s4 =	simm.s32 $0x0  }
0x4: {  	s16 =	simm.s32 $0x7;
	s17 =	simm.s32 $0x2800;
	s18 =	simm.s32 $0x5000  }
0x5: {  	s19 =	simm.s32 $0x7D;
	s21 =	simm.s32 $0x6F40;
	s22 =	simm.s32 $0x1  }
0x6: {  	s28 =	simm.s32 $0x4;
	s30 =	simm.s32 $0x3;
	s6 =	smul.u32 $0x50, s9  }
0x7: {  	s20 =	simm.s32 $0x6;
	s29 =	simm.s32 $0x10;
	s7 =	smul.u32 $0x27000, s9  }
0x8: {  	s31 =	simm.s32 $0x8;
	s0 =	sand.u32 $0x1, s0;
	s11 =	smul.u32 $0x13800, s9  }
0x9: {  	[smem:$0x7FF] =	sst s4;
	s5 =	smul.u32 $0x500, s0;
	s24 =	ssub.s32 $0x2, s0  }
0xa: {  	_ =	strace $0x80000050;
	s12 =	sshll.u32 s0, $0x6;
	s0 =	sshll.u32 s0, $0x3  }
0xb: {  	s25 =	sshrl.u32 s24, $0x1;
	s26 =	sshrl.u32 s7, $0x2;
	s12 =	sor.u32 s12, s11  }
0xc: {  	s5 =	sadd.s32 s6, s5;
	s15 =	ssub.s32 s24, s25;
	s6 =	sadd.s32 s26, s3  }
0xd: {  	s13 =	sshrl.u32 s12, $0x3;
	s12 =	sadd.s32 $0x9C000, s3;
	s24 =	simm.s32 $0x8E80  }
0xe: {  	s25 =	simm.s32 $0x2;
	s5 =	sshll.u32 s5, $0x4;
	s9 =	sadd.s32 $0x3E80, s6  }
0xf: {  	s10 =	sadd.s32 $0x5DC0, s6;
	s11 =	sadd.s32 $0x7D00, s6;
	s8 =	sadd.s32 s5, s2  }
0x10: {  	s15 =	smax.u32 s15, $0x1;
	s2 =	sadd.s32 $0x66800, s2;
	s5 =	sadd.s32 $0xE5C00, s8  }
0x11: {  	s7 =	sadd.s32 $0xDBC00, s8;
	s8 =	sadd.s32 $0x1F40, s6;
	s0 =	sadd.s32 s0, s2  }
0x12: {  	v0 =	vimm.f32 $0.0e+00;
	s13 =	sadd.s32 s2, s13;
	s2 =	simm.s32 $0x5;
	s14 =	sadd.s32 $0x27000, s0  }
.LBB2_1:
0x13: {  	s23 =	simm.s32 $0x100;
	s0 =	simm.s32 $0x0  }
.LBB2_2:
0x14: {  	p0 =	sne.s32 s23, $0x7C00;
	[tilespmem:s0+$0x5030] =	vst v0;
	s26 =	smov.u32 s23;
	s23 =	sadd.s32 $0x100, s23  }
.Ltmp0:
0x15: {  	[tilespmem:s0+$0x5020] =	vst v0;
	(pc) =	sbr.rel @p0 .LBB2_2-.Ltmp0, $3  }
0x16: {  	[tilespmem:s0+$0x5000] =	vst v0  }
0x17: {  	[tilespmem:s0+$0x5010] =	vst v0;
	_ =	sdelay $0x1  }
0x18: {  	s0 =	sshra.s32 s26, $0x2  }
0x19: {  	[tilespmem:s0+$0x5030] =	vst v0  }
0x1a: {  	[tilespmem:s0+$0x5020] =	vst v0  }
0x1b: {  	[tilespmem:s0+$0x5000] =	vst v0  }
0x1c: {  	[tilespmem:s0+$0x5010] =	vst v0;
	s23 =	simm.s32 $0x0  }
0x1d: {  	[tilespmem:s23], [sflag:$0x7] =	stream.linear.gather [hbm4b:s5+s23], $0x2800, $0x38;
	[tilespmem:$0x14A00] =	vst v63  }
0x1e: {  	_ =	swait.ge [sflag:s16], $0x2800  }
0x1f: {  	[sflag:s16] =	ssyncset.done $0x0  }
0x20: {  	[sflag:s16] =	ssyncadd.s32 $0xFFFFD800  }
0x21: {  	[tilespmem:s17], [sflag:$0x7] =	stream.linear.gather [hbm4b:s7+s23], $0x2800, $0x38;
	[tilespmem:$0x14A00] =	vst v63  }
0x22: {  	_ =	swait.ge [sflag:s16], $0x2800  }
0x23: {  	[sflag:s16] =	ssyncset.done $0x0  }
0x24: {  	[sflag:s16] =	ssyncadd.s32 $0xFFFFD800  }
0x25: {  	[spmem:s6] =	stream.linear.scatter [tilespmem:s18], [sflag:$0x7], $0x1F40, $0x38;
	[tilespmem:$0x14A00] =	vst v63  }
0x26: {  	_ =	swait.ge [sflag:s16], $0x1F40  }
0x27: {  	[sflag:s16] =	ssyncset.done $0x0  }
0x28: {  	[sflag:s16] =	ssyncadd.s32 $0xFFFFE0C0  }
0x29: {  	[spmem:s8] =	stream.linear.scatter [tilespmem:s18], [sflag:$0x7], $0x1F40, $0x38;
	[tilespmem:$0x14A00] =	vst v63  }
0x2a: {  	_ =	swait.ge [sflag:s16], $0x1F40  }
0x2b: {  	[sflag:s16] =	ssyncset.done $0x0  }
0x2c: {  	[sflag:s16] =	ssyncadd.s32 $0xFFFFE0C0  }
0x2d: {  	[spmem:s9] =	stream.linear.scatter [tilespmem:s18], [sflag:$0x7], $0x1F40, $0x38;
	[tilespmem:$0x14A00] =	vst v63  }
0x2e: {  	_ =	swait.ge [sflag:s16], $0x1F40  }
0x2f: {  	[sflag:s16] =	ssyncset.done $0x0  }
0x30: {  	[sflag:s16] =	ssyncadd.s32 $0xFFFFE0C0  }
0x31: {  	[spmem:s10] =	stream.linear.scatter [tilespmem:s18], [sflag:$0x7], $0x1F40, $0x38;
	[tilespmem:$0x14A00] =	vst v63  }
0x32: {  	_ =	swait.ge [sflag:s16], $0x1F40  }
0x33: {  	[sflag:s16] =	ssyncset.done $0x0  }
0x34: {  	[sflag:s16] =	ssyncadd.s32 $0xFFFFE0C0  }
0x35: {  	[spmem:s11] =	stream.linear.scatter [tilespmem:s18], [sflag:$0x7], $0x1F00, $0x38;
	[tilespmem:$0x14A00] =	vst v63  }
0x36: {  	_ =	swait.ge [sflag:s16], $0x1F00  }
0x37: {  	[sflag:s16] =	ssyncset.done $0x0  }
0x38: {  	[sflag:s16] =	ssyncadd.s32 $0xFFFFE100  }
0x39: {  	[spmem:s12] =	stream.linear.scatter [tilespmem:s18], [sflag:$0x7], $0x400, $0x38;
	[tilespmem:$0x14A00] =	vst v63  }
0x3a: {  	_ =	swait.ge [sflag:s16], $0x400  }
0x3b: {  	[sflag:s16] =	ssyncset.done $0x0  }
0x3c: {  	[sflag:s16] =	ssyncadd.s32 $0xFFFFFC00  }
0x3d: {  	[bflag:$0x0] =	sbarrier.arrive $0xFFFF  }
0x3e: {  	[tilespmem:s18], [sflag:$0x1] =	stream.indirect.gather [hbm4b:s1+s19], $0x40, s23, s19, $0xb8;
	[tilespmem:$0x14A00] =	vst v63  }
0x3f: {  	s26 =	simm.s32 $0x80  }
0x40: {  	[tilespmem:s21], [sflag:$0x2] =	stream.indirect.gather [hbm4b:s1+s19], $0x40, s26, s19, $0xb8;
	[tilespmem:$0x14A00] =	vst v63  }
0x41: {  	_ =	swait.ge [sflag:s22], $0x1F40  }
0x42: {  	[sflag:s22] =	ssyncset.done $0x0  }
0x43: {  	[sflag:s22] =	ssyncadd.s32 $0xFFFFE0C0  }
0x44: {  	[spmem:s3] =	stream.indirect.scatter.add.f32 [tilespmem:s18], [sflag:$0x4], $0x40, s17, s19, $0xb8;
	[tilespmem:$0x14A00] =	vst v63  }
0x45: {  	s23 =	simm.s32 $0x100  }
0x46: {  	[tilespmem:s24], [sflag:$0x3] =	stream.indirect.gather [hbm4b:s1+s19], $0x40, s23, s19, $0xb8;
	[tilespmem:$0x14A00] =	vst v63  }
0x47: {  	_ =	swait.ge [sflag:s25], $0x1F40  }
0x48: {  	[sflag:s25] =	ssyncset.done $0x0  }
0x49: {  	s26 =	simm.s32 $0x2880;
	[sflag:s25] =	ssyncadd.s32 $0xFFFFE0C0  }
0x4a: {  	[spmem:s3] =	stream.indirect.scatter.add.f32 [tilespmem:s21], [sflag:$0x5], $0x40, s26, s19, $0xb8;
	[tilespmem:$0x14A00] =	vst v63  }
0x4b: {  	_ =	swait.ge [sflag:s28], $0x1F40  }
0x4c: {  	[sflag:s28] =	ssyncset.done $0x0  }
0x4d: {  	s23 =	simm.s32 $0x180;
	[sflag:s28] =	ssyncadd.s32 $0xFFFFE0C0  }
0x4e: {  	[tilespmem:s18], [sflag:$0x1] =	stream.indirect.gather [hbm4b:s1+s19], $0x40, s23, s19, $0xb8;
	[tilespmem:$0x14A00] =	vst v63  }
0x4f: {  	_ =	swait.ge [sflag:s30], $0x1F40  }
0x50: {  	[sflag:s30] =	ssyncset.done $0x0  }
0x51: {  	s26 =	simm.s32 $0x2900;
	[sflag:s30] =	ssyncadd.s32 $0xFFFFE0C0  }
0x52: {  	[spmem:s3] =	stream.indirect.scatter.add.f32 [tilespmem:s24], [sflag:$0x6], $0x40, s26, s19, $0xb8;
	[tilespmem:$0x14A00] =	vst v63  }
0x53: {  	_ =	swait.ge [sflag:s2], $0x1F40  }
0x54: {  	[sflag:s2] =	ssyncset.done $0x0  }
0x55: {  	s23 =	simm.s32 $0x200;
	[sflag:s2] =	ssyncadd.s32 $0xFFFFE0C0  }
0x56: {  	[tilespmem:s21], [sflag:$0x2] =	stream.indirect.gather [hbm4b:s1+s19], $0x40, s23, s19, $0xb8;
	[tilespmem:$0x14A00] =	vst v63  }
0x57: {  	_ =	swait.ge [sflag:s22], $0x1F40  }
0x58: {  	[sflag:s22] =	ssyncset.done $0x0  }
0x59: {  	s26 =	simm.s32 $0x2980;
	[sflag:s22] =	ssyncadd.s32 $0xFFFFE0C0  }
0x5a: {  	[spmem:s3] =	stream.indirect.scatter.add.f32 [tilespmem:s18], [sflag:$0x4], $0x40, s26, s19, $0xb8;
	[tilespmem:$0x14A00] =	vst v63  }
0x5b: {  	_ =	swait.ge [sflag:s20], $0x1F40  }
0x5c: {  	[sflag:s20] =	ssyncset.done $0x0  }
0x5d: {  	s23 =	simm.s32 $0x280;
	[sflag:s20] =	ssyncadd.s32 $0xFFFFE0C0  }
0x5e: {  	[tilespmem:s24], [sflag:$0x3] =	stream.indirect.gather [hbm4b:s1+s19], $0x40, s23, s19, $0xb8;
	[tilespmem:$0x14A00] =	vst v63  }
0x5f: {  	_ =	swait.ge [sflag:s25], $0x1F40  }
0x60: {  	[sflag:s25] =	ssyncset.done $0x0  }
0x61: {  	s26 =	simm.s32 $0x2A00;
	[sflag:s25] =	ssyncadd.s32 $0xFFFFE0C0  }
0x62: {  	[spmem:s3] =	stream.indirect.scatter.add.f32 [tilespmem:s21], [sflag:$0x5], $0x40, s26, s19, $0xb8;
	[tilespmem:$0x14A00] =	vst v63  }
0x63: {  	_ =	swait.ge [sflag:s28], $0x1F40  }
0x64: {  	[sflag:s28] =	ssyncset.done $0x0  }
0x65: {  	s23 =	simm.s32 $0x300;
	[sflag:s28] =	ssyncadd.s32 $0xFFFFE0C0  }
0x66: {  	[tilespmem:s18], [sflag:$0x1] =	stream.indirect.gather [hbm4b:s1+s19], $0x40, s23, s19, $0xb8;
	[tilespmem:$0x14A00] =	vst v63  }
0x67: {  	_ =	swait.ge [sflag:s30], $0x1F40  }
0x68: {  	[sflag:s30] =	ssyncset.done $0x0  }
0x69: {  	s26 =	simm.s32 $0x2A80;
	[sflag:s30] =	ssyncadd.s32 $0xFFFFE0C0  }
0x6a: {  	[spmem:s3] =	stream.indirect.scatter.add.f32 [tilespmem:s24], [sflag:$0x6], $0x40, s26, s19, $0xb8;
	[tilespmem:$0x14A00] =	vst v63  }
0x6b: {  	_ =	swait.ge [sflag:s2], $0x1F40  }
0x6c: {  	[sflag:s2] =	ssyncset.done $0x0  }
0x6d: {  	s0 =	simm.s32 $0x600;
	s23 =	simm.s32 $0x380;
	[sflag:s2] =	ssyncadd.s32 $0xFFFFE0C0  }
.LBB2_4:
0x6e: {  	[tilespmem:s21], [sflag:$0x2] =	stream.indirect.gather [hbm4b:s1+s19], $0x40, s23, s19, $0xb8;
	[tilespmem:$0x14A00] =	vst v63  }
0x6f: {  	s23 =	smov.u32 s0  }
0x70: {  	p0 =	sne.s32 s0, $0x9000;
	s0 =	sadd.s32 $0x600, s0;
	_ =	swait.ge [sflag:s22], $0x1F40  }
0x71: {  	s23 =	sshra.s32 s23, $0x2;
	[sflag:s22] =	ssyncset.done $0x0  }
0x72: {  	s26 =	sadd.s32 $0x2980, s23;
	[sflag:s22] =	ssyncadd.s32 $0xFFFFE0C0  }
0x73: {  	[spmem:s3] =	stream.indirect.scatter.add.f32 [tilespmem:s18], [sflag:$0x4], $0x40, s26, s19, $0xb8;
	[tilespmem:$0x14A00] =	vst v63  }
0x74: {  	_ =	swait.ge [sflag:s20], $0x1F40  }
0x75: {  	[sflag:s20] =	ssyncset.done $0x0  }
0x76: {  	s26 =	sadd.s32 $0x280, s23;
	[sflag:s20] =	ssyncadd.s32 $0xFFFFE0C0  }
0x77: {  	[tilespmem:s24], [sflag:$0x3] =	stream.indirect.gather [hbm4b:s1+s19], $0x40, s26, s19, $0xb8;
	[tilespmem:$0x14A00] =	vst v63  }
0x78: {  	_ =	swait.ge [sflag:s25], $0x1F40  }
0x79: {  	[sflag:s25] =	ssyncset.done $0x0  }
0x7a: {  	s26 =	sadd.s32 $0x2A00, s23;
	[sflag:s25] =	ssyncadd.s32 $0xFFFFE0C0  }
0x7b: {  	[spmem:s3] =	stream.indirect.scatter.add.f32 [tilespmem:s21], [sflag:$0x5], $0x40, s26, s19, $0xb8;
	[tilespmem:$0x14A00] =	vst v63  }
0x7c: {  	_ =	swait.ge [sflag:s28], $0x1F40  }
0x7d: {  	[sflag:s28] =	ssyncset.done $0x0  }
0x7e: {  	s26 =	sadd.s32 $0x300, s23;
	[sflag:s28] =	ssyncadd.s32 $0xFFFFE0C0  }
0x7f: {  	[tilespmem:s18], [sflag:$0x1] =	stream.indirect.gather [hbm4b:s1+s19], $0x40, s26, s19, $0xb8;
	[tilespmem:$0x14A00] =	vst v63  }
0x80: {  	_ =	swait.ge [sflag:s30], $0x1F40  }
0x81: {  	[sflag:s30] =	ssyncset.done $0x0  }
.Ltmp1:
0x82: {  	s26 =	sadd.s32 $0x2A80, s23;
	[sflag:s30] =	ssyncadd.s32 $0xFFFFE0C0;
	(pc) =	sbr.rel @p0 .LBB2_4-.Ltmp1, $4  }
0x83: {  	[spmem:s3] =	stream.indirect.scatter.add.f32 [tilespmem:s24], [sflag:$0x6], $0x40, s26, s19, $0xb8;
	[tilespmem:$0x14A00] =	vst v63  }
0x84: {  	_ =	swait.ge [sflag:s2], $0x1F40  }
0x85: {  	[sflag:s2] =	ssyncset.done $0x0  }
0x86: {  	s23 =	sadd.s32 $0x380, s23;
	[sflag:s2] =	ssyncadd.s32 $0xFFFFE0C0  }
0x87: {  	[tilespmem:s21], [sflag:$0x2] =	stream.indirect.gather [hbm4b:s1+s19], $0x40, s23, s19, $0xb8;
	[tilespmem:$0x14A00] =	vst v63  }
0x88: {  	_ =	swait.ge [sflag:s22], $0x1F40  }
0x89: {  	[sflag:s22] =	ssyncset.done $0x0  }
0x8a: {  	s0 =	simm.s32 $0x4F00;
	[sflag:s22] =	ssyncadd.s32 $0xFFFFE0C0  }
0x8b: {  	[spmem:s3] =	stream.indirect.scatter.add.f32 [tilespmem:s18], [sflag:$0x4], $0x40, s0, s19, $0xb8;
	[tilespmem:$0x14A00] =	vst v63  }
0x8c: {  	_ =	swait.ge [sflag:s20], $0x1F40  }
0x8d: {  	[sflag:s20] =	ssyncset.done $0x0  }
0x8e: {  	[sflag:s20] =	ssyncadd.s32 $0xFFFFE0C0  }
0x8f: {  	_ =	swait.ge [sflag:s25], $0x1F40  }
0x90: {  	[sflag:s25] =	ssyncset.done $0x0  }
0x91: {  	s26 =	simm.s32 $0x4F80;
	[sflag:s25] =	ssyncadd.s32 $0xFFFFE0C0  }
0x92: {  	[spmem:s3] =	stream.indirect.scatter.add.f32 [tilespmem:s21], [sflag:$0x5], $0x40, s26, s19, $0xb8;
	[tilespmem:$0x14A00] =	vst v63  }
0x93: {  	_ =	swait.ge [sflag:s28], $0x1F40  }
0x94: {  	[sflag:s28] =	ssyncset.done $0x0  }
0x95: {  	[sflag:s28] =	ssyncadd.s32 $0xFFFFE0C0  }
0x96: {  	_ =	swait.ge [sflag:s2], $0x1F40  }
0x97: {  	s23 =	stileid.u32;
	[sflag:s2] =	ssyncset.done $0x0  }
0x98: {  	s0 =	sshll.u32 s23, $0x6;
	[sflag:s2] =	ssyncadd.s32 $0xFFFFE0C0  }
0x99: {  	s0 =	sor.u32 $0x1C07, s0;
	s26 =	sshrl.u32 s6, $0x3;
	[bflag:$0x0] =	sbarrier.arrive $0xFFFF  }
0x9a: {  	[hbm:s13@s29], [sflag:s0] =	dma.strided [spmem:s26@s31], $0x1380, s22, $0x8   }
0x9b: {  	s4 =	sadd.s32 $0x1, s4;
	_ =	swait.ge [sflag:s16], $0x1380  }
0x9c: {  	p0 =	sne.s32 s4, s15;
	[sflag:s16] =	ssyncset.done $0x0  }
.Ltmp2:
0x9d: {  	s26 =	sshrl.u32 s12, $0x3;
	[sflag:s16] =	ssyncadd.s32 $0xFFFFEC80;
	(pc) =	sbr.rel @p0 .LBB2_1-.Ltmp2, $4  }
0x9e: {  	[hbm:s14@s29], [sflag:s0] =	dma.strided [spmem:s26@s31], $0x80, s22, $0x8   }
0x9f: {  	_ =	swait.ge [sflag:s16], $0x80  }
0xa0: {  	[sflag:s16] =	ssyncset.done $0x0  }
0xa1: {  	[sflag:s16] =	ssyncadd.s32 $0xFFFFFF80  }
0xa2: {  	_ =	sfence.sel $0x180000  }
0xa3: {  	[bflag:$0x0] =	sbarrier.arrive $0xFFFF  }
0xa4: {  	_ =	strace $0x90000050  }
0xa5: {  	s0 =	stileid.u32;
	[bflag:$0x2] =	sbarrier.arrive $0xFFFF  }
0xa6: {  	p0 =	sne.s32 s0, $0x0;
	s0 =	rddreg [dreg:$0x3]  }
0xa7: {  	s0 =	sadd.s32 @!p0 $0x100000, s0  }
0xa8: {  	[sflag:s0] =	ssyncadd.tile.s32 @!p0 $0x1;
	_ =	shalt  }
.Lfunc_end2:
_tile_overlayer_lowered:
.L_overlay_start_2:
0xa9: {  	(tag) =	ssettag $0x2  }
0xaa: {  	s0 =	rddreg [dreg:$0x0];
	s2 =	stileid.u32  }
0xab: {  	s1 =	rddreg [dreg:$0x1];
	p0 =	sne.s32 s2, $0x0  }
0xac: {  	s3 =	rddreg [dreg:$0x2];
	[bflag:$0x3] =	sbarrier.arrive $0xFFFF;
	s2 =	simm.s32 @!p0 $0x1C07  }
0xad: {  	[timem:s3], [sflag:s2] =	dma.local @!p0 [hbm:s0], s1  }
0xae: {  	s0 =	simm.s32 @!p0 $0x7  }
0xaf: {  	_ =	swait.ge @!p0 [sflag:s0], s1  }
0xb0: {  	s1 =	ssub.s32 @!p0 $0x0, s1;
	[sflag:s0] =	ssyncset.done @!p0 $0x0  }
0xb1: {  	[sflag:s0] =	ssyncadd.s32 @!p0 s1  }
0xb2: {  	[bflag:$0x3] =	sbarrier.arrive $0xFFFF  }
0xb3: {  	_ =	shalt  }

</sc_bundles>
